<compile_context>
chip_gen: v7x
topology: tpu7x:2x2x1
jax: 0.10.2.dev20260603
libtpu: 0.0.44.dev20260713+nightly
codegen_flags: <defaults>
</compile_context>

<pallas_src>
import functools

import jax
import jax.numpy as jnp
from jax import lax
from jax.experimental import pallas as pl
from jax.experimental.pallas import tpu as pltpu, tpu_sc as plsc

B = 16384
F = 100
NC = 2
NS = 16
NW = NC * NS
RPW = B // NW
CH = 64
NCHUNK = RPW // CH
E = CH * F
GROUPS = CH // 16
UNROLL = 4

VOCAB = 1000000
TCHUNK = 5000
NTCHUNK = VOCAB // TCHUNK


def _wide_body(idx_hbm, val_hbm, tab_hbm, bias_hbm, out_hbm,
               idx_v0, val_v0, g_v0, idx_v1, val_v1, g_v1,
               out_v, bias_v, tab_sh,
               semi0, semv0, semg0, semi1, semv1, semg1):
    c = lax.axis_index("c")
    s = lax.axis_index("s")
    wid = s * NC + c

    for k in range((NTCHUNK + NS - 1) // NS):
        t = s + k * NS

        @pl.when(t < NTCHUNK)
        def _stage_one(t=t):
            off = t * TCHUNK
            pltpu.sync_copy(tab_hbm.at[pl.ds(off, TCHUNK)],
                            val_v0.at[pl.ds(0, TCHUNK)])
            pltpu.sync_copy(val_v0.at[pl.ds(0, TCHUNK)],
                            tab_sh.at[pl.ds(off, TCHUNK)])

    pltpu.sync_copy(bias_hbm, bias_v)
    riota = lax.iota(jnp.int32, 16) * F
    bias_vec = bias_v[...]
    plsc.subcore_barrier()

    bufs = [(idx_v0, val_v0, g_v0, semi0, semv0, semg0),
            (idx_v1, val_v1, g_v1, semi1, semv1, semg1)]
    idx_d, val_d, g_d, g_d2 = {}, {}, {}, {}
    HALF = E // 2

    def start_idx(ci):
        bidx, _, _, bsemi, _, _ = bufs[ci % 2]
        base = wid * (RPW * F) + ci * E
        idx_d[ci] = pltpu.async_copy(idx_hbm.at[pl.ds(base, E)], bidx, bsemi)

    def start_gv(ci):
        bidx, bval, bg, _, bsemv, bsemg = bufs[ci % 2]
        base = wid * (RPW * F) + ci * E
        g_d[ci] = pltpu.async_copy(
            tab_sh.at[bidx.at[pl.ds(0, HALF)]], bg.at[pl.ds(0, HALF)], bsemg)
        g_d2[ci] = pltpu.async_copy(
            tab_sh.at[bidx.at[pl.ds(HALF, HALF)]], bg.at[pl.ds(HALF, HALF)],
            bsemg)
        val_d[ci] = pltpu.async_copy(val_hbm.at[pl.ds(base, E)], bval, bsemv)

    start_idx(0)
    idx_d[0].wait()
    start_gv(0)
    if NCHUNK > 1:
        start_idx(1)
    for ci in range(NCHUNK):
        if ci + 1 < NCHUNK:
            idx_d[ci + 1].wait()
            start_gv(ci + 1)
        g_d[ci].wait()
        g_d2[ci].wait()
        val_d[ci].wait()
        if ci + 2 < NCHUNK:
            start_idx(ci + 2)
        _, bval, bg, _, _, _ = bufs[ci % 2]
        for g in range(GROUPS):
            gbase = g * (16 * F)

            def body(it, acc, gbase=gbase, bg=bg, bval=bval):
                for d in range(UNROLL):
                    ii = riota + (gbase + it * UNROLL + d)
                    acc = acc + plsc.load_gather(bg, [ii]) * \
                        plsc.load_gather(bval, [ii])
                return acc

            acc = lax.fori_loop(0, F // UNROLL, body, bias_vec)
            out_v[pl.ds(ci * CH + g * 16, 16)] = acc
    pltpu.sync_copy(out_v, out_hbm.at[pl.ds(wid * RPW, RPW)])


@functools.partial(jax.jit, static_argnames=())
def _wide(idx, val, tab, bias16):
    mesh = plsc.VectorSubcoreMesh(core_axis_name="c", subcore_axis_name="s",
                                  num_cores=NC, num_subcores=NS)
    return pl.kernel(
        _wide_body,
        out_type=jax.ShapeDtypeStruct((B,), jnp.float32),
        mesh=mesh,
        compiler_params=pltpu.CompilerParams(needs_layout_passes=False),
        scratch_types=[
            pltpu.VMEM((E,), jnp.int32),
            pltpu.VMEM((E,), jnp.float32),
            pltpu.VMEM((E,), jnp.float32),
            pltpu.VMEM((E,), jnp.int32),
            pltpu.VMEM((E,), jnp.float32),
            pltpu.VMEM((E,), jnp.float32),
            pltpu.VMEM((RPW,), jnp.float32),
            pltpu.VMEM((16,), jnp.float32),
            pltpu.VMEM_SHARED((VOCAB,), jnp.float32),
            pltpu.SemaphoreType.DMA,
            pltpu.SemaphoreType.DMA,
            pltpu.SemaphoreType.DMA,
            pltpu.SemaphoreType.DMA,
            pltpu.SemaphoreType.DMA,
            pltpu.SemaphoreType.DMA,
        ],
    )(idx, val, tab, bias16)


def kernel(index, value, field, table, bias):
    del field
    idx = index.reshape(-1).astype(jnp.int32)
    val = value.reshape(-1).astype(jnp.float32)
    tab = jnp.ravel(table.T)
    bias16 = jnp.broadcast_to(bias.astype(jnp.float32), (16,))
    out = _wide(idx, val, tab, bias16)
    return out.reshape(B, 1)

# --- scband reference (transcript-rebuilt; emitter-appended) ---
"""Pipeline reference for scband-wide-72404558676679 (READ-ONLY COPY).

The authoritative reference and input builder live on the scoring server;
editing this copy changes nothing except your own understanding.
"""

import jax, jax.numpy as jnp
import numpy as np

VOCAB = 1000000
B = 16384
F = 100

def setup_inputs(seed: int = 0) -> dict:
    key = jax.random.key(seed)
    k1, k2, k3, k4 = jax.random.split(key, 4)
    index = jax.random.randint(k1, (B, F), 0, VOCAB, dtype=jnp.int64)
    value = jax.random.normal(k2, (B, F), dtype=jnp.float32)
    field = jnp.sort(jax.random.randint(k3, (B, F), 0, 101, dtype=jnp.int64), axis=-1)
    # learned params: wide embedding table [VOCAB, 1] with padding_idx=0 zeroed, scalar bias
    table = jax.random.normal(k4, (VOCAB, 1), dtype=jnp.float32) * 0.01
    table = table.at[0].set(0.0)  # padding_idx=0
    bias = jnp.zeros((1,), dtype=jnp.float32)
    return {"index": index, "value": value, "field": field, "table": table, "bias": bias}

def reference(index, value, field, table, bias):
    # Wide.forward with use_wide_val=True, fields not a dict, use_fm_first_order=False
    # deal_v1: x = emb(indexes).squeeze(-1) * values; x = x.sum(1, keepdim=True); x = x + bias
    x = jnp.take(table, index, axis=0)          # [B, F, 1] embedding gather
    x = jnp.squeeze(x, axis=-1)                 # [B, F]
    x = x * value                               # weight by feature value
    x = jnp.sum(x, axis=1, keepdims=True)       # [B, 1]
    x = x + bias                                # add scalar bias
    return x

if __name__ == "__main__":
    import jax
    _d = setup_inputs()
    print(jax.jit(kernel)(*tuple(_d.values())))

</pallas_src>

<mosaic_0001>
#map = affine_map<(d0, d1) -> (0)>
module attributes {stable_mosaic.version = 14 : i64} {
  func.func @_wide_body(%arg0: i32, %arg1: i32, %arg2: memref<1638400xi32, #tpu.memory_space<hbm>>, %arg3: memref<1638400xf32, #tpu.memory_space<hbm>>, %arg4: memref<1000000xf32, #tpu.memory_space<hbm>>, %arg5: memref<16xf32, #tpu.memory_space<hbm>>, %arg6: memref<16384xf32, #tpu.memory_space<hbm>>, %arg7: memref<6400xi32, #tpu.memory_space<vmem>>, %arg8: memref<6400xf32, #tpu.memory_space<vmem>>, %arg9: memref<6400xf32, #tpu.memory_space<vmem>>, %arg10: memref<6400xi32, #tpu.memory_space<vmem>>, %arg11: memref<6400xf32, #tpu.memory_space<vmem>>, %arg12: memref<6400xf32, #tpu.memory_space<vmem>>, %arg13: memref<512xf32, #tpu.memory_space<vmem>>, %arg14: memref<16xf32, #tpu.memory_space<vmem>>, %arg15: memref<1000000xf32, #tpu.memory_space<vmem_shared>>, %arg16: memref<!tpu.dma_semaphore, #tpu.memory_space<semaphore_mem>>, %arg17: memref<!tpu.dma_semaphore, #tpu.memory_space<semaphore_mem>>, %arg18: memref<!tpu.dma_semaphore, #tpu.memory_space<semaphore_mem>>, %arg19: memref<!tpu.dma_semaphore, #tpu.memory_space<semaphore_mem>>, %arg20: memref<!tpu.dma_semaphore, #tpu.memory_space<semaphore_mem>>, %arg21: memref<!tpu.dma_semaphore, #tpu.memory_space<semaphore_mem>>) attributes {dimension_semantics = [#tpu.dimension_semantics<core_parallel>, #tpu.dimension_semantics<subcore_parallel>], iteration_bounds = array<i64: 2, 16>, scalar_prefetch = 0 : i64, scratch_operands = 15 : i64, tpu.core_type = #tpu.core_type<sc_vector_subcore>, window_params = [{transform_indices = #map}, {transform_indices = #map}, {transform_indices = #map}, {transform_indices = #map}, {transform_indices = #map}]} {
    %mul3A = arith.constant 2 : i32
    %mul3A_0 = arith.muli %arg1, %mul3A : i32
    %add3A = arith.addi %mul3A_0, %arg0 : i32
    %add3A_1 = arith.constant 0 : i32
    %add3A_2 = arith.addi %arg1, %add3A_1 : i32
    %lt3A = arith.constant 200 : i32
    %lt3A_3 = arith.cmpi slt, %add3A_2, %lt3A : i32
    %convert_element_type3A = arith.extui %lt3A_3 : i1 to i32
    %cond3A = arith.constant 0 : i32
    %cond3A_4 = arith.cmpi ne, %convert_element_type3A, %cond3A : i32
    scf.if %cond3A_4 {
      %mul3A_667 = arith.constant 5000 : i32
      %mul3A_668 = arith.muli %add3A_2, %mul3A_667 : i32
      "tpu.region"() ({
        %run_scoped3A = tpu.sem_alloc : memref<!tpu.dma_semaphore, #tpu.memory_space<semaphore_mem>>
        %dma_start3A_669 = arith.constant 0 : i32
        %dma_start3A_670 = tpu.memref_slice %arg8[%dma_start3A_669] : memref<6400xf32, #tpu.memory_space<vmem>> -> memref<5000xf32, #tpu.memory_space<vmem>>
        %dma_start3A_671 = tpu.memref_slice %arg4[%mul3A_668] : memref<1000000xf32, #tpu.memory_space<hbm>> -> memref<5000xf32, #tpu.memory_space<hbm>>
        %dma_start3A_672 = arith.constant 0 : i32
        %dma_start3A_673 = tpu.memref_slice %arg8[%dma_start3A_672] : memref<6400xf32, #tpu.memory_space<vmem>> -> memref<5000xf32, #tpu.memory_space<vmem>>
        %dma_start3A_674 = tpu.memref_slice %arg4[%mul3A_668] : memref<1000000xf32, #tpu.memory_space<hbm>> -> memref<5000xf32, #tpu.memory_space<hbm>>
        tpu.enqueue_dma source(%dma_start3A_674 : memref<5000xf32, #tpu.memory_space<hbm>>) target(%dma_start3A_673 : memref<5000xf32, #tpu.memory_space<vmem>>) target_semaphore(%run_scoped3A : memref<!tpu.dma_semaphore, #tpu.memory_space<semaphore_mem>>)
        %dma_wait3A_675 = arith.constant 0 : i32
        %dma_wait3A_676 = tpu.memref_slice %arg8[%dma_wait3A_675] : memref<6400xf32, #tpu.memory_space<vmem>> -> memref<5000xf32, #tpu.memory_space<vmem>>
        %dma_wait3A_677 = tpu.memref_slice %arg4[%mul3A_668] : memref<1000000xf32, #tpu.memory_space<hbm>> -> memref<5000xf32, #tpu.memory_space<hbm>>
        %dma_wait3A_678 = arith.constant 0 : i32
        %dma_wait3A_679 = tpu.memref_slice %arg8[%dma_wait3A_678] : memref<6400xf32, #tpu.memory_space<vmem>> -> memref<5000xf32, #tpu.memory_space<vmem>>
        %dma_wait3A_680 = tpu.memref_slice %arg4[%mul3A_668] : memref<1000000xf32, #tpu.memory_space<hbm>> -> memref<5000xf32, #tpu.memory_space<hbm>>
        tpu.wait_dma2 semaphore(%run_scoped3A : memref<!tpu.dma_semaphore, #tpu.memory_space<semaphore_mem>>) src(%dma_wait3A_680 : memref<5000xf32, #tpu.memory_space<hbm>>) dst(%dma_wait3A_679 : memref<5000xf32, #tpu.memory_space<vmem>>)
        tpu.yield
      }) : () -> ()
      "tpu.region"() ({
        %run_scoped3A = tpu.sem_alloc : memref<!tpu.dma_semaphore, #tpu.memory_space<semaphore_mem>>
        %dma_start3A_669 = arith.constant 0 : i32
        %dma_start3A_670 = tpu.memref_slice %arg8[%dma_start3A_669] : memref<6400xf32, #tpu.memory_space<vmem>> -> memref<5000xf32, #tpu.memory_space<vmem>>
        %dma_start3A_671 = tpu.memref_slice %arg15[%mul3A_668] : memref<1000000xf32, #tpu.memory_space<vmem_shared>> -> memref<5000xf32, #tpu.memory_space<vmem_shared>>
        %dma_start3A_672 = tpu.memref_slice %arg15[%mul3A_668] : memref<1000000xf32, #tpu.memory_space<vmem_shared>> -> memref<5000xf32, #tpu.memory_space<vmem_shared>>
        %dma_start3A_673 = arith.constant 0 : i32
        %dma_start3A_674 = tpu.memref_slice %arg8[%dma_start3A_673] : memref<6400xf32, #tpu.memory_space<vmem>> -> memref<5000xf32, #tpu.memory_space<vmem>>
        tpu.enqueue_dma source(%dma_start3A_674 : memref<5000xf32, #tpu.memory_space<vmem>>) target(%dma_start3A_672 : memref<5000xf32, #tpu.memory_space<vmem_shared>>) target_semaphore(%run_scoped3A : memref<!tpu.dma_semaphore, #tpu.memory_space<semaphore_mem>>)
        %dma_wait3A_675 = arith.constant 0 : i32
        %dma_wait3A_676 = tpu.memref_slice %arg8[%dma_wait3A_675] : memref<6400xf32, #tpu.memory_space<vmem>> -> memref<5000xf32, #tpu.memory_space<vmem>>
        %dma_wait3A_677 = tpu.memref_slice %arg15[%mul3A_668] : memref<1000000xf32, #tpu.memory_space<vmem_shared>> -> memref<5000xf32, #tpu.memory_space<vmem_shared>>
        %dma_wait3A_678 = tpu.memref_slice %arg15[%mul3A_668] : memref<1000000xf32, #tpu.memory_space<vmem_shared>> -> memref<5000xf32, #tpu.memory_space<vmem_shared>>
        %dma_wait3A_679 = arith.constant 0 : i32
        %dma_wait3A_680 = tpu.memref_slice %arg8[%dma_wait3A_679] : memref<6400xf32, #tpu.memory_space<vmem>> -> memref<5000xf32, #tpu.memory_space<vmem>>
        tpu.wait_dma2 semaphore(%run_scoped3A : memref<!tpu.dma_semaphore, #tpu.memory_space<semaphore_mem>>) src(%dma_wait3A_680 : memref<5000xf32, #tpu.memory_space<vmem>>) dst(%dma_wait3A_678 : memref<5000xf32, #tpu.memory_space<vmem_shared>>)
        tpu.yield
      }) : () -> ()
    } else {
    }
    %add3A_5 = arith.constant 16 : i32
    %add3A_6 = arith.addi %arg1, %add3A_5 : i32
    %lt3A_7 = arith.constant 200 : i32
    %lt3A_8 = arith.cmpi slt, %add3A_6, %lt3A_7 : i32
    %convert_element_type3A_9 = arith.extui %lt3A_8 : i1 to i32
    %cond3A_10 = arith.constant 0 : i32
    %cond3A_11 = arith.cmpi ne, %convert_element_type3A_9, %cond3A_10 : i32
    scf.if %cond3A_11 {
      %mul3A_667 = arith.constant 5000 : i32
      %mul3A_668 = arith.muli %add3A_6, %mul3A_667 : i32
      "tpu.region"() ({
        %run_scoped3A = tpu.sem_alloc : memref<!tpu.dma_semaphore, #tpu.memory_space<semaphore_mem>>
        %dma_start3A_669 = arith.constant 0 : i32
        %dma_start3A_670 = tpu.memref_slice %arg8[%dma_start3A_669] : memref<6400xf32, #tpu.memory_space<vmem>> -> memref<5000xf32, #tpu.memory_space<vmem>>
        %dma_start3A_671 = tpu.memref_slice %arg4[%mul3A_668] : memref<1000000xf32, #tpu.memory_space<hbm>> -> memref<5000xf32, #tpu.memory_space<hbm>>
        %dma_start3A_672 = arith.constant 0 : i32
        %dma_start3A_673 = tpu.memref_slice %arg8[%dma_start3A_672] : memref<6400xf32, #tpu.memory_space<vmem>> -> memref<5000xf32, #tpu.memory_space<vmem>>
        %dma_start3A_674 = tpu.memref_slice %arg4[%mul3A_668] : memref<1000000xf32, #tpu.memory_space<hbm>> -> memref<5000xf32, #tpu.memory_space<hbm>>
        tpu.enqueue_dma source(%dma_start3A_674 : memref<5000xf32, #tpu.memory_space<hbm>>) target(%dma_start3A_673 : memref<5000xf32, #tpu.memory_space<vmem>>) target_semaphore(%run_scoped3A : memref<!tpu.dma_semaphore, #tpu.memory_space<semaphore_mem>>)
        %dma_wait3A_675 = arith.constant 0 : i32
        %dma_wait3A_676 = tpu.memref_slice %arg8[%dma_wait3A_675] : memref<6400xf32, #tpu.memory_space<vmem>> -> memref<5000xf32, #tpu.memory_space<vmem>>
        %dma_wait3A_677 = tpu.memref_slice %arg4[%mul3A_668] : memref<1000000xf32, #tpu.memory_space<hbm>> -> memref<5000xf32, #tpu.memory_space<hbm>>
        %dma_wait3A_678 = arith.constant 0 : i32
        %dma_wait3A_679 = tpu.memref_slice %arg8[%dma_wait3A_678] : memref<6400xf32, #tpu.memory_space<vmem>> -> memref<5000xf32, #tpu.memory_space<vmem>>
        %dma_wait3A_680 = tpu.memref_slice %arg4[%mul3A_668] : memref<1000000xf32, #tpu.memory_space<hbm>> -> memref<5000xf32, #tpu.memory_space<hbm>>
        tpu.wait_dma2 semaphore(%run_scoped3A : memref<!tpu.dma_semaphore, #tpu.memory_space<semaphore_mem>>) src(%dma_wait3A_680 : memref<5000xf32, #tpu.memory_space<hbm>>) dst(%dma_wait3A_679 : memref<5000xf32, #tpu.memory_space<vmem>>)
        tpu.yield
      }) : () -> ()
      "tpu.region"() ({
        %run_scoped3A = tpu.sem_alloc : memref<!tpu.dma_semaphore, #tpu.memory_space<semaphore_mem>>
        %dma_start3A_669 = arith.constant 0 : i32
        %dma_start3A_670 = tpu.memref_slice %arg8[%dma_start3A_669] : memref<6400xf32, #tpu.memory_space<vmem>> -> memref<5000xf32, #tpu.memory_space<vmem>>
        %dma_start3A_671 = tpu.memref_slice %arg15[%mul3A_668] : memref<1000000xf32, #tpu.memory_space<vmem_shared>> -> memref<5000xf32, #tpu.memory_space<vmem_shared>>
        %dma_start3A_672 = tpu.memref_slice %arg15[%mul3A_668] : memref<1000000xf32, #tpu.memory_space<vmem_shared>> -> memref<5000xf32, #tpu.memory_space<vmem_shared>>
        %dma_start3A_673 = arith.constant 0 : i32
        %dma_start3A_674 = tpu.memref_slice %arg8[%dma_start3A_673] : memref<6400xf32, #tpu.memory_space<vmem>> -> memref<5000xf32, #tpu.memory_space<vmem>>
        tpu.enqueue_dma source(%dma_start3A_674 : memref<5000xf32, #tpu.memory_space<vmem>>) target(%dma_start3A_672 : memref<5000xf32, #tpu.memory_space<vmem_shared>>) target_semaphore(%run_scoped3A : memref<!tpu.dma_semaphore, #tpu.memory_space<semaphore_mem>>)
        %dma_wait3A_675 = arith.constant 0 : i32
        %dma_wait3A_676 = tpu.memref_slice %arg8[%dma_wait3A_675] : memref<6400xf32, #tpu.memory_space<vmem>> -> memref<5000xf32, #tpu.memory_space<vmem>>
        %dma_wait3A_677 = tpu.memref_slice %arg15[%mul3A_668] : memref<1000000xf32, #tpu.memory_space<vmem_shared>> -> memref<5000xf32, #tpu.memory_space<vmem_shared>>
        %dma_wait3A_678 = tpu.memref_slice %arg15[%mul3A_668] : memref<1000000xf32, #tpu.memory_space<vmem_shared>> -> memref<5000xf32, #tpu.memory_space<vmem_shared>>
        %dma_wait3A_679 = arith.constant 0 : i32
        %dma_wait3A_680 = tpu.memref_slice %arg8[%dma_wait3A_679] : memref<6400xf32, #tpu.memory_space<vmem>> -> memref<5000xf32, #tpu.memory_space<vmem>>
        tpu.wait_dma2 semaphore(%run_scoped3A : memref<!tpu.dma_semaphore, #tpu.memory_space<semaphore_mem>>) src(%dma_wait3A_680 : memref<5000xf32, #tpu.memory_space<vmem>>) dst(%dma_wait3A_678 : memref<5000xf32, #tpu.memory_space<vmem_shared>>)
        tpu.yield
      }) : () -> ()
    } else {
    }
    %add3A_12 = arith.constant 32 : i32
    %add3A_13 = arith.addi %arg1, %add3A_12 : i32
    %lt3A_14 = arith.constant 200 : i32
    %lt3A_15 = arith.cmpi slt, %add3A_13, %lt3A_14 : i32
    %convert_element_type3A_16 = arith.extui %lt3A_15 : i1 to i32
    %cond3A_17 = arith.constant 0 : i32
    %cond3A_18 = arith.cmpi ne, %convert_element_type3A_16, %cond3A_17 : i32
    scf.if %cond3A_18 {
      %mul3A_667 = arith.constant 5000 : i32
      %mul3A_668 = arith.muli %add3A_13, %mul3A_667 : i32
      "tpu.region"() ({
        %run_scoped3A = tpu.sem_alloc : memref<!tpu.dma_semaphore, #tpu.memory_space<semaphore_mem>>
        %dma_start3A_669 = arith.constant 0 : i32
        %dma_start3A_670 = tpu.memref_slice %arg8[%dma_start3A_669] : memref<6400xf32, #tpu.memory_space<vmem>> -> memref<5000xf32, #tpu.memory_space<vmem>>
        %dma_start3A_671 = tpu.memref_slice %arg4[%mul3A_668] : memref<1000000xf32, #tpu.memory_space<hbm>> -> memref<5000xf32, #tpu.memory_space<hbm>>
        %dma_start3A_672 = arith.constant 0 : i32
        %dma_start3A_673 = tpu.memref_slice %arg8[%dma_start3A_672] : memref<6400xf32, #tpu.memory_space<vmem>> -> memref<5000xf32, #tpu.memory_space<vmem>>
        %dma_start3A_674 = tpu.memref_slice %arg4[%mul3A_668] : memref<1000000xf32, #tpu.memory_space<hbm>> -> memref<5000xf32, #tpu.memory_space<hbm>>
        tpu.enqueue_dma source(%dma_start3A_674 : memref<5000xf32, #tpu.memory_space<hbm>>) target(%dma_start3A_673 : memref<5000xf32, #tpu.memory_space<vmem>>) target_semaphore(%run_scoped3A : memref<!tpu.dma_semaphore, #tpu.memory_space<semaphore_mem>>)
        %dma_wait3A_675 = arith.constant 0 : i32
        %dma_wait3A_676 = tpu.memref_slice %arg8[%dma_wait3A_675] : memref<6400xf32, #tpu.memory_space<vmem>> -> memref<5000xf32, #tpu.memory_space<vmem>>
        %dma_wait3A_677 = tpu.memref_slice %arg4[%mul3A_668] : memref<1000000xf32, #tpu.memory_space<hbm>> -> memref<5000xf32, #tpu.memory_space<hbm>>
        %dma_wait3A_678 = arith.constant 0 : i32
        %dma_wait3A_679 = tpu.memref_slice %arg8[%dma_wait3A_678] : memref<6400xf32, #tpu.memory_space<vmem>> -> memref<5000xf32, #tpu.memory_space<vmem>>
        %dma_wait3A_680 = tpu.memref_slice %arg4[%mul3A_668] : memref<1000000xf32, #tpu.memory_space<hbm>> -> memref<5000xf32, #tpu.memory_space<hbm>>
        tpu.wait_dma2 semaphore(%run_scoped3A : memref<!tpu.dma_semaphore, #tpu.memory_space<semaphore_mem>>) src(%dma_wait3A_680 : memref<5000xf32, #tpu.memory_space<hbm>>) dst(%dma_wait3A_679 : memref<5000xf32, #tpu.memory_space<vmem>>)
        tpu.yield
      }) : () -> ()
      "tpu.region"() ({
        %run_scoped3A = tpu.sem_alloc : memref<!tpu.dma_semaphore, #tpu.memory_space<semaphore_mem>>
        %dma_start3A_669 = arith.constant 0 : i32
        %dma_start3A_670 = tpu.memref_slice %arg8[%dma_start3A_669] : memref<6400xf32, #tpu.memory_space<vmem>> -> memref<5000xf32, #tpu.memory_space<vmem>>
        %dma_start3A_671 = tpu.memref_slice %arg15[%mul3A_668] : memref<1000000xf32, #tpu.memory_space<vmem_shared>> -> memref<5000xf32, #tpu.memory_space<vmem_shared>>
        %dma_start3A_672 = tpu.memref_slice %arg15[%mul3A_668] : memref<1000000xf32, #tpu.memory_space<vmem_shared>> -> memref<5000xf32, #tpu.memory_space<vmem_shared>>
        %dma_start3A_673 = arith.constant 0 : i32
        %dma_start3A_674 = tpu.memref_slice %arg8[%dma_start3A_673] : memref<6400xf32, #tpu.memory_space<vmem>> -> memref<5000xf32, #tpu.memory_space<vmem>>
        tpu.enqueue_dma source(%dma_start3A_674 : memref<5000xf32, #tpu.memory_space<vmem>>) target(%dma_start3A_672 : memref<5000xf32, #tpu.memory_space<vmem_shared>>) target_semaphore(%run_scoped3A : memref<!tpu.dma_semaphore, #tpu.memory_space<semaphore_mem>>)
        %dma_wait3A_675 = arith.constant 0 : i32
        %dma_wait3A_676 = tpu.memref_slice %arg8[%dma_wait3A_675] : memref<6400xf32, #tpu.memory_space<vmem>> -> memref<5000xf32, #tpu.memory_space<vmem>>
        %dma_wait3A_677 = tpu.memref_slice %arg15[%mul3A_668] : memref<1000000xf32, #tpu.memory_space<vmem_shared>> -> memref<5000xf32, #tpu.memory_space<vmem_shared>>
        %dma_wait3A_678 = tpu.memref_slice %arg15[%mul3A_668] : memref<1000000xf32, #tpu.memory_space<vmem_shared>> -> memref<5000xf32, #tpu.memory_space<vmem_shared>>
        %dma_wait3A_679 = arith.constant 0 : i32
        %dma_wait3A_680 = tpu.memref_slice %arg8[%dma_wait3A_679] : memref<6400xf32, #tpu.memory_space<vmem>> -> memref<5000xf32, #tpu.memory_space<vmem>>
        tpu.wait_dma2 semaphore(%run_scoped3A : memref<!tpu.dma_semaphore, #tpu.memory_space<semaphore_mem>>) src(%dma_wait3A_680 : memref<5000xf32, #tpu.memory_space<vmem>>) dst(%dma_wait3A_678 : memref<5000xf32, #tpu.memory_space<vmem_shared>>)
        tpu.yield
      }) : () -> ()
    } else {
    }
    %add3A_19 = arith.constant 48 : i32
    %add3A_20 = arith.addi %arg1, %add3A_19 : i32
    %lt3A_21 = arith.constant 200 : i32
    %lt3A_22 = arith.cmpi slt, %add3A_20, %lt3A_21 : i32
    %convert_element_type3A_23 = arith.extui %lt3A_22 : i1 to i32
    %cond3A_24 = arith.constant 0 : i32
    %cond3A_25 = arith.cmpi ne, %convert_element_type3A_23, %cond3A_24 : i32
    scf.if %cond3A_25 {
      %mul3A_667 = arith.constant 5000 : i32
      %mul3A_668 = arith.muli %add3A_20, %mul3A_667 : i32
      "tpu.region"() ({
        %run_scoped3A = tpu.sem_alloc : memref<!tpu.dma_semaphore, #tpu.memory_space<semaphore_mem>>
        %dma_start3A_669 = arith.constant 0 : i32
        %dma_start3A_670 = tpu.memref_slice %arg8[%dma_start3A_669] : memref<6400xf32, #tpu.memory_space<vmem>> -> memref<5000xf32, #tpu.memory_space<vmem>>
        %dma_start3A_671 = tpu.memref_slice %arg4[%mul3A_668] : memref<1000000xf32, #tpu.memory_space<hbm>> -> memref<5000xf32, #tpu.memory_space<hbm>>
        %dma_start3A_672 = arith.constant 0 : i32
        %dma_start3A_673 = tpu.memref_slice %arg8[%dma_start3A_672] : memref<6400xf32, #tpu.memory_space<vmem>> -> memref<5000xf32, #tpu.memory_space<vmem>>
        %dma_start3A_674 = tpu.memref_slice %arg4[%mul3A_668] : memref<1000000xf32, #tpu.memory_space<hbm>> -> memref<5000xf32, #tpu.memory_space<hbm>>
        tpu.enqueue_dma source(%dma_start3A_674 : memref<5000xf32, #tpu.memory_space<hbm>>) target(%dma_start3A_673 : memref<5000xf32, #tpu.memory_space<vmem>>) target_semaphore(%run_scoped3A : memref<!tpu.dma_semaphore, #tpu.memory_space<semaphore_mem>>)
        %dma_wait3A_675 = arith.constant 0 : i32
        %dma_wait3A_676 = tpu.memref_slice %arg8[%dma_wait3A_675] : memref<6400xf32, #tpu.memory_space<vmem>> -> memref<5000xf32, #tpu.memory_space<vmem>>
        %dma_wait3A_677 = tpu.memref_slice %arg4[%mul3A_668] : memref<1000000xf32, #tpu.memory_space<hbm>> -> memref<5000xf32, #tpu.memory_space<hbm>>
        %dma_wait3A_678 = arith.constant 0 : i32
        %dma_wait3A_679 = tpu.memref_slice %arg8[%dma_wait3A_678] : memref<6400xf32, #tpu.memory_space<vmem>> -> memref<5000xf32, #tpu.memory_space<vmem>>
        %dma_wait3A_680 = tpu.memref_slice %arg4[%mul3A_668] : memref<1000000xf32, #tpu.memory_space<hbm>> -> memref<5000xf32, #tpu.memory_space<hbm>>
        tpu.wait_dma2 semaphore(%run_scoped3A : memref<!tpu.dma_semaphore, #tpu.memory_space<semaphore_mem>>) src(%dma_wait3A_680 : memref<5000xf32, #tpu.memory_space<hbm>>) dst(%dma_wait3A_679 : memref<5000xf32, #tpu.memory_space<vmem>>)
        tpu.yield
      }) : () -> ()
      "tpu.region"() ({
        %run_scoped3A = tpu.sem_alloc : memref<!tpu.dma_semaphore, #tpu.memory_space<semaphore_mem>>
        %dma_start3A_669 = arith.constant 0 : i32
        %dma_start3A_670 = tpu.memref_slice %arg8[%dma_start3A_669] : memref<6400xf32, #tpu.memory_space<vmem>> -> memref<5000xf32, #tpu.memory_space<vmem>>
        %dma_start3A_671 = tpu.memref_slice %arg15[%mul3A_668] : memref<1000000xf32, #tpu.memory_space<vmem_shared>> -> memref<5000xf32, #tpu.memory_space<vmem_shared>>
        %dma_start3A_672 = tpu.memref_slice %arg15[%mul3A_668] : memref<1000000xf32, #tpu.memory_space<vmem_shared>> -> memref<5000xf32, #tpu.memory_space<vmem_shared>>
        %dma_start3A_673 = arith.constant 0 : i32
        %dma_start3A_674 = tpu.memref_slice %arg8[%dma_start3A_673] : memref<6400xf32, #tpu.memory_space<vmem>> -> memref<5000xf32, #tpu.memory_space<vmem>>
        tpu.enqueue_dma source(%dma_start3A_674 : memref<5000xf32, #tpu.memory_space<vmem>>) target(%dma_start3A_672 : memref<5000xf32, #tpu.memory_space<vmem_shared>>) target_semaphore(%run_scoped3A : memref<!tpu.dma_semaphore, #tpu.memory_space<semaphore_mem>>)
        %dma_wait3A_675 = arith.constant 0 : i32
        %dma_wait3A_676 = tpu.memref_slice %arg8[%dma_wait3A_675] : memref<6400xf32, #tpu.memory_space<vmem>> -> memref<5000xf32, #tpu.memory_space<vmem>>
        %dma_wait3A_677 = tpu.memref_slice %arg15[%mul3A_668] : memref<1000000xf32, #tpu.memory_space<vmem_shared>> -> memref<5000xf32, #tpu.memory_space<vmem_shared>>
        %dma_wait3A_678 = tpu.memref_slice %arg15[%mul3A_668] : memref<1000000xf32, #tpu.memory_space<vmem_shared>> -> memref<5000xf32, #tpu.memory_space<vmem_shared>>
        %dma_wait3A_679 = arith.constant 0 : i32
        %dma_wait3A_680 = tpu.memref_slice %arg8[%dma_wait3A_679] : memref<6400xf32, #tpu.memory_space<vmem>> -> memref<5000xf32, #tpu.memory_space<vmem>>
        tpu.wait_dma2 semaphore(%run_scoped3A : memref<!tpu.dma_semaphore, #tpu.memory_space<semaphore_mem>>) src(%dma_wait3A_680 : memref<5000xf32, #tpu.memory_space<vmem>>) dst(%dma_wait3A_678 : memref<5000xf32, #tpu.memory_space<vmem_shared>>)
        tpu.yield
      }) : () -> ()
    } else {
    }
    %add3A_26 = arith.constant 64 : i32
    %add3A_27 = arith.addi %arg1, %add3A_26 : i32
    %lt3A_28 = arith.constant 200 : i32
    %lt3A_29 = arith.cmpi slt, %add3A_27, %lt3A_28 : i32
    %convert_element_type3A_30 = arith.extui %lt3A_29 : i1 to i32
    %cond3A_31 = arith.constant 0 : i32
    %cond3A_32 = arith.cmpi ne, %convert_element_type3A_30, %cond3A_31 : i32
    scf.if %cond3A_32 {
      %mul3A_667 = arith.constant 5000 : i32
      %mul3A_668 = arith.muli %add3A_27, %mul3A_667 : i32
      "tpu.region"() ({
        %run_scoped3A = tpu.sem_alloc : memref<!tpu.dma_semaphore, #tpu.memory_space<semaphore_mem>>
        %dma_start3A_669 = arith.constant 0 : i32
        %dma_start3A_670 = tpu.memref_slice %arg8[%dma_start3A_669] : memref<6400xf32, #tpu.memory_space<vmem>> -> memref<5000xf32, #tpu.memory_space<vmem>>
        %dma_start3A_671 = tpu.memref_slice %arg4[%mul3A_668] : memref<1000000xf32, #tpu.memory_space<hbm>> -> memref<5000xf32, #tpu.memory_space<hbm>>
        %dma_start3A_672 = arith.constant 0 : i32
        %dma_start3A_673 = tpu.memref_slice %arg8[%dma_start3A_672] : memref<6400xf32, #tpu.memory_space<vmem>> -> memref<5000xf32, #tpu.memory_space<vmem>>
        %dma_start3A_674 = tpu.memref_slice %arg4[%mul3A_668] : memref<1000000xf32, #tpu.memory_space<hbm>> -> memref<5000xf32, #tpu.memory_space<hbm>>
        tpu.enqueue_dma source(%dma_start3A_674 : memref<5000xf32, #tpu.memory_space<hbm>>) target(%dma_start3A_673 : memref<5000xf32, #tpu.memory_space<vmem>>) target_semaphore(%run_scoped3A : memref<!tpu.dma_semaphore, #tpu.memory_space<semaphore_mem>>)
        %dma_wait3A_675 = arith.constant 0 : i32
        %dma_wait3A_676 = tpu.memref_slice %arg8[%dma_wait3A_675] : memref<6400xf32, #tpu.memory_space<vmem>> -> memref<5000xf32, #tpu.memory_space<vmem>>
        %dma_wait3A_677 = tpu.memref_slice %arg4[%mul3A_668] : memref<1000000xf32, #tpu.memory_space<hbm>> -> memref<5000xf32, #tpu.memory_space<hbm>>
        %dma_wait3A_678 = arith.constant 0 : i32
        %dma_wait3A_679 = tpu.memref_slice %arg8[%dma_wait3A_678] : memref<6400xf32, #tpu.memory_space<vmem>> -> memref<5000xf32, #tpu.memory_space<vmem>>
        %dma_wait3A_680 = tpu.memref_slice %arg4[%mul3A_668] : memref<1000000xf32, #tpu.memory_space<hbm>> -> memref<5000xf32, #tpu.memory_space<hbm>>
        tpu.wait_dma2 semaphore(%run_scoped3A : memref<!tpu.dma_semaphore, #tpu.memory_space<semaphore_mem>>) src(%dma_wait3A_680 : memref<5000xf32, #tpu.memory_space<hbm>>) dst(%dma_wait3A_679 : memref<5000xf32, #tpu.memory_space<vmem>>)
        tpu.yield
      }) : () -> ()
      "tpu.region"() ({
        %run_scoped3A = tpu.sem_alloc : memref<!tpu.dma_semaphore, #tpu.memory_space<semaphore_mem>>
        %dma_start3A_669 = arith.constant 0 : i32
        %dma_start3A_670 = tpu.memref_slice %arg8[%dma_start3A_669] : memref<6400xf32, #tpu.memory_space<vmem>> -> memref<5000xf32, #tpu.memory_space<vmem>>
        %dma_start3A_671 = tpu.memref_slice %arg15[%mul3A_668] : memref<1000000xf32, #tpu.memory_space<vmem_shared>> -> memref<5000xf32, #tpu.memory_space<vmem_shared>>
        %dma_start3A_672 = tpu.memref_slice %arg15[%mul3A_668] : memref<1000000xf32, #tpu.memory_space<vmem_shared>> -> memref<5000xf32, #tpu.memory_space<vmem_shared>>
        %dma_start3A_673 = arith.constant 0 : i32
        %dma_start3A_674 = tpu.memref_slice %arg8[%dma_start3A_673] : memref<6400xf32, #tpu.memory_space<vmem>> -> memref<5000xf32, #tpu.memory_space<vmem>>
        tpu.enqueue_dma source(%dma_start3A_674 : memref<5000xf32, #tpu.memory_space<vmem>>) target(%dma_start3A_672 : memref<5000xf32, #tpu.memory_space<vmem_shared>>) target_semaphore(%run_scoped3A : memref<!tpu.dma_semaphore, #tpu.memory_space<semaphore_mem>>)
        %dma_wait3A_675 = arith.constant 0 : i32
        %dma_wait3A_676 = tpu.memref_slice %arg8[%dma_wait3A_675] : memref<6400xf32, #tpu.memory_space<vmem>> -> memref<5000xf32, #tpu.memory_space<vmem>>
        %dma_wait3A_677 = tpu.memref_slice %arg15[%mul3A_668] : memref<1000000xf32, #tpu.memory_space<vmem_shared>> -> memref<5000xf32, #tpu.memory_space<vmem_shared>>
        %dma_wait3A_678 = tpu.memref_slice %arg15[%mul3A_668] : memref<1000000xf32, #tpu.memory_space<vmem_shared>> -> memref<5000xf32, #tpu.memory_space<vmem_shared>>
        %dma_wait3A_679 = arith.constant 0 : i32
        %dma_wait3A_680 = tpu.memref_slice %arg8[%dma_wait3A_679] : memref<6400xf32, #tpu.memory_space<vmem>> -> memref<5000xf32, #tpu.memory_space<vmem>>
        tpu.wait_dma2 semaphore(%run_scoped3A : memref<!tpu.dma_semaphore, #tpu.memory_space<semaphore_mem>>) src(%dma_wait3A_680 : memref<5000xf32, #tpu.memory_space<vmem>>) dst(%dma_wait3A_678 : memref<5000xf32, #tpu.memory_space<vmem_shared>>)
        tpu.yield
      }) : () -> ()
    } else {
    }
    %add3A_33 = arith.constant 80 : i32
    %add3A_34 = arith.addi %arg1, %add3A_33 : i32
    %lt3A_35 = arith.constant 200 : i32
    %lt3A_36 = arith.cmpi slt, %add3A_34, %lt3A_35 : i32
    %convert_element_type3A_37 = arith.extui %lt3A_36 : i1 to i32
    %cond3A_38 = arith.constant 0 : i32
    %cond3A_39 = arith.cmpi ne, %convert_element_type3A_37, %cond3A_38 : i32
    scf.if %cond3A_39 {
      %mul3A_667 = arith.constant 5000 : i32
      %mul3A_668 = arith.muli %add3A_34, %mul3A_667 : i32
      "tpu.region"() ({
        %run_scoped3A = tpu.sem_alloc : memref<!tpu.dma_semaphore, #tpu.memory_space<semaphore_mem>>
        %dma_start3A_669 = arith.constant 0 : i32
        %dma_start3A_670 = tpu.memref_slice %arg8[%dma_start3A_669] : memref<6400xf32, #tpu.memory_space<vmem>> -> memref<5000xf32, #tpu.memory_space<vmem>>
        %dma_start3A_671 = tpu.memref_slice %arg4[%mul3A_668] : memref<1000000xf32, #tpu.memory_space<hbm>> -> memref<5000xf32, #tpu.memory_space<hbm>>
        %dma_start3A_672 = arith.constant 0 : i32
        %dma_start3A_673 = tpu.memref_slice %arg8[%dma_start3A_672] : memref<6400xf32, #tpu.memory_space<vmem>> -> memref<5000xf32, #tpu.memory_space<vmem>>
        %dma_start3A_674 = tpu.memref_slice %arg4[%mul3A_668] : memref<1000000xf32, #tpu.memory_space<hbm>> -> memref<5000xf32, #tpu.memory_space<hbm>>
        tpu.enqueue_dma source(%dma_start3A_674 : memref<5000xf32, #tpu.memory_space<hbm>>) target(%dma_start3A_673 : memref<5000xf32, #tpu.memory_space<vmem>>) target_semaphore(%run_scoped3A : memref<!tpu.dma_semaphore, #tpu.memory_space<semaphore_mem>>)
        %dma_wait3A_675 = arith.constant 0 : i32
        %dma_wait3A_676 = tpu.memref_slice %arg8[%dma_wait3A_675] : memref<6400xf32, #tpu.memory_space<vmem>> -> memref<5000xf32, #tpu.memory_space<vmem>>
        %dma_wait3A_677 = tpu.memref_slice %arg4[%mul3A_668] : memref<1000000xf32, #tpu.memory_space<hbm>> -> memref<5000xf32, #tpu.memory_space<hbm>>
        %dma_wait3A_678 = arith.constant 0 : i32
        %dma_wait3A_679 = tpu.memref_slice %arg8[%dma_wait3A_678] : memref<6400xf32, #tpu.memory_space<vmem>> -> memref<5000xf32, #tpu.memory_space<vmem>>
        %dma_wait3A_680 = tpu.memref_slice %arg4[%mul3A_668] : memref<1000000xf32, #tpu.memory_space<hbm>> -> memref<5000xf32, #tpu.memory_space<hbm>>
        tpu.wait_dma2 semaphore(%run_scoped3A : memref<!tpu.dma_semaphore, #tpu.memory_space<semaphore_mem>>) src(%dma_wait3A_680 : memref<5000xf32, #tpu.memory_space<hbm>>) dst(%dma_wait3A_679 : memref<5000xf32, #tpu.memory_space<vmem>>)
        tpu.yield
      }) : () -> ()
      "tpu.region"() ({
        %run_scoped3A = tpu.sem_alloc : memref<!tpu.dma_semaphore, #tpu.memory_space<semaphore_mem>>
        %dma_start3A_669 = arith.constant 0 : i32
        %dma_start3A_670 = tpu.memref_slice %arg8[%dma_start3A_669] : memref<6400xf32, #tpu.memory_space<vmem>> -> memref<5000xf32, #tpu.memory_space<vmem>>
        %dma_start3A_671 = tpu.memref_slice %arg15[%mul3A_668] : memref<1000000xf32, #tpu.memory_space<vmem_shared>> -> memref<5000xf32, #tpu.memory_space<vmem_shared>>
        %dma_start3A_672 = tpu.memref_slice %arg15[%mul3A_668] : memref<1000000xf32, #tpu.memory_space<vmem_shared>> -> memref<5000xf32, #tpu.memory_space<vmem_shared>>
        %dma_start3A_673 = arith.constant 0 : i32
        %dma_start3A_674 = tpu.memref_slice %arg8[%dma_start3A_673] : memref<6400xf32, #tpu.memory_space<vmem>> -> memref<5000xf32, #tpu.memory_space<vmem>>
        tpu.enqueue_dma source(%dma_start3A_674 : memref<5000xf32, #tpu.memory_space<vmem>>) target(%dma_start3A_672 : memref<5000xf32, #tpu.memory_space<vmem_shared>>) target_semaphore(%run_scoped3A : memref<!tpu.dma_semaphore, #tpu.memory_space<semaphore_mem>>)
        %dma_wait3A_675 = arith.constant 0 : i32
        %dma_wait3A_676 = tpu.memref_slice %arg8[%dma_wait3A_675] : memref<6400xf32, #tpu.memory_space<vmem>> -> memref<5000xf32, #tpu.memory_space<vmem>>
        %dma_wait3A_677 = tpu.memref_slice %arg15[%mul3A_668] : memref<1000000xf32, #tpu.memory_space<vmem_shared>> -> memref<5000xf32, #tpu.memory_space<vmem_shared>>
        %dma_wait3A_678 = tpu.memref_slice %arg15[%mul3A_668] : memref<1000000xf32, #tpu.memory_space<vmem_shared>> -> memref<5000xf32, #tpu.memory_space<vmem_shared>>
        %dma_wait3A_679 = arith.constant 0 : i32
        %dma_wait3A_680 = tpu.memref_slice %arg8[%dma_wait3A_679] : memref<6400xf32, #tpu.memory_space<vmem>> -> memref<5000xf32, #tpu.memory_space<vmem>>
        tpu.wait_dma2 semaphore(%run_scoped3A : memref<!tpu.dma_semaphore, #tpu.memory_space<semaphore_mem>>) src(%dma_wait3A_680 : memref<5000xf32, #tpu.memory_space<vmem>>) dst(%dma_wait3A_678 : memref<5000xf32, #tpu.memory_space<vmem_shared>>)
        tpu.yield
      }) : () -> ()
    } else {
    }
    %add3A_40 = arith.constant 96 : i32
    %add3A_41 = arith.addi %arg1, %add3A_40 : i32
    %lt3A_42 = arith.constant 200 : i32
    %lt3A_43 = arith.cmpi slt, %add3A_41, %lt3A_42 : i32
    %convert_element_type3A_44 = arith.extui %lt3A_43 : i1 to i32
    %cond3A_45 = arith.constant 0 : i32
    %cond3A_46 = arith.cmpi ne, %convert_element_type3A_44, %cond3A_45 : i32
    scf.if %cond3A_46 {
      %mul3A_667 = arith.constant 5000 : i32
      %mul3A_668 = arith.muli %add3A_41, %mul3A_667 : i32
      "tpu.region"() ({
        %run_scoped3A = tpu.sem_alloc : memref<!tpu.dma_semaphore, #tpu.memory_space<semaphore_mem>>
        %dma_start3A_669 = arith.constant 0 : i32
        %dma_start3A_670 = tpu.memref_slice %arg8[%dma_start3A_669] : memref<6400xf32, #tpu.memory_space<vmem>> -> memref<5000xf32, #tpu.memory_space<vmem>>
        %dma_start3A_671 = tpu.memref_slice %arg4[%mul3A_668] : memref<1000000xf32, #tpu.memory_space<hbm>> -> memref<5000xf32, #tpu.memory_space<hbm>>
        %dma_start3A_672 = arith.constant 0 : i32
        %dma_start3A_673 = tpu.memref_slice %arg8[%dma_start3A_672] : memref<6400xf32, #tpu.memory_space<vmem>> -> memref<5000xf32, #tpu.memory_space<vmem>>
        %dma_start3A_674 = tpu.memref_slice %arg4[%mul3A_668] : memref<1000000xf32, #tpu.memory_space<hbm>> -> memref<5000xf32, #tpu.memory_space<hbm>>
        tpu.enqueue_dma source(%dma_start3A_674 : memref<5000xf32, #tpu.memory_space<hbm>>) target(%dma_start3A_673 : memref<5000xf32, #tpu.memory_space<vmem>>) target_semaphore(%run_scoped3A : memref<!tpu.dma_semaphore, #tpu.memory_space<semaphore_mem>>)
        %dma_wait3A_675 = arith.constant 0 : i32
        %dma_wait3A_676 = tpu.memref_slice %arg8[%dma_wait3A_675] : memref<6400xf32, #tpu.memory_space<vmem>> -> memref<5000xf32, #tpu.memory_space<vmem>>
        %dma_wait3A_677 = tpu.memref_slice %arg4[%mul3A_668] : memref<1000000xf32, #tpu.memory_space<hbm>> -> memref<5000xf32, #tpu.memory_space<hbm>>
        %dma_wait3A_678 = arith.constant 0 : i32
        %dma_wait3A_679 = tpu.memref_slice %arg8[%dma_wait3A_678] : memref<6400xf32, #tpu.memory_space<vmem>> -> memref<5000xf32, #tpu.memory_space<vmem>>
        %dma_wait3A_680 = tpu.memref_slice %arg4[%mul3A_668] : memref<1000000xf32, #tpu.memory_space<hbm>> -> memref<5000xf32, #tpu.memory_space<hbm>>
        tpu.wait_dma2 semaphore(%run_scoped3A : memref<!tpu.dma_semaphore, #tpu.memory_space<semaphore_mem>>) src(%dma_wait3A_680 : memref<5000xf32, #tpu.memory_space<hbm>>) dst(%dma_wait3A_679 : memref<5000xf32, #tpu.memory_space<vmem>>)
        tpu.yield
      }) : () -> ()
      "tpu.region"() ({
        %run_scoped3A = tpu.sem_alloc : memref<!tpu.dma_semaphore, #tpu.memory_space<semaphore_mem>>
        %dma_start3A_669 = arith.constant 0 : i32
        %dma_start3A_670 = tpu.memref_slice %arg8[%dma_start3A_669] : memref<6400xf32, #tpu.memory_space<vmem>> -> memref<5000xf32, #tpu.memory_space<vmem>>
        %dma_start3A_671 = tpu.memref_slice %arg15[%mul3A_668] : memref<1000000xf32, #tpu.memory_space<vmem_shared>> -> memref<5000xf32, #tpu.memory_space<vmem_shared>>
        %dma_start3A_672 = tpu.memref_slice %arg15[%mul3A_668] : memref<1000000xf32, #tpu.memory_space<vmem_shared>> -> memref<5000xf32, #tpu.memory_space<vmem_shared>>
        %dma_start3A_673 = arith.constant 0 : i32
        %dma_start3A_674 = tpu.memref_slice %arg8[%dma_start3A_673] : memref<6400xf32, #tpu.memory_space<vmem>> -> memref<5000xf32, #tpu.memory_space<vmem>>
        tpu.enqueue_dma source(%dma_start3A_674 : memref<5000xf32, #tpu.memory_space<vmem>>) target(%dma_start3A_672 : memref<5000xf32, #tpu.memory_space<vmem_shared>>) target_semaphore(%run_scoped3A : memref<!tpu.dma_semaphore, #tpu.memory_space<semaphore_mem>>)
        %dma_wait3A_675 = arith.constant 0 : i32
        %dma_wait3A_676 = tpu.memref_slice %arg8[%dma_wait3A_675] : memref<6400xf32, #tpu.memory_space<vmem>> -> memref<5000xf32, #tpu.memory_space<vmem>>
        %dma_wait3A_677 = tpu.memref_slice %arg15[%mul3A_668] : memref<1000000xf32, #tpu.memory_space<vmem_shared>> -> memref<5000xf32, #tpu.memory_space<vmem_shared>>
        %dma_wait3A_678 = tpu.memref_slice %arg15[%mul3A_668] : memref<1000000xf32, #tpu.memory_space<vmem_shared>> -> memref<5000xf32, #tpu.memory_space<vmem_shared>>
        %dma_wait3A_679 = arith.constant 0 : i32
        %dma_wait3A_680 = tpu.memref_slice %arg8[%dma_wait3A_679] : memref<6400xf32, #tpu.memory_space<vmem>> -> memref<5000xf32, #tpu.memory_space<vmem>>
        tpu.wait_dma2 semaphore(%run_scoped3A : memref<!tpu.dma_semaphore, #tpu.memory_space<semaphore_mem>>) src(%dma_wait3A_680 : memref<5000xf32, #tpu.memory_space<vmem>>) dst(%dma_wait3A_678 : memref<5000xf32, #tpu.memory_space<vmem_shared>>)
        tpu.yield
      }) : () -> ()
    } else {
    }
    %add3A_47 = arith.constant 112 : i32
    %add3A_48 = arith.addi %arg1, %add3A_47 : i32
    %lt3A_49 = arith.constant 200 : i32
    %lt3A_50 = arith.cmpi slt, %add3A_48, %lt3A_49 : i32
    %convert_element_type3A_51 = arith.extui %lt3A_50 : i1 to i32
    %cond3A_52 = arith.constant 0 : i32
    %cond3A_53 = arith.cmpi ne, %convert_element_type3A_51, %cond3A_52 : i32
    scf.if %cond3A_53 {
      %mul3A_667 = arith.constant 5000 : i32
      %mul3A_668 = arith.muli %add3A_48, %mul3A_667 : i32
      "tpu.region"() ({
        %run_scoped3A = tpu.sem_alloc : memref<!tpu.dma_semaphore, #tpu.memory_space<semaphore_mem>>
        %dma_start3A_669 = arith.constant 0 : i32
        %dma_start3A_670 = tpu.memref_slice %arg8[%dma_start3A_669] : memref<6400xf32, #tpu.memory_space<vmem>> -> memref<5000xf32, #tpu.memory_space<vmem>>
        %dma_start3A_671 = tpu.memref_slice %arg4[%mul3A_668] : memref<1000000xf32, #tpu.memory_space<hbm>> -> memref<5000xf32, #tpu.memory_space<hbm>>
        %dma_start3A_672 = arith.constant 0 : i32
        %dma_start3A_673 = tpu.memref_slice %arg8[%dma_start3A_672] : memref<6400xf32, #tpu.memory_space<vmem>> -> memref<5000xf32, #tpu.memory_space<vmem>>
        %dma_start3A_674 = tpu.memref_slice %arg4[%mul3A_668] : memref<1000000xf32, #tpu.memory_space<hbm>> -> memref<5000xf32, #tpu.memory_space<hbm>>
        tpu.enqueue_dma source(%dma_start3A_674 : memref<5000xf32, #tpu.memory_space<hbm>>) target(%dma_start3A_673 : memref<5000xf32, #tpu.memory_space<vmem>>) target_semaphore(%run_scoped3A : memref<!tpu.dma_semaphore, #tpu.memory_space<semaphore_mem>>)
        %dma_wait3A_675 = arith.constant 0 : i32
        %dma_wait3A_676 = tpu.memref_slice %arg8[%dma_wait3A_675] : memref<6400xf32, #tpu.memory_space<vmem>> -> memref<5000xf32, #tpu.memory_space<vmem>>
        %dma_wait3A_677 = tpu.memref_slice %arg4[%mul3A_668] : memref<1000000xf32, #tpu.memory_space<hbm>> -> memref<5000xf32, #tpu.memory_space<hbm>>
        %dma_wait3A_678 = arith.constant 0 : i32
        %dma_wait3A_679 = tpu.memref_slice %arg8[%dma_wait3A_678] : memref<6400xf32, #tpu.memory_space<vmem>> -> memref<5000xf32, #tpu.memory_space<vmem>>
        %dma_wait3A_680 = tpu.memref_slice %arg4[%mul3A_668] : memref<1000000xf32, #tpu.memory_space<hbm>> -> memref<5000xf32, #tpu.memory_space<hbm>>
        tpu.wait_dma2 semaphore(%run_scoped3A : memref<!tpu.dma_semaphore, #tpu.memory_space<semaphore_mem>>) src(%dma_wait3A_680 : memref<5000xf32, #tpu.memory_space<hbm>>) dst(%dma_wait3A_679 : memref<5000xf32, #tpu.memory_space<vmem>>)
        tpu.yield
      }) : () -> ()
      "tpu.region"() ({
        %run_scoped3A = tpu.sem_alloc : memref<!tpu.dma_semaphore, #tpu.memory_space<semaphore_mem>>
        %dma_start3A_669 = arith.constant 0 : i32
        %dma_start3A_670 = tpu.memref_slice %arg8[%dma_start3A_669] : memref<6400xf32, #tpu.memory_space<vmem>> -> memref<5000xf32, #tpu.memory_space<vmem>>
        %dma_start3A_671 = tpu.memref_slice %arg15[%mul3A_668] : memref<1000000xf32, #tpu.memory_space<vmem_shared>> -> memref<5000xf32, #tpu.memory_space<vmem_shared>>
        %dma_start3A_672 = tpu.memref_slice %arg15[%mul3A_668] : memref<1000000xf32, #tpu.memory_space<vmem_shared>> -> memref<5000xf32, #tpu.memory_space<vmem_shared>>
        %dma_start3A_673 = arith.constant 0 : i32
        %dma_start3A_674 = tpu.memref_slice %arg8[%dma_start3A_673] : memref<6400xf32, #tpu.memory_space<vmem>> -> memref<5000xf32, #tpu.memory_space<vmem>>
        tpu.enqueue_dma source(%dma_start3A_674 : memref<5000xf32, #tpu.memory_space<vmem>>) target(%dma_start3A_672 : memref<5000xf32, #tpu.memory_space<vmem_shared>>) target_semaphore(%run_scoped3A : memref<!tpu.dma_semaphore, #tpu.memory_space<semaphore_mem>>)
        %dma_wait3A_675 = arith.constant 0 : i32
        %dma_wait3A_676 = tpu.memref_slice %arg8[%dma_wait3A_675] : memref<6400xf32, #tpu.memory_space<vmem>> -> memref<5000xf32, #tpu.memory_space<vmem>>
        %dma_wait3A_677 = tpu.memref_slice %arg15[%mul3A_668] : memref<1000000xf32, #tpu.memory_space<vmem_shared>> -> memref<5000xf32, #tpu.memory_space<vmem_shared>>
        %dma_wait3A_678 = tpu.memref_slice %arg15[%mul3A_668] : memref<1000000xf32, #tpu.memory_space<vmem_shared>> -> memref<5000xf32, #tpu.memory_space<vmem_shared>>
        %dma_wait3A_679 = arith.constant 0 : i32
        %dma_wait3A_680 = tpu.memref_slice %arg8[%dma_wait3A_679] : memref<6400xf32, #tpu.memory_space<vmem>> -> memref<5000xf32, #tpu.memory_space<vmem>>
        tpu.wait_dma2 semaphore(%run_scoped3A : memref<!tpu.dma_semaphore, #tpu.memory_space<semaphore_mem>>) src(%dma_wait3A_680 : memref<5000xf32, #tpu.memory_space<vmem>>) dst(%dma_wait3A_678 : memref<5000xf32, #tpu.memory_space<vmem_shared>>)
        tpu.yield
      }) : () -> ()
    } else {
    }
    %add3A_54 = arith.constant 128 : i32
    %add3A_55 = arith.addi %arg1, %add3A_54 : i32
    %lt3A_56 = arith.constant 200 : i32
    %lt3A_57 = arith.cmpi slt, %add3A_55, %lt3A_56 : i32
    %convert_element_type3A_58 = arith.extui %lt3A_57 : i1 to i32
    %cond3A_59 = arith.constant 0 : i32
    %cond3A_60 = arith.cmpi ne, %convert_element_type3A_58, %cond3A_59 : i32
    scf.if %cond3A_60 {
      %mul3A_667 = arith.constant 5000 : i32
      %mul3A_668 = arith.muli %add3A_55, %mul3A_667 : i32
      "tpu.region"() ({
        %run_scoped3A = tpu.sem_alloc : memref<!tpu.dma_semaphore, #tpu.memory_space<semaphore_mem>>
        %dma_start3A_669 = arith.constant 0 : i32
        %dma_start3A_670 = tpu.memref_slice %arg8[%dma_start3A_669] : memref<6400xf32, #tpu.memory_space<vmem>> -> memref<5000xf32, #tpu.memory_space<vmem>>
        %dma_start3A_671 = tpu.memref_slice %arg4[%mul3A_668] : memref<1000000xf32, #tpu.memory_space<hbm>> -> memref<5000xf32, #tpu.memory_space<hbm>>
        %dma_start3A_672 = arith.constant 0 : i32
        %dma_start3A_673 = tpu.memref_slice %arg8[%dma_start3A_672] : memref<6400xf32, #tpu.memory_space<vmem>> -> memref<5000xf32, #tpu.memory_space<vmem>>
        %dma_start3A_674 = tpu.memref_slice %arg4[%mul3A_668] : memref<1000000xf32, #tpu.memory_space<hbm>> -> memref<5000xf32, #tpu.memory_space<hbm>>
        tpu.enqueue_dma source(%dma_start3A_674 : memref<5000xf32, #tpu.memory_space<hbm>>) target(%dma_start3A_673 : memref<5000xf32, #tpu.memory_space<vmem>>) target_semaphore(%run_scoped3A : memref<!tpu.dma_semaphore, #tpu.memory_space<semaphore_mem>>)
        %dma_wait3A_675 = arith.constant 0 : i32
        %dma_wait3A_676 = tpu.memref_slice %arg8[%dma_wait3A_675] : memref<6400xf32, #tpu.memory_space<vmem>> -> memref<5000xf32, #tpu.memory_space<vmem>>
        %dma_wait3A_677 = tpu.memref_slice %arg4[%mul3A_668] : memref<1000000xf32, #tpu.memory_space<hbm>> -> memref<5000xf32, #tpu.memory_space<hbm>>
        %dma_wait3A_678 = arith.constant 0 : i32
        %dma_wait3A_679 = tpu.memref_slice %arg8[%dma_wait3A_678] : memref<6400xf32, #tpu.memory_space<vmem>> -> memref<5000xf32, #tpu.memory_space<vmem>>
        %dma_wait3A_680 = tpu.memref_slice %arg4[%mul3A_668] : memref<1000000xf32, #tpu.memory_space<hbm>> -> memref<5000xf32, #tpu.memory_space<hbm>>
        tpu.wait_dma2 semaphore(%run_scoped3A : memref<!tpu.dma_semaphore, #tpu.memory_space<semaphore_mem>>) src(%dma_wait3A_680 : memref<5000xf32, #tpu.memory_space<hbm>>) dst(%dma_wait3A_679 : memref<5000xf32, #tpu.memory_space<vmem>>)
        tpu.yield
      }) : () -> ()
      "tpu.region"() ({
        %run_scoped3A = tpu.sem_alloc : memref<!tpu.dma_semaphore, #tpu.memory_space<semaphore_mem>>
        %dma_start3A_669 = arith.constant 0 : i32
        %dma_start3A_670 = tpu.memref_slice %arg8[%dma_start3A_669] : memref<6400xf32, #tpu.memory_space<vmem>> -> memref<5000xf32, #tpu.memory_space<vmem>>
        %dma_start3A_671 = tpu.memref_slice %arg15[%mul3A_668] : memref<1000000xf32, #tpu.memory_space<vmem_shared>> -> memref<5000xf32, #tpu.memory_space<vmem_shared>>
        %dma_start3A_672 = tpu.memref_slice %arg15[%mul3A_668] : memref<1000000xf32, #tpu.memory_space<vmem_shared>> -> memref<5000xf32, #tpu.memory_space<vmem_shared>>
        %dma_start3A_673 = arith.constant 0 : i32
        %dma_start3A_674 = tpu.memref_slice %arg8[%dma_start3A_673] : memref<6400xf32, #tpu.memory_space<vmem>> -> memref<5000xf32, #tpu.memory_space<vmem>>
        tpu.enqueue_dma source(%dma_start3A_674 : memref<5000xf32, #tpu.memory_space<vmem>>) target(%dma_start3A_672 : memref<5000xf32, #tpu.memory_space<vmem_shared>>) target_semaphore(%run_scoped3A : memref<!tpu.dma_semaphore, #tpu.memory_space<semaphore_mem>>)
        %dma_wait3A_675 = arith.constant 0 : i32
        %dma_wait3A_676 = tpu.memref_slice %arg8[%dma_wait3A_675] : memref<6400xf32, #tpu.memory_space<vmem>> -> memref<5000xf32, #tpu.memory_space<vmem>>
        %dma_wait3A_677 = tpu.memref_slice %arg15[%mul3A_668] : memref<1000000xf32, #tpu.memory_space<vmem_shared>> -> memref<5000xf32, #tpu.memory_space<vmem_shared>>
        %dma_wait3A_678 = tpu.memref_slice %arg15[%mul3A_668] : memref<1000000xf32, #tpu.memory_space<vmem_shared>> -> memref<5000xf32, #tpu.memory_space<vmem_shared>>
        %dma_wait3A_679 = arith.constant 0 : i32
        %dma_wait3A_680 = tpu.memref_slice %arg8[%dma_wait3A_679] : memref<6400xf32, #tpu.memory_space<vmem>> -> memref<5000xf32, #tpu.memory_space<vmem>>
        tpu.wait_dma2 semaphore(%run_scoped3A : memref<!tpu.dma_semaphore, #tpu.memory_space<semaphore_mem>>) src(%dma_wait3A_680 : memref<5000xf32, #tpu.memory_space<vmem>>) dst(%dma_wait3A_678 : memref<5000xf32, #tpu.memory_space<vmem_shared>>)
        tpu.yield
      }) : () -> ()
    } else {
    }
    %add3A_61 = arith.constant 144 : i32
    %add3A_62 = arith.addi %arg1, %add3A_61 : i32
    %lt3A_63 = arith.constant 200 : i32
    %lt3A_64 = arith.cmpi slt, %add3A_62, %lt3A_63 : i32
    %convert_element_type3A_65 = arith.extui %lt3A_64 : i1 to i32
    %cond3A_66 = arith.constant 0 : i32
    %cond3A_67 = arith.cmpi ne, %convert_element_type3A_65, %cond3A_66 : i32
    scf.if %cond3A_67 {
      %mul3A_667 = arith.constant 5000 : i32
      %mul3A_668 = arith.muli %add3A_62, %mul3A_667 : i32
      "tpu.region"() ({
        %run_scoped3A = tpu.sem_alloc : memref<!tpu.dma_semaphore, #tpu.memory_space<semaphore_mem>>
        %dma_start3A_669 = arith.constant 0 : i32
        %dma_start3A_670 = tpu.memref_slice %arg8[%dma_start3A_669] : memref<6400xf32, #tpu.memory_space<vmem>> -> memref<5000xf32, #tpu.memory_space<vmem>>
        %dma_start3A_671 = tpu.memref_slice %arg4[%mul3A_668] : memref<1000000xf32, #tpu.memory_space<hbm>> -> memref<5000xf32, #tpu.memory_space<hbm>>
        %dma_start3A_672 = arith.constant 0 : i32
        %dma_start3A_673 = tpu.memref_slice %arg8[%dma_start3A_672] : memref<6400xf32, #tpu.memory_space<vmem>> -> memref<5000xf32, #tpu.memory_space<vmem>>
        %dma_start3A_674 = tpu.memref_slice %arg4[%mul3A_668] : memref<1000000xf32, #tpu.memory_space<hbm>> -> memref<5000xf32, #tpu.memory_space<hbm>>
        tpu.enqueue_dma source(%dma_start3A_674 : memref<5000xf32, #tpu.memory_space<hbm>>) target(%dma_start3A_673 : memref<5000xf32, #tpu.memory_space<vmem>>) target_semaphore(%run_scoped3A : memref<!tpu.dma_semaphore, #tpu.memory_space<semaphore_mem>>)
        %dma_wait3A_675 = arith.constant 0 : i32
        %dma_wait3A_676 = tpu.memref_slice %arg8[%dma_wait3A_675] : memref<6400xf32, #tpu.memory_space<vmem>> -> memref<5000xf32, #tpu.memory_space<vmem>>
        %dma_wait3A_677 = tpu.memref_slice %arg4[%mul3A_668] : memref<1000000xf32, #tpu.memory_space<hbm>> -> memref<5000xf32, #tpu.memory_space<hbm>>
        %dma_wait3A_678 = arith.constant 0 : i32
        %dma_wait3A_679 = tpu.memref_slice %arg8[%dma_wait3A_678] : memref<6400xf32, #tpu.memory_space<vmem>> -> memref<5000xf32, #tpu.memory_space<vmem>>
        %dma_wait3A_680 = tpu.memref_slice %arg4[%mul3A_668] : memref<1000000xf32, #tpu.memory_space<hbm>> -> memref<5000xf32, #tpu.memory_space<hbm>>
        tpu.wait_dma2 semaphore(%run_scoped3A : memref<!tpu.dma_semaphore, #tpu.memory_space<semaphore_mem>>) src(%dma_wait3A_680 : memref<5000xf32, #tpu.memory_space<hbm>>) dst(%dma_wait3A_679 : memref<5000xf32, #tpu.memory_space<vmem>>)
        tpu.yield
      }) : () -> ()
      "tpu.region"() ({
        %run_scoped3A = tpu.sem_alloc : memref<!tpu.dma_semaphore, #tpu.memory_space<semaphore_mem>>
        %dma_start3A_669 = arith.constant 0 : i32
        %dma_start3A_670 = tpu.memref_slice %arg8[%dma_start3A_669] : memref<6400xf32, #tpu.memory_space<vmem>> -> memref<5000xf32, #tpu.memory_space<vmem>>
        %dma_start3A_671 = tpu.memref_slice %arg15[%mul3A_668] : memref<1000000xf32, #tpu.memory_space<vmem_shared>> -> memref<5000xf32, #tpu.memory_space<vmem_shared>>
        %dma_start3A_672 = tpu.memref_slice %arg15[%mul3A_668] : memref<1000000xf32, #tpu.memory_space<vmem_shared>> -> memref<5000xf32, #tpu.memory_space<vmem_shared>>
        %dma_start3A_673 = arith.constant 0 : i32
        %dma_start3A_674 = tpu.memref_slice %arg8[%dma_start3A_673] : memref<6400xf32, #tpu.memory_space<vmem>> -> memref<5000xf32, #tpu.memory_space<vmem>>
        tpu.enqueue_dma source(%dma_start3A_674 : memref<5000xf32, #tpu.memory_space<vmem>>) target(%dma_start3A_672 : memref<5000xf32, #tpu.memory_space<vmem_shared>>) target_semaphore(%run_scoped3A : memref<!tpu.dma_semaphore, #tpu.memory_space<semaphore_mem>>)
        %dma_wait3A_675 = arith.constant 0 : i32
        %dma_wait3A_676 = tpu.memref_slice %arg8[%dma_wait3A_675] : memref<6400xf32, #tpu.memory_space<vmem>> -> memref<5000xf32, #tpu.memory_space<vmem>>
        %dma_wait3A_677 = tpu.memref_slice %arg15[%mul3A_668] : memref<1000000xf32, #tpu.memory_space<vmem_shared>> -> memref<5000xf32, #tpu.memory_space<vmem_shared>>
        %dma_wait3A_678 = tpu.memref_slice %arg15[%mul3A_668] : memref<1000000xf32, #tpu.memory_space<vmem_shared>> -> memref<5000xf32, #tpu.memory_space<vmem_shared>>
        %dma_wait3A_679 = arith.constant 0 : i32
        %dma_wait3A_680 = tpu.memref_slice %arg8[%dma_wait3A_679] : memref<6400xf32, #tpu.memory_space<vmem>> -> memref<5000xf32, #tpu.memory_space<vmem>>
        tpu.wait_dma2 semaphore(%run_scoped3A : memref<!tpu.dma_semaphore, #tpu.memory_space<semaphore_mem>>) src(%dma_wait3A_680 : memref<5000xf32, #tpu.memory_space<vmem>>) dst(%dma_wait3A_678 : memref<5000xf32, #tpu.memory_space<vmem_shared>>)
        tpu.yield
      }) : () -> ()
    } else {
    }
    %add3A_68 = arith.constant 160 : i32
    %add3A_69 = arith.addi %arg1, %add3A_68 : i32
    %lt3A_70 = arith.constant 200 : i32
    %lt3A_71 = arith.cmpi slt, %add3A_69, %lt3A_70 : i32
    %convert_element_type3A_72 = arith.extui %lt3A_71 : i1 to i32
    %cond3A_73 = arith.constant 0 : i32
    %cond3A_74 = arith.cmpi ne, %convert_element_type3A_72, %cond3A_73 : i32
    scf.if %cond3A_74 {
      %mul3A_667 = arith.constant 5000 : i32
      %mul3A_668 = arith.muli %add3A_69, %mul3A_667 : i32
      "tpu.region"() ({
        %run_scoped3A = tpu.sem_alloc : memref<!tpu.dma_semaphore, #tpu.memory_space<semaphore_mem>>
        %dma_start3A_669 = arith.constant 0 : i32
        %dma_start3A_670 = tpu.memref_slice %arg8[%dma_start3A_669] : memref<6400xf32, #tpu.memory_space<vmem>> -> memref<5000xf32, #tpu.memory_space<vmem>>
        %dma_start3A_671 = tpu.memref_slice %arg4[%mul3A_668] : memref<1000000xf32, #tpu.memory_space<hbm>> -> memref<5000xf32, #tpu.memory_space<hbm>>
        %dma_start3A_672 = arith.constant 0 : i32
        %dma_start3A_673 = tpu.memref_slice %arg8[%dma_start3A_672] : memref<6400xf32, #tpu.memory_space<vmem>> -> memref<5000xf32, #tpu.memory_space<vmem>>
        %dma_start3A_674 = tpu.memref_slice %arg4[%mul3A_668] : memref<1000000xf32, #tpu.memory_space<hbm>> -> memref<5000xf32, #tpu.memory_space<hbm>>
        tpu.enqueue_dma source(%dma_start3A_674 : memref<5000xf32, #tpu.memory_space<hbm>>) target(%dma_start3A_673 : memref<5000xf32, #tpu.memory_space<vmem>>) target_semaphore(%run_scoped3A : memref<!tpu.dma_semaphore, #tpu.memory_space<semaphore_mem>>)
        %dma_wait3A_675 = arith.constant 0 : i32
        %dma_wait3A_676 = tpu.memref_slice %arg8[%dma_wait3A_675] : memref<6400xf32, #tpu.memory_space<vmem>> -> memref<5000xf32, #tpu.memory_space<vmem>>
        %dma_wait3A_677 = tpu.memref_slice %arg4[%mul3A_668] : memref<1000000xf32, #tpu.memory_space<hbm>> -> memref<5000xf32, #tpu.memory_space<hbm>>
        %dma_wait3A_678 = arith.constant 0 : i32
        %dma_wait3A_679 = tpu.memref_slice %arg8[%dma_wait3A_678] : memref<6400xf32, #tpu.memory_space<vmem>> -> memref<5000xf32, #tpu.memory_space<vmem>>
        %dma_wait3A_680 = tpu.memref_slice %arg4[%mul3A_668] : memref<1000000xf32, #tpu.memory_space<hbm>> -> memref<5000xf32, #tpu.memory_space<hbm>>
        tpu.wait_dma2 semaphore(%run_scoped3A : memref<!tpu.dma_semaphore, #tpu.memory_space<semaphore_mem>>) src(%dma_wait3A_680 : memref<5000xf32, #tpu.memory_space<hbm>>) dst(%dma_wait3A_679 : memref<5000xf32, #tpu.memory_space<vmem>>)
        tpu.yield
      }) : () -> ()
      "tpu.region"() ({
        %run_scoped3A = tpu.sem_alloc : memref<!tpu.dma_semaphore, #tpu.memory_space<semaphore_mem>>
        %dma_start3A_669 = arith.constant 0 : i32
        %dma_start3A_670 = tpu.memref_slice %arg8[%dma_start3A_669] : memref<6400xf32, #tpu.memory_space<vmem>> -> memref<5000xf32, #tpu.memory_space<vmem>>
        %dma_start3A_671 = tpu.memref_slice %arg15[%mul3A_668] : memref<1000000xf32, #tpu.memory_space<vmem_shared>> -> memref<5000xf32, #tpu.memory_space<vmem_shared>>
        %dma_start3A_672 = tpu.memref_slice %arg15[%mul3A_668] : memref<1000000xf32, #tpu.memory_space<vmem_shared>> -> memref<5000xf32, #tpu.memory_space<vmem_shared>>
        %dma_start3A_673 = arith.constant 0 : i32
        %dma_start3A_674 = tpu.memref_slice %arg8[%dma_start3A_673] : memref<6400xf32, #tpu.memory_space<vmem>> -> memref<5000xf32, #tpu.memory_space<vmem>>
        tpu.enqueue_dma source(%dma_start3A_674 : memref<5000xf32, #tpu.memory_space<vmem>>) target(%dma_start3A_672 : memref<5000xf32, #tpu.memory_space<vmem_shared>>) target_semaphore(%run_scoped3A : memref<!tpu.dma_semaphore, #tpu.memory_space<semaphore_mem>>)
        %dma_wait3A_675 = arith.constant 0 : i32
        %dma_wait3A_676 = tpu.memref_slice %arg8[%dma_wait3A_675] : memref<6400xf32, #tpu.memory_space<vmem>> -> memref<5000xf32, #tpu.memory_space<vmem>>
        %dma_wait3A_677 = tpu.memref_slice %arg15[%mul3A_668] : memref<1000000xf32, #tpu.memory_space<vmem_shared>> -> memref<5000xf32, #tpu.memory_space<vmem_shared>>
        %dma_wait3A_678 = tpu.memref_slice %arg15[%mul3A_668] : memref<1000000xf32, #tpu.memory_space<vmem_shared>> -> memref<5000xf32, #tpu.memory_space<vmem_shared>>
        %dma_wait3A_679 = arith.constant 0 : i32
        %dma_wait3A_680 = tpu.memref_slice %arg8[%dma_wait3A_679] : memref<6400xf32, #tpu.memory_space<vmem>> -> memref<5000xf32, #tpu.memory_space<vmem>>
        tpu.wait_dma2 semaphore(%run_scoped3A : memref<!tpu.dma_semaphore, #tpu.memory_space<semaphore_mem>>) src(%dma_wait3A_680 : memref<5000xf32, #tpu.memory_space<vmem>>) dst(%dma_wait3A_678 : memref<5000xf32, #tpu.memory_space<vmem_shared>>)
        tpu.yield
      }) : () -> ()
    } else {
    }
    %add3A_75 = arith.constant 176 : i32
    %add3A_76 = arith.addi %arg1, %add3A_75 : i32
    %lt3A_77 = arith.constant 200 : i32
    %lt3A_78 = arith.cmpi slt, %add3A_76, %lt3A_77 : i32
    %convert_element_type3A_79 = arith.extui %lt3A_78 : i1 to i32
    %cond3A_80 = arith.constant 0 : i32
    %cond3A_81 = arith.cmpi ne, %convert_element_type3A_79, %cond3A_80 : i32
    scf.if %cond3A_81 {
      %mul3A_667 = arith.constant 5000 : i32
      %mul3A_668 = arith.muli %add3A_76, %mul3A_667 : i32
      "tpu.region"() ({
        %run_scoped3A = tpu.sem_alloc : memref<!tpu.dma_semaphore, #tpu.memory_space<semaphore_mem>>
        %dma_start3A_669 = arith.constant 0 : i32
        %dma_start3A_670 = tpu.memref_slice %arg8[%dma_start3A_669] : memref<6400xf32, #tpu.memory_space<vmem>> -> memref<5000xf32, #tpu.memory_space<vmem>>
        %dma_start3A_671 = tpu.memref_slice %arg4[%mul3A_668] : memref<1000000xf32, #tpu.memory_space<hbm>> -> memref<5000xf32, #tpu.memory_space<hbm>>
        %dma_start3A_672 = arith.constant 0 : i32
        %dma_start3A_673 = tpu.memref_slice %arg8[%dma_start3A_672] : memref<6400xf32, #tpu.memory_space<vmem>> -> memref<5000xf32, #tpu.memory_space<vmem>>
        %dma_start3A_674 = tpu.memref_slice %arg4[%mul3A_668] : memref<1000000xf32, #tpu.memory_space<hbm>> -> memref<5000xf32, #tpu.memory_space<hbm>>
        tpu.enqueue_dma source(%dma_start3A_674 : memref<5000xf32, #tpu.memory_space<hbm>>) target(%dma_start3A_673 : memref<5000xf32, #tpu.memory_space<vmem>>) target_semaphore(%run_scoped3A : memref<!tpu.dma_semaphore, #tpu.memory_space<semaphore_mem>>)
        %dma_wait3A_675 = arith.constant 0 : i32
        %dma_wait3A_676 = tpu.memref_slice %arg8[%dma_wait3A_675] : memref<6400xf32, #tpu.memory_space<vmem>> -> memref<5000xf32, #tpu.memory_space<vmem>>
        %dma_wait3A_677 = tpu.memref_slice %arg4[%mul3A_668] : memref<1000000xf32, #tpu.memory_space<hbm>> -> memref<5000xf32, #tpu.memory_space<hbm>>
        %dma_wait3A_678 = arith.constant 0 : i32
        %dma_wait3A_679 = tpu.memref_slice %arg8[%dma_wait3A_678] : memref<6400xf32, #tpu.memory_space<vmem>> -> memref<5000xf32, #tpu.memory_space<vmem>>
        %dma_wait3A_680 = tpu.memref_slice %arg4[%mul3A_668] : memref<1000000xf32, #tpu.memory_space<hbm>> -> memref<5000xf32, #tpu.memory_space<hbm>>
        tpu.wait_dma2 semaphore(%run_scoped3A : memref<!tpu.dma_semaphore, #tpu.memory_space<semaphore_mem>>) src(%dma_wait3A_680 : memref<5000xf32, #tpu.memory_space<hbm>>) dst(%dma_wait3A_679 : memref<5000xf32, #tpu.memory_space<vmem>>)
        tpu.yield
      }) : () -> ()
      "tpu.region"() ({
        %run_scoped3A = tpu.sem_alloc : memref<!tpu.dma_semaphore, #tpu.memory_space<semaphore_mem>>
        %dma_start3A_669 = arith.constant 0 : i32
        %dma_start3A_670 = tpu.memref_slice %arg8[%dma_start3A_669] : memref<6400xf32, #tpu.memory_space<vmem>> -> memref<5000xf32, #tpu.memory_space<vmem>>
        %dma_start3A_671 = tpu.memref_slice %arg15[%mul3A_668] : memref<1000000xf32, #tpu.memory_space<vmem_shared>> -> memref<5000xf32, #tpu.memory_space<vmem_shared>>
        %dma_start3A_672 = tpu.memref_slice %arg15[%mul3A_668] : memref<1000000xf32, #tpu.memory_space<vmem_shared>> -> memref<5000xf32, #tpu.memory_space<vmem_shared>>
        %dma_start3A_673 = arith.constant 0 : i32
        %dma_start3A_674 = tpu.memref_slice %arg8[%dma_start3A_673] : memref<6400xf32, #tpu.memory_space<vmem>> -> memref<5000xf32, #tpu.memory_space<vmem>>
        tpu.enqueue_dma source(%dma_start3A_674 : memref<5000xf32, #tpu.memory_space<vmem>>) target(%dma_start3A_672 : memref<5000xf32, #tpu.memory_space<vmem_shared>>) target_semaphore(%run_scoped3A : memref<!tpu.dma_semaphore, #tpu.memory_space<semaphore_mem>>)
        %dma_wait3A_675 = arith.constant 0 : i32
        %dma_wait3A_676 = tpu.memref_slice %arg8[%dma_wait3A_675] : memref<6400xf32, #tpu.memory_space<vmem>> -> memref<5000xf32, #tpu.memory_space<vmem>>
        %dma_wait3A_677 = tpu.memref_slice %arg15[%mul3A_668] : memref<1000000xf32, #tpu.memory_space<vmem_shared>> -> memref<5000xf32, #tpu.memory_space<vmem_shared>>
        %dma_wait3A_678 = tpu.memref_slice %arg15[%mul3A_668] : memref<1000000xf32, #tpu.memory_space<vmem_shared>> -> memref<5000xf32, #tpu.memory_space<vmem_shared>>
        %dma_wait3A_679 = arith.constant 0 : i32
        %dma_wait3A_680 = tpu.memref_slice %arg8[%dma_wait3A_679] : memref<6400xf32, #tpu.memory_space<vmem>> -> memref<5000xf32, #tpu.memory_space<vmem>>
        tpu.wait_dma2 semaphore(%run_scoped3A : memref<!tpu.dma_semaphore, #tpu.memory_space<semaphore_mem>>) src(%dma_wait3A_680 : memref<5000xf32, #tpu.memory_space<vmem>>) dst(%dma_wait3A_678 : memref<5000xf32, #tpu.memory_space<vmem_shared>>)
        tpu.yield
      }) : () -> ()
    } else {
    }
    %add3A_82 = arith.constant 192 : i32
    %add3A_83 = arith.addi %arg1, %add3A_82 : i32
    %lt3A_84 = arith.constant 200 : i32
    %lt3A_85 = arith.cmpi slt, %add3A_83, %lt3A_84 : i32
    %convert_element_type3A_86 = arith.extui %lt3A_85 : i1 to i32
    %cond3A_87 = arith.constant 0 : i32
    %cond3A_88 = arith.cmpi ne, %convert_element_type3A_86, %cond3A_87 : i32
    scf.if %cond3A_88 {
      %mul3A_667 = arith.constant 5000 : i32
      %mul3A_668 = arith.muli %add3A_83, %mul3A_667 : i32
      "tpu.region"() ({
        %run_scoped3A = tpu.sem_alloc : memref<!tpu.dma_semaphore, #tpu.memory_space<semaphore_mem>>
        %dma_start3A_669 = arith.constant 0 : i32
        %dma_start3A_670 = tpu.memref_slice %arg8[%dma_start3A_669] : memref<6400xf32, #tpu.memory_space<vmem>> -> memref<5000xf32, #tpu.memory_space<vmem>>
        %dma_start3A_671 = tpu.memref_slice %arg4[%mul3A_668] : memref<1000000xf32, #tpu.memory_space<hbm>> -> memref<5000xf32, #tpu.memory_space<hbm>>
        %dma_start3A_672 = arith.constant 0 : i32
        %dma_start3A_673 = tpu.memref_slice %arg8[%dma_start3A_672] : memref<6400xf32, #tpu.memory_space<vmem>> -> memref<5000xf32, #tpu.memory_space<vmem>>
        %dma_start3A_674 = tpu.memref_slice %arg4[%mul3A_668] : memref<1000000xf32, #tpu.memory_space<hbm>> -> memref<5000xf32, #tpu.memory_space<hbm>>
        tpu.enqueue_dma source(%dma_start3A_674 : memref<5000xf32, #tpu.memory_space<hbm>>) target(%dma_start3A_673 : memref<5000xf32, #tpu.memory_space<vmem>>) target_semaphore(%run_scoped3A : memref<!tpu.dma_semaphore, #tpu.memory_space<semaphore_mem>>)
        %dma_wait3A_675 = arith.constant 0 : i32
        %dma_wait3A_676 = tpu.memref_slice %arg8[%dma_wait3A_675] : memref<6400xf32, #tpu.memory_space<vmem>> -> memref<5000xf32, #tpu.memory_space<vmem>>
        %dma_wait3A_677 = tpu.memref_slice %arg4[%mul3A_668] : memref<1000000xf32, #tpu.memory_space<hbm>> -> memref<5000xf32, #tpu.memory_space<hbm>>
        %dma_wait3A_678 = arith.constant 0 : i32
        %dma_wait3A_679 = tpu.memref_slice %arg8[%dma_wait3A_678] : memref<6400xf32, #tpu.memory_space<vmem>> -> memref<5000xf32, #tpu.memory_space<vmem>>
        %dma_wait3A_680 = tpu.memref_slice %arg4[%mul3A_668] : memref<1000000xf32, #tpu.memory_space<hbm>> -> memref<5000xf32, #tpu.memory_space<hbm>>
        tpu.wait_dma2 semaphore(%run_scoped3A : memref<!tpu.dma_semaphore, #tpu.memory_space<semaphore_mem>>) src(%dma_wait3A_680 : memref<5000xf32, #tpu.memory_space<hbm>>) dst(%dma_wait3A_679 : memref<5000xf32, #tpu.memory_space<vmem>>)
        tpu.yield
      }) : () -> ()
      "tpu.region"() ({
        %run_scoped3A = tpu.sem_alloc : memref<!tpu.dma_semaphore, #tpu.memory_space<semaphore_mem>>
        %dma_start3A_669 = arith.constant 0 : i32
        %dma_start3A_670 = tpu.memref_slice %arg8[%dma_start3A_669] : memref<6400xf32, #tpu.memory_space<vmem>> -> memref<5000xf32, #tpu.memory_space<vmem>>
        %dma_start3A_671 = tpu.memref_slice %arg15[%mul3A_668] : memref<1000000xf32, #tpu.memory_space<vmem_shared>> -> memref<5000xf32, #tpu.memory_space<vmem_shared>>
        %dma_start3A_672 = tpu.memref_slice %arg15[%mul3A_668] : memref<1000000xf32, #tpu.memory_space<vmem_shared>> -> memref<5000xf32, #tpu.memory_space<vmem_shared>>
        %dma_start3A_673 = arith.constant 0 : i32
        %dma_start3A_674 = tpu.memref_slice %arg8[%dma_start3A_673] : memref<6400xf32, #tpu.memory_space<vmem>> -> memref<5000xf32, #tpu.memory_space<vmem>>
        tpu.enqueue_dma source(%dma_start3A_674 : memref<5000xf32, #tpu.memory_space<vmem>>) target(%dma_start3A_672 : memref<5000xf32, #tpu.memory_space<vmem_shared>>) target_semaphore(%run_scoped3A : memref<!tpu.dma_semaphore, #tpu.memory_space<semaphore_mem>>)
        %dma_wait3A_675 = arith.constant 0 : i32
        %dma_wait3A_676 = tpu.memref_slice %arg8[%dma_wait3A_675] : memref<6400xf32, #tpu.memory_space<vmem>> -> memref<5000xf32, #tpu.memory_space<vmem>>
        %dma_wait3A_677 = tpu.memref_slice %arg15[%mul3A_668] : memref<1000000xf32, #tpu.memory_space<vmem_shared>> -> memref<5000xf32, #tpu.memory_space<vmem_shared>>
        %dma_wait3A_678 = tpu.memref_slice %arg15[%mul3A_668] : memref<1000000xf32, #tpu.memory_space<vmem_shared>> -> memref<5000xf32, #tpu.memory_space<vmem_shared>>
        %dma_wait3A_679 = arith.constant 0 : i32
        %dma_wait3A_680 = tpu.memref_slice %arg8[%dma_wait3A_679] : memref<6400xf32, #tpu.memory_space<vmem>> -> memref<5000xf32, #tpu.memory_space<vmem>>
        tpu.wait_dma2 semaphore(%run_scoped3A : memref<!tpu.dma_semaphore, #tpu.memory_space<semaphore_mem>>) src(%dma_wait3A_680 : memref<5000xf32, #tpu.memory_space<vmem>>) dst(%dma_wait3A_678 : memref<5000xf32, #tpu.memory_space<vmem_shared>>)
        tpu.yield
      }) : () -> ()
    } else {
    }
    "tpu.region"() ({
      %run_scoped3A = tpu.sem_alloc : memref<!tpu.dma_semaphore, #tpu.memory_space<semaphore_mem>>
      tpu.enqueue_dma source(%arg5 : memref<16xf32, #tpu.memory_space<hbm>>) target(%arg14 : memref<16xf32, #tpu.memory_space<vmem>>) target_semaphore(%run_scoped3A : memref<!tpu.dma_semaphore, #tpu.memory_space<semaphore_mem>>)
      tpu.wait_dma2 semaphore(%run_scoped3A : memref<!tpu.dma_semaphore, #tpu.memory_space<semaphore_mem>>) src(%arg5 : memref<16xf32, #tpu.memory_space<hbm>>) dst(%arg14 : memref<16xf32, #tpu.memory_space<vmem>>)
      tpu.yield
    }) : () -> ()
    %iota3A = tpu.iota {dimensions = array<i32: 0>} : vector<16xi32>
    %mul3A_89 = arith.constant 100 : i32
    %mul3A_90 = vector.broadcast %mul3A_89 : i32 to vector<16xi32>
    %mul3A_91 = arith.muli %iota3A, %mul3A_90 : vector<16xi32>
    %get3A = arith.constant 0 : index
    %get3A_92 = tpu.vector_load %arg14[%get3A] {strides = array<i32>} : memref<16xf32, #tpu.memory_space<vmem>>, vector<16xf32>,
    %barrier3A = arith.constant 0 : index
    tpu.barrier barrier_id(%barrier3A)
    %mul3A_93 = arith.constant 51200 : i32
    %mul3A_94 = arith.muli %add3A, %mul3A_93 : i32
    %add3A_95 = arith.constant 0 : i32
    %add3A_96 = arith.addi %mul3A_94, %add3A_95 : i32
    %dma_start3A = tpu.memref_slice %arg2[%add3A_96] : memref<1638400xi32, #tpu.memory_space<hbm>> -> memref<6400xi32, #tpu.memory_space<hbm>>
    %dma_start3A_97 = tpu.memref_slice %arg2[%add3A_96] : memref<1638400xi32, #tpu.memory_space<hbm>> -> memref<6400xi32, #tpu.memory_space<hbm>>
    tpu.enqueue_dma source(%dma_start3A_97 : memref<6400xi32, #tpu.memory_space<hbm>>) target(%arg7 : memref<6400xi32, #tpu.memory_space<vmem>>) target_semaphore(%arg16 : memref<!tpu.dma_semaphore, #tpu.memory_space<semaphore_mem>>)
    %dma_wait3A = tpu.memref_slice %arg2[%add3A_96] : memref<1638400xi32, #tpu.memory_space<hbm>> -> memref<6400xi32, #tpu.memory_space<hbm>>
    %dma_wait3A_98 = tpu.memref_slice %arg2[%add3A_96] : memref<1638400xi32, #tpu.memory_space<hbm>> -> memref<6400xi32, #tpu.memory_space<hbm>>
    tpu.wait_dma2 semaphore(%arg16 : memref<!tpu.dma_semaphore, #tpu.memory_space<semaphore_mem>>) src(%dma_wait3A_98 : memref<6400xi32, #tpu.memory_space<hbm>>) dst(%arg7 : memref<6400xi32, #tpu.memory_space<vmem>>)
    %mul3A_99 = arith.constant 51200 : i32
    %mul3A_100 = arith.muli %add3A, %mul3A_99 : i32
    %add3A_101 = arith.constant 0 : i32
    %add3A_102 = arith.addi %mul3A_100, %add3A_101 : i32
    %dma_start3A_103 = arith.constant 0 : i32
    %dma_start3A_104 = tpu.memref_slice %arg9[%dma_start3A_103] : memref<6400xf32, #tpu.memory_space<vmem>> -> memref<3200xf32, #tpu.memory_space<vmem>>
    %dma_start3A_105 = arith.constant 0 : i32
    %dma_start3A_106 = tpu.memref_slice %arg7[%dma_start3A_105] : memref<6400xi32, #tpu.memory_space<vmem>> -> memref<3200xi32, #tpu.memory_space<vmem>>
    %dma_start3A_107 = arith.constant 0 : i32
    %dma_start3A_108 = tpu.memref_slice %arg15[%dma_start3A_107] : memref<1000000xf32, #tpu.memory_space<vmem_shared>> -> memref<1000000xf32, #tpu.memory_space<vmem_shared>>
    tpu.enqueue_indirect_dma source(%dma_start3A_108 : memref<1000000xf32, #tpu.memory_space<vmem_shared>>) target(%dma_start3A_104 : memref<3200xf32, #tpu.memory_space<vmem>>) offsets(%dma_start3A_106 : memref<3200xi32, #tpu.memory_space<vmem>>) semaphore(%arg18 : memref<!tpu.dma_semaphore, #tpu.memory_space<semaphore_mem>>)
    %dma_start3A_109 = arith.constant 3200 : i32
    %dma_start3A_110 = tpu.memref_slice %arg9[%dma_start3A_109] : memref<6400xf32, #tpu.memory_space<vmem>> -> memref<3200xf32, #tpu.memory_space<vmem>>
    %dma_start3A_111 = arith.constant 3200 : i32
    %dma_start3A_112 = tpu.memref_slice %arg7[%dma_start3A_111] : memref<6400xi32, #tpu.memory_space<vmem>> -> memref<3200xi32, #tpu.memory_space<vmem>>
    %dma_start3A_113 = arith.constant 0 : i32
    %dma_start3A_114 = tpu.memref_slice %arg15[%dma_start3A_113] : memref<1000000xf32, #tpu.memory_space<vmem_shared>> -> memref<1000000xf32, #tpu.memory_space<vmem_shared>>
    tpu.enqueue_indirect_dma source(%dma_start3A_114 : memref<1000000xf32, #tpu.memory_space<vmem_shared>>) target(%dma_start3A_110 : memref<3200xf32, #tpu.memory_space<vmem>>) offsets(%dma_start3A_112 : memref<3200xi32, #tpu.memory_space<vmem>>) semaphore(%arg18 : memref<!tpu.dma_semaphore, #tpu.memory_space<semaphore_mem>>)
    %dma_start3A_115 = tpu.memref_slice %arg3[%add3A_102] : memref<1638400xf32, #tpu.memory_space<hbm>> -> memref<6400xf32, #tpu.memory_space<hbm>>
    %dma_start3A_116 = tpu.memref_slice %arg3[%add3A_102] : memref<1638400xf32, #tpu.memory_space<hbm>> -> memref<6400xf32, #tpu.memory_space<hbm>>
    tpu.enqueue_dma source(%dma_start3A_116 : memref<6400xf32, #tpu.memory_space<hbm>>) target(%arg8 : memref<6400xf32, #tpu.memory_space<vmem>>) target_semaphore(%arg17 : memref<!tpu.dma_semaphore, #tpu.memory_space<semaphore_mem>>)
    %mul3A_117 = arith.constant 51200 : i32
    %mul3A_118 = arith.muli %add3A, %mul3A_117 : i32
    %add3A_119 = arith.constant 6400 : i32
    %add3A_120 = arith.addi %mul3A_118, %add3A_119 : i32
    %dma_start3A_121 = tpu.memref_slice %arg2[%add3A_120] : memref<1638400xi32, #tpu.memory_space<hbm>> -> memref<6400xi32, #tpu.memory_space<hbm>>
    %dma_start3A_122 = tpu.memref_slice %arg2[%add3A_120] : memref<1638400xi32, #tpu.memory_space<hbm>> -> memref<6400xi32, #tpu.memory_space<hbm>>
    tpu.enqueue_dma source(%dma_start3A_122 : memref<6400xi32, #tpu.memory_space<hbm>>) target(%arg10 : memref<6400xi32, #tpu.memory_space<vmem>>) target_semaphore(%arg19 : memref<!tpu.dma_semaphore, #tpu.memory_space<semaphore_mem>>)
    %dma_wait3A_123 = tpu.memref_slice %arg2[%add3A_120] : memref<1638400xi32, #tpu.memory_space<hbm>> -> memref<6400xi32, #tpu.memory_space<hbm>>
    %dma_wait3A_124 = tpu.memref_slice %arg2[%add3A_120] : memref<1638400xi32, #tpu.memory_space<hbm>> -> memref<6400xi32, #tpu.memory_space<hbm>>
    tpu.wait_dma2 semaphore(%arg19 : memref<!tpu.dma_semaphore, #tpu.memory_space<semaphore_mem>>) src(%dma_wait3A_124 : memref<6400xi32, #tpu.memory_space<hbm>>) dst(%arg10 : memref<6400xi32, #tpu.memory_space<vmem>>)
    %mul3A_125 = arith.constant 51200 : i32
    %mul3A_126 = arith.muli %add3A, %mul3A_125 : i32
    %add3A_127 = arith.constant 6400 : i32
    %add3A_128 = arith.addi %mul3A_126, %add3A_127 : i32
    %dma_start3A_129 = arith.constant 0 : i32
    %dma_start3A_130 = tpu.memref_slice %arg12[%dma_start3A_129] : memref<6400xf32, #tpu.memory_space<vmem>> -> memref<3200xf32, #tpu.memory_space<vmem>>
    %dma_start3A_131 = arith.constant 0 : i32
    %dma_start3A_132 = tpu.memref_slice %arg10[%dma_start3A_131] : memref<6400xi32, #tpu.memory_space<vmem>> -> memref<3200xi32, #tpu.memory_space<vmem>>
    %dma_start3A_133 = arith.constant 0 : i32
    %dma_start3A_134 = tpu.memref_slice %arg15[%dma_start3A_133] : memref<1000000xf32, #tpu.memory_space<vmem_shared>> -> memref<1000000xf32, #tpu.memory_space<vmem_shared>>
    tpu.enqueue_indirect_dma source(%dma_start3A_134 : memref<1000000xf32, #tpu.memory_space<vmem_shared>>) target(%dma_start3A_130 : memref<3200xf32, #tpu.memory_space<vmem>>) offsets(%dma_start3A_132 : memref<3200xi32, #tpu.memory_space<vmem>>) semaphore(%arg21 : memref<!tpu.dma_semaphore, #tpu.memory_space<semaphore_mem>>)
    %dma_start3A_135 = arith.constant 3200 : i32
    %dma_start3A_136 = tpu.memref_slice %arg12[%dma_start3A_135] : memref<6400xf32, #tpu.memory_space<vmem>> -> memref<3200xf32, #tpu.memory_space<vmem>>
    %dma_start3A_137 = arith.constant 3200 : i32
    %dma_start3A_138 = tpu.memref_slice %arg10[%dma_start3A_137] : memref<6400xi32, #tpu.memory_space<vmem>> -> memref<3200xi32, #tpu.memory_space<vmem>>
    %dma_start3A_139 = arith.constant 0 : i32
    %dma_start3A_140 = tpu.memref_slice %arg15[%dma_start3A_139] : memref<1000000xf32, #tpu.memory_space<vmem_shared>> -> memref<1000000xf32, #tpu.memory_space<vmem_shared>>
    tpu.enqueue_indirect_dma source(%dma_start3A_140 : memref<1000000xf32, #tpu.memory_space<vmem_shared>>) target(%dma_start3A_136 : memref<3200xf32, #tpu.memory_space<vmem>>) offsets(%dma_start3A_138 : memref<3200xi32, #tpu.memory_space<vmem>>) semaphore(%arg21 : memref<!tpu.dma_semaphore, #tpu.memory_space<semaphore_mem>>)
    %dma_start3A_141 = tpu.memref_slice %arg3[%add3A_128] : memref<1638400xf32, #tpu.memory_space<hbm>> -> memref<6400xf32, #tpu.memory_space<hbm>>
    %dma_start3A_142 = tpu.memref_slice %arg3[%add3A_128] : memref<1638400xf32, #tpu.memory_space<hbm>> -> memref<6400xf32, #tpu.memory_space<hbm>>
    tpu.enqueue_dma source(%dma_start3A_142 : memref<6400xf32, #tpu.memory_space<hbm>>) target(%arg11 : memref<6400xf32, #tpu.memory_space<vmem>>) target_semaphore(%arg20 : memref<!tpu.dma_semaphore, #tpu.memory_space<semaphore_mem>>)
    %dma_wait3A_143 = arith.constant 0 : i32
    %dma_wait3A_144 = tpu.memref_slice %arg9[%dma_wait3A_143] : memref<6400xf32, #tpu.memory_space<vmem>> -> memref<3200xf32, #tpu.memory_space<vmem>>
    %dma_wait3A_145 = arith.constant 0 : i32
    %dma_wait3A_146 = tpu.memref_slice %arg7[%dma_wait3A_145] : memref<6400xi32, #tpu.memory_space<vmem>> -> memref<3200xi32, #tpu.memory_space<vmem>>
    %dma_wait3A_147 = arith.constant 0 : i32
    %dma_wait3A_148 = tpu.memref_slice %arg15[%dma_wait3A_147] : memref<1000000xf32, #tpu.memory_space<vmem_shared>> -> memref<1000000xf32, #tpu.memory_space<vmem_shared>>
    tpu.wait_indirect_dma semaphore(%arg18 : memref<!tpu.dma_semaphore, #tpu.memory_space<semaphore_mem>>) src(%dma_wait3A_148 : memref<1000000xf32, #tpu.memory_space<vmem_shared>>) dst(%dma_wait3A_144 : memref<3200xf32, #tpu.memory_space<vmem>>)
    %dma_wait3A_149 = arith.constant 3200 : i32
    %dma_wait3A_150 = tpu.memref_slice %arg9[%dma_wait3A_149] : memref<6400xf32, #tpu.memory_space<vmem>> -> memref<3200xf32, #tpu.memory_space<vmem>>
    %dma_wait3A_151 = arith.constant 3200 : i32
    %dma_wait3A_152 = tpu.memref_slice %arg7[%dma_wait3A_151] : memref<6400xi32, #tpu.memory_space<vmem>> -> memref<3200xi32, #tpu.memory_space<vmem>>
    %dma_wait3A_153 = arith.constant 0 : i32
    %dma_wait3A_154 = tpu.memref_slice %arg15[%dma_wait3A_153] : memref<1000000xf32, #tpu.memory_space<vmem_shared>> -> memref<1000000xf32, #tpu.memory_space<vmem_shared>>
    tpu.wait_indirect_dma semaphore(%arg18 : memref<!tpu.dma_semaphore, #tpu.memory_space<semaphore_mem>>) src(%dma_wait3A_154 : memref<1000000xf32, #tpu.memory_space<vmem_shared>>) dst(%dma_wait3A_150 : memref<3200xf32, #tpu.memory_space<vmem>>)
    %dma_wait3A_155 = tpu.memref_slice %arg3[%add3A_102] : memref<1638400xf32, #tpu.memory_space<hbm>> -> memref<6400xf32, #tpu.memory_space<hbm>>
    %dma_wait3A_156 = tpu.memref_slice %arg3[%add3A_102] : memref<1638400xf32, #tpu.memory_space<hbm>> -> memref<6400xf32, #tpu.memory_space<hbm>>
    tpu.wait_dma2 semaphore(%arg17 : memref<!tpu.dma_semaphore, #tpu.memory_space<semaphore_mem>>) src(%dma_wait3A_156 : memref<6400xf32, #tpu.memory_space<hbm>>) dst(%arg8 : memref<6400xf32, #tpu.memory_space<vmem>>)
    %mul3A_157 = arith.constant 51200 : i32
    %mul3A_158 = arith.muli %add3A, %mul3A_157 : i32
    %add3A_159 = arith.constant 12800 : i32
    %add3A_160 = arith.addi %mul3A_158, %add3A_159 : i32
    %dma_start3A_161 = tpu.memref_slice %arg2[%add3A_160] : memref<1638400xi32, #tpu.memory_space<hbm>> -> memref<6400xi32, #tpu.memory_space<hbm>>
    %dma_start3A_162 = tpu.memref_slice %arg2[%add3A_160] : memref<1638400xi32, #tpu.memory_space<hbm>> -> memref<6400xi32, #tpu.memory_space<hbm>>
    tpu.enqueue_dma source(%dma_start3A_162 : memref<6400xi32, #tpu.memory_space<hbm>>) target(%arg7 : memref<6400xi32, #tpu.memory_space<vmem>>) target_semaphore(%arg16 : memref<!tpu.dma_semaphore, #tpu.memory_space<semaphore_mem>>)
    %scan3A = arith.constant 0 : i32
    %scan3A_163 = arith.constant 25 : i32
    %scan3A_164 = arith.addi %scan3A, %scan3A_163 : i32
    %scan3A_165 = arith.constant 1 : i32
    %scan3A_166 = scf.for %scan3A_667 = %scan3A to %scan3A_164 step %scan3A_165 iter_args(%scan3A_668 = %get3A_92) -> (vector<16xf32>)  : i32 {
      %mul3A_669 = arith.constant 4 : i32
      %mul3A_670 = arith.muli %scan3A_667, %mul3A_669 : i32
      %add3A_671 = arith.constant 0 : i32
      %add3A_672 = arith.addi %add3A_671, %mul3A_670 : i32
      %add3A_673 = arith.constant 0 : i32
      %add3A_674 = arith.addi %add3A_672, %add3A_673 : i32
      %add3A_675 = vector.broadcast %add3A_674 : i32 to vector<16xi32>
      %add3A_676 = arith.addi %mul3A_91, %add3A_675 : vector<16xi32>
      %gather3A = tpu.vector_load_idx %arg9[%add3A_676] : memref<6400xf32, #tpu.memory_space<vmem>>[vector<16xi32>], vector<16xf32>,
      %gather3A_677 = tpu.vector_load_idx %arg8[%add3A_676] : memref<6400xf32, #tpu.memory_space<vmem>>[vector<16xi32>], vector<16xf32>,
      %mul3A_678 = arith.mulf %gather3A, %gather3A_677 : vector<16xf32>
      %add3A_679 = arith.addf %scan3A_668, %mul3A_678 : vector<16xf32>
      %mul3A_680 = arith.constant 4 : i32
      %mul3A_681 = arith.muli %scan3A_667, %mul3A_680 : i32
      %add3A_682 = arith.constant 0 : i32
      %add3A_683 = arith.addi %add3A_682, %mul3A_681 : i32
      %add3A_684 = arith.constant 1 : i32
      %add3A_685 = arith.addi %add3A_683, %add3A_684 : i32
      %add3A_686 = vector.broadcast %add3A_685 : i32 to vector<16xi32>
      %add3A_687 = arith.addi %mul3A_91, %add3A_686 : vector<16xi32>
      %gather3A_688 = tpu.vector_load_idx %arg9[%add3A_687] : memref<6400xf32, #tpu.memory_space<vmem>>[vector<16xi32>], vector<16xf32>,
      %gather3A_689 = tpu.vector_load_idx %arg8[%add3A_687] : memref<6400xf32, #tpu.memory_space<vmem>>[vector<16xi32>], vector<16xf32>,
      %mul3A_690 = arith.mulf %gather3A_688, %gather3A_689 : vector<16xf32>
      %add3A_691 = arith.addf %add3A_679, %mul3A_690 : vector<16xf32>
      %mul3A_692 = arith.constant 4 : i32
      %mul3A_693 = arith.muli %scan3A_667, %mul3A_692 : i32
      %add3A_694 = arith.constant 0 : i32
      %add3A_695 = arith.addi %add3A_694, %mul3A_693 : i32
      %add3A_696 = arith.constant 2 : i32
      %add3A_697 = arith.addi %add3A_695, %add3A_696 : i32
      %add3A_698 = vector.broadcast %add3A_697 : i32 to vector<16xi32>
      %add3A_699 = arith.addi %mul3A_91, %add3A_698 : vector<16xi32>
      %gather3A_700 = tpu.vector_load_idx %arg9[%add3A_699] : memref<6400xf32, #tpu.memory_space<vmem>>[vector<16xi32>], vector<16xf32>,
      %gather3A_701 = tpu.vector_load_idx %arg8[%add3A_699] : memref<6400xf32, #tpu.memory_space<vmem>>[vector<16xi32>], vector<16xf32>,
      %mul3A_702 = arith.mulf %gather3A_700, %gather3A_701 : vector<16xf32>
      %add3A_703 = arith.addf %add3A_691, %mul3A_702 : vector<16xf32>
      %mul3A_704 = arith.constant 4 : i32
      %mul3A_705 = arith.muli %scan3A_667, %mul3A_704 : i32
      %add3A_706 = arith.constant 0 : i32
      %add3A_707 = arith.addi %add3A_706, %mul3A_705 : i32
      %add3A_708 = arith.constant 3 : i32
      %add3A_709 = arith.addi %add3A_707, %add3A_708 : i32
      %add3A_710 = vector.broadcast %add3A_709 : i32 to vector<16xi32>
      %add3A_711 = arith.addi %mul3A_91, %add3A_710 : vector<16xi32>
      %gather3A_712 = tpu.vector_load_idx %arg9[%add3A_711] : memref<6400xf32, #tpu.memory_space<vmem>>[vector<16xi32>], vector<16xf32>,
      %gather3A_713 = tpu.vector_load_idx %arg8[%add3A_711] : memref<6400xf32, #tpu.memory_space<vmem>>[vector<16xi32>], vector<16xf32>,
      %mul3A_714 = arith.mulf %gather3A_712, %gather3A_713 : vector<16xf32>
      %add3A_715 = arith.addf %add3A_703, %mul3A_714 : vector<16xf32>
      scf.yield %add3A_715 : vector<16xf32>
    }
    %scan3A_167 = arith.constant 25 : i32
    %swap3A = arith.constant 0 : index
    %swap3A_168 = tpu.vector_load %arg13[%swap3A] {strides = array<i32>} : memref<512xf32, #tpu.memory_space<vmem>>, vector<16xf32>,
    tpu.vector_store %arg13[%swap3A], %scan3A_166 {strides = array<i32>} : memref<512xf32, #tpu.memory_space<vmem>>, vector<16xf32>,
    %scan3A_169 = arith.constant 0 : i32
    %scan3A_170 = arith.constant 25 : i32
    %scan3A_171 = arith.addi %scan3A_169, %scan3A_170 : i32
    %scan3A_172 = arith.constant 1 : i32
    %scan3A_173 = scf.for %scan3A_667 = %scan3A_169 to %scan3A_171 step %scan3A_172 iter_args(%scan3A_668 = %get3A_92) -> (vector<16xf32>)  : i32 {
      %mul3A_669 = arith.constant 4 : i32
      %mul3A_670 = arith.muli %scan3A_667, %mul3A_669 : i32
      %add3A_671 = arith.constant 1600 : i32
      %add3A_672 = arith.addi %add3A_671, %mul3A_670 : i32
      %add3A_673 = arith.constant 0 : i32
      %add3A_674 = arith.addi %add3A_672, %add3A_673 : i32
      %add3A_675 = vector.broadcast %add3A_674 : i32 to vector<16xi32>
      %add3A_676 = arith.addi %mul3A_91, %add3A_675 : vector<16xi32>
      %gather3A = tpu.vector_load_idx %arg9[%add3A_676] : memref<6400xf32, #tpu.memory_space<vmem>>[vector<16xi32>], vector<16xf32>,
      %gather3A_677 = tpu.vector_load_idx %arg8[%add3A_676] : memref<6400xf32, #tpu.memory_space<vmem>>[vector<16xi32>], vector<16xf32>,
      %mul3A_678 = arith.mulf %gather3A, %gather3A_677 : vector<16xf32>
      %add3A_679 = arith.addf %scan3A_668, %mul3A_678 : vector<16xf32>
      %mul3A_680 = arith.constant 4 : i32
      %mul3A_681 = arith.muli %scan3A_667, %mul3A_680 : i32
      %add3A_682 = arith.constant 1600 : i32
      %add3A_683 = arith.addi %add3A_682, %mul3A_681 : i32
      %add3A_684 = arith.constant 1 : i32
      %add3A_685 = arith.addi %add3A_683, %add3A_684 : i32
      %add3A_686 = vector.broadcast %add3A_685 : i32 to vector<16xi32>
      %add3A_687 = arith.addi %mul3A_91, %add3A_686 : vector<16xi32>
      %gather3A_688 = tpu.vector_load_idx %arg9[%add3A_687] : memref<6400xf32, #tpu.memory_space<vmem>>[vector<16xi32>], vector<16xf32>,
      %gather3A_689 = tpu.vector_load_idx %arg8[%add3A_687] : memref<6400xf32, #tpu.memory_space<vmem>>[vector<16xi32>], vector<16xf32>,
      %mul3A_690 = arith.mulf %gather3A_688, %gather3A_689 : vector<16xf32>
      %add3A_691 = arith.addf %add3A_679, %mul3A_690 : vector<16xf32>
      %mul3A_692 = arith.constant 4 : i32
      %mul3A_693 = arith.muli %scan3A_667, %mul3A_692 : i32
      %add3A_694 = arith.constant 1600 : i32
      %add3A_695 = arith.addi %add3A_694, %mul3A_693 : i32
      %add3A_696 = arith.constant 2 : i32
      %add3A_697 = arith.addi %add3A_695, %add3A_696 : i32
      %add3A_698 = vector.broadcast %add3A_697 : i32 to vector<16xi32>
      %add3A_699 = arith.addi %mul3A_91, %add3A_698 : vector<16xi32>
      %gather3A_700 = tpu.vector_load_idx %arg9[%add3A_699] : memref<6400xf32, #tpu.memory_space<vmem>>[vector<16xi32>], vector<16xf32>,
      %gather3A_701 = tpu.vector_load_idx %arg8[%add3A_699] : memref<6400xf32, #tpu.memory_space<vmem>>[vector<16xi32>], vector<16xf32>,
      %mul3A_702 = arith.mulf %gather3A_700, %gather3A_701 : vector<16xf32>
      %add3A_703 = arith.addf %add3A_691, %mul3A_702 : vector<16xf32>
      %mul3A_704 = arith.constant 4 : i32
      %mul3A_705 = arith.muli %scan3A_667, %mul3A_704 : i32
      %add3A_706 = arith.constant 1600 : i32
      %add3A_707 = arith.addi %add3A_706, %mul3A_705 : i32
      %add3A_708 = arith.constant 3 : i32
      %add3A_709 = arith.addi %add3A_707, %add3A_708 : i32
      %add3A_710 = vector.broadcast %add3A_709 : i32 to vector<16xi32>
      %add3A_711 = arith.addi %mul3A_91, %add3A_710 : vector<16xi32>
      %gather3A_712 = tpu.vector_load_idx %arg9[%add3A_711] : memref<6400xf32, #tpu.memory_space<vmem>>[vector<16xi32>], vector<16xf32>,
      %gather3A_713 = tpu.vector_load_idx %arg8[%add3A_711] : memref<6400xf32, #tpu.memory_space<vmem>>[vector<16xi32>], vector<16xf32>,
      %mul3A_714 = arith.mulf %gather3A_712, %gather3A_713 : vector<16xf32>
      %add3A_715 = arith.addf %add3A_703, %mul3A_714 : vector<16xf32>
      scf.yield %add3A_715 : vector<16xf32>
    }
    %scan3A_174 = arith.constant 25 : i32
    %swap3A_175 = arith.constant 16 : index
    %swap3A_176 = tpu.vector_load %arg13[%swap3A_175] {strides = array<i32>} : memref<512xf32, #tpu.memory_space<vmem>>, vector<16xf32>,
    tpu.vector_store %arg13[%swap3A_175], %scan3A_173 {strides = array<i32>} : memref<512xf32, #tpu.memory_space<vmem>>, vector<16xf32>,
    %scan3A_177 = arith.constant 0 : i32
    %scan3A_178 = arith.constant 25 : i32
    %scan3A_179 = arith.addi %scan3A_177, %scan3A_178 : i32
    %scan3A_180 = arith.constant 1 : i32
    %scan3A_181 = scf.for %scan3A_667 = %scan3A_177 to %scan3A_179 step %scan3A_180 iter_args(%scan3A_668 = %get3A_92) -> (vector<16xf32>)  : i32 {
      %mul3A_669 = arith.constant 4 : i32
      %mul3A_670 = arith.muli %scan3A_667, %mul3A_669 : i32
      %add3A_671 = arith.constant 3200 : i32
      %add3A_672 = arith.addi %add3A_671, %mul3A_670 : i32
      %add3A_673 = arith.constant 0 : i32
      %add3A_674 = arith.addi %add3A_672, %add3A_673 : i32
      %add3A_675 = vector.broadcast %add3A_674 : i32 to vector<16xi32>
      %add3A_676 = arith.addi %mul3A_91, %add3A_675 : vector<16xi32>
      %gather3A = tpu.vector_load_idx %arg9[%add3A_676] : memref<6400xf32, #tpu.memory_space<vmem>>[vector<16xi32>], vector<16xf32>,
      %gather3A_677 = tpu.vector_load_idx %arg8[%add3A_676] : memref<6400xf32, #tpu.memory_space<vmem>>[vector<16xi32>], vector<16xf32>,
      %mul3A_678 = arith.mulf %gather3A, %gather3A_677 : vector<16xf32>
      %add3A_679 = arith.addf %scan3A_668, %mul3A_678 : vector<16xf32>
      %mul3A_680 = arith.constant 4 : i32
      %mul3A_681 = arith.muli %scan3A_667, %mul3A_680 : i32
      %add3A_682 = arith.constant 3200 : i32
      %add3A_683 = arith.addi %add3A_682, %mul3A_681 : i32
      %add3A_684 = arith.constant 1 : i32
      %add3A_685 = arith.addi %add3A_683, %add3A_684 : i32
      %add3A_686 = vector.broadcast %add3A_685 : i32 to vector<16xi32>
      %add3A_687 = arith.addi %mul3A_91, %add3A_686 : vector<16xi32>
      %gather3A_688 = tpu.vector_load_idx %arg9[%add3A_687] : memref<6400xf32, #tpu.memory_space<vmem>>[vector<16xi32>], vector<16xf32>,
      %gather3A_689 = tpu.vector_load_idx %arg8[%add3A_687] : memref<6400xf32, #tpu.memory_space<vmem>>[vector<16xi32>], vector<16xf32>,
      %mul3A_690 = arith.mulf %gather3A_688, %gather3A_689 : vector<16xf32>
      %add3A_691 = arith.addf %add3A_679, %mul3A_690 : vector<16xf32>
      %mul3A_692 = arith.constant 4 : i32
      %mul3A_693 = arith.muli %scan3A_667, %mul3A_692 : i32
      %add3A_694 = arith.constant 3200 : i32
      %add3A_695 = arith.addi %add3A_694, %mul3A_693 : i32
      %add3A_696 = arith.constant 2 : i32
      %add3A_697 = arith.addi %add3A_695, %add3A_696 : i32
      %add3A_698 = vector.broadcast %add3A_697 : i32 to vector<16xi32>
      %add3A_699 = arith.addi %mul3A_91, %add3A_698 : vector<16xi32>
      %gather3A_700 = tpu.vector_load_idx %arg9[%add3A_699] : memref<6400xf32, #tpu.memory_space<vmem>>[vector<16xi32>], vector<16xf32>,
      %gather3A_701 = tpu.vector_load_idx %arg8[%add3A_699] : memref<6400xf32, #tpu.memory_space<vmem>>[vector<16xi32>], vector<16xf32>,
      %mul3A_702 = arith.mulf %gather3A_700, %gather3A_701 : vector<16xf32>
      %add3A_703 = arith.addf %add3A_691, %mul3A_702 : vector<16xf32>
      %mul3A_704 = arith.constant 4 : i32
      %mul3A_705 = arith.muli %scan3A_667, %mul3A_704 : i32
      %add3A_706 = arith.constant 3200 : i32
      %add3A_707 = arith.addi %add3A_706, %mul3A_705 : i32
      %add3A_708 = arith.constant 3 : i32
      %add3A_709 = arith.addi %add3A_707, %add3A_708 : i32
      %add3A_710 = vector.broadcast %add3A_709 : i32 to vector<16xi32>
      %add3A_711 = arith.addi %mul3A_91, %add3A_710 : vector<16xi32>
      %gather3A_712 = tpu.vector_load_idx %arg9[%add3A_711] : memref<6400xf32, #tpu.memory_space<vmem>>[vector<16xi32>], vector<16xf32>,
      %gather3A_713 = tpu.vector_load_idx %arg8[%add3A_711] : memref<6400xf32, #tpu.memory_space<vmem>>[vector<16xi32>], vector<16xf32>,
      %mul3A_714 = arith.mulf %gather3A_712, %gather3A_713 : vector<16xf32>
      %add3A_715 = arith.addf %add3A_703, %mul3A_714 : vector<16xf32>
      scf.yield %add3A_715 : vector<16xf32>
    }
    %scan3A_182 = arith.constant 25 : i32
    %swap3A_183 = arith.constant 32 : index
    %swap3A_184 = tpu.vector_load %arg13[%swap3A_183] {strides = array<i32>} : memref<512xf32, #tpu.memory_space<vmem>>, vector<16xf32>,
    tpu.vector_store %arg13[%swap3A_183], %scan3A_181 {strides = array<i32>} : memref<512xf32, #tpu.memory_space<vmem>>, vector<16xf32>,
    %scan3A_185 = arith.constant 0 : i32
    %scan3A_186 = arith.constant 25 : i32
    %scan3A_187 = arith.addi %scan3A_185, %scan3A_186 : i32
    %scan3A_188 = arith.constant 1 : i32
    %scan3A_189 = scf.for %scan3A_667 = %scan3A_185 to %scan3A_187 step %scan3A_188 iter_args(%scan3A_668 = %get3A_92) -> (vector<16xf32>)  : i32 {
      %mul3A_669 = arith.constant 4 : i32
      %mul3A_670 = arith.muli %scan3A_667, %mul3A_669 : i32
      %add3A_671 = arith.constant 4800 : i32
      %add3A_672 = arith.addi %add3A_671, %mul3A_670 : i32
      %add3A_673 = arith.constant 0 : i32
      %add3A_674 = arith.addi %add3A_672, %add3A_673 : i32
      %add3A_675 = vector.broadcast %add3A_674 : i32 to vector<16xi32>
      %add3A_676 = arith.addi %mul3A_91, %add3A_675 : vector<16xi32>
      %gather3A = tpu.vector_load_idx %arg9[%add3A_676] : memref<6400xf32, #tpu.memory_space<vmem>>[vector<16xi32>], vector<16xf32>,
      %gather3A_677 = tpu.vector_load_idx %arg8[%add3A_676] : memref<6400xf32, #tpu.memory_space<vmem>>[vector<16xi32>], vector<16xf32>,
      %mul3A_678 = arith.mulf %gather3A, %gather3A_677 : vector<16xf32>
      %add3A_679 = arith.addf %scan3A_668, %mul3A_678 : vector<16xf32>
      %mul3A_680 = arith.constant 4 : i32
      %mul3A_681 = arith.muli %scan3A_667, %mul3A_680 : i32
      %add3A_682 = arith.constant 4800 : i32
      %add3A_683 = arith.addi %add3A_682, %mul3A_681 : i32
      %add3A_684 = arith.constant 1 : i32
      %add3A_685 = arith.addi %add3A_683, %add3A_684 : i32
      %add3A_686 = vector.broadcast %add3A_685 : i32 to vector<16xi32>
      %add3A_687 = arith.addi %mul3A_91, %add3A_686 : vector<16xi32>
      %gather3A_688 = tpu.vector_load_idx %arg9[%add3A_687] : memref<6400xf32, #tpu.memory_space<vmem>>[vector<16xi32>], vector<16xf32>,
      %gather3A_689 = tpu.vector_load_idx %arg8[%add3A_687] : memref<6400xf32, #tpu.memory_space<vmem>>[vector<16xi32>], vector<16xf32>,
      %mul3A_690 = arith.mulf %gather3A_688, %gather3A_689 : vector<16xf32>
      %add3A_691 = arith.addf %add3A_679, %mul3A_690 : vector<16xf32>
      %mul3A_692 = arith.constant 4 : i32
      %mul3A_693 = arith.muli %scan3A_667, %mul3A_692 : i32
      %add3A_694 = arith.constant 4800 : i32
      %add3A_695 = arith.addi %add3A_694, %mul3A_693 : i32
      %add3A_696 = arith.constant 2 : i32
      %add3A_697 = arith.addi %add3A_695, %add3A_696 : i32
      %add3A_698 = vector.broadcast %add3A_697 : i32 to vector<16xi32>
      %add3A_699 = arith.addi %mul3A_91, %add3A_698 : vector<16xi32>
      %gather3A_700 = tpu.vector_load_idx %arg9[%add3A_699] : memref<6400xf32, #tpu.memory_space<vmem>>[vector<16xi32>], vector<16xf32>,
      %gather3A_701 = tpu.vector_load_idx %arg8[%add3A_699] : memref<6400xf32, #tpu.memory_space<vmem>>[vector<16xi32>], vector<16xf32>,
      %mul3A_702 = arith.mulf %gather3A_700, %gather3A_701 : vector<16xf32>
      %add3A_703 = arith.addf %add3A_691, %mul3A_702 : vector<16xf32>
      %mul3A_704 = arith.constant 4 : i32
      %mul3A_705 = arith.muli %scan3A_667, %mul3A_704 : i32
      %add3A_706 = arith.constant 4800 : i32
      %add3A_707 = arith.addi %add3A_706, %mul3A_705 : i32
      %add3A_708 = arith.constant 3 : i32
      %add3A_709 = arith.addi %add3A_707, %add3A_708 : i32
      %add3A_710 = vector.broadcast %add3A_709 : i32 to vector<16xi32>
      %add3A_711 = arith.addi %mul3A_91, %add3A_710 : vector<16xi32>
      %gather3A_712 = tpu.vector_load_idx %arg9[%add3A_711] : memref<6400xf32, #tpu.memory_space<vmem>>[vector<16xi32>], vector<16xf32>,
      %gather3A_713 = tpu.vector_load_idx %arg8[%add3A_711] : memref<6400xf32, #tpu.memory_space<vmem>>[vector<16xi32>], vector<16xf32>,
      %mul3A_714 = arith.mulf %gather3A_712, %gather3A_713 : vector<16xf32>
      %add3A_715 = arith.addf %add3A_703, %mul3A_714 : vector<16xf32>
      scf.yield %add3A_715 : vector<16xf32>
    }
    %scan3A_190 = arith.constant 25 : i32
    %swap3A_191 = arith.constant 48 : index
    %swap3A_192 = tpu.vector_load %arg13[%swap3A_191] {strides = array<i32>} : memref<512xf32, #tpu.memory_space<vmem>>, vector<16xf32>,
    tpu.vector_store %arg13[%swap3A_191], %scan3A_189 {strides = array<i32>} : memref<512xf32, #tpu.memory_space<vmem>>, vector<16xf32>,
    %dma_wait3A_193 = tpu.memref_slice %arg2[%add3A_160] : memref<1638400xi32, #tpu.memory_space<hbm>> -> memref<6400xi32, #tpu.memory_space<hbm>>
    %dma_wait3A_194 = tpu.memref_slice %arg2[%add3A_160] : memref<1638400xi32, #tpu.memory_space<hbm>> -> memref<6400xi32, #tpu.memory_space<hbm>>
    tpu.wait_dma2 semaphore(%arg16 : memref<!tpu.dma_semaphore, #tpu.memory_space<semaphore_mem>>) src(%dma_wait3A_194 : memref<6400xi32, #tpu.memory_space<hbm>>) dst(%arg7 : memref<6400xi32, #tpu.memory_space<vmem>>)
    %mul3A_195 = arith.constant 51200 : i32
    %mul3A_196 = arith.muli %add3A, %mul3A_195 : i32
    %add3A_197 = arith.constant 12800 : i32
    %add3A_198 = arith.addi %mul3A_196, %add3A_197 : i32
    %dma_start3A_199 = arith.constant 0 : i32
    %dma_start3A_200 = tpu.memref_slice %arg9[%dma_start3A_199] : memref<6400xf32, #tpu.memory_space<vmem>> -> memref<3200xf32, #tpu.memory_space<vmem>>
    %dma_start3A_201 = arith.constant 0 : i32
    %dma_start3A_202 = tpu.memref_slice %arg7[%dma_start3A_201] : memref<6400xi32, #tpu.memory_space<vmem>> -> memref<3200xi32, #tpu.memory_space<vmem>>
    %dma_start3A_203 = arith.constant 0 : i32
    %dma_start3A_204 = tpu.memref_slice %arg15[%dma_start3A_203] : memref<1000000xf32, #tpu.memory_space<vmem_shared>> -> memref<1000000xf32, #tpu.memory_space<vmem_shared>>
    tpu.enqueue_indirect_dma source(%dma_start3A_204 : memref<1000000xf32, #tpu.memory_space<vmem_shared>>) target(%dma_start3A_200 : memref<3200xf32, #tpu.memory_space<vmem>>) offsets(%dma_start3A_202 : memref<3200xi32, #tpu.memory_space<vmem>>) semaphore(%arg18 : memref<!tpu.dma_semaphore, #tpu.memory_space<semaphore_mem>>)
    %dma_start3A_205 = arith.constant 3200 : i32
    %dma_start3A_206 = tpu.memref_slice %arg9[%dma_start3A_205] : memref<6400xf32, #tpu.memory_space<vmem>> -> memref<3200xf32, #tpu.memory_space<vmem>>
    %dma_start3A_207 = arith.constant 3200 : i32
    %dma_start3A_208 = tpu.memref_slice %arg7[%dma_start3A_207] : memref<6400xi32, #tpu.memory_space<vmem>> -> memref<3200xi32, #tpu.memory_space<vmem>>
    %dma_start3A_209 = arith.constant 0 : i32
    %dma_start3A_210 = tpu.memref_slice %arg15[%dma_start3A_209] : memref<1000000xf32, #tpu.memory_space<vmem_shared>> -> memref<1000000xf32, #tpu.memory_space<vmem_shared>>
    tpu.enqueue_indirect_dma source(%dma_start3A_210 : memref<1000000xf32, #tpu.memory_space<vmem_shared>>) target(%dma_start3A_206 : memref<3200xf32, #tpu.memory_space<vmem>>) offsets(%dma_start3A_208 : memref<3200xi32, #tpu.memory_space<vmem>>) semaphore(%arg18 : memref<!tpu.dma_semaphore, #tpu.memory_space<semaphore_mem>>)
    %dma_start3A_211 = tpu.memref_slice %arg3[%add3A_198] : memref<1638400xf32, #tpu.memory_space<hbm>> -> memref<6400xf32, #tpu.memory_space<hbm>>
    %dma_start3A_212 = tpu.memref_slice %arg3[%add3A_198] : memref<1638400xf32, #tpu.memory_space<hbm>> -> memref<6400xf32, #tpu.memory_space<hbm>>
    tpu.enqueue_dma source(%dma_start3A_212 : memref<6400xf32, #tpu.memory_space<hbm>>) target(%arg8 : memref<6400xf32, #tpu.memory_space<vmem>>) target_semaphore(%arg17 : memref<!tpu.dma_semaphore, #tpu.memory_space<semaphore_mem>>)
    %dma_wait3A_213 = arith.constant 0 : i32
    %dma_wait3A_214 = tpu.memref_slice %arg12[%dma_wait3A_213] : memref<6400xf32, #tpu.memory_space<vmem>> -> memref<3200xf32, #tpu.memory_space<vmem>>
    %dma_wait3A_215 = arith.constant 0 : i32
    %dma_wait3A_216 = tpu.memref_slice %arg10[%dma_wait3A_215] : memref<6400xi32, #tpu.memory_space<vmem>> -> memref<3200xi32, #tpu.memory_space<vmem>>
    %dma_wait3A_217 = arith.constant 0 : i32
    %dma_wait3A_218 = tpu.memref_slice %arg15[%dma_wait3A_217] : memref<1000000xf32, #tpu.memory_space<vmem_shared>> -> memref<1000000xf32, #tpu.memory_space<vmem_shared>>
    tpu.wait_indirect_dma semaphore(%arg21 : memref<!tpu.dma_semaphore, #tpu.memory_space<semaphore_mem>>) src(%dma_wait3A_218 : memref<1000000xf32, #tpu.memory_space<vmem_shared>>) dst(%dma_wait3A_214 : memref<3200xf32, #tpu.memory_space<vmem>>)
    %dma_wait3A_219 = arith.constant 3200 : i32
    %dma_wait3A_220 = tpu.memref_slice %arg12[%dma_wait3A_219] : memref<6400xf32, #tpu.memory_space<vmem>> -> memref<3200xf32, #tpu.memory_space<vmem>>
    %dma_wait3A_221 = arith.constant 3200 : i32
    %dma_wait3A_222 = tpu.memref_slice %arg10[%dma_wait3A_221] : memref<6400xi32, #tpu.memory_space<vmem>> -> memref<3200xi32, #tpu.memory_space<vmem>>
    %dma_wait3A_223 = arith.constant 0 : i32
    %dma_wait3A_224 = tpu.memref_slice %arg15[%dma_wait3A_223] : memref<1000000xf32, #tpu.memory_space<vmem_shared>> -> memref<1000000xf32, #tpu.memory_space<vmem_shared>>
    tpu.wait_indirect_dma semaphore(%arg21 : memref<!tpu.dma_semaphore, #tpu.memory_space<semaphore_mem>>) src(%dma_wait3A_224 : memref<1000000xf32, #tpu.memory_space<vmem_shared>>) dst(%dma_wait3A_220 : memref<3200xf32, #tpu.memory_space<vmem>>)
    %dma_wait3A_225 = tpu.memref_slice %arg3[%add3A_128] : memref<1638400xf32, #tpu.memory_space<hbm>> -> memref<6400xf32, #tpu.memory_space<hbm>>
    %dma_wait3A_226 = tpu.memref_slice %arg3[%add3A_128] : memref<1638400xf32, #tpu.memory_space<hbm>> -> memref<6400xf32, #tpu.memory_space<hbm>>
    tpu.wait_dma2 semaphore(%arg20 : memref<!tpu.dma_semaphore, #tpu.memory_space<semaphore_mem>>) src(%dma_wait3A_226 : memref<6400xf32, #tpu.memory_space<hbm>>) dst(%arg11 : memref<6400xf32, #tpu.memory_space<vmem>>)
    %mul3A_227 = arith.constant 51200 : i32
    %mul3A_228 = arith.muli %add3A, %mul3A_227 : i32
    %add3A_229 = arith.constant 19200 : i32
    %add3A_230 = arith.addi %mul3A_228, %add3A_229 : i32
    %dma_start3A_231 = tpu.memref_slice %arg2[%add3A_230] : memref<1638400xi32, #tpu.memory_space<hbm>> -> memref<6400xi32, #tpu.memory_space<hbm>>
    %dma_start3A_232 = tpu.memref_slice %arg2[%add3A_230] : memref<1638400xi32, #tpu.memory_space<hbm>> -> memref<6400xi32, #tpu.memory_space<hbm>>
    tpu.enqueue_dma source(%dma_start3A_232 : memref<6400xi32, #tpu.memory_space<hbm>>) target(%arg10 : memref<6400xi32, #tpu.memory_space<vmem>>) target_semaphore(%arg19 : memref<!tpu.dma_semaphore, #tpu.memory_space<semaphore_mem>>)
    %scan3A_233 = arith.constant 0 : i32
    %scan3A_234 = arith.constant 25 : i32
    %scan3A_235 = arith.addi %scan3A_233, %scan3A_234 : i32
    %scan3A_236 = arith.constant 1 : i32
    %scan3A_237 = scf.for %scan3A_667 = %scan3A_233 to %scan3A_235 step %scan3A_236 iter_args(%scan3A_668 = %get3A_92) -> (vector<16xf32>)  : i32 {
      %mul3A_669 = arith.constant 4 : i32
      %mul3A_670 = arith.muli %scan3A_667, %mul3A_669 : i32
      %add3A_671 = arith.constant 0 : i32
      %add3A_672 = arith.addi %add3A_671, %mul3A_670 : i32
      %add3A_673 = arith.constant 0 : i32
      %add3A_674 = arith.addi %add3A_672, %add3A_673 : i32
      %add3A_675 = vector.broadcast %add3A_674 : i32 to vector<16xi32>
      %add3A_676 = arith.addi %mul3A_91, %add3A_675 : vector<16xi32>
      %gather3A = tpu.vector_load_idx %arg12[%add3A_676] : memref<6400xf32, #tpu.memory_space<vmem>>[vector<16xi32>], vector<16xf32>,
      %gather3A_677 = tpu.vector_load_idx %arg11[%add3A_676] : memref<6400xf32, #tpu.memory_space<vmem>>[vector<16xi32>], vector<16xf32>,
      %mul3A_678 = arith.mulf %gather3A, %gather3A_677 : vector<16xf32>
      %add3A_679 = arith.addf %scan3A_668, %mul3A_678 : vector<16xf32>
      %mul3A_680 = arith.constant 4 : i32
      %mul3A_681 = arith.muli %scan3A_667, %mul3A_680 : i32
      %add3A_682 = arith.constant 0 : i32
      %add3A_683 = arith.addi %add3A_682, %mul3A_681 : i32
      %add3A_684 = arith.constant 1 : i32
      %add3A_685 = arith.addi %add3A_683, %add3A_684 : i32
      %add3A_686 = vector.broadcast %add3A_685 : i32 to vector<16xi32>
      %add3A_687 = arith.addi %mul3A_91, %add3A_686 : vector<16xi32>
      %gather3A_688 = tpu.vector_load_idx %arg12[%add3A_687] : memref<6400xf32, #tpu.memory_space<vmem>>[vector<16xi32>], vector<16xf32>,
      %gather3A_689 = tpu.vector_load_idx %arg11[%add3A_687] : memref<6400xf32, #tpu.memory_space<vmem>>[vector<16xi32>], vector<16xf32>,
      %mul3A_690 = arith.mulf %gather3A_688, %gather3A_689 : vector<16xf32>
      %add3A_691 = arith.addf %add3A_679, %mul3A_690 : vector<16xf32>
      %mul3A_692 = arith.constant 4 : i32
      %mul3A_693 = arith.muli %scan3A_667, %mul3A_692 : i32
      %add3A_694 = arith.constant 0 : i32
      %add3A_695 = arith.addi %add3A_694, %mul3A_693 : i32
      %add3A_696 = arith.constant 2 : i32
      %add3A_697 = arith.addi %add3A_695, %add3A_696 : i32
      %add3A_698 = vector.broadcast %add3A_697 : i32 to vector<16xi32>
      %add3A_699 = arith.addi %mul3A_91, %add3A_698 : vector<16xi32>
      %gather3A_700 = tpu.vector_load_idx %arg12[%add3A_699] : memref<6400xf32, #tpu.memory_space<vmem>>[vector<16xi32>], vector<16xf32>,
      %gather3A_701 = tpu.vector_load_idx %arg11[%add3A_699] : memref<6400xf32, #tpu.memory_space<vmem>>[vector<16xi32>], vector<16xf32>,
      %mul3A_702 = arith.mulf %gather3A_700, %gather3A_701 : vector<16xf32>
      %add3A_703 = arith.addf %add3A_691, %mul3A_702 : vector<16xf32>
      %mul3A_704 = arith.constant 4 : i32
      %mul3A_705 = arith.muli %scan3A_667, %mul3A_704 : i32
      %add3A_706 = arith.constant 0 : i32
      %add3A_707 = arith.addi %add3A_706, %mul3A_705 : i32
      %add3A_708 = arith.constant 3 : i32
      %add3A_709 = arith.addi %add3A_707, %add3A_708 : i32
      %add3A_710 = vector.broadcast %add3A_709 : i32 to vector<16xi32>
      %add3A_711 = arith.addi %mul3A_91, %add3A_710 : vector<16xi32>
      %gather3A_712 = tpu.vector_load_idx %arg12[%add3A_711] : memref<6400xf32, #tpu.memory_space<vmem>>[vector<16xi32>], vector<16xf32>,
      %gather3A_713 = tpu.vector_load_idx %arg11[%add3A_711] : memref<6400xf32, #tpu.memory_space<vmem>>[vector<16xi32>], vector<16xf32>,
      %mul3A_714 = arith.mulf %gather3A_712, %gather3A_713 : vector<16xf32>
      %add3A_715 = arith.addf %add3A_703, %mul3A_714 : vector<16xf32>
      scf.yield %add3A_715 : vector<16xf32>
    }
    %scan3A_238 = arith.constant 25 : i32
    %swap3A_239 = arith.constant 64 : index
    %swap3A_240 = tpu.vector_load %arg13[%swap3A_239] {strides = array<i32>} : memref<512xf32, #tpu.memory_space<vmem>>, vector<16xf32>,
    tpu.vector_store %arg13[%swap3A_239], %scan3A_237 {strides = array<i32>} : memref<512xf32, #tpu.memory_space<vmem>>, vector<16xf32>,
    %scan3A_241 = arith.constant 0 : i32
    %scan3A_242 = arith.constant 25 : i32
    %scan3A_243 = arith.addi %scan3A_241, %scan3A_242 : i32
    %scan3A_244 = arith.constant 1 : i32
    %scan3A_245 = scf.for %scan3A_667 = %scan3A_241 to %scan3A_243 step %scan3A_244 iter_args(%scan3A_668 = %get3A_92) -> (vector<16xf32>)  : i32 {
      %mul3A_669 = arith.constant 4 : i32
      %mul3A_670 = arith.muli %scan3A_667, %mul3A_669 : i32
      %add3A_671 = arith.constant 1600 : i32
      %add3A_672 = arith.addi %add3A_671, %mul3A_670 : i32
      %add3A_673 = arith.constant 0 : i32
      %add3A_674 = arith.addi %add3A_672, %add3A_673 : i32
      %add3A_675 = vector.broadcast %add3A_674 : i32 to vector<16xi32>
      %add3A_676 = arith.addi %mul3A_91, %add3A_675 : vector<16xi32>
      %gather3A = tpu.vector_load_idx %arg12[%add3A_676] : memref<6400xf32, #tpu.memory_space<vmem>>[vector<16xi32>], vector<16xf32>,
      %gather3A_677 = tpu.vector_load_idx %arg11[%add3A_676] : memref<6400xf32, #tpu.memory_space<vmem>>[vector<16xi32>], vector<16xf32>,
      %mul3A_678 = arith.mulf %gather3A, %gather3A_677 : vector<16xf32>
      %add3A_679 = arith.addf %scan3A_668, %mul3A_678 : vector<16xf32>
      %mul3A_680 = arith.constant 4 : i32
      %mul3A_681 = arith.muli %scan3A_667, %mul3A_680 : i32
      %add3A_682 = arith.constant 1600 : i32
      %add3A_683 = arith.addi %add3A_682, %mul3A_681 : i32
      %add3A_684 = arith.constant 1 : i32
      %add3A_685 = arith.addi %add3A_683, %add3A_684 : i32
      %add3A_686 = vector.broadcast %add3A_685 : i32 to vector<16xi32>
      %add3A_687 = arith.addi %mul3A_91, %add3A_686 : vector<16xi32>
      %gather3A_688 = tpu.vector_load_idx %arg12[%add3A_687] : memref<6400xf32, #tpu.memory_space<vmem>>[vector<16xi32>], vector<16xf32>,
      %gather3A_689 = tpu.vector_load_idx %arg11[%add3A_687] : memref<6400xf32, #tpu.memory_space<vmem>>[vector<16xi32>], vector<16xf32>,
      %mul3A_690 = arith.mulf %gather3A_688, %gather3A_689 : vector<16xf32>
      %add3A_691 = arith.addf %add3A_679, %mul3A_690 : vector<16xf32>
      %mul3A_692 = arith.constant 4 : i32
      %mul3A_693 = arith.muli %scan3A_667, %mul3A_692 : i32
      %add3A_694 = arith.constant 1600 : i32
      %add3A_695 = arith.addi %add3A_694, %mul3A_693 : i32
      %add3A_696 = arith.constant 2 : i32
      %add3A_697 = arith.addi %add3A_695, %add3A_696 : i32
      %add3A_698 = vector.broadcast %add3A_697 : i32 to vector<16xi32>
      %add3A_699 = arith.addi %mul3A_91, %add3A_698 : vector<16xi32>
      %gather3A_700 = tpu.vector_load_idx %arg12[%add3A_699] : memref<6400xf32, #tpu.memory_space<vmem>>[vector<16xi32>], vector<16xf32>,
      %gather3A_701 = tpu.vector_load_idx %arg11[%add3A_699] : memref<6400xf32, #tpu.memory_space<vmem>>[vector<16xi32>], vector<16xf32>,
      %mul3A_702 = arith.mulf %gather3A_700, %gather3A_701 : vector<16xf32>
      %add3A_703 = arith.addf %add3A_691, %mul3A_702 : vector<16xf32>
      %mul3A_704 = arith.constant 4 : i32
      %mul3A_705 = arith.muli %scan3A_667, %mul3A_704 : i32
      %add3A_706 = arith.constant 1600 : i32
      %add3A_707 = arith.addi %add3A_706, %mul3A_705 : i32
      %add3A_708 = arith.constant 3 : i32
      %add3A_709 = arith.addi %add3A_707, %add3A_708 : i32
      %add3A_710 = vector.broadcast %add3A_709 : i32 to vector<16xi32>
      %add3A_711 = arith.addi %mul3A_91, %add3A_710 : vector<16xi32>
      %gather3A_712 = tpu.vector_load_idx %arg12[%add3A_711] : memref<6400xf32, #tpu.memory_space<vmem>>[vector<16xi32>], vector<16xf32>,
      %gather3A_713 = tpu.vector_load_idx %arg11[%add3A_711] : memref<6400xf32, #tpu.memory_space<vmem>>[vector<16xi32>], vector<16xf32>,
      %mul3A_714 = arith.mulf %gather3A_712, %gather3A_713 : vector<16xf32>
      %add3A_715 = arith.addf %add3A_703, %mul3A_714 : vector<16xf32>
      scf.yield %add3A_715 : vector<16xf32>
    }
    %scan3A_246 = arith.constant 25 : i32
    %swap3A_247 = arith.constant 80 : index
    %swap3A_248 = tpu.vector_load %arg13[%swap3A_247] {strides = array<i32>} : memref<512xf32, #tpu.memory_space<vmem>>, vector<16xf32>,
    tpu.vector_store %arg13[%swap3A_247], %scan3A_245 {strides = array<i32>} : memref<512xf32, #tpu.memory_space<vmem>>, vector<16xf32>,
    %scan3A_249 = arith.constant 0 : i32
    %scan3A_250 = arith.constant 25 : i32
    %scan3A_251 = arith.addi %scan3A_249, %scan3A_250 : i32
    %scan3A_252 = arith.constant 1 : i32
    %scan3A_253 = scf.for %scan3A_667 = %scan3A_249 to %scan3A_251 step %scan3A_252 iter_args(%scan3A_668 = %get3A_92) -> (vector<16xf32>)  : i32 {
      %mul3A_669 = arith.constant 4 : i32
      %mul3A_670 = arith.muli %scan3A_667, %mul3A_669 : i32
      %add3A_671 = arith.constant 3200 : i32
      %add3A_672 = arith.addi %add3A_671, %mul3A_670 : i32
      %add3A_673 = arith.constant 0 : i32
      %add3A_674 = arith.addi %add3A_672, %add3A_673 : i32
      %add3A_675 = vector.broadcast %add3A_674 : i32 to vector<16xi32>
      %add3A_676 = arith.addi %mul3A_91, %add3A_675 : vector<16xi32>
      %gather3A = tpu.vector_load_idx %arg12[%add3A_676] : memref<6400xf32, #tpu.memory_space<vmem>>[vector<16xi32>], vector<16xf32>,
      %gather3A_677 = tpu.vector_load_idx %arg11[%add3A_676] : memref<6400xf32, #tpu.memory_space<vmem>>[vector<16xi32>], vector<16xf32>,
      %mul3A_678 = arith.mulf %gather3A, %gather3A_677 : vector<16xf32>
      %add3A_679 = arith.addf %scan3A_668, %mul3A_678 : vector<16xf32>
      %mul3A_680 = arith.constant 4 : i32
      %mul3A_681 = arith.muli %scan3A_667, %mul3A_680 : i32
      %add3A_682 = arith.constant 3200 : i32
      %add3A_683 = arith.addi %add3A_682, %mul3A_681 : i32
      %add3A_684 = arith.constant 1 : i32
      %add3A_685 = arith.addi %add3A_683, %add3A_684 : i32
      %add3A_686 = vector.broadcast %add3A_685 : i32 to vector<16xi32>
      %add3A_687 = arith.addi %mul3A_91, %add3A_686 : vector<16xi32>
      %gather3A_688 = tpu.vector_load_idx %arg12[%add3A_687] : memref<6400xf32, #tpu.memory_space<vmem>>[vector<16xi32>], vector<16xf32>,
      %gather3A_689 = tpu.vector_load_idx %arg11[%add3A_687] : memref<6400xf32, #tpu.memory_space<vmem>>[vector<16xi32>], vector<16xf32>,
      %mul3A_690 = arith.mulf %gather3A_688, %gather3A_689 : vector<16xf32>
      %add3A_691 = arith.addf %add3A_679, %mul3A_690 : vector<16xf32>
      %mul3A_692 = arith.constant 4 : i32
      %mul3A_693 = arith.muli %scan3A_667, %mul3A_692 : i32
      %add3A_694 = arith.constant 3200 : i32
      %add3A_695 = arith.addi %add3A_694, %mul3A_693 : i32
      %add3A_696 = arith.constant 2 : i32
      %add3A_697 = arith.addi %add3A_695, %add3A_696 : i32
      %add3A_698 = vector.broadcast %add3A_697 : i32 to vector<16xi32>
      %add3A_699 = arith.addi %mul3A_91, %add3A_698 : vector<16xi32>
      %gather3A_700 = tpu.vector_load_idx %arg12[%add3A_699] : memref<6400xf32, #tpu.memory_space<vmem>>[vector<16xi32>], vector<16xf32>,
      %gather3A_701 = tpu.vector_load_idx %arg11[%add3A_699] : memref<6400xf32, #tpu.memory_space<vmem>>[vector<16xi32>], vector<16xf32>,
      %mul3A_702 = arith.mulf %gather3A_700, %gather3A_701 : vector<16xf32>
      %add3A_703 = arith.addf %add3A_691, %mul3A_702 : vector<16xf32>
      %mul3A_704 = arith.constant 4 : i32
      %mul3A_705 = arith.muli %scan3A_667, %mul3A_704 : i32
      %add3A_706 = arith.constant 3200 : i32
      %add3A_707 = arith.addi %add3A_706, %mul3A_705 : i32
      %add3A_708 = arith.constant 3 : i32
      %add3A_709 = arith.addi %add3A_707, %add3A_708 : i32
      %add3A_710 = vector.broadcast %add3A_709 : i32 to vector<16xi32>
      %add3A_711 = arith.addi %mul3A_91, %add3A_710 : vector<16xi32>
      %gather3A_712 = tpu.vector_load_idx %arg12[%add3A_711] : memref<6400xf32, #tpu.memory_space<vmem>>[vector<16xi32>], vector<16xf32>,
      %gather3A_713 = tpu.vector_load_idx %arg11[%add3A_711] : memref<6400xf32, #tpu.memory_space<vmem>>[vector<16xi32>], vector<16xf32>,
      %mul3A_714 = arith.mulf %gather3A_712, %gather3A_713 : vector<16xf32>
      %add3A_715 = arith.addf %add3A_703, %mul3A_714 : vector<16xf32>
      scf.yield %add3A_715 : vector<16xf32>
    }
    %scan3A_254 = arith.constant 25 : i32
    %swap3A_255 = arith.constant 96 : index
    %swap3A_256 = tpu.vector_load %arg13[%swap3A_255] {strides = array<i32>} : memref<512xf32, #tpu.memory_space<vmem>>, vector<16xf32>,
    tpu.vector_store %arg13[%swap3A_255], %scan3A_253 {strides = array<i32>} : memref<512xf32, #tpu.memory_space<vmem>>, vector<16xf32>,
    %scan3A_257 = arith.constant 0 : i32
    %scan3A_258 = arith.constant 25 : i32
    %scan3A_259 = arith.addi %scan3A_257, %scan3A_258 : i32
    %scan3A_260 = arith.constant 1 : i32
    %scan3A_261 = scf.for %scan3A_667 = %scan3A_257 to %scan3A_259 step %scan3A_260 iter_args(%scan3A_668 = %get3A_92) -> (vector<16xf32>)  : i32 {
      %mul3A_669 = arith.constant 4 : i32
      %mul3A_670 = arith.muli %scan3A_667, %mul3A_669 : i32
      %add3A_671 = arith.constant 4800 : i32
      %add3A_672 = arith.addi %add3A_671, %mul3A_670 : i32
      %add3A_673 = arith.constant 0 : i32
      %add3A_674 = arith.addi %add3A_672, %add3A_673 : i32
      %add3A_675 = vector.broadcast %add3A_674 : i32 to vector<16xi32>
      %add3A_676 = arith.addi %mul3A_91, %add3A_675 : vector<16xi32>
      %gather3A = tpu.vector_load_idx %arg12[%add3A_676] : memref<6400xf32, #tpu.memory_space<vmem>>[vector<16xi32>], vector<16xf32>,
      %gather3A_677 = tpu.vector_load_idx %arg11[%add3A_676] : memref<6400xf32, #tpu.memory_space<vmem>>[vector<16xi32>], vector<16xf32>,
      %mul3A_678 = arith.mulf %gather3A, %gather3A_677 : vector<16xf32>
      %add3A_679 = arith.addf %scan3A_668, %mul3A_678 : vector<16xf32>
      %mul3A_680 = arith.constant 4 : i32
      %mul3A_681 = arith.muli %scan3A_667, %mul3A_680 : i32
      %add3A_682 = arith.constant 4800 : i32
      %add3A_683 = arith.addi %add3A_682, %mul3A_681 : i32
      %add3A_684 = arith.constant 1 : i32
      %add3A_685 = arith.addi %add3A_683, %add3A_684 : i32
      %add3A_686 = vector.broadcast %add3A_685 : i32 to vector<16xi32>
      %add3A_687 = arith.addi %mul3A_91, %add3A_686 : vector<16xi32>
      %gather3A_688 = tpu.vector_load_idx %arg12[%add3A_687] : memref<6400xf32, #tpu.memory_space<vmem>>[vector<16xi32>], vector<16xf32>,
      %gather3A_689 = tpu.vector_load_idx %arg11[%add3A_687] : memref<6400xf32, #tpu.memory_space<vmem>>[vector<16xi32>], vector<16xf32>,
      %mul3A_690 = arith.mulf %gather3A_688, %gather3A_689 : vector<16xf32>
      %add3A_691 = arith.addf %add3A_679, %mul3A_690 : vector<16xf32>
      %mul3A_692 = arith.constant 4 : i32
      %mul3A_693 = arith.muli %scan3A_667, %mul3A_692 : i32
      %add3A_694 = arith.constant 4800 : i32
      %add3A_695 = arith.addi %add3A_694, %mul3A_693 : i32
      %add3A_696 = arith.constant 2 : i32
      %add3A_697 = arith.addi %add3A_695, %add3A_696 : i32
      %add3A_698 = vector.broadcast %add3A_697 : i32 to vector<16xi32>
      %add3A_699 = arith.addi %mul3A_91, %add3A_698 : vector<16xi32>
      %gather3A_700 = tpu.vector_load_idx %arg12[%add3A_699] : memref<6400xf32, #tpu.memory_space<vmem>>[vector<16xi32>], vector<16xf32>,
      %gather3A_701 = tpu.vector_load_idx %arg11[%add3A_699] : memref<6400xf32, #tpu.memory_space<vmem>>[vector<16xi32>], vector<16xf32>,
      %mul3A_702 = arith.mulf %gather3A_700, %gather3A_701 : vector<16xf32>
      %add3A_703 = arith.addf %add3A_691, %mul3A_702 : vector<16xf32>
      %mul3A_704 = arith.constant 4 : i32
      %mul3A_705 = arith.muli %scan3A_667, %mul3A_704 : i32
      %add3A_706 = arith.constant 4800 : i32
      %add3A_707 = arith.addi %add3A_706, %mul3A_705 : i32
      %add3A_708 = arith.constant 3 : i32
      %add3A_709 = arith.addi %add3A_707, %add3A_708 : i32
      %add3A_710 = vector.broadcast %add3A_709 : i32 to vector<16xi32>
      %add3A_711 = arith.addi %mul3A_91, %add3A_710 : vector<16xi32>
      %gather3A_712 = tpu.vector_load_idx %arg12[%add3A_711] : memref<6400xf32, #tpu.memory_space<vmem>>[vector<16xi32>], vector<16xf32>,
      %gather3A_713 = tpu.vector_load_idx %arg11[%add3A_711] : memref<6400xf32, #tpu.memory_space<vmem>>[vector<16xi32>], vector<16xf32>,
      %mul3A_714 = arith.mulf %gather3A_712, %gather3A_713 : vector<16xf32>
      %add3A_715 = arith.addf %add3A_703, %mul3A_714 : vector<16xf32>
      scf.yield %add3A_715 : vector<16xf32>
    }
    %scan3A_262 = arith.constant 25 : i32
    %swap3A_263 = arith.constant 112 : index
    %swap3A_264 = tpu.vector_load %arg13[%swap3A_263] {strides = array<i32>} : memref<512xf32, #tpu.memory_space<vmem>>, vector<16xf32>,
    tpu.vector_store %arg13[%swap3A_263], %scan3A_261 {strides = array<i32>} : memref<512xf32, #tpu.memory_space<vmem>>, vector<16xf32>,
    %dma_wait3A_265 = tpu.memref_slice %arg2[%add3A_230] : memref<1638400xi32, #tpu.memory_space<hbm>> -> memref<6400xi32, #tpu.memory_space<hbm>>
    %dma_wait3A_266 = tpu.memref_slice %arg2[%add3A_230] : memref<1638400xi32, #tpu.memory_space<hbm>> -> memref<6400xi32, #tpu.memory_space<hbm>>
    tpu.wait_dma2 semaphore(%arg19 : memref<!tpu.dma_semaphore, #tpu.memory_space<semaphore_mem>>) src(%dma_wait3A_266 : memref<6400xi32, #tpu.memory_space<hbm>>) dst(%arg10 : memref<6400xi32, #tpu.memory_space<vmem>>)
    %mul3A_267 = arith.constant 51200 : i32
    %mul3A_268 = arith.muli %add3A, %mul3A_267 : i32
    %add3A_269 = arith.constant 19200 : i32
    %add3A_270 = arith.addi %mul3A_268, %add3A_269 : i32
    %dma_start3A_271 = arith.constant 0 : i32
    %dma_start3A_272 = tpu.memref_slice %arg12[%dma_start3A_271] : memref<6400xf32, #tpu.memory_space<vmem>> -> memref<3200xf32, #tpu.memory_space<vmem>>
    %dma_start3A_273 = arith.constant 0 : i32
    %dma_start3A_274 = tpu.memref_slice %arg10[%dma_start3A_273] : memref<6400xi32, #tpu.memory_space<vmem>> -> memref<3200xi32, #tpu.memory_space<vmem>>
    %dma_start3A_275 = arith.constant 0 : i32
    %dma_start3A_276 = tpu.memref_slice %arg15[%dma_start3A_275] : memref<1000000xf32, #tpu.memory_space<vmem_shared>> -> memref<1000000xf32, #tpu.memory_space<vmem_shared>>
    tpu.enqueue_indirect_dma source(%dma_start3A_276 : memref<1000000xf32, #tpu.memory_space<vmem_shared>>) target(%dma_start3A_272 : memref<3200xf32, #tpu.memory_space<vmem>>) offsets(%dma_start3A_274 : memref<3200xi32, #tpu.memory_space<vmem>>) semaphore(%arg21 : memref<!tpu.dma_semaphore, #tpu.memory_space<semaphore_mem>>)
    %dma_start3A_277 = arith.constant 3200 : i32
    %dma_start3A_278 = tpu.memref_slice %arg12[%dma_start3A_277] : memref<6400xf32, #tpu.memory_space<vmem>> -> memref<3200xf32, #tpu.memory_space<vmem>>
    %dma_start3A_279 = arith.constant 3200 : i32
    %dma_start3A_280 = tpu.memref_slice %arg10[%dma_start3A_279] : memref<6400xi32, #tpu.memory_space<vmem>> -> memref<3200xi32, #tpu.memory_space<vmem>>
    %dma_start3A_281 = arith.constant 0 : i32
    %dma_start3A_282 = tpu.memref_slice %arg15[%dma_start3A_281] : memref<1000000xf32, #tpu.memory_space<vmem_shared>> -> memref<1000000xf32, #tpu.memory_space<vmem_shared>>
    tpu.enqueue_indirect_dma source(%dma_start3A_282 : memref<1000000xf32, #tpu.memory_space<vmem_shared>>) target(%dma_start3A_278 : memref<3200xf32, #tpu.memory_space<vmem>>) offsets(%dma_start3A_280 : memref<3200xi32, #tpu.memory_space<vmem>>) semaphore(%arg21 : memref<!tpu.dma_semaphore, #tpu.memory_space<semaphore_mem>>)
    %dma_start3A_283 = tpu.memref_slice %arg3[%add3A_270] : memref<1638400xf32, #tpu.memory_space<hbm>> -> memref<6400xf32, #tpu.memory_space<hbm>>
    %dma_start3A_284 = tpu.memref_slice %arg3[%add3A_270] : memref<1638400xf32, #tpu.memory_space<hbm>> -> memref<6400xf32, #tpu.memory_space<hbm>>
    tpu.enqueue_dma source(%dma_start3A_284 : memref<6400xf32, #tpu.memory_space<hbm>>) target(%arg11 : memref<6400xf32, #tpu.memory_space<vmem>>) target_semaphore(%arg20 : memref<!tpu.dma_semaphore, #tpu.memory_space<semaphore_mem>>)
    %dma_wait3A_285 = arith.constant 0 : i32
    %dma_wait3A_286 = tpu.memref_slice %arg9[%dma_wait3A_285] : memref<6400xf32, #tpu.memory_space<vmem>> -> memref<3200xf32, #tpu.memory_space<vmem>>
    %dma_wait3A_287 = arith.constant 0 : i32
    %dma_wait3A_288 = tpu.memref_slice %arg7[%dma_wait3A_287] : memref<6400xi32, #tpu.memory_space<vmem>> -> memref<3200xi32, #tpu.memory_space<vmem>>
    %dma_wait3A_289 = arith.constant 0 : i32
    %dma_wait3A_290 = tpu.memref_slice %arg15[%dma_wait3A_289] : memref<1000000xf32, #tpu.memory_space<vmem_shared>> -> memref<1000000xf32, #tpu.memory_space<vmem_shared>>
    tpu.wait_indirect_dma semaphore(%arg18 : memref<!tpu.dma_semaphore, #tpu.memory_space<semaphore_mem>>) src(%dma_wait3A_290 : memref<1000000xf32, #tpu.memory_space<vmem_shared>>) dst(%dma_wait3A_286 : memref<3200xf32, #tpu.memory_space<vmem>>)
    %dma_wait3A_291 = arith.constant 3200 : i32
    %dma_wait3A_292 = tpu.memref_slice %arg9[%dma_wait3A_291] : memref<6400xf32, #tpu.memory_space<vmem>> -> memref<3200xf32, #tpu.memory_space<vmem>>
    %dma_wait3A_293 = arith.constant 3200 : i32
    %dma_wait3A_294 = tpu.memref_slice %arg7[%dma_wait3A_293] : memref<6400xi32, #tpu.memory_space<vmem>> -> memref<3200xi32, #tpu.memory_space<vmem>>
    %dma_wait3A_295 = arith.constant 0 : i32
    %dma_wait3A_296 = tpu.memref_slice %arg15[%dma_wait3A_295] : memref<1000000xf32, #tpu.memory_space<vmem_shared>> -> memref<1000000xf32, #tpu.memory_space<vmem_shared>>
    tpu.wait_indirect_dma semaphore(%arg18 : memref<!tpu.dma_semaphore, #tpu.memory_space<semaphore_mem>>) src(%dma_wait3A_296 : memref<1000000xf32, #tpu.memory_space<vmem_shared>>) dst(%dma_wait3A_292 : memref<3200xf32, #tpu.memory_space<vmem>>)
    %dma_wait3A_297 = tpu.memref_slice %arg3[%add3A_198] : memref<1638400xf32, #tpu.memory_space<hbm>> -> memref<6400xf32, #tpu.memory_space<hbm>>
    %dma_wait3A_298 = tpu.memref_slice %arg3[%add3A_198] : memref<1638400xf32, #tpu.memory_space<hbm>> -> memref<6400xf32, #tpu.memory_space<hbm>>
    tpu.wait_dma2 semaphore(%arg17 : memref<!tpu.dma_semaphore, #tpu.memory_space<semaphore_mem>>) src(%dma_wait3A_298 : memref<6400xf32, #tpu.memory_space<hbm>>) dst(%arg8 : memref<6400xf32, #tpu.memory_space<vmem>>)
    %mul3A_299 = arith.constant 51200 : i32
    %mul3A_300 = arith.muli %add3A, %mul3A_299 : i32
    %add3A_301 = arith.constant 25600 : i32
    %add3A_302 = arith.addi %mul3A_300, %add3A_301 : i32
    %dma_start3A_303 = tpu.memref_slice %arg2[%add3A_302] : memref<1638400xi32, #tpu.memory_space<hbm>> -> memref<6400xi32, #tpu.memory_space<hbm>>
    %dma_start3A_304 = tpu.memref_slice %arg2[%add3A_302] : memref<1638400xi32, #tpu.memory_space<hbm>> -> memref<6400xi32, #tpu.memory_space<hbm>>
    tpu.enqueue_dma source(%dma_start3A_304 : memref<6400xi32, #tpu.memory_space<hbm>>) target(%arg7 : memref<6400xi32, #tpu.memory_space<vmem>>) target_semaphore(%arg16 : memref<!tpu.dma_semaphore, #tpu.memory_space<semaphore_mem>>)
    %scan3A_305 = arith.constant 0 : i32
    %scan3A_306 = arith.constant 25 : i32
    %scan3A_307 = arith.addi %scan3A_305, %scan3A_306 : i32
    %scan3A_308 = arith.constant 1 : i32
    %scan3A_309 = scf.for %scan3A_667 = %scan3A_305 to %scan3A_307 step %scan3A_308 iter_args(%scan3A_668 = %get3A_92) -> (vector<16xf32>)  : i32 {
      %mul3A_669 = arith.constant 4 : i32
      %mul3A_670 = arith.muli %scan3A_667, %mul3A_669 : i32
      %add3A_671 = arith.constant 0 : i32
      %add3A_672 = arith.addi %add3A_671, %mul3A_670 : i32
      %add3A_673 = arith.constant 0 : i32
      %add3A_674 = arith.addi %add3A_672, %add3A_673 : i32
      %add3A_675 = vector.broadcast %add3A_674 : i32 to vector<16xi32>
      %add3A_676 = arith.addi %mul3A_91, %add3A_675 : vector<16xi32>
      %gather3A = tpu.vector_load_idx %arg9[%add3A_676] : memref<6400xf32, #tpu.memory_space<vmem>>[vector<16xi32>], vector<16xf32>,
      %gather3A_677 = tpu.vector_load_idx %arg8[%add3A_676] : memref<6400xf32, #tpu.memory_space<vmem>>[vector<16xi32>], vector<16xf32>,
      %mul3A_678 = arith.mulf %gather3A, %gather3A_677 : vector<16xf32>
      %add3A_679 = arith.addf %scan3A_668, %mul3A_678 : vector<16xf32>
      %mul3A_680 = arith.constant 4 : i32
      %mul3A_681 = arith.muli %scan3A_667, %mul3A_680 : i32
      %add3A_682 = arith.constant 0 : i32
      %add3A_683 = arith.addi %add3A_682, %mul3A_681 : i32
      %add3A_684 = arith.constant 1 : i32
      %add3A_685 = arith.addi %add3A_683, %add3A_684 : i32
      %add3A_686 = vector.broadcast %add3A_685 : i32 to vector<16xi32>
      %add3A_687 = arith.addi %mul3A_91, %add3A_686 : vector<16xi32>
      %gather3A_688 = tpu.vector_load_idx %arg9[%add3A_687] : memref<6400xf32, #tpu.memory_space<vmem>>[vector<16xi32>], vector<16xf32>,
      %gather3A_689 = tpu.vector_load_idx %arg8[%add3A_687] : memref<6400xf32, #tpu.memory_space<vmem>>[vector<16xi32>], vector<16xf32>,
      %mul3A_690 = arith.mulf %gather3A_688, %gather3A_689 : vector<16xf32>
      %add3A_691 = arith.addf %add3A_679, %mul3A_690 : vector<16xf32>
      %mul3A_692 = arith.constant 4 : i32
      %mul3A_693 = arith.muli %scan3A_667, %mul3A_692 : i32
      %add3A_694 = arith.constant 0 : i32
      %add3A_695 = arith.addi %add3A_694, %mul3A_693 : i32
      %add3A_696 = arith.constant 2 : i32
      %add3A_697 = arith.addi %add3A_695, %add3A_696 : i32
      %add3A_698 = vector.broadcast %add3A_697 : i32 to vector<16xi32>
      %add3A_699 = arith.addi %mul3A_91, %add3A_698 : vector<16xi32>
      %gather3A_700 = tpu.vector_load_idx %arg9[%add3A_699] : memref<6400xf32, #tpu.memory_space<vmem>>[vector<16xi32>], vector<16xf32>,
      %gather3A_701 = tpu.vector_load_idx %arg8[%add3A_699] : memref<6400xf32, #tpu.memory_space<vmem>>[vector<16xi32>], vector<16xf32>,
      %mul3A_702 = arith.mulf %gather3A_700, %gather3A_701 : vector<16xf32>
      %add3A_703 = arith.addf %add3A_691, %mul3A_702 : vector<16xf32>
      %mul3A_704 = arith.constant 4 : i32
      %mul3A_705 = arith.muli %scan3A_667, %mul3A_704 : i32
      %add3A_706 = arith.constant 0 : i32
      %add3A_707 = arith.addi %add3A_706, %mul3A_705 : i32
      %add3A_708 = arith.constant 3 : i32
      %add3A_709 = arith.addi %add3A_707, %add3A_708 : i32
      %add3A_710 = vector.broadcast %add3A_709 : i32 to vector<16xi32>
      %add3A_711 = arith.addi %mul3A_91, %add3A_710 : vector<16xi32>
      %gather3A_712 = tpu.vector_load_idx %arg9[%add3A_711] : memref<6400xf32, #tpu.memory_space<vmem>>[vector<16xi32>], vector<16xf32>,
      %gather3A_713 = tpu.vector_load_idx %arg8[%add3A_711] : memref<6400xf32, #tpu.memory_space<vmem>>[vector<16xi32>], vector<16xf32>,
      %mul3A_714 = arith.mulf %gather3A_712, %gather3A_713 : vector<16xf32>
      %add3A_715 = arith.addf %add3A_703, %mul3A_714 : vector<16xf32>
      scf.yield %add3A_715 : vector<16xf32>
    }
    %scan3A_310 = arith.constant 25 : i32
    %swap3A_311 = arith.constant 128 : index
    %swap3A_312 = tpu.vector_load %arg13[%swap3A_311] {strides = array<i32>} : memref<512xf32, #tpu.memory_space<vmem>>, vector<16xf32>,
    tpu.vector_store %arg13[%swap3A_311], %scan3A_309 {strides = array<i32>} : memref<512xf32, #tpu.memory_space<vmem>>, vector<16xf32>,
    %scan3A_313 = arith.constant 0 : i32
    %scan3A_314 = arith.constant 25 : i32
    %scan3A_315 = arith.addi %scan3A_313, %scan3A_314 : i32
    %scan3A_316 = arith.constant 1 : i32
    %scan3A_317 = scf.for %scan3A_667 = %scan3A_313 to %scan3A_315 step %scan3A_316 iter_args(%scan3A_668 = %get3A_92) -> (vector<16xf32>)  : i32 {
      %mul3A_669 = arith.constant 4 : i32
      %mul3A_670 = arith.muli %scan3A_667, %mul3A_669 : i32
      %add3A_671 = arith.constant 1600 : i32
      %add3A_672 = arith.addi %add3A_671, %mul3A_670 : i32
      %add3A_673 = arith.constant 0 : i32
      %add3A_674 = arith.addi %add3A_672, %add3A_673 : i32
      %add3A_675 = vector.broadcast %add3A_674 : i32 to vector<16xi32>
      %add3A_676 = arith.addi %mul3A_91, %add3A_675 : vector<16xi32>
      %gather3A = tpu.vector_load_idx %arg9[%add3A_676] : memref<6400xf32, #tpu.memory_space<vmem>>[vector<16xi32>], vector<16xf32>,
      %gather3A_677 = tpu.vector_load_idx %arg8[%add3A_676] : memref<6400xf32, #tpu.memory_space<vmem>>[vector<16xi32>], vector<16xf32>,
      %mul3A_678 = arith.mulf %gather3A, %gather3A_677 : vector<16xf32>
      %add3A_679 = arith.addf %scan3A_668, %mul3A_678 : vector<16xf32>
      %mul3A_680 = arith.constant 4 : i32
      %mul3A_681 = arith.muli %scan3A_667, %mul3A_680 : i32
      %add3A_682 = arith.constant 1600 : i32
      %add3A_683 = arith.addi %add3A_682, %mul3A_681 : i32
      %add3A_684 = arith.constant 1 : i32
      %add3A_685 = arith.addi %add3A_683, %add3A_684 : i32
      %add3A_686 = vector.broadcast %add3A_685 : i32 to vector<16xi32>
      %add3A_687 = arith.addi %mul3A_91, %add3A_686 : vector<16xi32>
      %gather3A_688 = tpu.vector_load_idx %arg9[%add3A_687] : memref<6400xf32, #tpu.memory_space<vmem>>[vector<16xi32>], vector<16xf32>,
      %gather3A_689 = tpu.vector_load_idx %arg8[%add3A_687] : memref<6400xf32, #tpu.memory_space<vmem>>[vector<16xi32>], vector<16xf32>,
      %mul3A_690 = arith.mulf %gather3A_688, %gather3A_689 : vector<16xf32>
      %add3A_691 = arith.addf %add3A_679, %mul3A_690 : vector<16xf32>
      %mul3A_692 = arith.constant 4 : i32
      %mul3A_693 = arith.muli %scan3A_667, %mul3A_692 : i32
      %add3A_694 = arith.constant 1600 : i32
      %add3A_695 = arith.addi %add3A_694, %mul3A_693 : i32
      %add3A_696 = arith.constant 2 : i32
      %add3A_697 = arith.addi %add3A_695, %add3A_696 : i32
      %add3A_698 = vector.broadcast %add3A_697 : i32 to vector<16xi32>
      %add3A_699 = arith.addi %mul3A_91, %add3A_698 : vector<16xi32>
      %gather3A_700 = tpu.vector_load_idx %arg9[%add3A_699] : memref<6400xf32, #tpu.memory_space<vmem>>[vector<16xi32>], vector<16xf32>,
      %gather3A_701 = tpu.vector_load_idx %arg8[%add3A_699] : memref<6400xf32, #tpu.memory_space<vmem>>[vector<16xi32>], vector<16xf32>,
      %mul3A_702 = arith.mulf %gather3A_700, %gather3A_701 : vector<16xf32>
      %add3A_703 = arith.addf %add3A_691, %mul3A_702 : vector<16xf32>
      %mul3A_704 = arith.constant 4 : i32
      %mul3A_705 = arith.muli %scan3A_667, %mul3A_704 : i32
      %add3A_706 = arith.constant 1600 : i32
      %add3A_707 = arith.addi %add3A_706, %mul3A_705 : i32
      %add3A_708 = arith.constant 3 : i32
      %add3A_709 = arith.addi %add3A_707, %add3A_708 : i32
      %add3A_710 = vector.broadcast %add3A_709 : i32 to vector<16xi32>
      %add3A_711 = arith.addi %mul3A_91, %add3A_710 : vector<16xi32>
      %gather3A_712 = tpu.vector_load_idx %arg9[%add3A_711] : memref<6400xf32, #tpu.memory_space<vmem>>[vector<16xi32>], vector<16xf32>,
      %gather3A_713 = tpu.vector_load_idx %arg8[%add3A_711] : memref<6400xf32, #tpu.memory_space<vmem>>[vector<16xi32>], vector<16xf32>,
      %mul3A_714 = arith.mulf %gather3A_712, %gather3A_713 : vector<16xf32>
      %add3A_715 = arith.addf %add3A_703, %mul3A_714 : vector<16xf32>
      scf.yield %add3A_715 : vector<16xf32>
    }
    %scan3A_318 = arith.constant 25 : i32
    %swap3A_319 = arith.constant 144 : index
    %swap3A_320 = tpu.vector_load %arg13[%swap3A_319] {strides = array<i32>} : memref<512xf32, #tpu.memory_space<vmem>>, vector<16xf32>,
    tpu.vector_store %arg13[%swap3A_319], %scan3A_317 {strides = array<i32>} : memref<512xf32, #tpu.memory_space<vmem>>, vector<16xf32>,
    %scan3A_321 = arith.constant 0 : i32
    %scan3A_322 = arith.constant 25 : i32
    %scan3A_323 = arith.addi %scan3A_321, %scan3A_322 : i32
    %scan3A_324 = arith.constant 1 : i32
    %scan3A_325 = scf.for %scan3A_667 = %scan3A_321 to %scan3A_323 step %scan3A_324 iter_args(%scan3A_668 = %get3A_92) -> (vector<16xf32>)  : i32 {
      %mul3A_669 = arith.constant 4 : i32
      %mul3A_670 = arith.muli %scan3A_667, %mul3A_669 : i32
      %add3A_671 = arith.constant 3200 : i32
      %add3A_672 = arith.addi %add3A_671, %mul3A_670 : i32
      %add3A_673 = arith.constant 0 : i32
      %add3A_674 = arith.addi %add3A_672, %add3A_673 : i32
      %add3A_675 = vector.broadcast %add3A_674 : i32 to vector<16xi32>
      %add3A_676 = arith.addi %mul3A_91, %add3A_675 : vector<16xi32>
      %gather3A = tpu.vector_load_idx %arg9[%add3A_676] : memref<6400xf32, #tpu.memory_space<vmem>>[vector<16xi32>], vector<16xf32>,
      %gather3A_677 = tpu.vector_load_idx %arg8[%add3A_676] : memref<6400xf32, #tpu.memory_space<vmem>>[vector<16xi32>], vector<16xf32>,
      %mul3A_678 = arith.mulf %gather3A, %gather3A_677 : vector<16xf32>
      %add3A_679 = arith.addf %scan3A_668, %mul3A_678 : vector<16xf32>
      %mul3A_680 = arith.constant 4 : i32
      %mul3A_681 = arith.muli %scan3A_667, %mul3A_680 : i32
      %add3A_682 = arith.constant 3200 : i32
      %add3A_683 = arith.addi %add3A_682, %mul3A_681 : i32
      %add3A_684 = arith.constant 1 : i32
      %add3A_685 = arith.addi %add3A_683, %add3A_684 : i32
      %add3A_686 = vector.broadcast %add3A_685 : i32 to vector<16xi32>
      %add3A_687 = arith.addi %mul3A_91, %add3A_686 : vector<16xi32>
      %gather3A_688 = tpu.vector_load_idx %arg9[%add3A_687] : memref<6400xf32, #tpu.memory_space<vmem>>[vector<16xi32>], vector<16xf32>,
      %gather3A_689 = tpu.vector_load_idx %arg8[%add3A_687] : memref<6400xf32, #tpu.memory_space<vmem>>[vector<16xi32>], vector<16xf32>,
      %mul3A_690 = arith.mulf %gather3A_688, %gather3A_689 : vector<16xf32>
      %add3A_691 = arith.addf %add3A_679, %mul3A_690 : vector<16xf32>
      %mul3A_692 = arith.constant 4 : i32
      %mul3A_693 = arith.muli %scan3A_667, %mul3A_692 : i32
      %add3A_694 = arith.constant 3200 : i32
      %add3A_695 = arith.addi %add3A_694, %mul3A_693 : i32
      %add3A_696 = arith.constant 2 : i32
      %add3A_697 = arith.addi %add3A_695, %add3A_696 : i32
      %add3A_698 = vector.broadcast %add3A_697 : i32 to vector<16xi32>
      %add3A_699 = arith.addi %mul3A_91, %add3A_698 : vector<16xi32>
      %gather3A_700 = tpu.vector_load_idx %arg9[%add3A_699] : memref<6400xf32, #tpu.memory_space<vmem>>[vector<16xi32>], vector<16xf32>,
      %gather3A_701 = tpu.vector_load_idx %arg8[%add3A_699] : memref<6400xf32, #tpu.memory_space<vmem>>[vector<16xi32>], vector<16xf32>,
      %mul3A_702 = arith.mulf %gather3A_700, %gather3A_701 : vector<16xf32>
      %add3A_703 = arith.addf %add3A_691, %mul3A_702 : vector<16xf32>
      %mul3A_704 = arith.constant 4 : i32
      %mul3A_705 = arith.muli %scan3A_667, %mul3A_704 : i32
      %add3A_706 = arith.constant 3200 : i32
      %add3A_707 = arith.addi %add3A_706, %mul3A_705 : i32
      %add3A_708 = arith.constant 3 : i32
      %add3A_709 = arith.addi %add3A_707, %add3A_708 : i32
      %add3A_710 = vector.broadcast %add3A_709 : i32 to vector<16xi32>
      %add3A_711 = arith.addi %mul3A_91, %add3A_710 : vector<16xi32>
      %gather3A_712 = tpu.vector_load_idx %arg9[%add3A_711] : memref<6400xf32, #tpu.memory_space<vmem>>[vector<16xi32>], vector<16xf32>,
      %gather3A_713 = tpu.vector_load_idx %arg8[%add3A_711] : memref<6400xf32, #tpu.memory_space<vmem>>[vector<16xi32>], vector<16xf32>,
      %mul3A_714 = arith.mulf %gather3A_712, %gather3A_713 : vector<16xf32>
      %add3A_715 = arith.addf %add3A_703, %mul3A_714 : vector<16xf32>
      scf.yield %add3A_715 : vector<16xf32>
    }
    %scan3A_326 = arith.constant 25 : i32
    %swap3A_327 = arith.constant 160 : index
    %swap3A_328 = tpu.vector_load %arg13[%swap3A_327] {strides = array<i32>} : memref<512xf32, #tpu.memory_space<vmem>>, vector<16xf32>,
    tpu.vector_store %arg13[%swap3A_327], %scan3A_325 {strides = array<i32>} : memref<512xf32, #tpu.memory_space<vmem>>, vector<16xf32>,
    %scan3A_329 = arith.constant 0 : i32
    %scan3A_330 = arith.constant 25 : i32
    %scan3A_331 = arith.addi %scan3A_329, %scan3A_330 : i32
    %scan3A_332 = arith.constant 1 : i32
    %scan3A_333 = scf.for %scan3A_667 = %scan3A_329 to %scan3A_331 step %scan3A_332 iter_args(%scan3A_668 = %get3A_92) -> (vector<16xf32>)  : i32 {
      %mul3A_669 = arith.constant 4 : i32
      %mul3A_670 = arith.muli %scan3A_667, %mul3A_669 : i32
      %add3A_671 = arith.constant 4800 : i32
      %add3A_672 = arith.addi %add3A_671, %mul3A_670 : i32
      %add3A_673 = arith.constant 0 : i32
      %add3A_674 = arith.addi %add3A_672, %add3A_673 : i32
      %add3A_675 = vector.broadcast %add3A_674 : i32 to vector<16xi32>
      %add3A_676 = arith.addi %mul3A_91, %add3A_675 : vector<16xi32>
      %gather3A = tpu.vector_load_idx %arg9[%add3A_676] : memref<6400xf32, #tpu.memory_space<vmem>>[vector<16xi32>], vector<16xf32>,
      %gather3A_677 = tpu.vector_load_idx %arg8[%add3A_676] : memref<6400xf32, #tpu.memory_space<vmem>>[vector<16xi32>], vector<16xf32>,
      %mul3A_678 = arith.mulf %gather3A, %gather3A_677 : vector<16xf32>
      %add3A_679 = arith.addf %scan3A_668, %mul3A_678 : vector<16xf32>
      %mul3A_680 = arith.constant 4 : i32
      %mul3A_681 = arith.muli %scan3A_667, %mul3A_680 : i32
      %add3A_682 = arith.constant 4800 : i32
      %add3A_683 = arith.addi %add3A_682, %mul3A_681 : i32
      %add3A_684 = arith.constant 1 : i32
      %add3A_685 = arith.addi %add3A_683, %add3A_684 : i32
      %add3A_686 = vector.broadcast %add3A_685 : i32 to vector<16xi32>
      %add3A_687 = arith.addi %mul3A_91, %add3A_686 : vector<16xi32>
      %gather3A_688 = tpu.vector_load_idx %arg9[%add3A_687] : memref<6400xf32, #tpu.memory_space<vmem>>[vector<16xi32>], vector<16xf32>,
      %gather3A_689 = tpu.vector_load_idx %arg8[%add3A_687] : memref<6400xf32, #tpu.memory_space<vmem>>[vector<16xi32>], vector<16xf32>,
      %mul3A_690 = arith.mulf %gather3A_688, %gather3A_689 : vector<16xf32>
      %add3A_691 = arith.addf %add3A_679, %mul3A_690 : vector<16xf32>
      %mul3A_692 = arith.constant 4 : i32
      %mul3A_693 = arith.muli %scan3A_667, %mul3A_692 : i32
      %add3A_694 = arith.constant 4800 : i32
      %add3A_695 = arith.addi %add3A_694, %mul3A_693 : i32
      %add3A_696 = arith.constant 2 : i32
      %add3A_697 = arith.addi %add3A_695, %add3A_696 : i32
      %add3A_698 = vector.broadcast %add3A_697 : i32 to vector<16xi32>
      %add3A_699 = arith.addi %mul3A_91, %add3A_698 : vector<16xi32>
      %gather3A_700 = tpu.vector_load_idx %arg9[%add3A_699] : memref<6400xf32, #tpu.memory_space<vmem>>[vector<16xi32>], vector<16xf32>,
      %gather3A_701 = tpu.vector_load_idx %arg8[%add3A_699] : memref<6400xf32, #tpu.memory_space<vmem>>[vector<16xi32>], vector<16xf32>,
      %mul3A_702 = arith.mulf %gather3A_700, %gather3A_701 : vector<16xf32>
      %add3A_703 = arith.addf %add3A_691, %mul3A_702 : vector<16xf32>
      %mul3A_704 = arith.constant 4 : i32
      %mul3A_705 = arith.muli %scan3A_667, %mul3A_704 : i32
      %add3A_706 = arith.constant 4800 : i32
      %add3A_707 = arith.addi %add3A_706, %mul3A_705 : i32
      %add3A_708 = arith.constant 3 : i32
      %add3A_709 = arith.addi %add3A_707, %add3A_708 : i32
      %add3A_710 = vector.broadcast %add3A_709 : i32 to vector<16xi32>
      %add3A_711 = arith.addi %mul3A_91, %add3A_710 : vector<16xi32>
      %gather3A_712 = tpu.vector_load_idx %arg9[%add3A_711] : memref<6400xf32, #tpu.memory_space<vmem>>[vector<16xi32>], vector<16xf32>,
      %gather3A_713 = tpu.vector_load_idx %arg8[%add3A_711] : memref<6400xf32, #tpu.memory_space<vmem>>[vector<16xi32>], vector<16xf32>,
      %mul3A_714 = arith.mulf %gather3A_712, %gather3A_713 : vector<16xf32>
      %add3A_715 = arith.addf %add3A_703, %mul3A_714 : vector<16xf32>
      scf.yield %add3A_715 : vector<16xf32>
    }
    %scan3A_334 = arith.constant 25 : i32
    %swap3A_335 = arith.constant 176 : index
    %swap3A_336 = tpu.vector_load %arg13[%swap3A_335] {strides = array<i32>} : memref<512xf32, #tpu.memory_space<vmem>>, vector<16xf32>,
    tpu.vector_store %arg13[%swap3A_335], %scan3A_333 {strides = array<i32>} : memref<512xf32, #tpu.memory_space<vmem>>, vector<16xf32>,
    %dma_wait3A_337 = tpu.memref_slice %arg2[%add3A_302] : memref<1638400xi32, #tpu.memory_space<hbm>> -> memref<6400xi32, #tpu.memory_space<hbm>>
    %dma_wait3A_338 = tpu.memref_slice %arg2[%add3A_302] : memref<1638400xi32, #tpu.memory_space<hbm>> -> memref<6400xi32, #tpu.memory_space<hbm>>
    tpu.wait_dma2 semaphore(%arg16 : memref<!tpu.dma_semaphore, #tpu.memory_space<semaphore_mem>>) src(%dma_wait3A_338 : memref<6400xi32, #tpu.memory_space<hbm>>) dst(%arg7 : memref<6400xi32, #tpu.memory_space<vmem>>)
    %mul3A_339 = arith.constant 51200 : i32
    %mul3A_340 = arith.muli %add3A, %mul3A_339 : i32
    %add3A_341 = arith.constant 25600 : i32
    %add3A_342 = arith.addi %mul3A_340, %add3A_341 : i32
    %dma_start3A_343 = arith.constant 0 : i32
    %dma_start3A_344 = tpu.memref_slice %arg9[%dma_start3A_343] : memref<6400xf32, #tpu.memory_space<vmem>> -> memref<3200xf32, #tpu.memory_space<vmem>>
    %dma_start3A_345 = arith.constant 0 : i32
    %dma_start3A_346 = tpu.memref_slice %arg7[%dma_start3A_345] : memref<6400xi32, #tpu.memory_space<vmem>> -> memref<3200xi32, #tpu.memory_space<vmem>>
    %dma_start3A_347 = arith.constant 0 : i32
    %dma_start3A_348 = tpu.memref_slice %arg15[%dma_start3A_347] : memref<1000000xf32, #tpu.memory_space<vmem_shared>> -> memref<1000000xf32, #tpu.memory_space<vmem_shared>>
    tpu.enqueue_indirect_dma source(%dma_start3A_348 : memref<1000000xf32, #tpu.memory_space<vmem_shared>>) target(%dma_start3A_344 : memref<3200xf32, #tpu.memory_space<vmem>>) offsets(%dma_start3A_346 : memref<3200xi32, #tpu.memory_space<vmem>>) semaphore(%arg18 : memref<!tpu.dma_semaphore, #tpu.memory_space<semaphore_mem>>)
    %dma_start3A_349 = arith.constant 3200 : i32
    %dma_start3A_350 = tpu.memref_slice %arg9[%dma_start3A_349] : memref<6400xf32, #tpu.memory_space<vmem>> -> memref<3200xf32, #tpu.memory_space<vmem>>
    %dma_start3A_351 = arith.constant 3200 : i32
    %dma_start3A_352 = tpu.memref_slice %arg7[%dma_start3A_351] : memref<6400xi32, #tpu.memory_space<vmem>> -> memref<3200xi32, #tpu.memory_space<vmem>>
    %dma_start3A_353 = arith.constant 0 : i32
    %dma_start3A_354 = tpu.memref_slice %arg15[%dma_start3A_353] : memref<1000000xf32, #tpu.memory_space<vmem_shared>> -> memref<1000000xf32, #tpu.memory_space<vmem_shared>>
    tpu.enqueue_indirect_dma source(%dma_start3A_354 : memref<1000000xf32, #tpu.memory_space<vmem_shared>>) target(%dma_start3A_350 : memref<3200xf32, #tpu.memory_space<vmem>>) offsets(%dma_start3A_352 : memref<3200xi32, #tpu.memory_space<vmem>>) semaphore(%arg18 : memref<!tpu.dma_semaphore, #tpu.memory_space<semaphore_mem>>)
    %dma_start3A_355 = tpu.memref_slice %arg3[%add3A_342] : memref<1638400xf32, #tpu.memory_space<hbm>> -> memref<6400xf32, #tpu.memory_space<hbm>>
    %dma_start3A_356 = tpu.memref_slice %arg3[%add3A_342] : memref<1638400xf32, #tpu.memory_space<hbm>> -> memref<6400xf32, #tpu.memory_space<hbm>>
    tpu.enqueue_dma source(%dma_start3A_356 : memref<6400xf32, #tpu.memory_space<hbm>>) target(%arg8 : memref<6400xf32, #tpu.memory_space<vmem>>) target_semaphore(%arg17 : memref<!tpu.dma_semaphore, #tpu.memory_space<semaphore_mem>>)
    %dma_wait3A_357 = arith.constant 0 : i32
    %dma_wait3A_358 = tpu.memref_slice %arg12[%dma_wait3A_357] : memref<6400xf32, #tpu.memory_space<vmem>> -> memref<3200xf32, #tpu.memory_space<vmem>>
    %dma_wait3A_359 = arith.constant 0 : i32
    %dma_wait3A_360 = tpu.memref_slice %arg10[%dma_wait3A_359] : memref<6400xi32, #tpu.memory_space<vmem>> -> memref<3200xi32, #tpu.memory_space<vmem>>
    %dma_wait3A_361 = arith.constant 0 : i32
    %dma_wait3A_362 = tpu.memref_slice %arg15[%dma_wait3A_361] : memref<1000000xf32, #tpu.memory_space<vmem_shared>> -> memref<1000000xf32, #tpu.memory_space<vmem_shared>>
    tpu.wait_indirect_dma semaphore(%arg21 : memref<!tpu.dma_semaphore, #tpu.memory_space<semaphore_mem>>) src(%dma_wait3A_362 : memref<1000000xf32, #tpu.memory_space<vmem_shared>>) dst(%dma_wait3A_358 : memref<3200xf32, #tpu.memory_space<vmem>>)
    %dma_wait3A_363 = arith.constant 3200 : i32
    %dma_wait3A_364 = tpu.memref_slice %arg12[%dma_wait3A_363] : memref<6400xf32, #tpu.memory_space<vmem>> -> memref<3200xf32, #tpu.memory_space<vmem>>
    %dma_wait3A_365 = arith.constant 3200 : i32
    %dma_wait3A_366 = tpu.memref_slice %arg10[%dma_wait3A_365] : memref<6400xi32, #tpu.memory_space<vmem>> -> memref<3200xi32, #tpu.memory_space<vmem>>
    %dma_wait3A_367 = arith.constant 0 : i32
    %dma_wait3A_368 = tpu.memref_slice %arg15[%dma_wait3A_367] : memref<1000000xf32, #tpu.memory_space<vmem_shared>> -> memref<1000000xf32, #tpu.memory_space<vmem_shared>>
    tpu.wait_indirect_dma semaphore(%arg21 : memref<!tpu.dma_semaphore, #tpu.memory_space<semaphore_mem>>) src(%dma_wait3A_368 : memref<1000000xf32, #tpu.memory_space<vmem_shared>>) dst(%dma_wait3A_364 : memref<3200xf32, #tpu.memory_space<vmem>>)
    %dma_wait3A_369 = tpu.memref_slice %arg3[%add3A_270] : memref<1638400xf32, #tpu.memory_space<hbm>> -> memref<6400xf32, #tpu.memory_space<hbm>>
    %dma_wait3A_370 = tpu.memref_slice %arg3[%add3A_270] : memref<1638400xf32, #tpu.memory_space<hbm>> -> memref<6400xf32, #tpu.memory_space<hbm>>
    tpu.wait_dma2 semaphore(%arg20 : memref<!tpu.dma_semaphore, #tpu.memory_space<semaphore_mem>>) src(%dma_wait3A_370 : memref<6400xf32, #tpu.memory_space<hbm>>) dst(%arg11 : memref<6400xf32, #tpu.memory_space<vmem>>)
    %mul3A_371 = arith.constant 51200 : i32
    %mul3A_372 = arith.muli %add3A, %mul3A_371 : i32
    %add3A_373 = arith.constant 32000 : i32
    %add3A_374 = arith.addi %mul3A_372, %add3A_373 : i32
    %dma_start3A_375 = tpu.memref_slice %arg2[%add3A_374] : memref<1638400xi32, #tpu.memory_space<hbm>> -> memref<6400xi32, #tpu.memory_space<hbm>>
    %dma_start3A_376 = tpu.memref_slice %arg2[%add3A_374] : memref<1638400xi32, #tpu.memory_space<hbm>> -> memref<6400xi32, #tpu.memory_space<hbm>>
    tpu.enqueue_dma source(%dma_start3A_376 : memref<6400xi32, #tpu.memory_space<hbm>>) target(%arg10 : memref<6400xi32, #tpu.memory_space<vmem>>) target_semaphore(%arg19 : memref<!tpu.dma_semaphore, #tpu.memory_space<semaphore_mem>>)
    %scan3A_377 = arith.constant 0 : i32
    %scan3A_378 = arith.constant 25 : i32
    %scan3A_379 = arith.addi %scan3A_377, %scan3A_378 : i32
    %scan3A_380 = arith.constant 1 : i32
    %scan3A_381 = scf.for %scan3A_667 = %scan3A_377 to %scan3A_379 step %scan3A_380 iter_args(%scan3A_668 = %get3A_92) -> (vector<16xf32>)  : i32 {
      %mul3A_669 = arith.constant 4 : i32
      %mul3A_670 = arith.muli %scan3A_667, %mul3A_669 : i32
      %add3A_671 = arith.constant 0 : i32
      %add3A_672 = arith.addi %add3A_671, %mul3A_670 : i32
      %add3A_673 = arith.constant 0 : i32
      %add3A_674 = arith.addi %add3A_672, %add3A_673 : i32
      %add3A_675 = vector.broadcast %add3A_674 : i32 to vector<16xi32>
      %add3A_676 = arith.addi %mul3A_91, %add3A_675 : vector<16xi32>
      %gather3A = tpu.vector_load_idx %arg12[%add3A_676] : memref<6400xf32, #tpu.memory_space<vmem>>[vector<16xi32>], vector<16xf32>,
      %gather3A_677 = tpu.vector_load_idx %arg11[%add3A_676] : memref<6400xf32, #tpu.memory_space<vmem>>[vector<16xi32>], vector<16xf32>,
      %mul3A_678 = arith.mulf %gather3A, %gather3A_677 : vector<16xf32>
      %add3A_679 = arith.addf %scan3A_668, %mul3A_678 : vector<16xf32>
      %mul3A_680 = arith.constant 4 : i32
      %mul3A_681 = arith.muli %scan3A_667, %mul3A_680 : i32
      %add3A_682 = arith.constant 0 : i32
      %add3A_683 = arith.addi %add3A_682, %mul3A_681 : i32
      %add3A_684 = arith.constant 1 : i32
      %add3A_685 = arith.addi %add3A_683, %add3A_684 : i32
      %add3A_686 = vector.broadcast %add3A_685 : i32 to vector<16xi32>
      %add3A_687 = arith.addi %mul3A_91, %add3A_686 : vector<16xi32>
      %gather3A_688 = tpu.vector_load_idx %arg12[%add3A_687] : memref<6400xf32, #tpu.memory_space<vmem>>[vector<16xi32>], vector<16xf32>,
      %gather3A_689 = tpu.vector_load_idx %arg11[%add3A_687] : memref<6400xf32, #tpu.memory_space<vmem>>[vector<16xi32>], vector<16xf32>,
      %mul3A_690 = arith.mulf %gather3A_688, %gather3A_689 : vector<16xf32>
      %add3A_691 = arith.addf %add3A_679, %mul3A_690 : vector<16xf32>
      %mul3A_692 = arith.constant 4 : i32
      %mul3A_693 = arith.muli %scan3A_667, %mul3A_692 : i32
      %add3A_694 = arith.constant 0 : i32
      %add3A_695 = arith.addi %add3A_694, %mul3A_693 : i32
      %add3A_696 = arith.constant 2 : i32
      %add3A_697 = arith.addi %add3A_695, %add3A_696 : i32
      %add3A_698 = vector.broadcast %add3A_697 : i32 to vector<16xi32>
      %add3A_699 = arith.addi %mul3A_91, %add3A_698 : vector<16xi32>
      %gather3A_700 = tpu.vector_load_idx %arg12[%add3A_699] : memref<6400xf32, #tpu.memory_space<vmem>>[vector<16xi32>], vector<16xf32>,
      %gather3A_701 = tpu.vector_load_idx %arg11[%add3A_699] : memref<6400xf32, #tpu.memory_space<vmem>>[vector<16xi32>], vector<16xf32>,
      %mul3A_702 = arith.mulf %gather3A_700, %gather3A_701 : vector<16xf32>
      %add3A_703 = arith.addf %add3A_691, %mul3A_702 : vector<16xf32>
      %mul3A_704 = arith.constant 4 : i32
      %mul3A_705 = arith.muli %scan3A_667, %mul3A_704 : i32
      %add3A_706 = arith.constant 0 : i32
      %add3A_707 = arith.addi %add3A_706, %mul3A_705 : i32
      %add3A_708 = arith.constant 3 : i32
      %add3A_709 = arith.addi %add3A_707, %add3A_708 : i32
      %add3A_710 = vector.broadcast %add3A_709 : i32 to vector<16xi32>
      %add3A_711 = arith.addi %mul3A_91, %add3A_710 : vector<16xi32>
      %gather3A_712 = tpu.vector_load_idx %arg12[%add3A_711] : memref<6400xf32, #tpu.memory_space<vmem>>[vector<16xi32>], vector<16xf32>,
      %gather3A_713 = tpu.vector_load_idx %arg11[%add3A_711] : memref<6400xf32, #tpu.memory_space<vmem>>[vector<16xi32>], vector<16xf32>,
      %mul3A_714 = arith.mulf %gather3A_712, %gather3A_713 : vector<16xf32>
      %add3A_715 = arith.addf %add3A_703, %mul3A_714 : vector<16xf32>
      scf.yield %add3A_715 : vector<16xf32>
    }
    %scan3A_382 = arith.constant 25 : i32
    %swap3A_383 = arith.constant 192 : index
    %swap3A_384 = tpu.vector_load %arg13[%swap3A_383] {strides = array<i32>} : memref<512xf32, #tpu.memory_space<vmem>>, vector<16xf32>,
    tpu.vector_store %arg13[%swap3A_383], %scan3A_381 {strides = array<i32>} : memref<512xf32, #tpu.memory_space<vmem>>, vector<16xf32>,
    %scan3A_385 = arith.constant 0 : i32
    %scan3A_386 = arith.constant 25 : i32
    %scan3A_387 = arith.addi %scan3A_385, %scan3A_386 : i32
    %scan3A_388 = arith.constant 1 : i32
    %scan3A_389 = scf.for %scan3A_667 = %scan3A_385 to %scan3A_387 step %scan3A_388 iter_args(%scan3A_668 = %get3A_92) -> (vector<16xf32>)  : i32 {
      %mul3A_669 = arith.constant 4 : i32
      %mul3A_670 = arith.muli %scan3A_667, %mul3A_669 : i32
      %add3A_671 = arith.constant 1600 : i32
      %add3A_672 = arith.addi %add3A_671, %mul3A_670 : i32
      %add3A_673 = arith.constant 0 : i32
      %add3A_674 = arith.addi %add3A_672, %add3A_673 : i32
      %add3A_675 = vector.broadcast %add3A_674 : i32 to vector<16xi32>
      %add3A_676 = arith.addi %mul3A_91, %add3A_675 : vector<16xi32>
      %gather3A = tpu.vector_load_idx %arg12[%add3A_676] : memref<6400xf32, #tpu.memory_space<vmem>>[vector<16xi32>], vector<16xf32>,
      %gather3A_677 = tpu.vector_load_idx %arg11[%add3A_676] : memref<6400xf32, #tpu.memory_space<vmem>>[vector<16xi32>], vector<16xf32>,
      %mul3A_678 = arith.mulf %gather3A, %gather3A_677 : vector<16xf32>
      %add3A_679 = arith.addf %scan3A_668, %mul3A_678 : vector<16xf32>
      %mul3A_680 = arith.constant 4 : i32
      %mul3A_681 = arith.muli %scan3A_667, %mul3A_680 : i32
      %add3A_682 = arith.constant 1600 : i32
      %add3A_683 = arith.addi %add3A_682, %mul3A_681 : i32
      %add3A_684 = arith.constant 1 : i32
      %add3A_685 = arith.addi %add3A_683, %add3A_684 : i32
      %add3A_686 = vector.broadcast %add3A_685 : i32 to vector<16xi32>
      %add3A_687 = arith.addi %mul3A_91, %add3A_686 : vector<16xi32>
      %gather3A_688 = tpu.vector_load_idx %arg12[%add3A_687] : memref<6400xf32, #tpu.memory_space<vmem>>[vector<16xi32>], vector<16xf32>,
      %gather3A_689 = tpu.vector_load_idx %arg11[%add3A_687] : memref<6400xf32, #tpu.memory_space<vmem>>[vector<16xi32>], vector<16xf32>,
      %mul3A_690 = arith.mulf %gather3A_688, %gather3A_689 : vector<16xf32>
      %add3A_691 = arith.addf %add3A_679, %mul3A_690 : vector<16xf32>
      %mul3A_692 = arith.constant 4 : i32
      %mul3A_693 = arith.muli %scan3A_667, %mul3A_692 : i32
      %add3A_694 = arith.constant 1600 : i32
      %add3A_695 = arith.addi %add3A_694, %mul3A_693 : i32
      %add3A_696 = arith.constant 2 : i32
      %add3A_697 = arith.addi %add3A_695, %add3A_696 : i32
      %add3A_698 = vector.broadcast %add3A_697 : i32 to vector<16xi32>
      %add3A_699 = arith.addi %mul3A_91, %add3A_698 : vector<16xi32>
      %gather3A_700 = tpu.vector_load_idx %arg12[%add3A_699] : memref<6400xf32, #tpu.memory_space<vmem>>[vector<16xi32>], vector<16xf32>,
      %gather3A_701 = tpu.vector_load_idx %arg11[%add3A_699] : memref<6400xf32, #tpu.memory_space<vmem>>[vector<16xi32>], vector<16xf32>,
      %mul3A_702 = arith.mulf %gather3A_700, %gather3A_701 : vector<16xf32>
      %add3A_703 = arith.addf %add3A_691, %mul3A_702 : vector<16xf32>
      %mul3A_704 = arith.constant 4 : i32
      %mul3A_705 = arith.muli %scan3A_667, %mul3A_704 : i32
      %add3A_706 = arith.constant 1600 : i32
      %add3A_707 = arith.addi %add3A_706, %mul3A_705 : i32
      %add3A_708 = arith.constant 3 : i32
      %add3A_709 = arith.addi %add3A_707, %add3A_708 : i32
      %add3A_710 = vector.broadcast %add3A_709 : i32 to vector<16xi32>
      %add3A_711 = arith.addi %mul3A_91, %add3A_710 : vector<16xi32>
      %gather3A_712 = tpu.vector_load_idx %arg12[%add3A_711] : memref<6400xf32, #tpu.memory_space<vmem>>[vector<16xi32>], vector<16xf32>,
      %gather3A_713 = tpu.vector_load_idx %arg11[%add3A_711] : memref<6400xf32, #tpu.memory_space<vmem>>[vector<16xi32>], vector<16xf32>,
      %mul3A_714 = arith.mulf %gather3A_712, %gather3A_713 : vector<16xf32>
      %add3A_715 = arith.addf %add3A_703, %mul3A_714 : vector<16xf32>
      scf.yield %add3A_715 : vector<16xf32>
    }
    %scan3A_390 = arith.constant 25 : i32
    %swap3A_391 = arith.constant 208 : index
    %swap3A_392 = tpu.vector_load %arg13[%swap3A_391] {strides = array<i32>} : memref<512xf32, #tpu.memory_space<vmem>>, vector<16xf32>,
    tpu.vector_store %arg13[%swap3A_391], %scan3A_389 {strides = array<i32>} : memref<512xf32, #tpu.memory_space<vmem>>, vector<16xf32>,
    %scan3A_393 = arith.constant 0 : i32
    %scan3A_394 = arith.constant 25 : i32
    %scan3A_395 = arith.addi %scan3A_393, %scan3A_394 : i32
    %scan3A_396 = arith.constant 1 : i32
    %scan3A_397 = scf.for %scan3A_667 = %scan3A_393 to %scan3A_395 step %scan3A_396 iter_args(%scan3A_668 = %get3A_92) -> (vector<16xf32>)  : i32 {
      %mul3A_669 = arith.constant 4 : i32
      %mul3A_670 = arith.muli %scan3A_667, %mul3A_669 : i32
      %add3A_671 = arith.constant 3200 : i32
      %add3A_672 = arith.addi %add3A_671, %mul3A_670 : i32
      %add3A_673 = arith.constant 0 : i32
      %add3A_674 = arith.addi %add3A_672, %add3A_673 : i32
      %add3A_675 = vector.broadcast %add3A_674 : i32 to vector<16xi32>
      %add3A_676 = arith.addi %mul3A_91, %add3A_675 : vector<16xi32>
      %gather3A = tpu.vector_load_idx %arg12[%add3A_676] : memref<6400xf32, #tpu.memory_space<vmem>>[vector<16xi32>], vector<16xf32>,
      %gather3A_677 = tpu.vector_load_idx %arg11[%add3A_676] : memref<6400xf32, #tpu.memory_space<vmem>>[vector<16xi32>], vector<16xf32>,
      %mul3A_678 = arith.mulf %gather3A, %gather3A_677 : vector<16xf32>
      %add3A_679 = arith.addf %scan3A_668, %mul3A_678 : vector<16xf32>
      %mul3A_680 = arith.constant 4 : i32
      %mul3A_681 = arith.muli %scan3A_667, %mul3A_680 : i32
      %add3A_682 = arith.constant 3200 : i32
      %add3A_683 = arith.addi %add3A_682, %mul3A_681 : i32
      %add3A_684 = arith.constant 1 : i32
      %add3A_685 = arith.addi %add3A_683, %add3A_684 : i32
      %add3A_686 = vector.broadcast %add3A_685 : i32 to vector<16xi32>
      %add3A_687 = arith.addi %mul3A_91, %add3A_686 : vector<16xi32>
      %gather3A_688 = tpu.vector_load_idx %arg12[%add3A_687] : memref<6400xf32, #tpu.memory_space<vmem>>[vector<16xi32>], vector<16xf32>,
      %gather3A_689 = tpu.vector_load_idx %arg11[%add3A_687] : memref<6400xf32, #tpu.memory_space<vmem>>[vector<16xi32>], vector<16xf32>,
      %mul3A_690 = arith.mulf %gather3A_688, %gather3A_689 : vector<16xf32>
      %add3A_691 = arith.addf %add3A_679, %mul3A_690 : vector<16xf32>
      %mul3A_692 = arith.constant 4 : i32
      %mul3A_693 = arith.muli %scan3A_667, %mul3A_692 : i32
      %add3A_694 = arith.constant 3200 : i32
      %add3A_695 = arith.addi %add3A_694, %mul3A_693 : i32
      %add3A_696 = arith.constant 2 : i32
      %add3A_697 = arith.addi %add3A_695, %add3A_696 : i32
      %add3A_698 = vector.broadcast %add3A_697 : i32 to vector<16xi32>
      %add3A_699 = arith.addi %mul3A_91, %add3A_698 : vector<16xi32>
      %gather3A_700 = tpu.vector_load_idx %arg12[%add3A_699] : memref<6400xf32, #tpu.memory_space<vmem>>[vector<16xi32>], vector<16xf32>,
      %gather3A_701 = tpu.vector_load_idx %arg11[%add3A_699] : memref<6400xf32, #tpu.memory_space<vmem>>[vector<16xi32>], vector<16xf32>,
      %mul3A_702 = arith.mulf %gather3A_700, %gather3A_701 : vector<16xf32>
      %add3A_703 = arith.addf %add3A_691, %mul3A_702 : vector<16xf32>
      %mul3A_704 = arith.constant 4 : i32
      %mul3A_705 = arith.muli %scan3A_667, %mul3A_704 : i32
      %add3A_706 = arith.constant 3200 : i32
      %add3A_707 = arith.addi %add3A_706, %mul3A_705 : i32
      %add3A_708 = arith.constant 3 : i32
      %add3A_709 = arith.addi %add3A_707, %add3A_708 : i32
      %add3A_710 = vector.broadcast %add3A_709 : i32 to vector<16xi32>
      %add3A_711 = arith.addi %mul3A_91, %add3A_710 : vector<16xi32>
      %gather3A_712 = tpu.vector_load_idx %arg12[%add3A_711] : memref<6400xf32, #tpu.memory_space<vmem>>[vector<16xi32>], vector<16xf32>,
      %gather3A_713 = tpu.vector_load_idx %arg11[%add3A_711] : memref<6400xf32, #tpu.memory_space<vmem>>[vector<16xi32>], vector<16xf32>,
      %mul3A_714 = arith.mulf %gather3A_712, %gather3A_713 : vector<16xf32>
      %add3A_715 = arith.addf %add3A_703, %mul3A_714 : vector<16xf32>
      scf.yield %add3A_715 : vector<16xf32>
    }
    %scan3A_398 = arith.constant 25 : i32
    %swap3A_399 = arith.constant 224 : index
    %swap3A_400 = tpu.vector_load %arg13[%swap3A_399] {strides = array<i32>} : memref<512xf32, #tpu.memory_space<vmem>>, vector<16xf32>,
    tpu.vector_store %arg13[%swap3A_399], %scan3A_397 {strides = array<i32>} : memref<512xf32, #tpu.memory_space<vmem>>, vector<16xf32>,
    %scan3A_401 = arith.constant 0 : i32
    %scan3A_402 = arith.constant 25 : i32
    %scan3A_403 = arith.addi %scan3A_401, %scan3A_402 : i32
    %scan3A_404 = arith.constant 1 : i32
    %scan3A_405 = scf.for %scan3A_667 = %scan3A_401 to %scan3A_403 step %scan3A_404 iter_args(%scan3A_668 = %get3A_92) -> (vector<16xf32>)  : i32 {
      %mul3A_669 = arith.constant 4 : i32
      %mul3A_670 = arith.muli %scan3A_667, %mul3A_669 : i32
      %add3A_671 = arith.constant 4800 : i32
      %add3A_672 = arith.addi %add3A_671, %mul3A_670 : i32
      %add3A_673 = arith.constant 0 : i32
      %add3A_674 = arith.addi %add3A_672, %add3A_673 : i32
      %add3A_675 = vector.broadcast %add3A_674 : i32 to vector<16xi32>
      %add3A_676 = arith.addi %mul3A_91, %add3A_675 : vector<16xi32>
      %gather3A = tpu.vector_load_idx %arg12[%add3A_676] : memref<6400xf32, #tpu.memory_space<vmem>>[vector<16xi32>], vector<16xf32>,
      %gather3A_677 = tpu.vector_load_idx %arg11[%add3A_676] : memref<6400xf32, #tpu.memory_space<vmem>>[vector<16xi32>], vector<16xf32>,
      %mul3A_678 = arith.mulf %gather3A, %gather3A_677 : vector<16xf32>
      %add3A_679 = arith.addf %scan3A_668, %mul3A_678 : vector<16xf32>
      %mul3A_680 = arith.constant 4 : i32
      %mul3A_681 = arith.muli %scan3A_667, %mul3A_680 : i32
      %add3A_682 = arith.constant 4800 : i32
      %add3A_683 = arith.addi %add3A_682, %mul3A_681 : i32
      %add3A_684 = arith.constant 1 : i32
      %add3A_685 = arith.addi %add3A_683, %add3A_684 : i32
      %add3A_686 = vector.broadcast %add3A_685 : i32 to vector<16xi32>
      %add3A_687 = arith.addi %mul3A_91, %add3A_686 : vector<16xi32>
      %gather3A_688 = tpu.vector_load_idx %arg12[%add3A_687] : memref<6400xf32, #tpu.memory_space<vmem>>[vector<16xi32>], vector<16xf32>,
      %gather3A_689 = tpu.vector_load_idx %arg11[%add3A_687] : memref<6400xf32, #tpu.memory_space<vmem>>[vector<16xi32>], vector<16xf32>,
      %mul3A_690 = arith.mulf %gather3A_688, %gather3A_689 : vector<16xf32>
      %add3A_691 = arith.addf %add3A_679, %mul3A_690 : vector<16xf32>
      %mul3A_692 = arith.constant 4 : i32
      %mul3A_693 = arith.muli %scan3A_667, %mul3A_692 : i32
      %add3A_694 = arith.constant 4800 : i32
      %add3A_695 = arith.addi %add3A_694, %mul3A_693 : i32
      %add3A_696 = arith.constant 2 : i32
      %add3A_697 = arith.addi %add3A_695, %add3A_696 : i32
      %add3A_698 = vector.broadcast %add3A_697 : i32 to vector<16xi32>
      %add3A_699 = arith.addi %mul3A_91, %add3A_698 : vector<16xi32>
      %gather3A_700 = tpu.vector_load_idx %arg12[%add3A_699] : memref<6400xf32, #tpu.memory_space<vmem>>[vector<16xi32>], vector<16xf32>,
      %gather3A_701 = tpu.vector_load_idx %arg11[%add3A_699] : memref<6400xf32, #tpu.memory_space<vmem>>[vector<16xi32>], vector<16xf32>,
      %mul3A_702 = arith.mulf %gather3A_700, %gather3A_701 : vector<16xf32>
      %add3A_703 = arith.addf %add3A_691, %mul3A_702 : vector<16xf32>
      %mul3A_704 = arith.constant 4 : i32
      %mul3A_705 = arith.muli %scan3A_667, %mul3A_704 : i32
      %add3A_706 = arith.constant 4800 : i32
      %add3A_707 = arith.addi %add3A_706, %mul3A_705 : i32
      %add3A_708 = arith.constant 3 : i32
      %add3A_709 = arith.addi %add3A_707, %add3A_708 : i32
      %add3A_710 = vector.broadcast %add3A_709 : i32 to vector<16xi32>
      %add3A_711 = arith.addi %mul3A_91, %add3A_710 : vector<16xi32>
      %gather3A_712 = tpu.vector_load_idx %arg12[%add3A_711] : memref<6400xf32, #tpu.memory_space<vmem>>[vector<16xi32>], vector<16xf32>,
      %gather3A_713 = tpu.vector_load_idx %arg11[%add3A_711] : memref<6400xf32, #tpu.memory_space<vmem>>[vector<16xi32>], vector<16xf32>,
      %mul3A_714 = arith.mulf %gather3A_712, %gather3A_713 : vector<16xf32>
      %add3A_715 = arith.addf %add3A_703, %mul3A_714 : vector<16xf32>
      scf.yield %add3A_715 : vector<16xf32>
    }
    %scan3A_406 = arith.constant 25 : i32
    %swap3A_407 = arith.constant 240 : index
    %swap3A_408 = tpu.vector_load %arg13[%swap3A_407] {strides = array<i32>} : memref<512xf32, #tpu.memory_space<vmem>>, vector<16xf32>,
    tpu.vector_store %arg13[%swap3A_407], %scan3A_405 {strides = array<i32>} : memref<512xf32, #tpu.memory_space<vmem>>, vector<16xf32>,
    %dma_wait3A_409 = tpu.memref_slice %arg2[%add3A_374] : memref<1638400xi32, #tpu.memory_space<hbm>> -> memref<6400xi32, #tpu.memory_space<hbm>>
    %dma_wait3A_410 = tpu.memref_slice %arg2[%add3A_374] : memref<1638400xi32, #tpu.memory_space<hbm>> -> memref<6400xi32, #tpu.memory_space<hbm>>
    tpu.wait_dma2 semaphore(%arg19 : memref<!tpu.dma_semaphore, #tpu.memory_space<semaphore_mem>>) src(%dma_wait3A_410 : memref<6400xi32, #tpu.memory_space<hbm>>) dst(%arg10 : memref<6400xi32, #tpu.memory_space<vmem>>)
    %mul3A_411 = arith.constant 51200 : i32
    %mul3A_412 = arith.muli %add3A, %mul3A_411 : i32
    %add3A_413 = arith.constant 32000 : i32
    %add3A_414 = arith.addi %mul3A_412, %add3A_413 : i32
    %dma_start3A_415 = arith.constant 0 : i32
    %dma_start3A_416 = tpu.memref_slice %arg12[%dma_start3A_415] : memref<6400xf32, #tpu.memory_space<vmem>> -> memref<3200xf32, #tpu.memory_space<vmem>>
    %dma_start3A_417 = arith.constant 0 : i32
    %dma_start3A_418 = tpu.memref_slice %arg10[%dma_start3A_417] : memref<6400xi32, #tpu.memory_space<vmem>> -> memref<3200xi32, #tpu.memory_space<vmem>>
    %dma_start3A_419 = arith.constant 0 : i32
    %dma_start3A_420 = tpu.memref_slice %arg15[%dma_start3A_419] : memref<1000000xf32, #tpu.memory_space<vmem_shared>> -> memref<1000000xf32, #tpu.memory_space<vmem_shared>>
    tpu.enqueue_indirect_dma source(%dma_start3A_420 : memref<1000000xf32, #tpu.memory_space<vmem_shared>>) target(%dma_start3A_416 : memref<3200xf32, #tpu.memory_space<vmem>>) offsets(%dma_start3A_418 : memref<3200xi32, #tpu.memory_space<vmem>>) semaphore(%arg21 : memref<!tpu.dma_semaphore, #tpu.memory_space<semaphore_mem>>)
    %dma_start3A_421 = arith.constant 3200 : i32
    %dma_start3A_422 = tpu.memref_slice %arg12[%dma_start3A_421] : memref<6400xf32, #tpu.memory_space<vmem>> -> memref<3200xf32, #tpu.memory_space<vmem>>
    %dma_start3A_423 = arith.constant 3200 : i32
    %dma_start3A_424 = tpu.memref_slice %arg10[%dma_start3A_423] : memref<6400xi32, #tpu.memory_space<vmem>> -> memref<3200xi32, #tpu.memory_space<vmem>>
    %dma_start3A_425 = arith.constant 0 : i32
    %dma_start3A_426 = tpu.memref_slice %arg15[%dma_start3A_425] : memref<1000000xf32, #tpu.memory_space<vmem_shared>> -> memref<1000000xf32, #tpu.memory_space<vmem_shared>>
    tpu.enqueue_indirect_dma source(%dma_start3A_426 : memref<1000000xf32, #tpu.memory_space<vmem_shared>>) target(%dma_start3A_422 : memref<3200xf32, #tpu.memory_space<vmem>>) offsets(%dma_start3A_424 : memref<3200xi32, #tpu.memory_space<vmem>>) semaphore(%arg21 : memref<!tpu.dma_semaphore, #tpu.memory_space<semaphore_mem>>)
    %dma_start3A_427 = tpu.memref_slice %arg3[%add3A_414] : memref<1638400xf32, #tpu.memory_space<hbm>> -> memref<6400xf32, #tpu.memory_space<hbm>>
    %dma_start3A_428 = tpu.memref_slice %arg3[%add3A_414] : memref<1638400xf32, #tpu.memory_space<hbm>> -> memref<6400xf32, #tpu.memory_space<hbm>>
    tpu.enqueue_dma source(%dma_start3A_428 : memref<6400xf32, #tpu.memory_space<hbm>>) target(%arg11 : memref<6400xf32, #tpu.memory_space<vmem>>) target_semaphore(%arg20 : memref<!tpu.dma_semaphore, #tpu.memory_space<semaphore_mem>>)
    %dma_wait3A_429 = arith.constant 0 : i32
    %dma_wait3A_430 = tpu.memref_slice %arg9[%dma_wait3A_429] : memref<6400xf32, #tpu.memory_space<vmem>> -> memref<3200xf32, #tpu.memory_space<vmem>>
    %dma_wait3A_431 = arith.constant 0 : i32
    %dma_wait3A_432 = tpu.memref_slice %arg7[%dma_wait3A_431] : memref<6400xi32, #tpu.memory_space<vmem>> -> memref<3200xi32, #tpu.memory_space<vmem>>
    %dma_wait3A_433 = arith.constant 0 : i32
    %dma_wait3A_434 = tpu.memref_slice %arg15[%dma_wait3A_433] : memref<1000000xf32, #tpu.memory_space<vmem_shared>> -> memref<1000000xf32, #tpu.memory_space<vmem_shared>>
    tpu.wait_indirect_dma semaphore(%arg18 : memref<!tpu.dma_semaphore, #tpu.memory_space<semaphore_mem>>) src(%dma_wait3A_434 : memref<1000000xf32, #tpu.memory_space<vmem_shared>>) dst(%dma_wait3A_430 : memref<3200xf32, #tpu.memory_space<vmem>>)
    %dma_wait3A_435 = arith.constant 3200 : i32
    %dma_wait3A_436 = tpu.memref_slice %arg9[%dma_wait3A_435] : memref<6400xf32, #tpu.memory_space<vmem>> -> memref<3200xf32, #tpu.memory_space<vmem>>
    %dma_wait3A_437 = arith.constant 3200 : i32
    %dma_wait3A_438 = tpu.memref_slice %arg7[%dma_wait3A_437] : memref<6400xi32, #tpu.memory_space<vmem>> -> memref<3200xi32, #tpu.memory_space<vmem>>
    %dma_wait3A_439 = arith.constant 0 : i32
    %dma_wait3A_440 = tpu.memref_slice %arg15[%dma_wait3A_439] : memref<1000000xf32, #tpu.memory_space<vmem_shared>> -> memref<1000000xf32, #tpu.memory_space<vmem_shared>>
    tpu.wait_indirect_dma semaphore(%arg18 : memref<!tpu.dma_semaphore, #tpu.memory_space<semaphore_mem>>) src(%dma_wait3A_440 : memref<1000000xf32, #tpu.memory_space<vmem_shared>>) dst(%dma_wait3A_436 : memref<3200xf32, #tpu.memory_space<vmem>>)
    %dma_wait3A_441 = tpu.memref_slice %arg3[%add3A_342] : memref<1638400xf32, #tpu.memory_space<hbm>> -> memref<6400xf32, #tpu.memory_space<hbm>>
    %dma_wait3A_442 = tpu.memref_slice %arg3[%add3A_342] : memref<1638400xf32, #tpu.memory_space<hbm>> -> memref<6400xf32, #tpu.memory_space<hbm>>
    tpu.wait_dma2 semaphore(%arg17 : memref<!tpu.dma_semaphore, #tpu.memory_space<semaphore_mem>>) src(%dma_wait3A_442 : memref<6400xf32, #tpu.memory_space<hbm>>) dst(%arg8 : memref<6400xf32, #tpu.memory_space<vmem>>)
    %mul3A_443 = arith.constant 51200 : i32
    %mul3A_444 = arith.muli %add3A, %mul3A_443 : i32
    %add3A_445 = arith.constant 38400 : i32
    %add3A_446 = arith.addi %mul3A_444, %add3A_445 : i32
    %dma_start3A_447 = tpu.memref_slice %arg2[%add3A_446] : memref<1638400xi32, #tpu.memory_space<hbm>> -> memref<6400xi32, #tpu.memory_space<hbm>>
    %dma_start3A_448 = tpu.memref_slice %arg2[%add3A_446] : memref<1638400xi32, #tpu.memory_space<hbm>> -> memref<6400xi32, #tpu.memory_space<hbm>>
    tpu.enqueue_dma source(%dma_start3A_448 : memref<6400xi32, #tpu.memory_space<hbm>>) target(%arg7 : memref<6400xi32, #tpu.memory_space<vmem>>) target_semaphore(%arg16 : memref<!tpu.dma_semaphore, #tpu.memory_space<semaphore_mem>>)
    %scan3A_449 = arith.constant 0 : i32
    %scan3A_450 = arith.constant 25 : i32
    %scan3A_451 = arith.addi %scan3A_449, %scan3A_450 : i32
    %scan3A_452 = arith.constant 1 : i32
    %scan3A_453 = scf.for %scan3A_667 = %scan3A_449 to %scan3A_451 step %scan3A_452 iter_args(%scan3A_668 = %get3A_92) -> (vector<16xf32>)  : i32 {
      %mul3A_669 = arith.constant 4 : i32
      %mul3A_670 = arith.muli %scan3A_667, %mul3A_669 : i32
      %add3A_671 = arith.constant 0 : i32
      %add3A_672 = arith.addi %add3A_671, %mul3A_670 : i32
      %add3A_673 = arith.constant 0 : i32
      %add3A_674 = arith.addi %add3A_672, %add3A_673 : i32
      %add3A_675 = vector.broadcast %add3A_674 : i32 to vector<16xi32>
      %add3A_676 = arith.addi %mul3A_91, %add3A_675 : vector<16xi32>
      %gather3A = tpu.vector_load_idx %arg9[%add3A_676] : memref<6400xf32, #tpu.memory_space<vmem>>[vector<16xi32>], vector<16xf32>,
      %gather3A_677 = tpu.vector_load_idx %arg8[%add3A_676] : memref<6400xf32, #tpu.memory_space<vmem>>[vector<16xi32>], vector<16xf32>,
      %mul3A_678 = arith.mulf %gather3A, %gather3A_677 : vector<16xf32>
      %add3A_679 = arith.addf %scan3A_668, %mul3A_678 : vector<16xf32>
      %mul3A_680 = arith.constant 4 : i32
      %mul3A_681 = arith.muli %scan3A_667, %mul3A_680 : i32
      %add3A_682 = arith.constant 0 : i32
      %add3A_683 = arith.addi %add3A_682, %mul3A_681 : i32
      %add3A_684 = arith.constant 1 : i32
      %add3A_685 = arith.addi %add3A_683, %add3A_684 : i32
      %add3A_686 = vector.broadcast %add3A_685 : i32 to vector<16xi32>
      %add3A_687 = arith.addi %mul3A_91, %add3A_686 : vector<16xi32>
      %gather3A_688 = tpu.vector_load_idx %arg9[%add3A_687] : memref<6400xf32, #tpu.memory_space<vmem>>[vector<16xi32>], vector<16xf32>,
      %gather3A_689 = tpu.vector_load_idx %arg8[%add3A_687] : memref<6400xf32, #tpu.memory_space<vmem>>[vector<16xi32>], vector<16xf32>,
      %mul3A_690 = arith.mulf %gather3A_688, %gather3A_689 : vector<16xf32>
      %add3A_691 = arith.addf %add3A_679, %mul3A_690 : vector<16xf32>
      %mul3A_692 = arith.constant 4 : i32
      %mul3A_693 = arith.muli %scan3A_667, %mul3A_692 : i32
      %add3A_694 = arith.constant 0 : i32
      %add3A_695 = arith.addi %add3A_694, %mul3A_693 : i32
      %add3A_696 = arith.constant 2 : i32
      %add3A_697 = arith.addi %add3A_695, %add3A_696 : i32
      %add3A_698 = vector.broadcast %add3A_697 : i32 to vector<16xi32>
      %add3A_699 = arith.addi %mul3A_91, %add3A_698 : vector<16xi32>
      %gather3A_700 = tpu.vector_load_idx %arg9[%add3A_699] : memref<6400xf32, #tpu.memory_space<vmem>>[vector<16xi32>], vector<16xf32>,
      %gather3A_701 = tpu.vector_load_idx %arg8[%add3A_699] : memref<6400xf32, #tpu.memory_space<vmem>>[vector<16xi32>], vector<16xf32>,
      %mul3A_702 = arith.mulf %gather3A_700, %gather3A_701 : vector<16xf32>
      %add3A_703 = arith.addf %add3A_691, %mul3A_702 : vector<16xf32>
      %mul3A_704 = arith.constant 4 : i32
      %mul3A_705 = arith.muli %scan3A_667, %mul3A_704 : i32
      %add3A_706 = arith.constant 0 : i32
      %add3A_707 = arith.addi %add3A_706, %mul3A_705 : i32
      %add3A_708 = arith.constant 3 : i32
      %add3A_709 = arith.addi %add3A_707, %add3A_708 : i32
      %add3A_710 = vector.broadcast %add3A_709 : i32 to vector<16xi32>
      %add3A_711 = arith.addi %mul3A_91, %add3A_710 : vector<16xi32>
      %gather3A_712 = tpu.vector_load_idx %arg9[%add3A_711] : memref<6400xf32, #tpu.memory_space<vmem>>[vector<16xi32>], vector<16xf32>,
      %gather3A_713 = tpu.vector_load_idx %arg8[%add3A_711] : memref<6400xf32, #tpu.memory_space<vmem>>[vector<16xi32>], vector<16xf32>,
      %mul3A_714 = arith.mulf %gather3A_712, %gather3A_713 : vector<16xf32>
      %add3A_715 = arith.addf %add3A_703, %mul3A_714 : vector<16xf32>
      scf.yield %add3A_715 : vector<16xf32>
    }
    %scan3A_454 = arith.constant 25 : i32
    %swap3A_455 = arith.constant 256 : index
    %swap3A_456 = tpu.vector_load %arg13[%swap3A_455] {strides = array<i32>} : memref<512xf32, #tpu.memory_space<vmem>>, vector<16xf32>,
    tpu.vector_store %arg13[%swap3A_455], %scan3A_453 {strides = array<i32>} : memref<512xf32, #tpu.memory_space<vmem>>, vector<16xf32>,
    %scan3A_457 = arith.constant 0 : i32
    %scan3A_458 = arith.constant 25 : i32
    %scan3A_459 = arith.addi %scan3A_457, %scan3A_458 : i32
    %scan3A_460 = arith.constant 1 : i32
    %scan3A_461 = scf.for %scan3A_667 = %scan3A_457 to %scan3A_459 step %scan3A_460 iter_args(%scan3A_668 = %get3A_92) -> (vector<16xf32>)  : i32 {
      %mul3A_669 = arith.constant 4 : i32
      %mul3A_670 = arith.muli %scan3A_667, %mul3A_669 : i32
      %add3A_671 = arith.constant 1600 : i32
      %add3A_672 = arith.addi %add3A_671, %mul3A_670 : i32
      %add3A_673 = arith.constant 0 : i32
      %add3A_674 = arith.addi %add3A_672, %add3A_673 : i32
      %add3A_675 = vector.broadcast %add3A_674 : i32 to vector<16xi32>
      %add3A_676 = arith.addi %mul3A_91, %add3A_675 : vector<16xi32>
      %gather3A = tpu.vector_load_idx %arg9[%add3A_676] : memref<6400xf32, #tpu.memory_space<vmem>>[vector<16xi32>], vector<16xf32>,
      %gather3A_677 = tpu.vector_load_idx %arg8[%add3A_676] : memref<6400xf32, #tpu.memory_space<vmem>>[vector<16xi32>], vector<16xf32>,
      %mul3A_678 = arith.mulf %gather3A, %gather3A_677 : vector<16xf32>
      %add3A_679 = arith.addf %scan3A_668, %mul3A_678 : vector<16xf32>
      %mul3A_680 = arith.constant 4 : i32
      %mul3A_681 = arith.muli %scan3A_667, %mul3A_680 : i32
      %add3A_682 = arith.constant 1600 : i32
      %add3A_683 = arith.addi %add3A_682, %mul3A_681 : i32
      %add3A_684 = arith.constant 1 : i32
      %add3A_685 = arith.addi %add3A_683, %add3A_684 : i32
      %add3A_686 = vector.broadcast %add3A_685 : i32 to vector<16xi32>
      %add3A_687 = arith.addi %mul3A_91, %add3A_686 : vector<16xi32>
      %gather3A_688 = tpu.vector_load_idx %arg9[%add3A_687] : memref<6400xf32, #tpu.memory_space<vmem>>[vector<16xi32>], vector<16xf32>,
      %gather3A_689 = tpu.vector_load_idx %arg8[%add3A_687] : memref<6400xf32, #tpu.memory_space<vmem>>[vector<16xi32>], vector<16xf32>,
      %mul3A_690 = arith.mulf %gather3A_688, %gather3A_689 : vector<16xf32>
      %add3A_691 = arith.addf %add3A_679, %mul3A_690 : vector<16xf32>
      %mul3A_692 = arith.constant 4 : i32
      %mul3A_693 = arith.muli %scan3A_667, %mul3A_692 : i32
      %add3A_694 = arith.constant 1600 : i32
      %add3A_695 = arith.addi %add3A_694, %mul3A_693 : i32
      %add3A_696 = arith.constant 2 : i32
      %add3A_697 = arith.addi %add3A_695, %add3A_696 : i32
      %add3A_698 = vector.broadcast %add3A_697 : i32 to vector<16xi32>
      %add3A_699 = arith.addi %mul3A_91, %add3A_698 : vector<16xi32>
      %gather3A_700 = tpu.vector_load_idx %arg9[%add3A_699] : memref<6400xf32, #tpu.memory_space<vmem>>[vector<16xi32>], vector<16xf32>,
      %gather3A_701 = tpu.vector_load_idx %arg8[%add3A_699] : memref<6400xf32, #tpu.memory_space<vmem>>[vector<16xi32>], vector<16xf32>,
      %mul3A_702 = arith.mulf %gather3A_700, %gather3A_701 : vector<16xf32>
      %add3A_703 = arith.addf %add3A_691, %mul3A_702 : vector<16xf32>
      %mul3A_704 = arith.constant 4 : i32
      %mul3A_705 = arith.muli %scan3A_667, %mul3A_704 : i32
      %add3A_706 = arith.constant 1600 : i32
      %add3A_707 = arith.addi %add3A_706, %mul3A_705 : i32
      %add3A_708 = arith.constant 3 : i32
      %add3A_709 = arith.addi %add3A_707, %add3A_708 : i32
      %add3A_710 = vector.broadcast %add3A_709 : i32 to vector<16xi32>
      %add3A_711 = arith.addi %mul3A_91, %add3A_710 : vector<16xi32>
      %gather3A_712 = tpu.vector_load_idx %arg9[%add3A_711] : memref<6400xf32, #tpu.memory_space<vmem>>[vector<16xi32>], vector<16xf32>,
      %gather3A_713 = tpu.vector_load_idx %arg8[%add3A_711] : memref<6400xf32, #tpu.memory_space<vmem>>[vector<16xi32>], vector<16xf32>,
      %mul3A_714 = arith.mulf %gather3A_712, %gather3A_713 : vector<16xf32>
      %add3A_715 = arith.addf %add3A_703, %mul3A_714 : vector<16xf32>
      scf.yield %add3A_715 : vector<16xf32>
    }
    %scan3A_462 = arith.constant 25 : i32
    %swap3A_463 = arith.constant 272 : index
    %swap3A_464 = tpu.vector_load %arg13[%swap3A_463] {strides = array<i32>} : memref<512xf32, #tpu.memory_space<vmem>>, vector<16xf32>,
    tpu.vector_store %arg13[%swap3A_463], %scan3A_461 {strides = array<i32>} : memref<512xf32, #tpu.memory_space<vmem>>, vector<16xf32>,
    %scan3A_465 = arith.constant 0 : i32
    %scan3A_466 = arith.constant 25 : i32
    %scan3A_467 = arith.addi %scan3A_465, %scan3A_466 : i32
    %scan3A_468 = arith.constant 1 : i32
    %scan3A_469 = scf.for %scan3A_667 = %scan3A_465 to %scan3A_467 step %scan3A_468 iter_args(%scan3A_668 = %get3A_92) -> (vector<16xf32>)  : i32 {
      %mul3A_669 = arith.constant 4 : i32
      %mul3A_670 = arith.muli %scan3A_667, %mul3A_669 : i32
      %add3A_671 = arith.constant 3200 : i32
      %add3A_672 = arith.addi %add3A_671, %mul3A_670 : i32
      %add3A_673 = arith.constant 0 : i32
      %add3A_674 = arith.addi %add3A_672, %add3A_673 : i32
      %add3A_675 = vector.broadcast %add3A_674 : i32 to vector<16xi32>
      %add3A_676 = arith.addi %mul3A_91, %add3A_675 : vector<16xi32>
      %gather3A = tpu.vector_load_idx %arg9[%add3A_676] : memref<6400xf32, #tpu.memory_space<vmem>>[vector<16xi32>], vector<16xf32>,
      %gather3A_677 = tpu.vector_load_idx %arg8[%add3A_676] : memref<6400xf32, #tpu.memory_space<vmem>>[vector<16xi32>], vector<16xf32>,
      %mul3A_678 = arith.mulf %gather3A, %gather3A_677 : vector<16xf32>
      %add3A_679 = arith.addf %scan3A_668, %mul3A_678 : vector<16xf32>
      %mul3A_680 = arith.constant 4 : i32
      %mul3A_681 = arith.muli %scan3A_667, %mul3A_680 : i32
      %add3A_682 = arith.constant 3200 : i32
      %add3A_683 = arith.addi %add3A_682, %mul3A_681 : i32
      %add3A_684 = arith.constant 1 : i32
      %add3A_685 = arith.addi %add3A_683, %add3A_684 : i32
      %add3A_686 = vector.broadcast %add3A_685 : i32 to vector<16xi32>
      %add3A_687 = arith.addi %mul3A_91, %add3A_686 : vector<16xi32>
      %gather3A_688 = tpu.vector_load_idx %arg9[%add3A_687] : memref<6400xf32, #tpu.memory_space<vmem>>[vector<16xi32>], vector<16xf32>,
      %gather3A_689 = tpu.vector_load_idx %arg8[%add3A_687] : memref<6400xf32, #tpu.memory_space<vmem>>[vector<16xi32>], vector<16xf32>,
      %mul3A_690 = arith.mulf %gather3A_688, %gather3A_689 : vector<16xf32>
      %add3A_691 = arith.addf %add3A_679, %mul3A_690 : vector<16xf32>
      %mul3A_692 = arith.constant 4 : i32
      %mul3A_693 = arith.muli %scan3A_667, %mul3A_692 : i32
      %add3A_694 = arith.constant 3200 : i32
      %add3A_695 = arith.addi %add3A_694, %mul3A_693 : i32
      %add3A_696 = arith.constant 2 : i32
      %add3A_697 = arith.addi %add3A_695, %add3A_696 : i32
      %add3A_698 = vector.broadcast %add3A_697 : i32 to vector<16xi32>
      %add3A_699 = arith.addi %mul3A_91, %add3A_698 : vector<16xi32>
      %gather3A_700 = tpu.vector_load_idx %arg9[%add3A_699] : memref<6400xf32, #tpu.memory_space<vmem>>[vector<16xi32>], vector<16xf32>,
      %gather3A_701 = tpu.vector_load_idx %arg8[%add3A_699] : memref<6400xf32, #tpu.memory_space<vmem>>[vector<16xi32>], vector<16xf32>,
      %mul3A_702 = arith.mulf %gather3A_700, %gather3A_701 : vector<16xf32>
      %add3A_703 = arith.addf %add3A_691, %mul3A_702 : vector<16xf32>
      %mul3A_704 = arith.constant 4 : i32
      %mul3A_705 = arith.muli %scan3A_667, %mul3A_704 : i32
      %add3A_706 = arith.constant 3200 : i32
      %add3A_707 = arith.addi %add3A_706, %mul3A_705 : i32
      %add3A_708 = arith.constant 3 : i32
      %add3A_709 = arith.addi %add3A_707, %add3A_708 : i32
      %add3A_710 = vector.broadcast %add3A_709 : i32 to vector<16xi32>
      %add3A_711 = arith.addi %mul3A_91, %add3A_710 : vector<16xi32>
      %gather3A_712 = tpu.vector_load_idx %arg9[%add3A_711] : memref<6400xf32, #tpu.memory_space<vmem>>[vector<16xi32>], vector<16xf32>,
      %gather3A_713 = tpu.vector_load_idx %arg8[%add3A_711] : memref<6400xf32, #tpu.memory_space<vmem>>[vector<16xi32>], vector<16xf32>,
      %mul3A_714 = arith.mulf %gather3A_712, %gather3A_713 : vector<16xf32>
      %add3A_715 = arith.addf %add3A_703, %mul3A_714 : vector<16xf32>
      scf.yield %add3A_715 : vector<16xf32>
    }
    %scan3A_470 = arith.constant 25 : i32
    %swap3A_471 = arith.constant 288 : index
    %swap3A_472 = tpu.vector_load %arg13[%swap3A_471] {strides = array<i32>} : memref<512xf32, #tpu.memory_space<vmem>>, vector<16xf32>,
    tpu.vector_store %arg13[%swap3A_471], %scan3A_469 {strides = array<i32>} : memref<512xf32, #tpu.memory_space<vmem>>, vector<16xf32>,
    %scan3A_473 = arith.constant 0 : i32
    %scan3A_474 = arith.constant 25 : i32
    %scan3A_475 = arith.addi %scan3A_473, %scan3A_474 : i32
    %scan3A_476 = arith.constant 1 : i32
    %scan3A_477 = scf.for %scan3A_667 = %scan3A_473 to %scan3A_475 step %scan3A_476 iter_args(%scan3A_668 = %get3A_92) -> (vector<16xf32>)  : i32 {
      %mul3A_669 = arith.constant 4 : i32
      %mul3A_670 = arith.muli %scan3A_667, %mul3A_669 : i32
      %add3A_671 = arith.constant 4800 : i32
      %add3A_672 = arith.addi %add3A_671, %mul3A_670 : i32
      %add3A_673 = arith.constant 0 : i32
      %add3A_674 = arith.addi %add3A_672, %add3A_673 : i32
      %add3A_675 = vector.broadcast %add3A_674 : i32 to vector<16xi32>
      %add3A_676 = arith.addi %mul3A_91, %add3A_675 : vector<16xi32>
      %gather3A = tpu.vector_load_idx %arg9[%add3A_676] : memref<6400xf32, #tpu.memory_space<vmem>>[vector<16xi32>], vector<16xf32>,
      %gather3A_677 = tpu.vector_load_idx %arg8[%add3A_676] : memref<6400xf32, #tpu.memory_space<vmem>>[vector<16xi32>], vector<16xf32>,
      %mul3A_678 = arith.mulf %gather3A, %gather3A_677 : vector<16xf32>
      %add3A_679 = arith.addf %scan3A_668, %mul3A_678 : vector<16xf32>
      %mul3A_680 = arith.constant 4 : i32
      %mul3A_681 = arith.muli %scan3A_667, %mul3A_680 : i32
      %add3A_682 = arith.constant 4800 : i32
      %add3A_683 = arith.addi %add3A_682, %mul3A_681 : i32
      %add3A_684 = arith.constant 1 : i32
      %add3A_685 = arith.addi %add3A_683, %add3A_684 : i32
      %add3A_686 = vector.broadcast %add3A_685 : i32 to vector<16xi32>
      %add3A_687 = arith.addi %mul3A_91, %add3A_686 : vector<16xi32>
      %gather3A_688 = tpu.vector_load_idx %arg9[%add3A_687] : memref<6400xf32, #tpu.memory_space<vmem>>[vector<16xi32>], vector<16xf32>,
      %gather3A_689 = tpu.vector_load_idx %arg8[%add3A_687] : memref<6400xf32, #tpu.memory_space<vmem>>[vector<16xi32>], vector<16xf32>,
      %mul3A_690 = arith.mulf %gather3A_688, %gather3A_689 : vector<16xf32>
      %add3A_691 = arith.addf %add3A_679, %mul3A_690 : vector<16xf32>
      %mul3A_692 = arith.constant 4 : i32
      %mul3A_693 = arith.muli %scan3A_667, %mul3A_692 : i32
      %add3A_694 = arith.constant 4800 : i32
      %add3A_695 = arith.addi %add3A_694, %mul3A_693 : i32
      %add3A_696 = arith.constant 2 : i32
      %add3A_697 = arith.addi %add3A_695, %add3A_696 : i32
      %add3A_698 = vector.broadcast %add3A_697 : i32 to vector<16xi32>
      %add3A_699 = arith.addi %mul3A_91, %add3A_698 : vector<16xi32>
      %gather3A_700 = tpu.vector_load_idx %arg9[%add3A_699] : memref<6400xf32, #tpu.memory_space<vmem>>[vector<16xi32>], vector<16xf32>,
      %gather3A_701 = tpu.vector_load_idx %arg8[%add3A_699] : memref<6400xf32, #tpu.memory_space<vmem>>[vector<16xi32>], vector<16xf32>,
      %mul3A_702 = arith.mulf %gather3A_700, %gather3A_701 : vector<16xf32>
      %add3A_703 = arith.addf %add3A_691, %mul3A_702 : vector<16xf32>
      %mul3A_704 = arith.constant 4 : i32
      %mul3A_705 = arith.muli %scan3A_667, %mul3A_704 : i32
      %add3A_706 = arith.constant 4800 : i32
      %add3A_707 = arith.addi %add3A_706, %mul3A_705 : i32
      %add3A_708 = arith.constant 3 : i32
      %add3A_709 = arith.addi %add3A_707, %add3A_708 : i32
      %add3A_710 = vector.broadcast %add3A_709 : i32 to vector<16xi32>
      %add3A_711 = arith.addi %mul3A_91, %add3A_710 : vector<16xi32>
      %gather3A_712 = tpu.vector_load_idx %arg9[%add3A_711] : memref<6400xf32, #tpu.memory_space<vmem>>[vector<16xi32>], vector<16xf32>,
      %gather3A_713 = tpu.vector_load_idx %arg8[%add3A_711] : memref<6400xf32, #tpu.memory_space<vmem>>[vector<16xi32>], vector<16xf32>,
      %mul3A_714 = arith.mulf %gather3A_712, %gather3A_713 : vector<16xf32>
      %add3A_715 = arith.addf %add3A_703, %mul3A_714 : vector<16xf32>
      scf.yield %add3A_715 : vector<16xf32>
    }
    %scan3A_478 = arith.constant 25 : i32
    %swap3A_479 = arith.constant 304 : index
    %swap3A_480 = tpu.vector_load %arg13[%swap3A_479] {strides = array<i32>} : memref<512xf32, #tpu.memory_space<vmem>>, vector<16xf32>,
    tpu.vector_store %arg13[%swap3A_479], %scan3A_477 {strides = array<i32>} : memref<512xf32, #tpu.memory_space<vmem>>, vector<16xf32>,
    %dma_wait3A_481 = tpu.memref_slice %arg2[%add3A_446] : memref<1638400xi32, #tpu.memory_space<hbm>> -> memref<6400xi32, #tpu.memory_space<hbm>>
    %dma_wait3A_482 = tpu.memref_slice %arg2[%add3A_446] : memref<1638400xi32, #tpu.memory_space<hbm>> -> memref<6400xi32, #tpu.memory_space<hbm>>
    tpu.wait_dma2 semaphore(%arg16 : memref<!tpu.dma_semaphore, #tpu.memory_space<semaphore_mem>>) src(%dma_wait3A_482 : memref<6400xi32, #tpu.memory_space<hbm>>) dst(%arg7 : memref<6400xi32, #tpu.memory_space<vmem>>)
    %mul3A_483 = arith.constant 51200 : i32
    %mul3A_484 = arith.muli %add3A, %mul3A_483 : i32
    %add3A_485 = arith.constant 38400 : i32
    %add3A_486 = arith.addi %mul3A_484, %add3A_485 : i32
    %dma_start3A_487 = arith.constant 0 : i32
    %dma_start3A_488 = tpu.memref_slice %arg9[%dma_start3A_487] : memref<6400xf32, #tpu.memory_space<vmem>> -> memref<3200xf32, #tpu.memory_space<vmem>>
    %dma_start3A_489 = arith.constant 0 : i32
    %dma_start3A_490 = tpu.memref_slice %arg7[%dma_start3A_489] : memref<6400xi32, #tpu.memory_space<vmem>> -> memref<3200xi32, #tpu.memory_space<vmem>>
    %dma_start3A_491 = arith.constant 0 : i32
    %dma_start3A_492 = tpu.memref_slice %arg15[%dma_start3A_491] : memref<1000000xf32, #tpu.memory_space<vmem_shared>> -> memref<1000000xf32, #tpu.memory_space<vmem_shared>>
    tpu.enqueue_indirect_dma source(%dma_start3A_492 : memref<1000000xf32, #tpu.memory_space<vmem_shared>>) target(%dma_start3A_488 : memref<3200xf32, #tpu.memory_space<vmem>>) offsets(%dma_start3A_490 : memref<3200xi32, #tpu.memory_space<vmem>>) semaphore(%arg18 : memref<!tpu.dma_semaphore, #tpu.memory_space<semaphore_mem>>)
    %dma_start3A_493 = arith.constant 3200 : i32
    %dma_start3A_494 = tpu.memref_slice %arg9[%dma_start3A_493] : memref<6400xf32, #tpu.memory_space<vmem>> -> memref<3200xf32, #tpu.memory_space<vmem>>
    %dma_start3A_495 = arith.constant 3200 : i32
    %dma_start3A_496 = tpu.memref_slice %arg7[%dma_start3A_495] : memref<6400xi32, #tpu.memory_space<vmem>> -> memref<3200xi32, #tpu.memory_space<vmem>>
    %dma_start3A_497 = arith.constant 0 : i32
    %dma_start3A_498 = tpu.memref_slice %arg15[%dma_start3A_497] : memref<1000000xf32, #tpu.memory_space<vmem_shared>> -> memref<1000000xf32, #tpu.memory_space<vmem_shared>>
    tpu.enqueue_indirect_dma source(%dma_start3A_498 : memref<1000000xf32, #tpu.memory_space<vmem_shared>>) target(%dma_start3A_494 : memref<3200xf32, #tpu.memory_space<vmem>>) offsets(%dma_start3A_496 : memref<3200xi32, #tpu.memory_space<vmem>>) semaphore(%arg18 : memref<!tpu.dma_semaphore, #tpu.memory_space<semaphore_mem>>)
    %dma_start3A_499 = tpu.memref_slice %arg3[%add3A_486] : memref<1638400xf32, #tpu.memory_space<hbm>> -> memref<6400xf32, #tpu.memory_space<hbm>>
    %dma_start3A_500 = tpu.memref_slice %arg3[%add3A_486] : memref<1638400xf32, #tpu.memory_space<hbm>> -> memref<6400xf32, #tpu.memory_space<hbm>>
    tpu.enqueue_dma source(%dma_start3A_500 : memref<6400xf32, #tpu.memory_space<hbm>>) target(%arg8 : memref<6400xf32, #tpu.memory_space<vmem>>) target_semaphore(%arg17 : memref<!tpu.dma_semaphore, #tpu.memory_space<semaphore_mem>>)
    %dma_wait3A_501 = arith.constant 0 : i32
    %dma_wait3A_502 = tpu.memref_slice %arg12[%dma_wait3A_501] : memref<6400xf32, #tpu.memory_space<vmem>> -> memref<3200xf32, #tpu.memory_space<vmem>>
    %dma_wait3A_503 = arith.constant 0 : i32
    %dma_wait3A_504 = tpu.memref_slice %arg10[%dma_wait3A_503] : memref<6400xi32, #tpu.memory_space<vmem>> -> memref<3200xi32, #tpu.memory_space<vmem>>
    %dma_wait3A_505 = arith.constant 0 : i32
    %dma_wait3A_506 = tpu.memref_slice %arg15[%dma_wait3A_505] : memref<1000000xf32, #tpu.memory_space<vmem_shared>> -> memref<1000000xf32, #tpu.memory_space<vmem_shared>>
    tpu.wait_indirect_dma semaphore(%arg21 : memref<!tpu.dma_semaphore, #tpu.memory_space<semaphore_mem>>) src(%dma_wait3A_506 : memref<1000000xf32, #tpu.memory_space<vmem_shared>>) dst(%dma_wait3A_502 : memref<3200xf32, #tpu.memory_space<vmem>>)
    %dma_wait3A_507 = arith.constant 3200 : i32
    %dma_wait3A_508 = tpu.memref_slice %arg12[%dma_wait3A_507] : memref<6400xf32, #tpu.memory_space<vmem>> -> memref<3200xf32, #tpu.memory_space<vmem>>
    %dma_wait3A_509 = arith.constant 3200 : i32
    %dma_wait3A_510 = tpu.memref_slice %arg10[%dma_wait3A_509] : memref<6400xi32, #tpu.memory_space<vmem>> -> memref<3200xi32, #tpu.memory_space<vmem>>
    %dma_wait3A_511 = arith.constant 0 : i32
    %dma_wait3A_512 = tpu.memref_slice %arg15[%dma_wait3A_511] : memref<1000000xf32, #tpu.memory_space<vmem_shared>> -> memref<1000000xf32, #tpu.memory_space<vmem_shared>>
    tpu.wait_indirect_dma semaphore(%arg21 : memref<!tpu.dma_semaphore, #tpu.memory_space<semaphore_mem>>) src(%dma_wait3A_512 : memref<1000000xf32, #tpu.memory_space<vmem_shared>>) dst(%dma_wait3A_508 : memref<3200xf32, #tpu.memory_space<vmem>>)
    %dma_wait3A_513 = tpu.memref_slice %arg3[%add3A_414] : memref<1638400xf32, #tpu.memory_space<hbm>> -> memref<6400xf32, #tpu.memory_space<hbm>>
    %dma_wait3A_514 = tpu.memref_slice %arg3[%add3A_414] : memref<1638400xf32, #tpu.memory_space<hbm>> -> memref<6400xf32, #tpu.memory_space<hbm>>
    tpu.wait_dma2 semaphore(%arg20 : memref<!tpu.dma_semaphore, #tpu.memory_space<semaphore_mem>>) src(%dma_wait3A_514 : memref<6400xf32, #tpu.memory_space<hbm>>) dst(%arg11 : memref<6400xf32, #tpu.memory_space<vmem>>)
    %mul3A_515 = arith.constant 51200 : i32
    %mul3A_516 = arith.muli %add3A, %mul3A_515 : i32
    %add3A_517 = arith.constant 44800 : i32
    %add3A_518 = arith.addi %mul3A_516, %add3A_517 : i32
    %dma_start3A_519 = tpu.memref_slice %arg2[%add3A_518] : memref<1638400xi32, #tpu.memory_space<hbm>> -> memref<6400xi32, #tpu.memory_space<hbm>>
    %dma_start3A_520 = tpu.memref_slice %arg2[%add3A_518] : memref<1638400xi32, #tpu.memory_space<hbm>> -> memref<6400xi32, #tpu.memory_space<hbm>>
    tpu.enqueue_dma source(%dma_start3A_520 : memref<6400xi32, #tpu.memory_space<hbm>>) target(%arg10 : memref<6400xi32, #tpu.memory_space<vmem>>) target_semaphore(%arg19 : memref<!tpu.dma_semaphore, #tpu.memory_space<semaphore_mem>>)
    %scan3A_521 = arith.constant 0 : i32
    %scan3A_522 = arith.constant 25 : i32
    %scan3A_523 = arith.addi %scan3A_521, %scan3A_522 : i32
    %scan3A_524 = arith.constant 1 : i32
    %scan3A_525 = scf.for %scan3A_667 = %scan3A_521 to %scan3A_523 step %scan3A_524 iter_args(%scan3A_668 = %get3A_92) -> (vector<16xf32>)  : i32 {
      %mul3A_669 = arith.constant 4 : i32
      %mul3A_670 = arith.muli %scan3A_667, %mul3A_669 : i32
      %add3A_671 = arith.constant 0 : i32
      %add3A_672 = arith.addi %add3A_671, %mul3A_670 : i32
      %add3A_673 = arith.constant 0 : i32
      %add3A_674 = arith.addi %add3A_672, %add3A_673 : i32
      %add3A_675 = vector.broadcast %add3A_674 : i32 to vector<16xi32>
      %add3A_676 = arith.addi %mul3A_91, %add3A_675 : vector<16xi32>
      %gather3A = tpu.vector_load_idx %arg12[%add3A_676] : memref<6400xf32, #tpu.memory_space<vmem>>[vector<16xi32>], vector<16xf32>,
      %gather3A_677 = tpu.vector_load_idx %arg11[%add3A_676] : memref<6400xf32, #tpu.memory_space<vmem>>[vector<16xi32>], vector<16xf32>,
      %mul3A_678 = arith.mulf %gather3A, %gather3A_677 : vector<16xf32>
      %add3A_679 = arith.addf %scan3A_668, %mul3A_678 : vector<16xf32>
      %mul3A_680 = arith.constant 4 : i32
      %mul3A_681 = arith.muli %scan3A_667, %mul3A_680 : i32
      %add3A_682 = arith.constant 0 : i32
      %add3A_683 = arith.addi %add3A_682, %mul3A_681 : i32
      %add3A_684 = arith.constant 1 : i32
      %add3A_685 = arith.addi %add3A_683, %add3A_684 : i32
      %add3A_686 = vector.broadcast %add3A_685 : i32 to vector<16xi32>
      %add3A_687 = arith.addi %mul3A_91, %add3A_686 : vector<16xi32>
      %gather3A_688 = tpu.vector_load_idx %arg12[%add3A_687] : memref<6400xf32, #tpu.memory_space<vmem>>[vector<16xi32>], vector<16xf32>,
      %gather3A_689 = tpu.vector_load_idx %arg11[%add3A_687] : memref<6400xf32, #tpu.memory_space<vmem>>[vector<16xi32>], vector<16xf32>,
      %mul3A_690 = arith.mulf %gather3A_688, %gather3A_689 : vector<16xf32>
      %add3A_691 = arith.addf %add3A_679, %mul3A_690 : vector<16xf32>
      %mul3A_692 = arith.constant 4 : i32
      %mul3A_693 = arith.muli %scan3A_667, %mul3A_692 : i32
      %add3A_694 = arith.constant 0 : i32
      %add3A_695 = arith.addi %add3A_694, %mul3A_693 : i32
      %add3A_696 = arith.constant 2 : i32
      %add3A_697 = arith.addi %add3A_695, %add3A_696 : i32
      %add3A_698 = vector.broadcast %add3A_697 : i32 to vector<16xi32>
      %add3A_699 = arith.addi %mul3A_91, %add3A_698 : vector<16xi32>
      %gather3A_700 = tpu.vector_load_idx %arg12[%add3A_699] : memref<6400xf32, #tpu.memory_space<vmem>>[vector<16xi32>], vector<16xf32>,
      %gather3A_701 = tpu.vector_load_idx %arg11[%add3A_699] : memref<6400xf32, #tpu.memory_space<vmem>>[vector<16xi32>], vector<16xf32>,
      %mul3A_702 = arith.mulf %gather3A_700, %gather3A_701 : vector<16xf32>
      %add3A_703 = arith.addf %add3A_691, %mul3A_702 : vector<16xf32>
      %mul3A_704 = arith.constant 4 : i32
      %mul3A_705 = arith.muli %scan3A_667, %mul3A_704 : i32
      %add3A_706 = arith.constant 0 : i32
      %add3A_707 = arith.addi %add3A_706, %mul3A_705 : i32
      %add3A_708 = arith.constant 3 : i32
      %add3A_709 = arith.addi %add3A_707, %add3A_708 : i32
      %add3A_710 = vector.broadcast %add3A_709 : i32 to vector<16xi32>
      %add3A_711 = arith.addi %mul3A_91, %add3A_710 : vector<16xi32>
      %gather3A_712 = tpu.vector_load_idx %arg12[%add3A_711] : memref<6400xf32, #tpu.memory_space<vmem>>[vector<16xi32>], vector<16xf32>,
      %gather3A_713 = tpu.vector_load_idx %arg11[%add3A_711] : memref<6400xf32, #tpu.memory_space<vmem>>[vector<16xi32>], vector<16xf32>,
      %mul3A_714 = arith.mulf %gather3A_712, %gather3A_713 : vector<16xf32>
      %add3A_715 = arith.addf %add3A_703, %mul3A_714 : vector<16xf32>
      scf.yield %add3A_715 : vector<16xf32>
    }
    %scan3A_526 = arith.constant 25 : i32
    %swap3A_527 = arith.constant 320 : index
    %swap3A_528 = tpu.vector_load %arg13[%swap3A_527] {strides = array<i32>} : memref<512xf32, #tpu.memory_space<vmem>>, vector<16xf32>,
    tpu.vector_store %arg13[%swap3A_527], %scan3A_525 {strides = array<i32>} : memref<512xf32, #tpu.memory_space<vmem>>, vector<16xf32>,
    %scan3A_529 = arith.constant 0 : i32
    %scan3A_530 = arith.constant 25 : i32
    %scan3A_531 = arith.addi %scan3A_529, %scan3A_530 : i32
    %scan3A_532 = arith.constant 1 : i32
    %scan3A_533 = scf.for %scan3A_667 = %scan3A_529 to %scan3A_531 step %scan3A_532 iter_args(%scan3A_668 = %get3A_92) -> (vector<16xf32>)  : i32 {
      %mul3A_669 = arith.constant 4 : i32
      %mul3A_670 = arith.muli %scan3A_667, %mul3A_669 : i32
      %add3A_671 = arith.constant 1600 : i32
      %add3A_672 = arith.addi %add3A_671, %mul3A_670 : i32
      %add3A_673 = arith.constant 0 : i32
      %add3A_674 = arith.addi %add3A_672, %add3A_673 : i32
      %add3A_675 = vector.broadcast %add3A_674 : i32 to vector<16xi32>
      %add3A_676 = arith.addi %mul3A_91, %add3A_675 : vector<16xi32>
      %gather3A = tpu.vector_load_idx %arg12[%add3A_676] : memref<6400xf32, #tpu.memory_space<vmem>>[vector<16xi32>], vector<16xf32>,
      %gather3A_677 = tpu.vector_load_idx %arg11[%add3A_676] : memref<6400xf32, #tpu.memory_space<vmem>>[vector<16xi32>], vector<16xf32>,
      %mul3A_678 = arith.mulf %gather3A, %gather3A_677 : vector<16xf32>
      %add3A_679 = arith.addf %scan3A_668, %mul3A_678 : vector<16xf32>
      %mul3A_680 = arith.constant 4 : i32
      %mul3A_681 = arith.muli %scan3A_667, %mul3A_680 : i32
      %add3A_682 = arith.constant 1600 : i32
      %add3A_683 = arith.addi %add3A_682, %mul3A_681 : i32
      %add3A_684 = arith.constant 1 : i32
      %add3A_685 = arith.addi %add3A_683, %add3A_684 : i32
      %add3A_686 = vector.broadcast %add3A_685 : i32 to vector<16xi32>
      %add3A_687 = arith.addi %mul3A_91, %add3A_686 : vector<16xi32>
      %gather3A_688 = tpu.vector_load_idx %arg12[%add3A_687] : memref<6400xf32, #tpu.memory_space<vmem>>[vector<16xi32>], vector<16xf32>,
      %gather3A_689 = tpu.vector_load_idx %arg11[%add3A_687] : memref<6400xf32, #tpu.memory_space<vmem>>[vector<16xi32>], vector<16xf32>,
      %mul3A_690 = arith.mulf %gather3A_688, %gather3A_689 : vector<16xf32>
      %add3A_691 = arith.addf %add3A_679, %mul3A_690 : vector<16xf32>
      %mul3A_692 = arith.constant 4 : i32
      %mul3A_693 = arith.muli %scan3A_667, %mul3A_692 : i32
      %add3A_694 = arith.constant 1600 : i32
      %add3A_695 = arith.addi %add3A_694, %mul3A_693 : i32
      %add3A_696 = arith.constant 2 : i32
      %add3A_697 = arith.addi %add3A_695, %add3A_696 : i32
      %add3A_698 = vector.broadcast %add3A_697 : i32 to vector<16xi32>
      %add3A_699 = arith.addi %mul3A_91, %add3A_698 : vector<16xi32>
      %gather3A_700 = tpu.vector_load_idx %arg12[%add3A_699] : memref<6400xf32, #tpu.memory_space<vmem>>[vector<16xi32>], vector<16xf32>,
      %gather3A_701 = tpu.vector_load_idx %arg11[%add3A_699] : memref<6400xf32, #tpu.memory_space<vmem>>[vector<16xi32>], vector<16xf32>,
      %mul3A_702 = arith.mulf %gather3A_700, %gather3A_701 : vector<16xf32>
      %add3A_703 = arith.addf %add3A_691, %mul3A_702 : vector<16xf32>
      %mul3A_704 = arith.constant 4 : i32
      %mul3A_705 = arith.muli %scan3A_667, %mul3A_704 : i32
      %add3A_706 = arith.constant 1600 : i32
      %add3A_707 = arith.addi %add3A_706, %mul3A_705 : i32
      %add3A_708 = arith.constant 3 : i32
      %add3A_709 = arith.addi %add3A_707, %add3A_708 : i32
      %add3A_710 = vector.broadcast %add3A_709 : i32 to vector<16xi32>
      %add3A_711 = arith.addi %mul3A_91, %add3A_710 : vector<16xi32>
      %gather3A_712 = tpu.vector_load_idx %arg12[%add3A_711] : memref<6400xf32, #tpu.memory_space<vmem>>[vector<16xi32>], vector<16xf32>,
      %gather3A_713 = tpu.vector_load_idx %arg11[%add3A_711] : memref<6400xf32, #tpu.memory_space<vmem>>[vector<16xi32>], vector<16xf32>,
      %mul3A_714 = arith.mulf %gather3A_712, %gather3A_713 : vector<16xf32>
      %add3A_715 = arith.addf %add3A_703, %mul3A_714 : vector<16xf32>
      scf.yield %add3A_715 : vector<16xf32>
    }
    %scan3A_534 = arith.constant 25 : i32
    %swap3A_535 = arith.constant 336 : index
    %swap3A_536 = tpu.vector_load %arg13[%swap3A_535] {strides = array<i32>} : memref<512xf32, #tpu.memory_space<vmem>>, vector<16xf32>,
    tpu.vector_store %arg13[%swap3A_535], %scan3A_533 {strides = array<i32>} : memref<512xf32, #tpu.memory_space<vmem>>, vector<16xf32>,
    %scan3A_537 = arith.constant 0 : i32
    %scan3A_538 = arith.constant 25 : i32
    %scan3A_539 = arith.addi %scan3A_537, %scan3A_538 : i32
    %scan3A_540 = arith.constant 1 : i32
    %scan3A_541 = scf.for %scan3A_667 = %scan3A_537 to %scan3A_539 step %scan3A_540 iter_args(%scan3A_668 = %get3A_92) -> (vector<16xf32>)  : i32 {
      %mul3A_669 = arith.constant 4 : i32
      %mul3A_670 = arith.muli %scan3A_667, %mul3A_669 : i32
      %add3A_671 = arith.constant 3200 : i32
      %add3A_672 = arith.addi %add3A_671, %mul3A_670 : i32
      %add3A_673 = arith.constant 0 : i32
      %add3A_674 = arith.addi %add3A_672, %add3A_673 : i32
      %add3A_675 = vector.broadcast %add3A_674 : i32 to vector<16xi32>
      %add3A_676 = arith.addi %mul3A_91, %add3A_675 : vector<16xi32>
      %gather3A = tpu.vector_load_idx %arg12[%add3A_676] : memref<6400xf32, #tpu.memory_space<vmem>>[vector<16xi32>], vector<16xf32>,
      %gather3A_677 = tpu.vector_load_idx %arg11[%add3A_676] : memref<6400xf32, #tpu.memory_space<vmem>>[vector<16xi32>], vector<16xf32>,
      %mul3A_678 = arith.mulf %gather3A, %gather3A_677 : vector<16xf32>
      %add3A_679 = arith.addf %scan3A_668, %mul3A_678 : vector<16xf32>
      %mul3A_680 = arith.constant 4 : i32
      %mul3A_681 = arith.muli %scan3A_667, %mul3A_680 : i32
      %add3A_682 = arith.constant 3200 : i32
      %add3A_683 = arith.addi %add3A_682, %mul3A_681 : i32
      %add3A_684 = arith.constant 1 : i32
      %add3A_685 = arith.addi %add3A_683, %add3A_684 : i32
      %add3A_686 = vector.broadcast %add3A_685 : i32 to vector<16xi32>
      %add3A_687 = arith.addi %mul3A_91, %add3A_686 : vector<16xi32>
      %gather3A_688 = tpu.vector_load_idx %arg12[%add3A_687] : memref<6400xf32, #tpu.memory_space<vmem>>[vector<16xi32>], vector<16xf32>,
      %gather3A_689 = tpu.vector_load_idx %arg11[%add3A_687] : memref<6400xf32, #tpu.memory_space<vmem>>[vector<16xi32>], vector<16xf32>,
      %mul3A_690 = arith.mulf %gather3A_688, %gather3A_689 : vector<16xf32>
      %add3A_691 = arith.addf %add3A_679, %mul3A_690 : vector<16xf32>
      %mul3A_692 = arith.constant 4 : i32
      %mul3A_693 = arith.muli %scan3A_667, %mul3A_692 : i32
      %add3A_694 = arith.constant 3200 : i32
      %add3A_695 = arith.addi %add3A_694, %mul3A_693 : i32
      %add3A_696 = arith.constant 2 : i32
      %add3A_697 = arith.addi %add3A_695, %add3A_696 : i32
      %add3A_698 = vector.broadcast %add3A_697 : i32 to vector<16xi32>
      %add3A_699 = arith.addi %mul3A_91, %add3A_698 : vector<16xi32>
      %gather3A_700 = tpu.vector_load_idx %arg12[%add3A_699] : memref<6400xf32, #tpu.memory_space<vmem>>[vector<16xi32>], vector<16xf32>,
      %gather3A_701 = tpu.vector_load_idx %arg11[%add3A_699] : memref<6400xf32, #tpu.memory_space<vmem>>[vector<16xi32>], vector<16xf32>,
      %mul3A_702 = arith.mulf %gather3A_700, %gather3A_701 : vector<16xf32>
      %add3A_703 = arith.addf %add3A_691, %mul3A_702 : vector<16xf32>
      %mul3A_704 = arith.constant 4 : i32
      %mul3A_705 = arith.muli %scan3A_667, %mul3A_704 : i32
      %add3A_706 = arith.constant 3200 : i32
      %add3A_707 = arith.addi %add3A_706, %mul3A_705 : i32
      %add3A_708 = arith.constant 3 : i32
      %add3A_709 = arith.addi %add3A_707, %add3A_708 : i32
      %add3A_710 = vector.broadcast %add3A_709 : i32 to vector<16xi32>
      %add3A_711 = arith.addi %mul3A_91, %add3A_710 : vector<16xi32>
      %gather3A_712 = tpu.vector_load_idx %arg12[%add3A_711] : memref<6400xf32, #tpu.memory_space<vmem>>[vector<16xi32>], vector<16xf32>,
      %gather3A_713 = tpu.vector_load_idx %arg11[%add3A_711] : memref<6400xf32, #tpu.memory_space<vmem>>[vector<16xi32>], vector<16xf32>,
      %mul3A_714 = arith.mulf %gather3A_712, %gather3A_713 : vector<16xf32>
      %add3A_715 = arith.addf %add3A_703, %mul3A_714 : vector<16xf32>
      scf.yield %add3A_715 : vector<16xf32>
    }
    %scan3A_542 = arith.constant 25 : i32
    %swap3A_543 = arith.constant 352 : index
    %swap3A_544 = tpu.vector_load %arg13[%swap3A_543] {strides = array<i32>} : memref<512xf32, #tpu.memory_space<vmem>>, vector<16xf32>,
    tpu.vector_store %arg13[%swap3A_543], %scan3A_541 {strides = array<i32>} : memref<512xf32, #tpu.memory_space<vmem>>, vector<16xf32>,
    %scan3A_545 = arith.constant 0 : i32
    %scan3A_546 = arith.constant 25 : i32
    %scan3A_547 = arith.addi %scan3A_545, %scan3A_546 : i32
    %scan3A_548 = arith.constant 1 : i32
    %scan3A_549 = scf.for %scan3A_667 = %scan3A_545 to %scan3A_547 step %scan3A_548 iter_args(%scan3A_668 = %get3A_92) -> (vector<16xf32>)  : i32 {
      %mul3A_669 = arith.constant 4 : i32
      %mul3A_670 = arith.muli %scan3A_667, %mul3A_669 : i32
      %add3A_671 = arith.constant 4800 : i32
      %add3A_672 = arith.addi %add3A_671, %mul3A_670 : i32
      %add3A_673 = arith.constant 0 : i32
      %add3A_674 = arith.addi %add3A_672, %add3A_673 : i32
      %add3A_675 = vector.broadcast %add3A_674 : i32 to vector<16xi32>
      %add3A_676 = arith.addi %mul3A_91, %add3A_675 : vector<16xi32>
      %gather3A = tpu.vector_load_idx %arg12[%add3A_676] : memref<6400xf32, #tpu.memory_space<vmem>>[vector<16xi32>], vector<16xf32>,
      %gather3A_677 = tpu.vector_load_idx %arg11[%add3A_676] : memref<6400xf32, #tpu.memory_space<vmem>>[vector<16xi32>], vector<16xf32>,
      %mul3A_678 = arith.mulf %gather3A, %gather3A_677 : vector<16xf32>
      %add3A_679 = arith.addf %scan3A_668, %mul3A_678 : vector<16xf32>
      %mul3A_680 = arith.constant 4 : i32
      %mul3A_681 = arith.muli %scan3A_667, %mul3A_680 : i32
      %add3A_682 = arith.constant 4800 : i32
      %add3A_683 = arith.addi %add3A_682, %mul3A_681 : i32
      %add3A_684 = arith.constant 1 : i32
      %add3A_685 = arith.addi %add3A_683, %add3A_684 : i32
      %add3A_686 = vector.broadcast %add3A_685 : i32 to vector<16xi32>
      %add3A_687 = arith.addi %mul3A_91, %add3A_686 : vector<16xi32>
      %gather3A_688 = tpu.vector_load_idx %arg12[%add3A_687] : memref<6400xf32, #tpu.memory_space<vmem>>[vector<16xi32>], vector<16xf32>,
      %gather3A_689 = tpu.vector_load_idx %arg11[%add3A_687] : memref<6400xf32, #tpu.memory_space<vmem>>[vector<16xi32>], vector<16xf32>,
      %mul3A_690 = arith.mulf %gather3A_688, %gather3A_689 : vector<16xf32>
      %add3A_691 = arith.addf %add3A_679, %mul3A_690 : vector<16xf32>
      %mul3A_692 = arith.constant 4 : i32
      %mul3A_693 = arith.muli %scan3A_667, %mul3A_692 : i32
      %add3A_694 = arith.constant 4800 : i32
      %add3A_695 = arith.addi %add3A_694, %mul3A_693 : i32
      %add3A_696 = arith.constant 2 : i32
      %add3A_697 = arith.addi %add3A_695, %add3A_696 : i32
      %add3A_698 = vector.broadcast %add3A_697 : i32 to vector<16xi32>
      %add3A_699 = arith.addi %mul3A_91, %add3A_698 : vector<16xi32>
      %gather3A_700 = tpu.vector_load_idx %arg12[%add3A_699] : memref<6400xf32, #tpu.memory_space<vmem>>[vector<16xi32>], vector<16xf32>,
      %gather3A_701 = tpu.vector_load_idx %arg11[%add3A_699] : memref<6400xf32, #tpu.memory_space<vmem>>[vector<16xi32>], vector<16xf32>,
      %mul3A_702 = arith.mulf %gather3A_700, %gather3A_701 : vector<16xf32>
      %add3A_703 = arith.addf %add3A_691, %mul3A_702 : vector<16xf32>
      %mul3A_704 = arith.constant 4 : i32
      %mul3A_705 = arith.muli %scan3A_667, %mul3A_704 : i32
      %add3A_706 = arith.constant 4800 : i32
      %add3A_707 = arith.addi %add3A_706, %mul3A_705 : i32
      %add3A_708 = arith.constant 3 : i32
      %add3A_709 = arith.addi %add3A_707, %add3A_708 : i32
      %add3A_710 = vector.broadcast %add3A_709 : i32 to vector<16xi32>
      %add3A_711 = arith.addi %mul3A_91, %add3A_710 : vector<16xi32>
      %gather3A_712 = tpu.vector_load_idx %arg12[%add3A_711] : memref<6400xf32, #tpu.memory_space<vmem>>[vector<16xi32>], vector<16xf32>,
      %gather3A_713 = tpu.vector_load_idx %arg11[%add3A_711] : memref<6400xf32, #tpu.memory_space<vmem>>[vector<16xi32>], vector<16xf32>,
      %mul3A_714 = arith.mulf %gather3A_712, %gather3A_713 : vector<16xf32>
      %add3A_715 = arith.addf %add3A_703, %mul3A_714 : vector<16xf32>
      scf.yield %add3A_715 : vector<16xf32>
    }
    %scan3A_550 = arith.constant 25 : i32
    %swap3A_551 = arith.constant 368 : index
    %swap3A_552 = tpu.vector_load %arg13[%swap3A_551] {strides = array<i32>} : memref<512xf32, #tpu.memory_space<vmem>>, vector<16xf32>,
    tpu.vector_store %arg13[%swap3A_551], %scan3A_549 {strides = array<i32>} : memref<512xf32, #tpu.memory_space<vmem>>, vector<16xf32>,
    %dma_wait3A_553 = tpu.memref_slice %arg2[%add3A_518] : memref<1638400xi32, #tpu.memory_space<hbm>> -> memref<6400xi32, #tpu.memory_space<hbm>>
    %dma_wait3A_554 = tpu.memref_slice %arg2[%add3A_518] : memref<1638400xi32, #tpu.memory_space<hbm>> -> memref<6400xi32, #tpu.memory_space<hbm>>
    tpu.wait_dma2 semaphore(%arg19 : memref<!tpu.dma_semaphore, #tpu.memory_space<semaphore_mem>>) src(%dma_wait3A_554 : memref<6400xi32, #tpu.memory_space<hbm>>) dst(%arg10 : memref<6400xi32, #tpu.memory_space<vmem>>)
    %mul3A_555 = arith.constant 51200 : i32
    %mul3A_556 = arith.muli %add3A, %mul3A_555 : i32
    %add3A_557 = arith.constant 44800 : i32
    %add3A_558 = arith.addi %mul3A_556, %add3A_557 : i32
    %dma_start3A_559 = arith.constant 0 : i32
    %dma_start3A_560 = tpu.memref_slice %arg12[%dma_start3A_559] : memref<6400xf32, #tpu.memory_space<vmem>> -> memref<3200xf32, #tpu.memory_space<vmem>>
    %dma_start3A_561 = arith.constant 0 : i32
    %dma_start3A_562 = tpu.memref_slice %arg10[%dma_start3A_561] : memref<6400xi32, #tpu.memory_space<vmem>> -> memref<3200xi32, #tpu.memory_space<vmem>>
    %dma_start3A_563 = arith.constant 0 : i32
    %dma_start3A_564 = tpu.memref_slice %arg15[%dma_start3A_563] : memref<1000000xf32, #tpu.memory_space<vmem_shared>> -> memref<1000000xf32, #tpu.memory_space<vmem_shared>>
    tpu.enqueue_indirect_dma source(%dma_start3A_564 : memref<1000000xf32, #tpu.memory_space<vmem_shared>>) target(%dma_start3A_560 : memref<3200xf32, #tpu.memory_space<vmem>>) offsets(%dma_start3A_562 : memref<3200xi32, #tpu.memory_space<vmem>>) semaphore(%arg21 : memref<!tpu.dma_semaphore, #tpu.memory_space<semaphore_mem>>)
    %dma_start3A_565 = arith.constant 3200 : i32
    %dma_start3A_566 = tpu.memref_slice %arg12[%dma_start3A_565] : memref<6400xf32, #tpu.memory_space<vmem>> -> memref<3200xf32, #tpu.memory_space<vmem>>
    %dma_start3A_567 = arith.constant 3200 : i32
    %dma_start3A_568 = tpu.memref_slice %arg10[%dma_start3A_567] : memref<6400xi32, #tpu.memory_space<vmem>> -> memref<3200xi32, #tpu.memory_space<vmem>>
    %dma_start3A_569 = arith.constant 0 : i32
    %dma_start3A_570 = tpu.memref_slice %arg15[%dma_start3A_569] : memref<1000000xf32, #tpu.memory_space<vmem_shared>> -> memref<1000000xf32, #tpu.memory_space<vmem_shared>>
    tpu.enqueue_indirect_dma source(%dma_start3A_570 : memref<1000000xf32, #tpu.memory_space<vmem_shared>>) target(%dma_start3A_566 : memref<3200xf32, #tpu.memory_space<vmem>>) offsets(%dma_start3A_568 : memref<3200xi32, #tpu.memory_space<vmem>>) semaphore(%arg21 : memref<!tpu.dma_semaphore, #tpu.memory_space<semaphore_mem>>)
    %dma_start3A_571 = tpu.memref_slice %arg3[%add3A_558] : memref<1638400xf32, #tpu.memory_space<hbm>> -> memref<6400xf32, #tpu.memory_space<hbm>>
    %dma_start3A_572 = tpu.memref_slice %arg3[%add3A_558] : memref<1638400xf32, #tpu.memory_space<hbm>> -> memref<6400xf32, #tpu.memory_space<hbm>>
    tpu.enqueue_dma source(%dma_start3A_572 : memref<6400xf32, #tpu.memory_space<hbm>>) target(%arg11 : memref<6400xf32, #tpu.memory_space<vmem>>) target_semaphore(%arg20 : memref<!tpu.dma_semaphore, #tpu.memory_space<semaphore_mem>>)
    %dma_wait3A_573 = arith.constant 0 : i32
    %dma_wait3A_574 = tpu.memref_slice %arg9[%dma_wait3A_573] : memref<6400xf32, #tpu.memory_space<vmem>> -> memref<3200xf32, #tpu.memory_space<vmem>>
    %dma_wait3A_575 = arith.constant 0 : i32
    %dma_wait3A_576 = tpu.memref_slice %arg7[%dma_wait3A_575] : memref<6400xi32, #tpu.memory_space<vmem>> -> memref<3200xi32, #tpu.memory_space<vmem>>
    %dma_wait3A_577 = arith.constant 0 : i32
    %dma_wait3A_578 = tpu.memref_slice %arg15[%dma_wait3A_577] : memref<1000000xf32, #tpu.memory_space<vmem_shared>> -> memref<1000000xf32, #tpu.memory_space<vmem_shared>>
    tpu.wait_indirect_dma semaphore(%arg18 : memref<!tpu.dma_semaphore, #tpu.memory_space<semaphore_mem>>) src(%dma_wait3A_578 : memref<1000000xf32, #tpu.memory_space<vmem_shared>>) dst(%dma_wait3A_574 : memref<3200xf32, #tpu.memory_space<vmem>>)
    %dma_wait3A_579 = arith.constant 3200 : i32
    %dma_wait3A_580 = tpu.memref_slice %arg9[%dma_wait3A_579] : memref<6400xf32, #tpu.memory_space<vmem>> -> memref<3200xf32, #tpu.memory_space<vmem>>
    %dma_wait3A_581 = arith.constant 3200 : i32
    %dma_wait3A_582 = tpu.memref_slice %arg7[%dma_wait3A_581] : memref<6400xi32, #tpu.memory_space<vmem>> -> memref<3200xi32, #tpu.memory_space<vmem>>
    %dma_wait3A_583 = arith.constant 0 : i32
    %dma_wait3A_584 = tpu.memref_slice %arg15[%dma_wait3A_583] : memref<1000000xf32, #tpu.memory_space<vmem_shared>> -> memref<1000000xf32, #tpu.memory_space<vmem_shared>>
    tpu.wait_indirect_dma semaphore(%arg18 : memref<!tpu.dma_semaphore, #tpu.memory_space<semaphore_mem>>) src(%dma_wait3A_584 : memref<1000000xf32, #tpu.memory_space<vmem_shared>>) dst(%dma_wait3A_580 : memref<3200xf32, #tpu.memory_space<vmem>>)
    %dma_wait3A_585 = tpu.memref_slice %arg3[%add3A_486] : memref<1638400xf32, #tpu.memory_space<hbm>> -> memref<6400xf32, #tpu.memory_space<hbm>>
    %dma_wait3A_586 = tpu.memref_slice %arg3[%add3A_486] : memref<1638400xf32, #tpu.memory_space<hbm>> -> memref<6400xf32, #tpu.memory_space<hbm>>
    tpu.wait_dma2 semaphore(%arg17 : memref<!tpu.dma_semaphore, #tpu.memory_space<semaphore_mem>>) src(%dma_wait3A_586 : memref<6400xf32, #tpu.memory_space<hbm>>) dst(%arg8 : memref<6400xf32, #tpu.memory_space<vmem>>)
    %scan3A_587 = arith.constant 0 : i32
    %scan3A_588 = arith.constant 25 : i32
    %scan3A_589 = arith.addi %scan3A_587, %scan3A_588 : i32
    %scan3A_590 = arith.constant 1 : i32
    %scan3A_591 = scf.for %scan3A_667 = %scan3A_587 to %scan3A_589 step %scan3A_590 iter_args(%scan3A_668 = %get3A_92) -> (vector<16xf32>)  : i32 {
      %mul3A_669 = arith.constant 4 : i32
      %mul3A_670 = arith.muli %scan3A_667, %mul3A_669 : i32
      %add3A_671 = arith.constant 0 : i32
      %add3A_672 = arith.addi %add3A_671, %mul3A_670 : i32
      %add3A_673 = arith.constant 0 : i32
      %add3A_674 = arith.addi %add3A_672, %add3A_673 : i32
      %add3A_675 = vector.broadcast %add3A_674 : i32 to vector<16xi32>
      %add3A_676 = arith.addi %mul3A_91, %add3A_675 : vector<16xi32>
      %gather3A = tpu.vector_load_idx %arg9[%add3A_676] : memref<6400xf32, #tpu.memory_space<vmem>>[vector<16xi32>], vector<16xf32>,
      %gather3A_677 = tpu.vector_load_idx %arg8[%add3A_676] : memref<6400xf32, #tpu.memory_space<vmem>>[vector<16xi32>], vector<16xf32>,
      %mul3A_678 = arith.mulf %gather3A, %gather3A_677 : vector<16xf32>
      %add3A_679 = arith.addf %scan3A_668, %mul3A_678 : vector<16xf32>
      %mul3A_680 = arith.constant 4 : i32
      %mul3A_681 = arith.muli %scan3A_667, %mul3A_680 : i32
      %add3A_682 = arith.constant 0 : i32
      %add3A_683 = arith.addi %add3A_682, %mul3A_681 : i32
      %add3A_684 = arith.constant 1 : i32
      %add3A_685 = arith.addi %add3A_683, %add3A_684 : i32
      %add3A_686 = vector.broadcast %add3A_685 : i32 to vector<16xi32>
      %add3A_687 = arith.addi %mul3A_91, %add3A_686 : vector<16xi32>
      %gather3A_688 = tpu.vector_load_idx %arg9[%add3A_687] : memref<6400xf32, #tpu.memory_space<vmem>>[vector<16xi32>], vector<16xf32>,
      %gather3A_689 = tpu.vector_load_idx %arg8[%add3A_687] : memref<6400xf32, #tpu.memory_space<vmem>>[vector<16xi32>], vector<16xf32>,
      %mul3A_690 = arith.mulf %gather3A_688, %gather3A_689 : vector<16xf32>
      %add3A_691 = arith.addf %add3A_679, %mul3A_690 : vector<16xf32>
      %mul3A_692 = arith.constant 4 : i32
      %mul3A_693 = arith.muli %scan3A_667, %mul3A_692 : i32
      %add3A_694 = arith.constant 0 : i32
      %add3A_695 = arith.addi %add3A_694, %mul3A_693 : i32
      %add3A_696 = arith.constant 2 : i32
      %add3A_697 = arith.addi %add3A_695, %add3A_696 : i32
      %add3A_698 = vector.broadcast %add3A_697 : i32 to vector<16xi32>
      %add3A_699 = arith.addi %mul3A_91, %add3A_698 : vector<16xi32>
      %gather3A_700 = tpu.vector_load_idx %arg9[%add3A_699] : memref<6400xf32, #tpu.memory_space<vmem>>[vector<16xi32>], vector<16xf32>,
      %gather3A_701 = tpu.vector_load_idx %arg8[%add3A_699] : memref<6400xf32, #tpu.memory_space<vmem>>[vector<16xi32>], vector<16xf32>,
      %mul3A_702 = arith.mulf %gather3A_700, %gather3A_701 : vector<16xf32>
      %add3A_703 = arith.addf %add3A_691, %mul3A_702 : vector<16xf32>
      %mul3A_704 = arith.constant 4 : i32
      %mul3A_705 = arith.muli %scan3A_667, %mul3A_704 : i32
      %add3A_706 = arith.constant 0 : i32
      %add3A_707 = arith.addi %add3A_706, %mul3A_705 : i32
      %add3A_708 = arith.constant 3 : i32
      %add3A_709 = arith.addi %add3A_707, %add3A_708 : i32
      %add3A_710 = vector.broadcast %add3A_709 : i32 to vector<16xi32>
      %add3A_711 = arith.addi %mul3A_91, %add3A_710 : vector<16xi32>
      %gather3A_712 = tpu.vector_load_idx %arg9[%add3A_711] : memref<6400xf32, #tpu.memory_space<vmem>>[vector<16xi32>], vector<16xf32>,
      %gather3A_713 = tpu.vector_load_idx %arg8[%add3A_711] : memref<6400xf32, #tpu.memory_space<vmem>>[vector<16xi32>], vector<16xf32>,
      %mul3A_714 = arith.mulf %gather3A_712, %gather3A_713 : vector<16xf32>
      %add3A_715 = arith.addf %add3A_703, %mul3A_714 : vector<16xf32>
      scf.yield %add3A_715 : vector<16xf32>
    }
    %scan3A_592 = arith.constant 25 : i32
    %swap3A_593 = arith.constant 384 : index
    %swap3A_594 = tpu.vector_load %arg13[%swap3A_593] {strides = array<i32>} : memref<512xf32, #tpu.memory_space<vmem>>, vector<16xf32>,
    tpu.vector_store %arg13[%swap3A_593], %scan3A_591 {strides = array<i32>} : memref<512xf32, #tpu.memory_space<vmem>>, vector<16xf32>,
    %scan3A_595 = arith.constant 0 : i32
    %scan3A_596 = arith.constant 25 : i32
    %scan3A_597 = arith.addi %scan3A_595, %scan3A_596 : i32
    %scan3A_598 = arith.constant 1 : i32
    %scan3A_599 = scf.for %scan3A_667 = %scan3A_595 to %scan3A_597 step %scan3A_598 iter_args(%scan3A_668 = %get3A_92) -> (vector<16xf32>)  : i32 {
      %mul3A_669 = arith.constant 4 : i32
      %mul3A_670 = arith.muli %scan3A_667, %mul3A_669 : i32
      %add3A_671 = arith.constant 1600 : i32
      %add3A_672 = arith.addi %add3A_671, %mul3A_670 : i32
      %add3A_673 = arith.constant 0 : i32
      %add3A_674 = arith.addi %add3A_672, %add3A_673 : i32
      %add3A_675 = vector.broadcast %add3A_674 : i32 to vector<16xi32>
      %add3A_676 = arith.addi %mul3A_91, %add3A_675 : vector<16xi32>
      %gather3A = tpu.vector_load_idx %arg9[%add3A_676] : memref<6400xf32, #tpu.memory_space<vmem>>[vector<16xi32>], vector<16xf32>,
      %gather3A_677 = tpu.vector_load_idx %arg8[%add3A_676] : memref<6400xf32, #tpu.memory_space<vmem>>[vector<16xi32>], vector<16xf32>,
      %mul3A_678 = arith.mulf %gather3A, %gather3A_677 : vector<16xf32>
      %add3A_679 = arith.addf %scan3A_668, %mul3A_678 : vector<16xf32>
      %mul3A_680 = arith.constant 4 : i32
      %mul3A_681 = arith.muli %scan3A_667, %mul3A_680 : i32
      %add3A_682 = arith.constant 1600 : i32
      %add3A_683 = arith.addi %add3A_682, %mul3A_681 : i32
      %add3A_684 = arith.constant 1 : i32
      %add3A_685 = arith.addi %add3A_683, %add3A_684 : i32
      %add3A_686 = vector.broadcast %add3A_685 : i32 to vector<16xi32>
      %add3A_687 = arith.addi %mul3A_91, %add3A_686 : vector<16xi32>
      %gather3A_688 = tpu.vector_load_idx %arg9[%add3A_687] : memref<6400xf32, #tpu.memory_space<vmem>>[vector<16xi32>], vector<16xf32>,
      %gather3A_689 = tpu.vector_load_idx %arg8[%add3A_687] : memref<6400xf32, #tpu.memory_space<vmem>>[vector<16xi32>], vector<16xf32>,
      %mul3A_690 = arith.mulf %gather3A_688, %gather3A_689 : vector<16xf32>
      %add3A_691 = arith.addf %add3A_679, %mul3A_690 : vector<16xf32>
      %mul3A_692 = arith.constant 4 : i32
      %mul3A_693 = arith.muli %scan3A_667, %mul3A_692 : i32
      %add3A_694 = arith.constant 1600 : i32
      %add3A_695 = arith.addi %add3A_694, %mul3A_693 : i32
      %add3A_696 = arith.constant 2 : i32
      %add3A_697 = arith.addi %add3A_695, %add3A_696 : i32
      %add3A_698 = vector.broadcast %add3A_697 : i32 to vector<16xi32>
      %add3A_699 = arith.addi %mul3A_91, %add3A_698 : vector<16xi32>
      %gather3A_700 = tpu.vector_load_idx %arg9[%add3A_699] : memref<6400xf32, #tpu.memory_space<vmem>>[vector<16xi32>], vector<16xf32>,
      %gather3A_701 = tpu.vector_load_idx %arg8[%add3A_699] : memref<6400xf32, #tpu.memory_space<vmem>>[vector<16xi32>], vector<16xf32>,
      %mul3A_702 = arith.mulf %gather3A_700, %gather3A_701 : vector<16xf32>
      %add3A_703 = arith.addf %add3A_691, %mul3A_702 : vector<16xf32>
      %mul3A_704 = arith.constant 4 : i32
      %mul3A_705 = arith.muli %scan3A_667, %mul3A_704 : i32
      %add3A_706 = arith.constant 1600 : i32
      %add3A_707 = arith.addi %add3A_706, %mul3A_705 : i32
      %add3A_708 = arith.constant 3 : i32
      %add3A_709 = arith.addi %add3A_707, %add3A_708 : i32
      %add3A_710 = vector.broadcast %add3A_709 : i32 to vector<16xi32>
      %add3A_711 = arith.addi %mul3A_91, %add3A_710 : vector<16xi32>
      %gather3A_712 = tpu.vector_load_idx %arg9[%add3A_711] : memref<6400xf32, #tpu.memory_space<vmem>>[vector<16xi32>], vector<16xf32>,
      %gather3A_713 = tpu.vector_load_idx %arg8[%add3A_711] : memref<6400xf32, #tpu.memory_space<vmem>>[vector<16xi32>], vector<16xf32>,
      %mul3A_714 = arith.mulf %gather3A_712, %gather3A_713 : vector<16xf32>
      %add3A_715 = arith.addf %add3A_703, %mul3A_714 : vector<16xf32>
      scf.yield %add3A_715 : vector<16xf32>
    }
    %scan3A_600 = arith.constant 25 : i32
    %swap3A_601 = arith.constant 400 : index
    %swap3A_602 = tpu.vector_load %arg13[%swap3A_601] {strides = array<i32>} : memref<512xf32, #tpu.memory_space<vmem>>, vector<16xf32>,
    tpu.vector_store %arg13[%swap3A_601], %scan3A_599 {strides = array<i32>} : memref<512xf32, #tpu.memory_space<vmem>>, vector<16xf32>,
    %scan3A_603 = arith.constant 0 : i32
    %scan3A_604 = arith.constant 25 : i32
    %scan3A_605 = arith.addi %scan3A_603, %scan3A_604 : i32
    %scan3A_606 = arith.constant 1 : i32
    %scan3A_607 = scf.for %scan3A_667 = %scan3A_603 to %scan3A_605 step %scan3A_606 iter_args(%scan3A_668 = %get3A_92) -> (vector<16xf32>)  : i32 {
      %mul3A_669 = arith.constant 4 : i32
      %mul3A_670 = arith.muli %scan3A_667, %mul3A_669 : i32
      %add3A_671 = arith.constant 3200 : i32
      %add3A_672 = arith.addi %add3A_671, %mul3A_670 : i32
      %add3A_673 = arith.constant 0 : i32
      %add3A_674 = arith.addi %add3A_672, %add3A_673 : i32
      %add3A_675 = vector.broadcast %add3A_674 : i32 to vector<16xi32>
      %add3A_676 = arith.addi %mul3A_91, %add3A_675 : vector<16xi32>
      %gather3A = tpu.vector_load_idx %arg9[%add3A_676] : memref<6400xf32, #tpu.memory_space<vmem>>[vector<16xi32>], vector<16xf32>,
      %gather3A_677 = tpu.vector_load_idx %arg8[%add3A_676] : memref<6400xf32, #tpu.memory_space<vmem>>[vector<16xi32>], vector<16xf32>,
      %mul3A_678 = arith.mulf %gather3A, %gather3A_677 : vector<16xf32>
      %add3A_679 = arith.addf %scan3A_668, %mul3A_678 : vector<16xf32>
      %mul3A_680 = arith.constant 4 : i32
      %mul3A_681 = arith.muli %scan3A_667, %mul3A_680 : i32
      %add3A_682 = arith.constant 3200 : i32
      %add3A_683 = arith.addi %add3A_682, %mul3A_681 : i32
      %add3A_684 = arith.constant 1 : i32
      %add3A_685 = arith.addi %add3A_683, %add3A_684 : i32
      %add3A_686 = vector.broadcast %add3A_685 : i32 to vector<16xi32>
      %add3A_687 = arith.addi %mul3A_91, %add3A_686 : vector<16xi32>
      %gather3A_688 = tpu.vector_load_idx %arg9[%add3A_687] : memref<6400xf32, #tpu.memory_space<vmem>>[vector<16xi32>], vector<16xf32>,
      %gather3A_689 = tpu.vector_load_idx %arg8[%add3A_687] : memref<6400xf32, #tpu.memory_space<vmem>>[vector<16xi32>], vector<16xf32>,
      %mul3A_690 = arith.mulf %gather3A_688, %gather3A_689 : vector<16xf32>
      %add3A_691 = arith.addf %add3A_679, %mul3A_690 : vector<16xf32>
      %mul3A_692 = arith.constant 4 : i32
      %mul3A_693 = arith.muli %scan3A_667, %mul3A_692 : i32
      %add3A_694 = arith.constant 3200 : i32
      %add3A_695 = arith.addi %add3A_694, %mul3A_693 : i32
      %add3A_696 = arith.constant 2 : i32
      %add3A_697 = arith.addi %add3A_695, %add3A_696 : i32
      %add3A_698 = vector.broadcast %add3A_697 : i32 to vector<16xi32>
      %add3A_699 = arith.addi %mul3A_91, %add3A_698 : vector<16xi32>
      %gather3A_700 = tpu.vector_load_idx %arg9[%add3A_699] : memref<6400xf32, #tpu.memory_space<vmem>>[vector<16xi32>], vector<16xf32>,
      %gather3A_701 = tpu.vector_load_idx %arg8[%add3A_699] : memref<6400xf32, #tpu.memory_space<vmem>>[vector<16xi32>], vector<16xf32>,
      %mul3A_702 = arith.mulf %gather3A_700, %gather3A_701 : vector<16xf32>
      %add3A_703 = arith.addf %add3A_691, %mul3A_702 : vector<16xf32>
      %mul3A_704 = arith.constant 4 : i32
      %mul3A_705 = arith.muli %scan3A_667, %mul3A_704 : i32
      %add3A_706 = arith.constant 3200 : i32
      %add3A_707 = arith.addi %add3A_706, %mul3A_705 : i32
      %add3A_708 = arith.constant 3 : i32
      %add3A_709 = arith.addi %add3A_707, %add3A_708 : i32
      %add3A_710 = vector.broadcast %add3A_709 : i32 to vector<16xi32>
      %add3A_711 = arith.addi %mul3A_91, %add3A_710 : vector<16xi32>
      %gather3A_712 = tpu.vector_load_idx %arg9[%add3A_711] : memref<6400xf32, #tpu.memory_space<vmem>>[vector<16xi32>], vector<16xf32>,
      %gather3A_713 = tpu.vector_load_idx %arg8[%add3A_711] : memref<6400xf32, #tpu.memory_space<vmem>>[vector<16xi32>], vector<16xf32>,
      %mul3A_714 = arith.mulf %gather3A_712, %gather3A_713 : vector<16xf32>
      %add3A_715 = arith.addf %add3A_703, %mul3A_714 : vector<16xf32>
      scf.yield %add3A_715 : vector<16xf32>
    }
    %scan3A_608 = arith.constant 25 : i32
    %swap3A_609 = arith.constant 416 : index
    %swap3A_610 = tpu.vector_load %arg13[%swap3A_609] {strides = array<i32>} : memref<512xf32, #tpu.memory_space<vmem>>, vector<16xf32>,
    tpu.vector_store %arg13[%swap3A_609], %scan3A_607 {strides = array<i32>} : memref<512xf32, #tpu.memory_space<vmem>>, vector<16xf32>,
    %scan3A_611 = arith.constant 0 : i32
    %scan3A_612 = arith.constant 25 : i32
    %scan3A_613 = arith.addi %scan3A_611, %scan3A_612 : i32
    %scan3A_614 = arith.constant 1 : i32
    %scan3A_615 = scf.for %scan3A_667 = %scan3A_611 to %scan3A_613 step %scan3A_614 iter_args(%scan3A_668 = %get3A_92) -> (vector<16xf32>)  : i32 {
      %mul3A_669 = arith.constant 4 : i32
      %mul3A_670 = arith.muli %scan3A_667, %mul3A_669 : i32
      %add3A_671 = arith.constant 4800 : i32
      %add3A_672 = arith.addi %add3A_671, %mul3A_670 : i32
      %add3A_673 = arith.constant 0 : i32
      %add3A_674 = arith.addi %add3A_672, %add3A_673 : i32
      %add3A_675 = vector.broadcast %add3A_674 : i32 to vector<16xi32>
      %add3A_676 = arith.addi %mul3A_91, %add3A_675 : vector<16xi32>
      %gather3A = tpu.vector_load_idx %arg9[%add3A_676] : memref<6400xf32, #tpu.memory_space<vmem>>[vector<16xi32>], vector<16xf32>,
      %gather3A_677 = tpu.vector_load_idx %arg8[%add3A_676] : memref<6400xf32, #tpu.memory_space<vmem>>[vector<16xi32>], vector<16xf32>,
      %mul3A_678 = arith.mulf %gather3A, %gather3A_677 : vector<16xf32>
      %add3A_679 = arith.addf %scan3A_668, %mul3A_678 : vector<16xf32>
      %mul3A_680 = arith.constant 4 : i32
      %mul3A_681 = arith.muli %scan3A_667, %mul3A_680 : i32
      %add3A_682 = arith.constant 4800 : i32
      %add3A_683 = arith.addi %add3A_682, %mul3A_681 : i32
      %add3A_684 = arith.constant 1 : i32
      %add3A_685 = arith.addi %add3A_683, %add3A_684 : i32
      %add3A_686 = vector.broadcast %add3A_685 : i32 to vector<16xi32>
      %add3A_687 = arith.addi %mul3A_91, %add3A_686 : vector<16xi32>
      %gather3A_688 = tpu.vector_load_idx %arg9[%add3A_687] : memref<6400xf32, #tpu.memory_space<vmem>>[vector<16xi32>], vector<16xf32>,
      %gather3A_689 = tpu.vector_load_idx %arg8[%add3A_687] : memref<6400xf32, #tpu.memory_space<vmem>>[vector<16xi32>], vector<16xf32>,
      %mul3A_690 = arith.mulf %gather3A_688, %gather3A_689 : vector<16xf32>
      %add3A_691 = arith.addf %add3A_679, %mul3A_690 : vector<16xf32>
      %mul3A_692 = arith.constant 4 : i32
      %mul3A_693 = arith.muli %scan3A_667, %mul3A_692 : i32
      %add3A_694 = arith.constant 4800 : i32
      %add3A_695 = arith.addi %add3A_694, %mul3A_693 : i32
      %add3A_696 = arith.constant 2 : i32
      %add3A_697 = arith.addi %add3A_695, %add3A_696 : i32
      %add3A_698 = vector.broadcast %add3A_697 : i32 to vector<16xi32>
      %add3A_699 = arith.addi %mul3A_91, %add3A_698 : vector<16xi32>
      %gather3A_700 = tpu.vector_load_idx %arg9[%add3A_699] : memref<6400xf32, #tpu.memory_space<vmem>>[vector<16xi32>], vector<16xf32>,
      %gather3A_701 = tpu.vector_load_idx %arg8[%add3A_699] : memref<6400xf32, #tpu.memory_space<vmem>>[vector<16xi32>], vector<16xf32>,
      %mul3A_702 = arith.mulf %gather3A_700, %gather3A_701 : vector<16xf32>
      %add3A_703 = arith.addf %add3A_691, %mul3A_702 : vector<16xf32>
      %mul3A_704 = arith.constant 4 : i32
      %mul3A_705 = arith.muli %scan3A_667, %mul3A_704 : i32
      %add3A_706 = arith.constant 4800 : i32
      %add3A_707 = arith.addi %add3A_706, %mul3A_705 : i32
      %add3A_708 = arith.constant 3 : i32
      %add3A_709 = arith.addi %add3A_707, %add3A_708 : i32
      %add3A_710 = vector.broadcast %add3A_709 : i32 to vector<16xi32>
      %add3A_711 = arith.addi %mul3A_91, %add3A_710 : vector<16xi32>
      %gather3A_712 = tpu.vector_load_idx %arg9[%add3A_711] : memref<6400xf32, #tpu.memory_space<vmem>>[vector<16xi32>], vector<16xf32>,
      %gather3A_713 = tpu.vector_load_idx %arg8[%add3A_711] : memref<6400xf32, #tpu.memory_space<vmem>>[vector<16xi32>], vector<16xf32>,
      %mul3A_714 = arith.mulf %gather3A_712, %gather3A_713 : vector<16xf32>
      %add3A_715 = arith.addf %add3A_703, %mul3A_714 : vector<16xf32>
      scf.yield %add3A_715 : vector<16xf32>
    }
    %scan3A_616 = arith.constant 25 : i32
    %swap3A_617 = arith.constant 432 : index
    %swap3A_618 = tpu.vector_load %arg13[%swap3A_617] {strides = array<i32>} : memref<512xf32, #tpu.memory_space<vmem>>, vector<16xf32>,
    tpu.vector_store %arg13[%swap3A_617], %scan3A_615 {strides = array<i32>} : memref<512xf32, #tpu.memory_space<vmem>>, vector<16xf32>,
    %dma_wait3A_619 = arith.constant 0 : i32
    %dma_wait3A_620 = tpu.memref_slice %arg12[%dma_wait3A_619] : memref<6400xf32, #tpu.memory_space<vmem>> -> memref<3200xf32, #tpu.memory_space<vmem>>
    %dma_wait3A_621 = arith.constant 0 : i32
    %dma_wait3A_622 = tpu.memref_slice %arg10[%dma_wait3A_621] : memref<6400xi32, #tpu.memory_space<vmem>> -> memref<3200xi32, #tpu.memory_space<vmem>>
    %dma_wait3A_623 = arith.constant 0 : i32
    %dma_wait3A_624 = tpu.memref_slice %arg15[%dma_wait3A_623] : memref<1000000xf32, #tpu.memory_space<vmem_shared>> -> memref<1000000xf32, #tpu.memory_space<vmem_shared>>
    tpu.wait_indirect_dma semaphore(%arg21 : memref<!tpu.dma_semaphore, #tpu.memory_space<semaphore_mem>>) src(%dma_wait3A_624 : memref<1000000xf32, #tpu.memory_space<vmem_shared>>) dst(%dma_wait3A_620 : memref<3200xf32, #tpu.memory_space<vmem>>)
    %dma_wait3A_625 = arith.constant 3200 : i32
    %dma_wait3A_626 = tpu.memref_slice %arg12[%dma_wait3A_625] : memref<6400xf32, #tpu.memory_space<vmem>> -> memref<3200xf32, #tpu.memory_space<vmem>>
    %dma_wait3A_627 = arith.constant 3200 : i32
    %dma_wait3A_628 = tpu.memref_slice %arg10[%dma_wait3A_627] : memref<6400xi32, #tpu.memory_space<vmem>> -> memref<3200xi32, #tpu.memory_space<vmem>>
    %dma_wait3A_629 = arith.constant 0 : i32
    %dma_wait3A_630 = tpu.memref_slice %arg15[%dma_wait3A_629] : memref<1000000xf32, #tpu.memory_space<vmem_shared>> -> memref<1000000xf32, #tpu.memory_space<vmem_shared>>
    tpu.wait_indirect_dma semaphore(%arg21 : memref<!tpu.dma_semaphore, #tpu.memory_space<semaphore_mem>>) src(%dma_wait3A_630 : memref<1000000xf32, #tpu.memory_space<vmem_shared>>) dst(%dma_wait3A_626 : memref<3200xf32, #tpu.memory_space<vmem>>)
    %dma_wait3A_631 = tpu.memref_slice %arg3[%add3A_558] : memref<1638400xf32, #tpu.memory_space<hbm>> -> memref<6400xf32, #tpu.memory_space<hbm>>
    %dma_wait3A_632 = tpu.memref_slice %arg3[%add3A_558] : memref<1638400xf32, #tpu.memory_space<hbm>> -> memref<6400xf32, #tpu.memory_space<hbm>>
    tpu.wait_dma2 semaphore(%arg20 : memref<!tpu.dma_semaphore, #tpu.memory_space<semaphore_mem>>) src(%dma_wait3A_632 : memref<6400xf32, #tpu.memory_space<hbm>>) dst(%arg11 : memref<6400xf32, #tpu.memory_space<vmem>>)
    %scan3A_633 = arith.constant 0 : i32
    %scan3A_634 = arith.constant 25 : i32
    %scan3A_635 = arith.addi %scan3A_633, %scan3A_634 : i32
    %scan3A_636 = arith.constant 1 : i32
    %scan3A_637 = scf.for %scan3A_667 = %scan3A_633 to %scan3A_635 step %scan3A_636 iter_args(%scan3A_668 = %get3A_92) -> (vector<16xf32>)  : i32 {
      %mul3A_669 = arith.constant 4 : i32
      %mul3A_670 = arith.muli %scan3A_667, %mul3A_669 : i32
      %add3A_671 = arith.constant 0 : i32
      %add3A_672 = arith.addi %add3A_671, %mul3A_670 : i32
      %add3A_673 = arith.constant 0 : i32
      %add3A_674 = arith.addi %add3A_672, %add3A_673 : i32
      %add3A_675 = vector.broadcast %add3A_674 : i32 to vector<16xi32>
      %add3A_676 = arith.addi %mul3A_91, %add3A_675 : vector<16xi32>
      %gather3A = tpu.vector_load_idx %arg12[%add3A_676] : memref<6400xf32, #tpu.memory_space<vmem>>[vector<16xi32>], vector<16xf32>,
      %gather3A_677 = tpu.vector_load_idx %arg11[%add3A_676] : memref<6400xf32, #tpu.memory_space<vmem>>[vector<16xi32>], vector<16xf32>,
      %mul3A_678 = arith.mulf %gather3A, %gather3A_677 : vector<16xf32>
      %add3A_679 = arith.addf %scan3A_668, %mul3A_678 : vector<16xf32>
      %mul3A_680 = arith.constant 4 : i32
      %mul3A_681 = arith.muli %scan3A_667, %mul3A_680 : i32
      %add3A_682 = arith.constant 0 : i32
      %add3A_683 = arith.addi %add3A_682, %mul3A_681 : i32
      %add3A_684 = arith.constant 1 : i32
      %add3A_685 = arith.addi %add3A_683, %add3A_684 : i32
      %add3A_686 = vector.broadcast %add3A_685 : i32 to vector<16xi32>
      %add3A_687 = arith.addi %mul3A_91, %add3A_686 : vector<16xi32>
      %gather3A_688 = tpu.vector_load_idx %arg12[%add3A_687] : memref<6400xf32, #tpu.memory_space<vmem>>[vector<16xi32>], vector<16xf32>,
      %gather3A_689 = tpu.vector_load_idx %arg11[%add3A_687] : memref<6400xf32, #tpu.memory_space<vmem>>[vector<16xi32>], vector<16xf32>,
      %mul3A_690 = arith.mulf %gather3A_688, %gather3A_689 : vector<16xf32>
      %add3A_691 = arith.addf %add3A_679, %mul3A_690 : vector<16xf32>
      %mul3A_692 = arith.constant 4 : i32
      %mul3A_693 = arith.muli %scan3A_667, %mul3A_692 : i32
      %add3A_694 = arith.constant 0 : i32
      %add3A_695 = arith.addi %add3A_694, %mul3A_693 : i32
      %add3A_696 = arith.constant 2 : i32
      %add3A_697 = arith.addi %add3A_695, %add3A_696 : i32
      %add3A_698 = vector.broadcast %add3A_697 : i32 to vector<16xi32>
      %add3A_699 = arith.addi %mul3A_91, %add3A_698 : vector<16xi32>
      %gather3A_700 = tpu.vector_load_idx %arg12[%add3A_699] : memref<6400xf32, #tpu.memory_space<vmem>>[vector<16xi32>], vector<16xf32>,
      %gather3A_701 = tpu.vector_load_idx %arg11[%add3A_699] : memref<6400xf32, #tpu.memory_space<vmem>>[vector<16xi32>], vector<16xf32>,
      %mul3A_702 = arith.mulf %gather3A_700, %gather3A_701 : vector<16xf32>
      %add3A_703 = arith.addf %add3A_691, %mul3A_702 : vector<16xf32>
      %mul3A_704 = arith.constant 4 : i32
      %mul3A_705 = arith.muli %scan3A_667, %mul3A_704 : i32
      %add3A_706 = arith.constant 0 : i32
      %add3A_707 = arith.addi %add3A_706, %mul3A_705 : i32
      %add3A_708 = arith.constant 3 : i32
      %add3A_709 = arith.addi %add3A_707, %add3A_708 : i32
      %add3A_710 = vector.broadcast %add3A_709 : i32 to vector<16xi32>
      %add3A_711 = arith.addi %mul3A_91, %add3A_710 : vector<16xi32>
      %gather3A_712 = tpu.vector_load_idx %arg12[%add3A_711] : memref<6400xf32, #tpu.memory_space<vmem>>[vector<16xi32>], vector<16xf32>,
      %gather3A_713 = tpu.vector_load_idx %arg11[%add3A_711] : memref<6400xf32, #tpu.memory_space<vmem>>[vector<16xi32>], vector<16xf32>,
      %mul3A_714 = arith.mulf %gather3A_712, %gather3A_713 : vector<16xf32>
      %add3A_715 = arith.addf %add3A_703, %mul3A_714 : vector<16xf32>
      scf.yield %add3A_715 : vector<16xf32>
    }
    %scan3A_638 = arith.constant 25 : i32
    %swap3A_639 = arith.constant 448 : index
    %swap3A_640 = tpu.vector_load %arg13[%swap3A_639] {strides = array<i32>} : memref<512xf32, #tpu.memory_space<vmem>>, vector<16xf32>,
    tpu.vector_store %arg13[%swap3A_639], %scan3A_637 {strides = array<i32>} : memref<512xf32, #tpu.memory_space<vmem>>, vector<16xf32>,
    %scan3A_641 = arith.constant 0 : i32
    %scan3A_642 = arith.constant 25 : i32
    %scan3A_643 = arith.addi %scan3A_641, %scan3A_642 : i32
    %scan3A_644 = arith.constant 1 : i32
    %scan3A_645 = scf.for %scan3A_667 = %scan3A_641 to %scan3A_643 step %scan3A_644 iter_args(%scan3A_668 = %get3A_92) -> (vector<16xf32>)  : i32 {
      %mul3A_669 = arith.constant 4 : i32
      %mul3A_670 = arith.muli %scan3A_667, %mul3A_669 : i32
      %add3A_671 = arith.constant 1600 : i32
      %add3A_672 = arith.addi %add3A_671, %mul3A_670 : i32
      %add3A_673 = arith.constant 0 : i32
      %add3A_674 = arith.addi %add3A_672, %add3A_673 : i32
      %add3A_675 = vector.broadcast %add3A_674 : i32 to vector<16xi32>
      %add3A_676 = arith.addi %mul3A_91, %add3A_675 : vector<16xi32>
      %gather3A = tpu.vector_load_idx %arg12[%add3A_676] : memref<6400xf32, #tpu.memory_space<vmem>>[vector<16xi32>], vector<16xf32>,
      %gather3A_677 = tpu.vector_load_idx %arg11[%add3A_676] : memref<6400xf32, #tpu.memory_space<vmem>>[vector<16xi32>], vector<16xf32>,
      %mul3A_678 = arith.mulf %gather3A, %gather3A_677 : vector<16xf32>
      %add3A_679 = arith.addf %scan3A_668, %mul3A_678 : vector<16xf32>
      %mul3A_680 = arith.constant 4 : i32
      %mul3A_681 = arith.muli %scan3A_667, %mul3A_680 : i32
      %add3A_682 = arith.constant 1600 : i32
      %add3A_683 = arith.addi %add3A_682, %mul3A_681 : i32
      %add3A_684 = arith.constant 1 : i32
      %add3A_685 = arith.addi %add3A_683, %add3A_684 : i32
      %add3A_686 = vector.broadcast %add3A_685 : i32 to vector<16xi32>
      %add3A_687 = arith.addi %mul3A_91, %add3A_686 : vector<16xi32>
      %gather3A_688 = tpu.vector_load_idx %arg12[%add3A_687] : memref<6400xf32, #tpu.memory_space<vmem>>[vector<16xi32>], vector<16xf32>,
      %gather3A_689 = tpu.vector_load_idx %arg11[%add3A_687] : memref<6400xf32, #tpu.memory_space<vmem>>[vector<16xi32>], vector<16xf32>,
      %mul3A_690 = arith.mulf %gather3A_688, %gather3A_689 : vector<16xf32>
      %add3A_691 = arith.addf %add3A_679, %mul3A_690 : vector<16xf32>
      %mul3A_692 = arith.constant 4 : i32
      %mul3A_693 = arith.muli %scan3A_667, %mul3A_692 : i32
      %add3A_694 = arith.constant 1600 : i32
      %add3A_695 = arith.addi %add3A_694, %mul3A_693 : i32
      %add3A_696 = arith.constant 2 : i32
      %add3A_697 = arith.addi %add3A_695, %add3A_696 : i32
      %add3A_698 = vector.broadcast %add3A_697 : i32 to vector<16xi32>
      %add3A_699 = arith.addi %mul3A_91, %add3A_698 : vector<16xi32>
      %gather3A_700 = tpu.vector_load_idx %arg12[%add3A_699] : memref<6400xf32, #tpu.memory_space<vmem>>[vector<16xi32>], vector<16xf32>,
      %gather3A_701 = tpu.vector_load_idx %arg11[%add3A_699] : memref<6400xf32, #tpu.memory_space<vmem>>[vector<16xi32>], vector<16xf32>,
      %mul3A_702 = arith.mulf %gather3A_700, %gather3A_701 : vector<16xf32>
      %add3A_703 = arith.addf %add3A_691, %mul3A_702 : vector<16xf32>
      %mul3A_704 = arith.constant 4 : i32
      %mul3A_705 = arith.muli %scan3A_667, %mul3A_704 : i32
      %add3A_706 = arith.constant 1600 : i32
      %add3A_707 = arith.addi %add3A_706, %mul3A_705 : i32
      %add3A_708 = arith.constant 3 : i32
      %add3A_709 = arith.addi %add3A_707, %add3A_708 : i32
      %add3A_710 = vector.broadcast %add3A_709 : i32 to vector<16xi32>
      %add3A_711 = arith.addi %mul3A_91, %add3A_710 : vector<16xi32>
      %gather3A_712 = tpu.vector_load_idx %arg12[%add3A_711] : memref<6400xf32, #tpu.memory_space<vmem>>[vector<16xi32>], vector<16xf32>,
      %gather3A_713 = tpu.vector_load_idx %arg11[%add3A_711] : memref<6400xf32, #tpu.memory_space<vmem>>[vector<16xi32>], vector<16xf32>,
      %mul3A_714 = arith.mulf %gather3A_712, %gather3A_713 : vector<16xf32>
      %add3A_715 = arith.addf %add3A_703, %mul3A_714 : vector<16xf32>
      scf.yield %add3A_715 : vector<16xf32>
    }
    %scan3A_646 = arith.constant 25 : i32
    %swap3A_647 = arith.constant 464 : index
    %swap3A_648 = tpu.vector_load %arg13[%swap3A_647] {strides = array<i32>} : memref<512xf32, #tpu.memory_space<vmem>>, vector<16xf32>,
    tpu.vector_store %arg13[%swap3A_647], %scan3A_645 {strides = array<i32>} : memref<512xf32, #tpu.memory_space<vmem>>, vector<16xf32>,
    %scan3A_649 = arith.constant 0 : i32
    %scan3A_650 = arith.constant 25 : i32
    %scan3A_651 = arith.addi %scan3A_649, %scan3A_650 : i32
    %scan3A_652 = arith.constant 1 : i32
    %scan3A_653 = scf.for %scan3A_667 = %scan3A_649 to %scan3A_651 step %scan3A_652 iter_args(%scan3A_668 = %get3A_92) -> (vector<16xf32>)  : i32 {
      %mul3A_669 = arith.constant 4 : i32
      %mul3A_670 = arith.muli %scan3A_667, %mul3A_669 : i32
      %add3A_671 = arith.constant 3200 : i32
      %add3A_672 = arith.addi %add3A_671, %mul3A_670 : i32
      %add3A_673 = arith.constant 0 : i32
      %add3A_674 = arith.addi %add3A_672, %add3A_673 : i32
      %add3A_675 = vector.broadcast %add3A_674 : i32 to vector<16xi32>
      %add3A_676 = arith.addi %mul3A_91, %add3A_675 : vector<16xi32>
      %gather3A = tpu.vector_load_idx %arg12[%add3A_676] : memref<6400xf32, #tpu.memory_space<vmem>>[vector<16xi32>], vector<16xf32>,
      %gather3A_677 = tpu.vector_load_idx %arg11[%add3A_676] : memref<6400xf32, #tpu.memory_space<vmem>>[vector<16xi32>], vector<16xf32>,
      %mul3A_678 = arith.mulf %gather3A, %gather3A_677 : vector<16xf32>
      %add3A_679 = arith.addf %scan3A_668, %mul3A_678 : vector<16xf32>
      %mul3A_680 = arith.constant 4 : i32
      %mul3A_681 = arith.muli %scan3A_667, %mul3A_680 : i32
      %add3A_682 = arith.constant 3200 : i32
      %add3A_683 = arith.addi %add3A_682, %mul3A_681 : i32
      %add3A_684 = arith.constant 1 : i32
      %add3A_685 = arith.addi %add3A_683, %add3A_684 : i32
      %add3A_686 = vector.broadcast %add3A_685 : i32 to vector<16xi32>
      %add3A_687 = arith.addi %mul3A_91, %add3A_686 : vector<16xi32>
      %gather3A_688 = tpu.vector_load_idx %arg12[%add3A_687] : memref<6400xf32, #tpu.memory_space<vmem>>[vector<16xi32>], vector<16xf32>,
      %gather3A_689 = tpu.vector_load_idx %arg11[%add3A_687] : memref<6400xf32, #tpu.memory_space<vmem>>[vector<16xi32>], vector<16xf32>,
      %mul3A_690 = arith.mulf %gather3A_688, %gather3A_689 : vector<16xf32>
      %add3A_691 = arith.addf %add3A_679, %mul3A_690 : vector<16xf32>
      %mul3A_692 = arith.constant 4 : i32
      %mul3A_693 = arith.muli %scan3A_667, %mul3A_692 : i32
      %add3A_694 = arith.constant 3200 : i32
      %add3A_695 = arith.addi %add3A_694, %mul3A_693 : i32
      %add3A_696 = arith.constant 2 : i32
      %add3A_697 = arith.addi %add3A_695, %add3A_696 : i32
      %add3A_698 = vector.broadcast %add3A_697 : i32 to vector<16xi32>
      %add3A_699 = arith.addi %mul3A_91, %add3A_698 : vector<16xi32>
      %gather3A_700 = tpu.vector_load_idx %arg12[%add3A_699] : memref<6400xf32, #tpu.memory_space<vmem>>[vector<16xi32>], vector<16xf32>,
      %gather3A_701 = tpu.vector_load_idx %arg11[%add3A_699] : memref<6400xf32, #tpu.memory_space<vmem>>[vector<16xi32>], vector<16xf32>,
      %mul3A_702 = arith.mulf %gather3A_700, %gather3A_701 : vector<16xf32>
      %add3A_703 = arith.addf %add3A_691, %mul3A_702 : vector<16xf32>
      %mul3A_704 = arith.constant 4 : i32
      %mul3A_705 = arith.muli %scan3A_667, %mul3A_704 : i32
      %add3A_706 = arith.constant 3200 : i32
      %add3A_707 = arith.addi %add3A_706, %mul3A_705 : i32
      %add3A_708 = arith.constant 3 : i32
      %add3A_709 = arith.addi %add3A_707, %add3A_708 : i32
      %add3A_710 = vector.broadcast %add3A_709 : i32 to vector<16xi32>
      %add3A_711 = arith.addi %mul3A_91, %add3A_710 : vector<16xi32>
      %gather3A_712 = tpu.vector_load_idx %arg12[%add3A_711] : memref<6400xf32, #tpu.memory_space<vmem>>[vector<16xi32>], vector<16xf32>,
      %gather3A_713 = tpu.vector_load_idx %arg11[%add3A_711] : memref<6400xf32, #tpu.memory_space<vmem>>[vector<16xi32>], vector<16xf32>,
      %mul3A_714 = arith.mulf %gather3A_712, %gather3A_713 : vector<16xf32>
      %add3A_715 = arith.addf %add3A_703, %mul3A_714 : vector<16xf32>
      scf.yield %add3A_715 : vector<16xf32>
    }
    %scan3A_654 = arith.constant 25 : i32
    %swap3A_655 = arith.constant 480 : index
    %swap3A_656 = tpu.vector_load %arg13[%swap3A_655] {strides = array<i32>} : memref<512xf32, #tpu.memory_space<vmem>>, vector<16xf32>,
    tpu.vector_store %arg13[%swap3A_655], %scan3A_653 {strides = array<i32>} : memref<512xf32, #tpu.memory_space<vmem>>, vector<16xf32>,
    %scan3A_657 = arith.constant 0 : i32
    %scan3A_658 = arith.constant 25 : i32
    %scan3A_659 = arith.addi %scan3A_657, %scan3A_658 : i32
    %scan3A_660 = arith.constant 1 : i32
    %scan3A_661 = scf.for %scan3A_667 = %scan3A_657 to %scan3A_659 step %scan3A_660 iter_args(%scan3A_668 = %get3A_92) -> (vector<16xf32>)  : i32 {
      %mul3A_669 = arith.constant 4 : i32
      %mul3A_670 = arith.muli %scan3A_667, %mul3A_669 : i32
      %add3A_671 = arith.constant 4800 : i32
      %add3A_672 = arith.addi %add3A_671, %mul3A_670 : i32
      %add3A_673 = arith.constant 0 : i32
      %add3A_674 = arith.addi %add3A_672, %add3A_673 : i32
      %add3A_675 = vector.broadcast %add3A_674 : i32 to vector<16xi32>
      %add3A_676 = arith.addi %mul3A_91, %add3A_675 : vector<16xi32>
      %gather3A = tpu.vector_load_idx %arg12[%add3A_676] : memref<6400xf32, #tpu.memory_space<vmem>>[vector<16xi32>], vector<16xf32>,
      %gather3A_677 = tpu.vector_load_idx %arg11[%add3A_676] : memref<6400xf32, #tpu.memory_space<vmem>>[vector<16xi32>], vector<16xf32>,
      %mul3A_678 = arith.mulf %gather3A, %gather3A_677 : vector<16xf32>
      %add3A_679 = arith.addf %scan3A_668, %mul3A_678 : vector<16xf32>
      %mul3A_680 = arith.constant 4 : i32
      %mul3A_681 = arith.muli %scan3A_667, %mul3A_680 : i32
      %add3A_682 = arith.constant 4800 : i32
      %add3A_683 = arith.addi %add3A_682, %mul3A_681 : i32
      %add3A_684 = arith.constant 1 : i32
      %add3A_685 = arith.addi %add3A_683, %add3A_684 : i32
      %add3A_686 = vector.broadcast %add3A_685 : i32 to vector<16xi32>
      %add3A_687 = arith.addi %mul3A_91, %add3A_686 : vector<16xi32>
      %gather3A_688 = tpu.vector_load_idx %arg12[%add3A_687] : memref<6400xf32, #tpu.memory_space<vmem>>[vector<16xi32>], vector<16xf32>,
      %gather3A_689 = tpu.vector_load_idx %arg11[%add3A_687] : memref<6400xf32, #tpu.memory_space<vmem>>[vector<16xi32>], vector<16xf32>,
      %mul3A_690 = arith.mulf %gather3A_688, %gather3A_689 : vector<16xf32>
      %add3A_691 = arith.addf %add3A_679, %mul3A_690 : vector<16xf32>
      %mul3A_692 = arith.constant 4 : i32
      %mul3A_693 = arith.muli %scan3A_667, %mul3A_692 : i32
      %add3A_694 = arith.constant 4800 : i32
      %add3A_695 = arith.addi %add3A_694, %mul3A_693 : i32
      %add3A_696 = arith.constant 2 : i32
      %add3A_697 = arith.addi %add3A_695, %add3A_696 : i32
      %add3A_698 = vector.broadcast %add3A_697 : i32 to vector<16xi32>
      %add3A_699 = arith.addi %mul3A_91, %add3A_698 : vector<16xi32>
      %gather3A_700 = tpu.vector_load_idx %arg12[%add3A_699] : memref<6400xf32, #tpu.memory_space<vmem>>[vector<16xi32>], vector<16xf32>,
      %gather3A_701 = tpu.vector_load_idx %arg11[%add3A_699] : memref<6400xf32, #tpu.memory_space<vmem>>[vector<16xi32>], vector<16xf32>,
      %mul3A_702 = arith.mulf %gather3A_700, %gather3A_701 : vector<16xf32>
      %add3A_703 = arith.addf %add3A_691, %mul3A_702 : vector<16xf32>
      %mul3A_704 = arith.constant 4 : i32
      %mul3A_705 = arith.muli %scan3A_667, %mul3A_704 : i32
      %add3A_706 = arith.constant 4800 : i32
      %add3A_707 = arith.addi %add3A_706, %mul3A_705 : i32
      %add3A_708 = arith.constant 3 : i32
      %add3A_709 = arith.addi %add3A_707, %add3A_708 : i32
      %add3A_710 = vector.broadcast %add3A_709 : i32 to vector<16xi32>
      %add3A_711 = arith.addi %mul3A_91, %add3A_710 : vector<16xi32>
      %gather3A_712 = tpu.vector_load_idx %arg12[%add3A_711] : memref<6400xf32, #tpu.memory_space<vmem>>[vector<16xi32>], vector<16xf32>,
      %gather3A_713 = tpu.vector_load_idx %arg11[%add3A_711] : memref<6400xf32, #tpu.memory_space<vmem>>[vector<16xi32>], vector<16xf32>,
      %mul3A_714 = arith.mulf %gather3A_712, %gather3A_713 : vector<16xf32>
      %add3A_715 = arith.addf %add3A_703, %mul3A_714 : vector<16xf32>
      scf.yield %add3A_715 : vector<16xf32>
    }
    %scan3A_662 = arith.constant 25 : i32
    %swap3A_663 = arith.constant 496 : index
    %swap3A_664 = tpu.vector_load %arg13[%swap3A_663] {strides = array<i32>} : memref<512xf32, #tpu.memory_space<vmem>>, vector<16xf32>,
    tpu.vector_store %arg13[%swap3A_663], %scan3A_661 {strides = array<i32>} : memref<512xf32, #tpu.memory_space<vmem>>, vector<16xf32>,
    %mul3A_665 = arith.constant 512 : i32
    %mul3A_666 = arith.muli %add3A, %mul3A_665 : i32
    "tpu.region"() ({
      %run_scoped3A = tpu.sem_alloc : memref<!tpu.dma_semaphore, #tpu.memory_space<semaphore_mem>>
      %dma_start3A_667 = tpu.memref_slice %arg6[%mul3A_666] : memref<16384xf32, #tpu.memory_space<hbm>> -> memref<512xf32, #tpu.memory_space<hbm>>
      %dma_start3A_668 = tpu.memref_slice %arg6[%mul3A_666] : memref<16384xf32, #tpu.memory_space<hbm>> -> memref<512xf32, #tpu.memory_space<hbm>>
      tpu.enqueue_dma source(%arg13 : memref<512xf32, #tpu.memory_space<vmem>>) target(%dma_start3A_668 : memref<512xf32, #tpu.memory_space<hbm>>) target_semaphore(%run_scoped3A : memref<!tpu.dma_semaphore, #tpu.memory_space<semaphore_mem>>)
      %dma_wait3A_669 = tpu.memref_slice %arg6[%mul3A_666] : memref<16384xf32, #tpu.memory_space<hbm>> -> memref<512xf32, #tpu.memory_space<hbm>>
      %dma_wait3A_670 = tpu.memref_slice %arg6[%mul3A_666] : memref<16384xf32, #tpu.memory_space<hbm>> -> memref<512xf32, #tpu.memory_space<hbm>>
      tpu.wait_dma2 semaphore(%run_scoped3A : memref<!tpu.dma_semaphore, #tpu.memory_space<semaphore_mem>>) src(%arg13 : memref<512xf32, #tpu.memory_space<vmem>>) dst(%dma_wait3A_670 : memref<512xf32, #tpu.memory_space<hbm>>)
      tpu.yield
    }) : () -> ()
    return
  }
}

</mosaic_0001>

<sc_bundles>
// kernel: _wide.3.cloned.1.call-start
scs
__scs_entry_jumppad:
0x0: {  	(pc) =	sbr.rel $0x88, $3  }
0x1: {  	(tag) =	ssettag $0x0;
	lr =	simm.s32 $0x1  }
0x2: {  	[smem:$0x3F9D] =	sst lr;
	_ =	strace $0xD0000000  }
0x3: {  	_ = 	snop  }
0x4: {  	_ = 	snop  }
0x5: {  	_ = 	snop  }
0x6: {  	_ = 	snop  }
0x7: {  	_ = 	snop  }
__scs_overlays_trampoline_lowered:
0x8: {  	[smem:$0x3FAC] =	sst s0  }
0x9: {  	[smem:$0x3FAD] =	sst s1  }
0xa: {  	[smem:$0x3FAE] =	sst s2  }
0xb: {  	[smem:$0x3FAF] =	sst s3  }
0xc: {  	[smem:$0x3FB0] =	sst s4  }
0xd: {  	[smem:$0x3FB1] =	sst s5  }
0xe: {  	[smem:$0x3FB2] =	sst s6  }
0xf: {  	[smem:$0x3FB3] =	sst s7  }
0x10: {  	[smem:$0x3FB4] =	sst s8  }
0x11: {  	[smem:$0x3FB5] =	sst s9;
	s0 =	simm.s32 @!p0 $0x0  }
0x12: {  	s1 =	sld [smem:$0x3F9B];
	s0 =	simm.s32 @p0 $0x1  }
0x13: {  	[smem:$0x3FB6] =	sst s0;
	s0 =	simm.s32 @!p1 $0x0  }
0x14: {  	s2 =	sld [smem:$0x3F9A];
	s0 =	simm.s32 @p1 $0x1  }
0x15: {  	[smem:$0x3FB7] =	sst s0;
	s0 =	simm.s32 @!p2 $0x0  }
0x16: {  	s3 =	sld [smem:$0x3FDB];
	s0 =	simm.s32 @p2 $0x1  }
0x17: {  	s4 =	simm.s32 $0x1BF5;
	[smem:$0x3FB9] =	sst s0  }
0x18: {  	s0 =	sld [smem:$0x3F9C];
	_ =	swait.ge [sflag:s4], $0x0  }
0x19: {  	s7 =	sld [smem:$0x3F9D]  }
0x1a: {  	s8 =	sadd.s32 $0xFFFFE003, lr  }
0x1b: {  	s9 =	sadd.s32 $0xFFFFFEF7, lr;
	s5 =	simm.s32 $0xFFFFFFFF;
	p2 =	slt.u32 s8, $0xFFFFF086  }
0x1c: {  	p1 =	slt.u32 s9, $0xF7A;
	s5 =	simm.s32 @!p2 $0x0  }
0x1d: {  	s5 =	simm.s32 @p1 $0x1;
	p0 =	seq.s32 s7, s2  }
0x1e: {  	s7 =	smul.u32 @!p0 $0xF7A, s2;
	p2 =	seq.s32 @!p0 s5, $0x0  }
0x1f: {  	s9 =	smul.u32 $0xF7A, s1;
	s8 =	simm.s32 @!p0 $0x1BF5;
	p2 =	por !p2, p0  }
0x20: {  	[sflag:s8] =	ssyncset.s32 @!p0 $0xFFFFF086;
	s6 =	sadd.s32 @!p0 s3, s7;
	s7 =	simm.s32 @!p0 $0x108  }
0x21: {  	s3 =	sadd.s32 s3, s9;
	s6 =	sadd.s32 @!p0 $0x88, s6;
	s7 =	simm.s32 @p2 $0x1082  }
0x22: {  	[simem:s7], [sflag:s8] =	dma.local @!p0 [hbm:s6], $0xF7A  }
0x23: {  	s9 =	sor.u32 $0xD0000000, s2;
	s6 =	simm.s32 $0x108;
	_ =	swait.ge @!p0 [sflag:s8], $0x0  }
0x24: {  	s3 =	sadd.s32 $0x88, s3;
	s6 =	simm.s32 @!p1 $0x1082;
	[sflag:s4] =	ssyncset.s32 $0xFFFFF086  }
0x25: {  	[simem:s6], [sflag:s4] =	dma.local [hbm:s3], $0xF7A  }
0x26: {  	[smem:$0x3F9D] =	sst s1;
	(tag) =	ssettag s2;
	_ =	strace s9  }
0x27: {  	s1 =	sld [smem:$0x3FAD]  }
0x28: {  	s2 =	sld [smem:$0x3FAE]  }
0x29: {  	s4 =	sld [smem:$0x3FB0]  }
0x2a: {  	p0 =	seq.s32 s5, $0x0;
	s5 =	sld [smem:$0x3FB1]  }
0x2b: {  	s6 =	sld [smem:$0x3FB2]  }
0x2c: {  	s7 =	sld [smem:$0x3FB3]  }
0x2d: {  	s3 =	simm.s32 $0x108;
	s8 =	sld [smem:$0x3FB4]  }
0x2e: {  	s3 =	simm.s32 @!p0 $0x1082;
	s9 =	sld [smem:$0x3FB5]  }
0x2f: {  	lr =	sadd.s32 s0, s3;
	s0 =	sld [smem:$0x3FAC]  }
0x30: {  	s3 =	sld [smem:$0x3FAF]  }
0x31: {  	[smem:$0x3FB8] =	sst s10  }
0x32: {  	s10 =	sld [smem:$0x3FB6];
	_ =	sdelay $0x3  }
0x33: {  	p0 =	seq.s32 s10, $0x1;
	s10 =	sld [smem:$0x3FB8];
	_ =	sdelay $0x3  }
0x34: {  	[smem:$0x3FB8] =	sst s10  }
0x35: {  	s10 =	sld [smem:$0x3FB7];
	_ =	sdelay $0x3  }
0x36: {  	p1 =	seq.s32 s10, $0x1;
	s10 =	sld [smem:$0x3FB8];
	_ =	sdelay $0x3  }
0x37: {  	[smem:$0x3FB8] =	sst s10  }
0x38: {  	s10 =	sld [smem:$0x3FB9]  }
0x39: {  	_ = 	snop;
	(pc) =	sbr.ind lr, $3  }
0x3a: {  	_ = 	snop  }
0x3b: {  	_ = 	snop  }
0x3c: {  	p2 =	seq.s32 s10, $0x1;
	s10 =	sld [smem:$0x3FB8]  }
0x3d: {  	_ =	shalt  }
0x3e: {  	_ =	shalt  }
0x3f: {  	_ =	shalt  }
0x40: {  	_ =	shalt  }
0x41: {  	_ =	shalt  }
0x42: {  	_ =	shalt  }
0x43: {  	_ =	shalt  }
0x44: {  	_ =	shalt  }
0x45: {  	_ =	shalt  }
0x46: {  	_ =	shalt  }
0x47: {  	_ =	shalt  }
0x48: {  	_ =	shalt  }
0x49: {  	_ =	shalt  }
0x4a: {  	_ =	shalt  }
0x4b: {  	_ =	shalt  }
0x4c: {  	_ =	shalt  }
0x4d: {  	_ =	shalt  }
0x4e: {  	_ =	shalt  }
0x4f: {  	_ =	shalt  }
0x50: {  	_ =	shalt  }
0x51: {  	_ =	shalt  }
0x52: {  	_ =	shalt  }
0x53: {  	_ =	shalt  }
0x54: {  	_ =	shalt  }
0x55: {  	_ =	shalt  }
0x56: {  	_ =	shalt  }
0x57: {  	_ =	shalt  }
0x58: {  	_ =	shalt  }
0x59: {  	_ =	shalt  }
0x5a: {  	_ =	shalt  }
0x5b: {  	_ =	shalt  }
0x5c: {  	_ =	shalt  }
0x5d: {  	_ =	shalt  }
0x5e: {  	_ =	shalt  }
0x5f: {  	_ =	shalt  }
0x60: {  	_ =	shalt  }
0x61: {  	_ =	shalt  }
0x62: {  	_ =	shalt  }
0x63: {  	_ =	shalt  }
0x64: {  	_ =	shalt  }
0x65: {  	_ =	shalt  }
0x66: {  	_ =	shalt  }
0x67: {  	_ =	shalt  }
0x68: {  	_ =	shalt  }
0x69: {  	_ =	shalt  }
0x6a: {  	_ =	shalt  }
0x6b: {  	_ =	shalt  }
0x6c: {  	_ =	shalt  }
0x6d: {  	_ =	shalt  }
0x6e: {  	_ =	shalt  }
0x6f: {  	_ =	shalt  }
0x70: {  	_ =	shalt  }
0x71: {  	_ =	shalt  }
0x72: {  	_ =	shalt  }
0x73: {  	_ =	shalt  }
0x74: {  	_ =	shalt  }
0x75: {  	_ =	shalt  }
0x76: {  	_ =	shalt  }
0x77: {  	_ =	shalt  }
0x78: {  	_ =	shalt  }
0x79: {  	_ =	shalt  }
0x7a: {  	_ =	shalt  }
0x7b: {  	_ =	shalt  }
0x7c: {  	_ =	shalt  }
0x7d: {  	_ =	shalt  }
0x7e: {  	_ =	shalt  }
0x7f: {  	_ =	shalt  }
0x80: {  	_ =	shalt  }
0x81: {  	_ =	shalt  }
0x82: {  	_ =	shalt  }
0x83: {  	_ =	shalt  }
0x84: {  	_ =	shalt  }
0x85: {  	_ =	shalt  }
0x86: {  	_ =	shalt  }
0x87: {  	_ =	shalt  }
.Lfunc_end0:
.L_simem_size_0:
called_computation_lowered:
.L_overlay_start_0:
0x88: {  	s2 =	sld [smem:$0x3FD9]  }
0x89: {  	s3 =	sld [smem:$0x3FFE];
	_ =	sdelay $0x1  }
0x8a: {  	s1 =	srdreg.scid  }
0x8b: {  	s0 =	sand.u32 $0x1, s1  }
0x8c: {  	s18 =	sshll.u32 s0, $0xA;
	s2 =	sadd.s32 s3, s2  }
0x8d: {  	s2 =	sadd.s32 s2, s18  }
0x8e: {  	[smem:$0x3FC4] =	sst s2  }
0x8f: {  	_ = 	snop  }
0x90: {  	s2 =	sld [smem:$0x3FC9]  }
0x91: {  	s19 =	sld [smem:$0x3FC8]  }
0x92: {  	s4 =	sld [smem:$0x3FC7]  }
0x93: {  	s5 =	sld [smem:$0x3FC6]  }
0x94: {  	s6 =	sld [smem:$0x3FD0];
	(tm) =	ssettm $0x1  }
0x95: {  	s7 =	sld [smem:$0x3FFB];
	_ =	sdelay $0x3  }
0x96: {  	_ =	strace s7  }
0x97: {  	s7 =	sld [smem:$0x3FFC];
	_ =	sdelay $0x3  }
0x98: {  	_ =	strace s7  }
0x99: {  	s7 =	sld [smem:$0x3FFD];
	_ =	sdelay $0x3  }
0x9a: {  	_ =	strace s7  }
0x9b: {  	_ =	strace $0x8FFFFFFF  }
0x9c: {  	s20 =	sld [smem:$0x3FDB];
	_ =	sdelay $0x1  }
0x9d: {  	s8 =	simm.s32 $_scs_section_size  }
0x9e: {  	s9 =	simm.s32 $_size__tile_overlayer_lowered;
	s10 =	simm.s32 $_tile_overlayer_lowered  }
0x9f: {  	s23 =	simm.s32 $0x1BFF;
	s22 =	sshll.u32 s10, $0x1;
	s7 =	sadd.s32 s8, s20  }
0xa0: {  	s11 =	simm.s32 $0x0;
	s21 =	sshll.u32 s9, $0x1;
	s9 =	sadd.s32 s22, s7  }
0xa1: {  	[timem:s11], [sflag:s23] =	dma.local [hbm:s9], s21  }
0xa2: {  	_ =	swait.ge [sflag:s23], s21  }
0xa3: {  	s8 =	ssub.s32 $0x0, s21;
	[sflag:s23] =	ssyncset.done $0x0  }
0xa4: {  	[sflag:s23] =	ssyncadd.s32 s8;
	_ =	sdelay $0x1  }
0xa5: {  	s24 =	simm.s32 $0x1B8B  }
0xa6: {  	_ =	swait.ge [sflag:s24], $0x1  }
0xa7: {  	[sflag:s24] =	ssyncset.done $0x0  }
0xa8: {  	s25 =	simm.s32 $0x1B8E;
	[sflag:s24] =	ssyncadd.s32 $0xFFFFFFFF  }
0xa9: {  	s26 =	simm.s32 $execute0_lowered;
	[smem:$0x3FD2] =	sst s25  }
0xaa: {  	s8 =	sshll.u32 s26, $0x1;
	_ =	strace $0x80000046;
	[dreg:$0x1] =	wrdreg $0xFFFFFFFF  }
0xab: {  	s28 =	simm.s32 $_size_execute0_lowered;
	s7 =	sadd.s32 s7, s8;
	[dreg:$0x0] =	wrdreg $0x0  }
0xac: {  	s8 =	sshll.u32 s28, $0x1;
	[dreg:$0x2] =	wrdreg s7  }
0xad: {  	[dreg:$0x3] =	wrdreg s8  }
0xae: {  	[dreg:$0x4] =	wrdreg $0xC0  }
0xaf: {  	_ =	task [dreg:s11], $0x5FFFF  }
0xb0: {  	[dreg:$0x1] =	wrdreg $0xFFFFFFFF  }
0xb1: {  	[dreg:$0x0] =	wrdreg $0x60  }
0xb2: {  	[dreg:$0x2] =	wrdreg s2  }
0xb3: {  	[dreg:$0x3] =	wrdreg s19  }
0xb4: {  	[dreg:$0x4] =	wrdreg s4  }
0xb5: {  	[dreg:$0x5] =	wrdreg s5  }
0xb6: {  	[dreg:$0x6] =	wrdreg s6  }
0xb7: {  	[dreg:$0x7] =	wrdreg $0x98800  }
0xb8: {  	[dreg:$0x8] =	wrdreg $0x9  }
0xb9: {  	_ =	task.clear_ibuf [dreg:s11], $0x9FFFF;
	_ =	strace $0x90000046  }
0xba: {  	s29 =	simm.s32 $0x9;
	_ =	strace $0x80000048  }
0xbb: {  	_ =	swait.ge [sflag:s29], $0x1  }
0xbc: {  	[sflag:s29] =	ssyncadd.s32 $0xFFFFFFFF  }
0xbd: {  	_ =	strace $0x90000048  }
0xbe: {  	_ =	sfence  }
0xbf: {  	s30 =	sld [smem:$0x0];
	_ =	sdelay $0x2  }
0xc0: {  	s31 =	sshll.u32 s1, $0xD;
	s1 =	sshrl.u32 s1, $0x2  }
0xc1: {  	s3 =	sand.u32 $0x4000, s31;
	s1 =	sadd.s32 s1, s30  }
0xc2: {  	s0 =	sor.u32 s3, s0;
	s1 =	sshll.u32 s1, $0x11  }
0xc3: {  	s0 =	sor.u32 s1, s0  }
0xc4: {  	s0 =	sadd.s32 $0x8F2B, s0  }
0xc5: {  	[sflag:s0] =	ssyncadd.remote.s32 $0x1  }
0xc6: {  	_ =	sfence.sel $0xFFFF  }
0xc7: {  	[dreg:$0x0] =	wrdreg $0xFFFFFFFF;
	(pc) =	sbr.abs _section_cstart, $3  }
0xc8: {  	[dreg:$0x1] =	wrdreg $0xFFFFFFFF  }
0xc9: {  	_ =	task.clear_ibuf [dreg:s11], $0x2FFFF;
	_ =	strace $0x9FFFFFFF  }
0xca: {  	(tm) =	ssettm $0x7FFFFFFF  }
0xcb: {  	_ =	shalt  }
tec
execute0_lowered:
.L_overlay_start_1:
0x0: {  	(tag) =	ssettag $0x1  }
0x1: {  	s0 =	srdreg.scid;
	s10 =	rddreg [dreg:$0x2]  }
0x2: {  	s21 =	stileid.u32;
	s1 =	simm.s32 $0x0;
	s3 =	sand.u32 $0x1, s0  }
0x3: {  	s29 =	rddreg [dreg:$0x5];
	s2 =	smul.u32 $0x1388, s21;
	s0 =	ssub.s32 $0x2, s3  }
0x4: {  	[smem:$0x7FF] =	sst s1;
	s9 =	sshll.u32 s21, $0x1;
	s4 =	sshrl.u32 s0, $0x1  }
0x5: {  	s5 =	sshrl.u32 s2, $0x3;
	s6 =	sadd.s32 $0x3A980, s2;
	s0 =	ssub.s32 s0, s4  }
0x6: {  	s4 =	sor.u32 s3, s9;
	s11 =	sadd.s32 s10, s5;
	s3 =	sadd.s32 $0x13880, s2  }
0x7: {  	s5 =	sadd.s32 $0x27100, s2;
	s8 =	sshrl.u32 s6, $0x3;
	s9 =	sadd.s32 $0x75300, s2  }
0x8: {  	[dreg:$0x7] =	wrdreg s11;
	s7 =	sshrl.u32 s3, $0x3;
	s13 =	sadd.s32 s10, s8  }
0x9: {  	s12 =	sshrl.u32 s5, $0x3;
	s7 =	sadd.s32 s10, s7;
	[dreg:$0xa] =	wrdreg s13  }
0xa: {  	s8 =	sadd.s32 $0x61A80, s2;
	[dreg:$0x8] =	wrdreg s7;
	s7 =	sadd.s32 s10, s12  }
0xb: {  	s12 =	sshrl.u32 s9, $0x3;
	[dreg:$0x9] =	wrdreg s7;
	s7 =	sadd.s32 $0x4E200, s2  }
0xc: {  	s14 =	sshrl.u32 s8, $0x3;
	s15 =	sadd.s32 s10, s12;
	s11 =	sshrl.u32 s7, $0x3  }
0xd: {  	s13 =	sadd.s32 $0x9C400, s2;
	[dreg:$0xd] =	wrdreg s15;
	s11 =	sadd.s32 s10, s11  }
0xe: {  	[dreg:$0xb] =	wrdreg s11;
	s11 =	sadd.s32 s10, s14;
	s14 =	sadd.s32 $0xAFC80, s2  }
0xf: {  	[dreg:$0xc] =	wrdreg s11;
	s11 =	sadd.s32 $0x88B80, s2;
	s15 =	sshrl.u32 s14, $0x3  }
0x10: {  	s17 =	sshrl.u32 s13, $0x3;
	s16 =	sshrl.u32 s11, $0x3;
	s18 =	sadd.s32 s10, s15  }
0x11: {  	s15 =	sadd.s32 $0xC3500, s2;
	s12 =	sadd.s32 s10, s16;
	[dreg:$0x10] =	wrdreg s18  }
0x12: {  	s19 =	sshrl.u32 s15, $0x3;
	s16 =	sadd.s32 $0xD6D80, s2;
	s18 =	sadd.s32 $0xEA600, s2  }
0x13: {  	[dreg:$0xe] =	wrdreg s12;
	s12 =	sadd.s32 s10, s17;
	s17 =	smul.u32 $0xC800, s4  }
0x14: {  	s20 =	sshrl.u32 s16, $0x3;
	[dreg:$0xf] =	wrdreg s12;
	s12 =	sadd.s32 s10, s19  }
0x15: {  	s22 =	sshrl.u32 s18, $0x3;
	[dreg:$0x11] =	wrdreg s12;
	s12 =	sadd.s32 s10, s20  }
0x16: {  	s10 =	sadd.s32 s10, s22;
	[dreg:$0x12] =	wrdreg s12  }
0x17: {  	s12 =	sshrl.u32 s17, $0x3;
	[dreg:$0x13] =	wrdreg s10  }
0x18: {  	s28 =	simm.s32 $0x5780;
	s10 =	rddreg [dreg:$0x0];
	s23 =	sadd.s32 $0x320, s12  }
0x19: {  	s30 =	simm.s32 $0x8980;
	s19 =	rddreg [dreg:$0x1];
	s20 =	sadd.s32 s10, s23  }
0x1a: {  	s24 =	sadd.s32 $0x640, s12;
	s17 =	sadd.s32 s19, s23;
	[dreg:$0x14] =	wrdreg s20  }
0x1b: {  	s26 =	sadd.s32 $0x960, s12;
	s25 =	sadd.s32 s10, s24;
	[dreg:$0x15] =	wrdreg s17  }
0x1c: {  	s31 =	simm.s32 $0x6400;
	s22 =	sadd.s32 s10, s26;
	[dreg:$0x16] =	wrdreg s25  }
0x1d: {  	p0 =	sgt.u32 s21, $0x7;
	s20 =	sadd.s32 s19, s24;
	[dreg:$0x18] =	wrdreg s22  }
0x1e: {  	s23 =	sadd.s32 $0xC80, s12;
	s17 =	sadd.s32 s19, s26;
	[dreg:$0x17] =	wrdreg s20  }
0x1f: {  	s21 =	simm.s32 $0x3200;
	s24 =	sadd.s32 s10, s23;
	[dreg:$0x19] =	wrdreg s17  }
0x20: {  	s25 =	sadd.s32 $0xFA0, s12;
	[dreg:$0x1a] =	wrdreg s24;
	s20 =	sadd.s32 s19, s23  }
0x21: {  	s26 =	sadd.s32 s10, s25;
	s17 =	sadd.s32 s19, s25;
	s25 =	rddreg [dreg:$0x4]  }
0x22: {  	s8 =	sadd.s32 s8, s29;
	s9 =	sadd.s32 s9, s29;
	[dreg:$0x1b] =	wrdreg s20  }
0x23: {  	s7 =	sadd.s32 s7, s29;
	s22 =	sadd.s32 $0x12C0, s12;
	[dreg:$0x1c] =	wrdreg s26  }
0x24: {  	s2 =	sadd.s32 s2, s29;
	s23 =	sadd.s32 s10, s22;
	[dreg:$0x1d] =	wrdreg s17  }
0x25: {  	s4 =	sshll.u32 s4, $0x6;
	s24 =	sadd.s32 s19, s22;
	[dreg:$0x1e] =	wrdreg s23  }
0x26: {  	s22 =	sadd.s32 s19, s12;
	[dreg:$0x1f] =	wrdreg s24;
	s26 =	sadd.s32 s10, s12  }
0x27: {  	[smem:$0x7F6] =	sst s22;
	s12 =	sadd.s32 $0x15E0, s12;
	s4 =	sadd.s32 s25, s4  }
0x28: {  	s24 =	sadd.s32 s3, s29;
	s25 =	sadd.s32 s5, s29;
	s17 =	simm.s32 $0x1900  }
0x29: {  	s20 =	simm.s32 $0xC80;
	s22 =	simm.s32 $0x3E80;
	s3 =	simm.s32 $0x0  }
0x2a: {  	[smem:$0x7F5] =	sst s26;
	s10 =	sadd.s32 s10, s12;
	s23 =	sadd.s32 s19, s12  }
0x2b: {  	[smem:$0x7F9] =	sst s4;
	s26 =	sadd.s32 s6, s29;
	s12 =	sadd.s32 s14, s29  }
0x2c: {  	s14 =	sadd.s32 s16, s29;
	s16 =	smax.u32 s0, $0x1;
	[smem:$0x7F7] =	sst s10  }
0x2d: {  	s19 =	simm.s32 $0x1;
	s0 =	simm.s32 $0x2;
	[smem:$0x7F8] =	sst s23  }
0x2e: {  	s10 =	sadd.s32 s11, s29;
	_ =	strace $0x80000047;
	[smem:$0x7FA] =	sst s2  }
0x2f: {  	s11 =	sadd.s32 s13, s29;
	s13 =	sadd.s32 s15, s29;
	[smem:$0x7FB] =	sst s24  }
0x30: {  	v0 =	vlaneseq.u32;
	s15 =	sadd.s32 s18, s29;
	s18 =	simm.s32 $0x7;
	[smem:$0x7FC] =	sst s25  }
0x31: {  	v0 =	vmul.u32 $0x64, v0;
	s23 =	simm.s32 $0x4B00;
	[smem:$0x7FD] =	sst s26;
	s24 =	simm.s32 $0x4  }
0x32: {  	s26 =	simm.s32 $0x7D00;
	s25 =	simm.s32 $0x6;
	s2 =	simm.s32 $0x5  }
.LBB2_1:
0x33: {  	s4 =	rddreg [dreg:$0x7]  }
0x34: {  	[tilespmem:s17], [sflag:$0x7] =	stream.linear.gather [hbm4b:s4+s1], $0x1388, $0x38;
	[tilespmem:$0x18CA8] =	vst v63  }
0x35: {  	_ =	swait.ge [sflag:s18], $0x1388  }
0x36: {  	s5 =	sld [smem:$0x7FA]  }
0x37: {  	[sflag:s18] =	ssyncset.done $0x0  }
0x38: {  	[sflag:s18] =	ssyncadd.s32 $0xFFFFEC78  }
0x39: {  	[spmem:s5] =	stream.linear.scatter [tilespmem:s17], [sflag:$0x7], $0x1388, $0x38;
	[tilespmem:$0x18CA8] =	vst v63  }
0x3a: {  	_ =	swait.ge [sflag:s18], $0x1388  }
0x3b: {  	[sflag:s18] =	ssyncset.done $0x0  }
0x3c: {  	s6 =	rddreg [dreg:$0x8];
	[sflag:s18] =	ssyncadd.s32 $0xFFFFEC78  }
0x3d: {  	[tilespmem:s17], [sflag:$0x7] =	stream.linear.gather [hbm4b:s6+s1], $0x1388, $0x38;
	[tilespmem:$0x18CA8] =	vst v63  }
0x3e: {  	_ =	swait.ge [sflag:s18], $0x1388  }
0x3f: {  	s5 =	sld [smem:$0x7FB]  }
0x40: {  	[sflag:s18] =	ssyncset.done $0x0  }
0x41: {  	[sflag:s18] =	ssyncadd.s32 $0xFFFFEC78  }
0x42: {  	[spmem:s5] =	stream.linear.scatter [tilespmem:s17], [sflag:$0x7], $0x1388, $0x38;
	[tilespmem:$0x18CA8] =	vst v63  }
0x43: {  	_ =	swait.ge [sflag:s18], $0x1388  }
0x44: {  	[sflag:s18] =	ssyncset.done $0x0  }
0x45: {  	s6 =	rddreg [dreg:$0x9];
	[sflag:s18] =	ssyncadd.s32 $0xFFFFEC78  }
0x46: {  	[tilespmem:s17], [sflag:$0x7] =	stream.linear.gather [hbm4b:s6+s1], $0x1388, $0x38;
	[tilespmem:$0x18CA8] =	vst v63  }
0x47: {  	_ =	swait.ge [sflag:s18], $0x1388  }
0x48: {  	s5 =	sld [smem:$0x7FC]  }
0x49: {  	[sflag:s18] =	ssyncset.done $0x0  }
0x4a: {  	[sflag:s18] =	ssyncadd.s32 $0xFFFFEC78  }
0x4b: {  	[spmem:s5] =	stream.linear.scatter [tilespmem:s17], [sflag:$0x7], $0x1388, $0x38;
	[tilespmem:$0x18CA8] =	vst v63  }
0x4c: {  	_ =	swait.ge [sflag:s18], $0x1388  }
0x4d: {  	[sflag:s18] =	ssyncset.done $0x0  }
0x4e: {  	s6 =	rddreg [dreg:$0xa];
	[sflag:s18] =	ssyncadd.s32 $0xFFFFEC78  }
0x4f: {  	[tilespmem:s17], [sflag:$0x7] =	stream.linear.gather [hbm4b:s6+s1], $0x1388, $0x38;
	[tilespmem:$0x18CA8] =	vst v63  }
0x50: {  	_ =	swait.ge [sflag:s18], $0x1388  }
0x51: {  	s5 =	sld [smem:$0x7FD]  }
0x52: {  	[sflag:s18] =	ssyncset.done $0x0  }
0x53: {  	[sflag:s18] =	ssyncadd.s32 $0xFFFFEC78  }
0x54: {  	[spmem:s5] =	stream.linear.scatter [tilespmem:s17], [sflag:$0x7], $0x1388, $0x38;
	[tilespmem:$0x18CA8] =	vst v63  }
0x55: {  	_ =	swait.ge [sflag:s18], $0x1388  }
0x56: {  	[sflag:s18] =	ssyncset.done $0x0  }
0x57: {  	s6 =	rddreg [dreg:$0xb];
	[sflag:s18] =	ssyncadd.s32 $0xFFFFEC78  }
0x58: {  	[tilespmem:s17], [sflag:$0x7] =	stream.linear.gather [hbm4b:s6+s1], $0x1388, $0x38;
	[tilespmem:$0x18CA8] =	vst v63  }
0x59: {  	_ =	swait.ge [sflag:s18], $0x1388  }
0x5a: {  	[sflag:s18] =	ssyncset.done $0x0  }
0x5b: {  	[sflag:s18] =	ssyncadd.s32 $0xFFFFEC78  }
0x5c: {  	[spmem:s7] =	stream.linear.scatter [tilespmem:s17], [sflag:$0x7], $0x1388, $0x38;
	[tilespmem:$0x18CA8] =	vst v63  }
0x5d: {  	_ =	swait.ge [sflag:s18], $0x1388  }
0x5e: {  	[sflag:s18] =	ssyncset.done $0x0  }
0x5f: {  	s5 =	rddreg [dreg:$0xc];
	[sflag:s18] =	ssyncadd.s32 $0xFFFFEC78  }
0x60: {  	[tilespmem:s17], [sflag:$0x7] =	stream.linear.gather [hbm4b:s5+s1], $0x1388, $0x38;
	[tilespmem:$0x18CA8] =	vst v63  }
0x61: {  	_ =	swait.ge [sflag:s18], $0x1388  }
0x62: {  	[sflag:s18] =	ssyncset.done $0x0  }
0x63: {  	[sflag:s18] =	ssyncadd.s32 $0xFFFFEC78  }
0x64: {  	[spmem:s8] =	stream.linear.scatter [tilespmem:s17], [sflag:$0x7], $0x1388, $0x38;
	[tilespmem:$0x18CA8] =	vst v63  }
0x65: {  	_ =	swait.ge [sflag:s18], $0x1388  }
0x66: {  	[sflag:s18] =	ssyncset.done $0x0  }
0x67: {  	s6 =	rddreg [dreg:$0xd];
	[sflag:s18] =	ssyncadd.s32 $0xFFFFEC78  }
0x68: {  	[tilespmem:s17], [sflag:$0x7] =	stream.linear.gather [hbm4b:s6+s1], $0x1388, $0x38;
	[tilespmem:$0x18CA8] =	vst v63  }
0x69: {  	_ =	swait.ge [sflag:s18], $0x1388  }
0x6a: {  	[sflag:s18] =	ssyncset.done $0x0  }
0x6b: {  	[sflag:s18] =	ssyncadd.s32 $0xFFFFEC78  }
0x6c: {  	[spmem:s9] =	stream.linear.scatter [tilespmem:s17], [sflag:$0x7], $0x1388, $0x38;
	[tilespmem:$0x18CA8] =	vst v63  }
0x6d: {  	_ =	swait.ge [sflag:s18], $0x1388  }
0x6e: {  	[sflag:s18] =	ssyncset.done $0x0  }
0x6f: {  	s5 =	rddreg [dreg:$0xe];
	[sflag:s18] =	ssyncadd.s32 $0xFFFFEC78  }
0x70: {  	[tilespmem:s17], [sflag:$0x7] =	stream.linear.gather [hbm4b:s5+s1], $0x1388, $0x38;
	[tilespmem:$0x18CA8] =	vst v63  }
0x71: {  	_ =	swait.ge [sflag:s18], $0x1388  }
0x72: {  	[sflag:s18] =	ssyncset.done $0x0  }
0x73: {  	[sflag:s18] =	ssyncadd.s32 $0xFFFFEC78  }
0x74: {  	[spmem:s10] =	stream.linear.scatter [tilespmem:s17], [sflag:$0x7], $0x1388, $0x38;
	[tilespmem:$0x18CA8] =	vst v63  }
0x75: {  	_ =	swait.ge [sflag:s18], $0x1388  }
0x76: {  	[sflag:s18] =	ssyncset.done $0x0  }
0x77: {  	s6 =	rddreg [dreg:$0xf];
	[sflag:s18] =	ssyncadd.s32 $0xFFFFEC78  }
0x78: {  	[tilespmem:s17], [sflag:$0x7] =	stream.linear.gather [hbm4b:s6+s1], $0x1388, $0x38;
	[tilespmem:$0x18CA8] =	vst v63  }
0x79: {  	_ =	swait.ge [sflag:s18], $0x1388  }
0x7a: {  	[sflag:s18] =	ssyncset.done $0x0  }
0x7b: {  	[sflag:s18] =	ssyncadd.s32 $0xFFFFEC78  }
0x7c: {  	[spmem:s11] =	stream.linear.scatter [tilespmem:s17], [sflag:$0x7], $0x1388, $0x38;
	[tilespmem:$0x18CA8] =	vst v63  }
0x7d: {  	_ =	swait.ge [sflag:s18], $0x1388  }
0x7e: {  	[sflag:s18] =	ssyncset.done $0x0  }
0x7f: {  	s5 =	rddreg [dreg:$0x10];
	[sflag:s18] =	ssyncadd.s32 $0xFFFFEC78  }
0x80: {  	[tilespmem:s17], [sflag:$0x7] =	stream.linear.gather [hbm4b:s5+s1], $0x1388, $0x38;
	[tilespmem:$0x18CA8] =	vst v63  }
0x81: {  	_ =	swait.ge [sflag:s18], $0x1388  }
0x82: {  	[sflag:s18] =	ssyncset.done $0x0  }
0x83: {  	[sflag:s18] =	ssyncadd.s32 $0xFFFFEC78  }
0x84: {  	[spmem:s12] =	stream.linear.scatter [tilespmem:s17], [sflag:$0x7], $0x1388, $0x38;
	[tilespmem:$0x18CA8] =	vst v63  }
0x85: {  	_ =	swait.ge [sflag:s18], $0x1388  }
0x86: {  	[sflag:s18] =	ssyncset.done $0x0  }
0x87: {  	s6 =	rddreg [dreg:$0x11];
	[sflag:s18] =	ssyncadd.s32 $0xFFFFEC78  }
0x88: {  	[tilespmem:s17], [sflag:$0x7] =	stream.linear.gather [hbm4b:s6+s1], $0x1388, $0x38;
	[tilespmem:$0x18CA8] =	vst v63  }
0x89: {  	_ =	swait.ge [sflag:s18], $0x1388  }
0x8a: {  	[sflag:s18] =	ssyncset.done $0x0  }
0x8b: {  	[sflag:s18] =	ssyncadd.s32 $0xFFFFEC78  }
0x8c: {  	[spmem:s13] =	stream.linear.scatter [tilespmem:s17], [sflag:$0x7], $0x1388, $0x38;
	[tilespmem:$0x18CA8] =	vst v63  }
0x8d: {  	_ =	swait.ge [sflag:s18], $0x1388  }
0x8e: {  	[sflag:s18] =	ssyncset.done $0x0  }
0x8f: {  	s5 =	rddreg [dreg:$0x12];
	[sflag:s18] =	ssyncadd.s32 $0xFFFFEC78  }
0x90: {  	[tilespmem:s17], [sflag:$0x7] =	stream.linear.gather [hbm4b:s5+s1], $0x1388, $0x38;
	[tilespmem:$0x18CA8] =	vst v63  }
0x91: {  	_ =	swait.ge [sflag:s18], $0x1388  }
0x92: {  	[sflag:s18] =	ssyncset.done $0x0  }
0x93: {  	[sflag:s18] =	ssyncadd.s32 $0xFFFFEC78  }
0x94: {  	[spmem:s14] =	stream.linear.scatter [tilespmem:s17], [sflag:$0x7], $0x1388, $0x38;
	[tilespmem:$0x18CA8] =	vst v63  }
0x95: {  	_ =	swait.ge [sflag:s18], $0x1388  }
0x96: {  	s4 =	simm.s32 @!p0 $0x0;
	[sflag:s18] =	ssyncset.done $0x0  }
0x97: {  	s5 =	simm.s32 @!p0 $0x1900;
	s6 =	rddreg [dreg:$0x13];
	[sflag:s18] =	ssyncadd.s32 $0xFFFFEC78  }
0x98: {  	[tilespmem:s5], [sflag:$0x7] =	stream.linear.gather @!p0 [hbm4b:s6+s4], $0x1388, $0x38;
	[tilespmem:$0x18CA8] =	vst v63  }
0x99: {  	s4 =	simm.s32 @!p0 $0x7  }
0x9a: {  	_ =	swait.ge @!p0 [sflag:s4], $0x1388  }
0x9b: {  	[sflag:s4] =	ssyncset.done @!p0 $0x0  }
0x9c: {  	[sflag:s4] =	ssyncadd.s32 @!p0 $0xFFFFEC78  }
0x9d: {  	[spmem:s15] =	stream.linear.scatter @!p0 [tilespmem:s5], [sflag:$0x7], $0x1388, $0x38;
	[tilespmem:$0x18CA8] =	vst v63  }
0x9e: {  	_ =	swait.ge @!p0 [sflag:s4], $0x1388  }
0x9f: {  	[sflag:s4] =	ssyncset.done @!p0 $0x0  }
0xa0: {  	[sflag:s4] =	ssyncadd.s32 @!p0 $0xFFFFEC78  }
0xa1: {  	s6 =	simm.s32 $0x9800;
	s4 =	rddreg [dreg:$0x3]  }
0xa2: {  	[tilespmem:s6], [sflag:$0x7] =	stream.linear.gather [hbm4b:s4+s1], $0x80, $0x38;
	[tilespmem:$0x18CA8] =	vst v63  }
0xa3: {  	_ =	swait.ge [sflag:s18], $0x80  }
0xa4: {  	[sflag:s18] =	ssyncset.done $0x0  }
0xa5: {  	[sflag:s18] =	ssyncadd.s32 $0xFFFFFF80  }
0xa6: {  	v1 =	vld [tilespmem:$0x9800];
	[bflag:$0x0] =	sbarrier.arrive $0xFFFF  }
0xa7: {  	s6 =	sld [smem:$0x7F5];
	_ =	sdelay $0x2  }
0xa8: {  	[tilespmem:s1], [sflag:$0x1] =	stream.linear.gather [hbm4b:s6+s1], $0x1900, $0x38;
	[tilespmem:$0x18CA8] =	vst v63  }
0xa9: {  	_ =	swait.ge [sflag:s19], $0x1900  }
0xaa: {  	[sflag:s19] =	ssyncset.done $0x0  }
0xab: {  	[sflag:s19] =	ssyncadd.s32 $0xFFFFE700  }
0xac: {  	[tilespmem:s21], [sflag:$0x3] =	stream.indirect.gather [spmem:s29], $0x1, s1, s20, $0xb8;
	[tilespmem:$0x18CA8] =	vst v63  }
0xad: {  	s5 =	sld [smem:$0x7F6]  }
0xae: {  	[tilespmem:s22], [sflag:$0x3] =	stream.indirect.gather [spmem:s29], $0x1, s20, s20, $0xb8;
	[tilespmem:$0x18CA8] =	vst v63  }
0xaf: {  	_ = 	snop  }
0xb0: {  	[tilespmem:s17], [sflag:$0x2] =	stream.linear.gather [hbm4b:s5+s1], $0x1900, $0x38;
	[tilespmem:$0x18CA8] =	vst v63  }
0xb1: {  	s6 =	rddreg [dreg:$0x14]  }
0xb2: {  	[tilespmem:s23], [sflag:$0x4] =	stream.linear.gather [hbm4b:s6+s1], $0x1900, $0x38;
	[tilespmem:$0x18CA8] =	vst v63  }
0xb3: {  	_ =	swait.ge [sflag:s24], $0x1900  }
0xb4: {  	[sflag:s24] =	ssyncset.done $0x0  }
0xb5: {  	[sflag:s24] =	ssyncadd.s32 $0xFFFFE700  }
0xb6: {  	[tilespmem:s26], [sflag:$0x6] =	stream.indirect.gather [spmem:s29], $0x1, s23, s20, $0xb8;
	[tilespmem:$0x18CA8] =	vst v63  }
0xb7: {  	_ = 	snop  }
0xb8: {  	[tilespmem:s30], [sflag:$0x6] =	stream.indirect.gather [spmem:s29], $0x1, s28, s20, $0xb8;
	[tilespmem:$0x18CA8] =	vst v63  }
0xb9: {  	s4 =	simm.s32 $0x3;
	s5 =	rddreg [dreg:$0x15]  }
0xba: {  	[tilespmem:s31], [sflag:$0x5] =	stream.linear.gather [hbm4b:s5+s1], $0x1900, $0x38;
	[tilespmem:$0x18CA8] =	vst v63  }
0xbb: {  	_ =	swait.ge [sflag:s4], $0xC80  }
0xbc: {  	[sflag:s4] =	ssyncset.done $0x0  }
0xbd: {  	[sflag:s4] =	ssyncadd.s32 $0xFFFFF380  }
0xbe: {  	_ =	swait.ge [sflag:s4], $0xC80  }
0xbf: {  	s6 =	simm.s32 $0x0;
	[sflag:s4] =	ssyncset.done $0x0  }
0xc0: {  	v2 =	vadd.s32 s6, v0;
	[sflag:s4] =	ssyncadd.s32 $0xFFFFF380  }
0xc1: {  	s6 =	simm.s32 $0x1;
	_ =	swait.ge [sflag:s0], $0x1900  }
0xc2: {  	v3 =	vadd.s32 s6, v0;
	[sflag:s0] =	ssyncset.done $0x0  }
0xc3: {  	s5 =	simm.s32 $0x2;
	s6 =	rddreg [dreg:$0x16];
	[sflag:s0] =	ssyncadd.s32 $0xFFFFE700  }
0xc4: {  	[tilespmem:s1], [sflag:$0x1] =	stream.linear.gather [hbm4b:s6+s1], $0x1900, $0x38;
	[tilespmem:$0x18CA8] =	vst v63  }
0xc5: {  	v4 =	vadd.s32 s5, v0;
	v5 =	vld.idx.msk [tilespmem:v2+s21+$0x0], $0xffff  }
0xc6: {  	v2 =	vld.idx.msk [tilespmem:v2+s17+$0x0], $0xffff  }
0xc7: {  	v6 =	vadd.s32 s4, v0;
	v8 =	vld.idx.msk [tilespmem:v3+s21+$0x0], $0xffff  }
0xc8: {  	s6 =	simm.s32 $0x4;
	v10 =	vld.idx.msk [tilespmem:v3+s17+$0x0], $0xffff  }
0xc9: {  	v9 =	vadd.s32 s6, v0  }
0xca: {  	s5 =	simm.s32 $0x5;
	v12 =	vld.idx.msk [tilespmem:v4+s21+$0x0], $0xffff  }
0xcb: {  	v11 =	vadd.s32 s5, v0;
	v13 =	vld.idx.msk [tilespmem:v4+s17+$0x0], $0xffff  }
0xcc: {  	v3 =	vld.idx.msk [tilespmem:v6+s21+$0x0], $0xffff;
	s6 =	simm.s32 $0x6  }
0xcd: {  	v7 =	vld.idx.msk [tilespmem:v6+s17+$0x0], $0xffff;
	v4 =	vmul.f32 v2, v5;
	v15 =	vmul.f32 v10, v8;
	v10 =	vadd.s32 s6, v0  }
0xce: {  	s4 =	simm.s32 $0x7;
	v2 =	vld.idx.msk [tilespmem:v9+s21+$0x0], $0xffff  }
0xcf: {  	v6 =	vadd.s32 s4, v0;
	v5 =	vld.idx.msk [tilespmem:v9+s17+$0x0], $0xffff;
	v14 =	vadd.f32 v4, v1  }
0xd0: {  	s6 =	simm.s32 $0x8;
	v9 =	vld.idx.msk [tilespmem:v11+s17+$0x0], $0xffff  }
0xd1: {  	s5 =	simm.s32 $0xF;
	s4 =	simm.s32 $0xB;
	v12 =	vmul.f32 v13, v12;
	v8 =	vadd.s32 s6, v0;
	v4 =	vld.idx.msk [tilespmem:v11+s21+$0x0], $0xffff;
	v11 =	vadd.f32 v15, v14  }
.LBB2_2:
0xd2: {  	p1 =	sne.s32 s5, $0x63;
	s6 =	sadd.s32 $0xFFFFFFFE, s4;
	v13 =	vld.idx.msk [tilespmem:v10+s21+$0x0], $0xffff  }
0xd3: {  	v14 =	vadd.s32 s6, v0;
	v15 =	vld.idx.msk [tilespmem:v10+s17+$0x0], $0xffff;
	v11 =	vadd.f32 v12, v11;
	v12 =	vmul.f32 v7, v3  }
0xd4: {  	s6 =	sadd.s32 $0xFFFFFFFF, s4;
	v3 =	vld.idx.msk [tilespmem:v6+s21+$0x0], $0xffff  }
.Ltmp0:
0xd5: {  	v10 =	vadd.s32 s6, v0;
	v16 =	vmul.f32 v5, v2;
	v7 =	vld.idx.msk [tilespmem:v6+s17+$0x0], $0xffff;
	v11 =	vadd.f32 v12, v11;
	(pc) =	sbr.rel @p1 .LBB2_2-.Ltmp0, $4  }
0xd6: {  	v2 =	vld.idx.msk [tilespmem:v8+s21+$0x0], $0xffff  }
0xd7: {  	v6 =	vadd.s32 s4, v0;
	s4 =	smov.u32 s5;
	v12 =	vmul.f32 v9, v4;
	v5 =	vld.idx.msk [tilespmem:v8+s17+$0x0], $0xffff;
	v11 =	vadd.f32 v16, v11  }
0xd8: {  	s6 =	sadd.s32 $0xFFFFFFFD, s5;
	v4 =	vld.idx.msk [tilespmem:v14+s21+$0x0], $0xffff  }
0xd9: {  	s5 =	sadd.s32 $0x4, s5;
	v8 =	vadd.s32 s6, v0;
	v9 =	vld.idx.msk [tilespmem:v14+s17+$0x0], $0xffff;
	v11 =	vadd.f32 v12, v11;
	v12 =	vmul.f32 v15, v13  }
0xda: {  	_ =	sdelay $0x3  }
0xdb: {  	s5 =	sadd.s32 $0xFFFFFFFE, s4;
	v13 =	vld.idx.msk [tilespmem:v10+s21+$0x0], $0xffff;
	v3 =	vmul.f32 v7, v3;
	v11 =	vadd.f32 v12, v11  }
0xdc: {  	v10 =	vld.idx.msk [tilespmem:v10+s17+$0x0], $0xffff;
	v7 =	vadd.s32 s5, v0  }
0xdd: {  	s6 =	sadd.s32 $0xFFFFFFFF, s4;
	v12 =	vld.idx.msk [tilespmem:v6+s21+$0x0], $0xffff;
	v2 =	vmul.f32 v5, v2;
	v3 =	vadd.f32 v3, v11  }
0xde: {  	v6 =	vld.idx.msk [tilespmem:v6+s17+$0x0], $0xffff;
	v5 =	vadd.s32 s6, v0  }
0xdf: {  	v11 =	vld.idx.msk [tilespmem:v8+s21+$0x0], $0xffff;
	v2 =	vadd.f32 v2, v3;
	v3 =	vmul.f32 v9, v4  }
0xe0: {  	v4 =	vld.idx.msk [tilespmem:v8+s17+$0x0], $0xffff;
	v8 =	vadd.s32 s4, v0  }
0xe1: {  	v9 =	vld.idx.msk [tilespmem:v7+s21+$0x0], $0xffff;
	v2 =	vadd.f32 v3, v2;
	v3 =	vmul.f32 v10, v13  }
0xe2: {  	v7 =	vld.idx.msk [tilespmem:v7+s17+$0x0], $0xffff  }
0xe3: {  	v10 =	vld.idx.msk [tilespmem:v5+s21+$0x0], $0xffff;
	v2 =	vadd.f32 v3, v2;
	v3 =	vmul.f32 v6, v12  }
0xe4: {  	v5 =	vld.idx.msk [tilespmem:v5+s17+$0x0], $0xffff  }
0xe5: {  	v6 =	vld.idx.msk [tilespmem:v8+s21+$0x0], $0xffff;
	v4 =	vmul.f32 v4, v11;
	v2 =	vadd.f32 v3, v2  }
0xe6: {  	v3 =	vld.idx.msk [tilespmem:v8+s17+$0x0], $0xffff  }
0xe7: {  	v2 =	vadd.f32 v4, v2;
	v4 =	vmul.f32 v7, v9;
	_ =	sdelay $0x1  }
0xe8: {  	v2 =	vadd.f32 v4, v2;
	v4 =	vmul.f32 v5, v10  }
0xe9: {  	s5 =	simm.s32 $0x640  }
0xea: {  	v3 =	vmul.f32 v3, v6;
	v2 =	vadd.f32 v4, v2;
	v4 =	vadd.s32 s5, v0  }
0xeb: {  	s6 =	simm.s32 $0x641  }
0xec: {  	v2 =	vadd.f32 v3, v2;
	v3 =	vadd.s32 s6, v0  }
0xed: {  	s6 =	simm.s32 $0x643  }
0xee: {  	s5 =	simm.s32 $0x642;
	v6 =	vadd.s32 s6, v0;
	[tilespmem:$0x9600] =	vst v2  }
0xef: {  	v2 =	vadd.s32 s5, v0;
	v5 =	vld.idx.msk [tilespmem:v4+s21+$0x0], $0xffff  }
0xf0: {  	v4 =	vld.idx.msk [tilespmem:v4+s17+$0x0], $0xffff  }
0xf1: {  	s5 =	simm.s32 $0x644;
	v8 =	vld.idx.msk [tilespmem:v3+s21+$0x0], $0xffff  }
0xf2: {  	v9 =	vadd.s32 s5, v0;
	v11 =	vld.idx.msk [tilespmem:v3+s17+$0x0], $0xffff  }
0xf3: {  	s6 =	simm.s32 $0x645;
	v3 =	vld.idx.msk [tilespmem:v6+s21+$0x0], $0xffff  }
0xf4: {  	v12 =	vadd.s32 s6, v0;
	v13 =	vld.idx.msk [tilespmem:v2+s21+$0x0], $0xffff  }
0xf5: {  	s5 =	simm.s32 $0x646;
	v14 =	vld.idx.msk [tilespmem:v2+s17+$0x0], $0xffff  }
0xf6: {  	v7 =	vadd.s32 s5, v0;
	v10 =	vld.idx.msk [tilespmem:v6+s17+$0x0], $0xffff;
	v2 =	vmul.f32 v4, v5  }
0xf7: {  	s6 =	simm.s32 $0x647;
	v4 =	vld.idx.msk [tilespmem:v9+s21+$0x0], $0xffff  }
0xf8: {  	v9 =	vld.idx.msk [tilespmem:v9+s17+$0x0], $0xffff;
	v6 =	vadd.f32 v2, v1;
	v15 =	vmul.f32 v11, v8;
	v11 =	vadd.s32 s6, v0  }
0xf9: {  	s4 =	simm.s32 $0x648;
	v5 =	vld.idx.msk [tilespmem:v12+s17+$0x0], $0xffff  }
0xfa: {  	v2 =	vld.idx.msk [tilespmem:v12+s21+$0x0], $0xffff;
	v8 =	vadd.s32 s4, v0;
	v12 =	vadd.f32 v15, v6;
	v13 =	vmul.f32 v14, v13  }
0xfb: {  	s5 =	simm.s32 $0x64C;
	s6 =	simm.s32 $0x649;
	v6 =	vld.idx.msk [tilespmem:v7+s21+$0x0], $0xffff  }
.LBB2_4:
0xfc: {  	p1 =	sne.s32 s5, $0x6A0;
	v14 =	vadd.s32 s6, v0;
	v15 =	vld.idx.msk [tilespmem:v7+s17+$0x0], $0xffff;
	v12 =	vadd.f32 v13, v12;
	v13 =	vmul.f32 v10, v3  }
0xfd: {  	s6 =	sadd.s32 $0x2, s4;
	v3 =	vld.idx.msk [tilespmem:v11+s21+$0x0], $0xffff  }
0xfe: {  	v7 =	vadd.s32 s6, v0;
	v16 =	vmul.f32 v9, v4;
	v10 =	vld.idx.msk [tilespmem:v11+s17+$0x0], $0xffff;
	v12 =	vadd.f32 v13, v12  }
.Ltmp1:
0xff: {  	s6 =	sadd.s32 $0x3, s4;
	s4 =	smov.u32 s5;
	v4 =	vld.idx.msk [tilespmem:v8+s21+$0x0], $0xffff;
	(pc) =	sbr.rel @p1 .LBB2_4-.Ltmp1, $4  }
0x100: {  	v11 =	vadd.s32 s6, v0;
	v13 =	vmul.f32 v5, v2;
	v9 =	vld.idx.msk [tilespmem:v8+s17+$0x0], $0xffff;
	v12 =	vadd.f32 v16, v12  }
0x101: {  	v2 =	vld.idx.msk [tilespmem:v14+s21+$0x0], $0xffff  }
0x102: {  	v8 =	vadd.s32 s5, v0;
	v5 =	vld.idx.msk [tilespmem:v14+s17+$0x0], $0xffff;
	v12 =	vadd.f32 v13, v12;
	v13 =	vmul.f32 v15, v6  }
0x103: {  	s6 =	sadd.s32 $0x1, s4;
	s5 =	sadd.s32 $0x4, s5;
	v6 =	vld.idx.msk [tilespmem:v7+s21+$0x0], $0xffff  }
0x104: {  	_ =	sdelay $0x2  }
0x105: {  	v12 =	vadd.f32 v13, v12;
	v3 =	vmul.f32 v10, v3  }
0x106: {  	v10 =	vadd.s32 s6, v0;
	v7 =	vld.idx.msk [tilespmem:v7+s17+$0x0], $0xffff  }
0x107: {  	s5 =	sadd.s32 $0x2, s4;
	v13 =	vld.idx.msk [tilespmem:v11+s21+$0x0], $0xffff;
	v4 =	vmul.f32 v9, v4;
	v3 =	vadd.f32 v3, v12  }
0x108: {  	v11 =	vld.idx.msk [tilespmem:v11+s17+$0x0], $0xffff;
	v9 =	vadd.s32 s5, v0  }
0x109: {  	s6 =	sadd.s32 $0x3, s4;
	v12 =	vld.idx.msk [tilespmem:v8+s21+$0x0], $0xffff;
	v2 =	vmul.f32 v5, v2;
	v3 =	vadd.f32 v4, v3  }
0x10a: {  	v5 =	vadd.s32 s6, v0;
	v4 =	vld.idx.msk [tilespmem:v8+s17+$0x0], $0xffff  }
0x10b: {  	v8 =	vld.idx.msk [tilespmem:v10+s21+$0x0], $0xffff;
	v2 =	vadd.f32 v2, v3;
	v3 =	vmul.f32 v7, v6  }
0x10c: {  	v6 =	vld.idx.msk [tilespmem:v10+s17+$0x0], $0xffff  }
0x10d: {  	v7 =	vld.idx.msk [tilespmem:v9+s21+$0x0], $0xffff;
	v2 =	vadd.f32 v3, v2;
	v3 =	vmul.f32 v11, v13  }
0x10e: {  	v9 =	vld.idx.msk [tilespmem:v9+s17+$0x0], $0xffff  }
0x10f: {  	v10 =	vld.idx.msk [tilespmem:v5+s21+$0x0], $0xffff;
	v4 =	vmul.f32 v4, v12;
	v2 =	vadd.f32 v3, v2  }
0x110: {  	v3 =	vld.idx.msk [tilespmem:v5+s17+$0x0], $0xffff  }
0x111: {  	v2 =	vadd.f32 v4, v2;
	v4 =	vmul.f32 v6, v8;
	_ =	sdelay $0x1  }
0x112: {  	v2 =	vadd.f32 v4, v2;
	v4 =	vmul.f32 v9, v7  }
0x113: {  	s5 =	simm.s32 $0xC80  }
0x114: {  	v3 =	vmul.f32 v3, v10;
	v2 =	vadd.f32 v4, v2;
	v4 =	vadd.s32 s5, v0  }
0x115: {  	s6 =	simm.s32 $0xC81  }
0x116: {  	v2 =	vadd.f32 v3, v2;
	v3 =	vadd.s32 s6, v0  }
0x117: {  	s6 =	simm.s32 $0xC83  }
0x118: {  	s5 =	simm.s32 $0xC82;
	v6 =	vadd.s32 s6, v0;
	[tilespmem:$0x9610] =	vst v2  }
0x119: {  	v2 =	vadd.s32 s5, v0;
	v5 =	vld.idx.msk [tilespmem:v4+s21+$0x0], $0xffff  }
0x11a: {  	v4 =	vld.idx.msk [tilespmem:v4+s17+$0x0], $0xffff  }
0x11b: {  	s5 =	simm.s32 $0xC84;
	v8 =	vld.idx.msk [tilespmem:v3+s21+$0x0], $0xffff  }
0x11c: {  	v9 =	vadd.s32 s5, v0;
	v11 =	vld.idx.msk [tilespmem:v3+s17+$0x0], $0xffff  }
0x11d: {  	s6 =	simm.s32 $0xC85;
	v3 =	vld.idx.msk [tilespmem:v6+s21+$0x0], $0xffff  }
0x11e: {  	v12 =	vadd.s32 s6, v0;
	v13 =	vld.idx.msk [tilespmem:v2+s21+$0x0], $0xffff  }
0x11f: {  	s5 =	simm.s32 $0xC86;
	v14 =	vld.idx.msk [tilespmem:v2+s17+$0x0], $0xffff  }
0x120: {  	v7 =	vadd.s32 s5, v0;
	v10 =	vld.idx.msk [tilespmem:v6+s17+$0x0], $0xffff;
	v2 =	vmul.f32 v4, v5  }
0x121: {  	s6 =	simm.s32 $0xC87;
	v4 =	vld.idx.msk [tilespmem:v9+s21+$0x0], $0xffff  }
0x122: {  	v9 =	vld.idx.msk [tilespmem:v9+s17+$0x0], $0xffff;
	v6 =	vadd.f32 v2, v1;
	v15 =	vmul.f32 v11, v8;
	v11 =	vadd.s32 s6, v0  }
0x123: {  	s4 =	simm.s32 $0xC88;
	v5 =	vld.idx.msk [tilespmem:v12+s17+$0x0], $0xffff  }
0x124: {  	v2 =	vld.idx.msk [tilespmem:v12+s21+$0x0], $0xffff;
	v8 =	vadd.s32 s4, v0;
	v12 =	vadd.f32 v15, v6;
	v13 =	vmul.f32 v14, v13  }
0x125: {  	s5 =	simm.s32 $0xC8C;
	s6 =	simm.s32 $0xC89;
	v6 =	vld.idx.msk [tilespmem:v7+s21+$0x0], $0xffff  }
.LBB2_6:
0x126: {  	p1 =	sne.s32 s5, $0xCE0;
	v14 =	vadd.s32 s6, v0;
	v15 =	vld.idx.msk [tilespmem:v7+s17+$0x0], $0xffff;
	v12 =	vadd.f32 v13, v12;
	v13 =	vmul.f32 v10, v3  }
0x127: {  	s6 =	sadd.s32 $0x2, s4;
	v3 =	vld.idx.msk [tilespmem:v11+s21+$0x0], $0xffff  }
0x128: {  	v7 =	vadd.s32 s6, v0;
	v16 =	vmul.f32 v9, v4;
	v10 =	vld.idx.msk [tilespmem:v11+s17+$0x0], $0xffff;
	v12 =	vadd.f32 v13, v12  }
.Ltmp2:
0x129: {  	s6 =	sadd.s32 $0x3, s4;
	s4 =	smov.u32 s5;
	v4 =	vld.idx.msk [tilespmem:v8+s21+$0x0], $0xffff;
	(pc) =	sbr.rel @p1 .LBB2_6-.Ltmp2, $4  }
0x12a: {  	v11 =	vadd.s32 s6, v0;
	v13 =	vmul.f32 v5, v2;
	v9 =	vld.idx.msk [tilespmem:v8+s17+$0x0], $0xffff;
	v12 =	vadd.f32 v16, v12  }
0x12b: {  	v2 =	vld.idx.msk [tilespmem:v14+s21+$0x0], $0xffff  }
0x12c: {  	v8 =	vadd.s32 s5, v0;
	v5 =	vld.idx.msk [tilespmem:v14+s17+$0x0], $0xffff;
	v12 =	vadd.f32 v13, v12;
	v13 =	vmul.f32 v15, v6  }
0x12d: {  	s6 =	sadd.s32 $0x1, s4;
	s5 =	sadd.s32 $0x4, s5;
	v6 =	vld.idx.msk [tilespmem:v7+s21+$0x0], $0xffff  }
0x12e: {  	_ =	sdelay $0x2  }
0x12f: {  	v12 =	vadd.f32 v13, v12;
	v3 =	vmul.f32 v10, v3  }
0x130: {  	v10 =	vadd.s32 s6, v0;
	v7 =	vld.idx.msk [tilespmem:v7+s17+$0x0], $0xffff  }
0x131: {  	s5 =	sadd.s32 $0x2, s4;
	v13 =	vld.idx.msk [tilespmem:v11+s21+$0x0], $0xffff;
	v4 =	vmul.f32 v9, v4;
	v3 =	vadd.f32 v3, v12  }
0x132: {  	v11 =	vld.idx.msk [tilespmem:v11+s17+$0x0], $0xffff;
	v9 =	vadd.s32 s5, v0  }
0x133: {  	s6 =	sadd.s32 $0x3, s4;
	v12 =	vld.idx.msk [tilespmem:v8+s21+$0x0], $0xffff;
	v2 =	vmul.f32 v5, v2;
	v3 =	vadd.f32 v4, v3  }
0x134: {  	v5 =	vadd.s32 s6, v0;
	v4 =	vld.idx.msk [tilespmem:v8+s17+$0x0], $0xffff  }
0x135: {  	v8 =	vld.idx.msk [tilespmem:v10+s21+$0x0], $0xffff;
	v2 =	vadd.f32 v2, v3;
	v3 =	vmul.f32 v7, v6  }
0x136: {  	v6 =	vld.idx.msk [tilespmem:v10+s17+$0x0], $0xffff  }
0x137: {  	v7 =	vld.idx.msk [tilespmem:v9+s21+$0x0], $0xffff;
	v2 =	vadd.f32 v3, v2;
	v3 =	vmul.f32 v11, v13  }
0x138: {  	v9 =	vld.idx.msk [tilespmem:v9+s17+$0x0], $0xffff  }
0x139: {  	v10 =	vld.idx.msk [tilespmem:v5+s21+$0x0], $0xffff;
	v4 =	vmul.f32 v4, v12;
	v2 =	vadd.f32 v3, v2  }
0x13a: {  	v3 =	vld.idx.msk [tilespmem:v5+s17+$0x0], $0xffff  }
0x13b: {  	v2 =	vadd.f32 v4, v2;
	v4 =	vmul.f32 v6, v8;
	_ =	sdelay $0x1  }
0x13c: {  	v2 =	vadd.f32 v4, v2;
	v4 =	vmul.f32 v9, v7  }
0x13d: {  	s5 =	simm.s32 $0x12C0  }
0x13e: {  	v3 =	vmul.f32 v3, v10;
	v2 =	vadd.f32 v4, v2;
	v4 =	vadd.s32 s5, v0  }
0x13f: {  	s6 =	simm.s32 $0x12C1  }
0x140: {  	v2 =	vadd.f32 v3, v2;
	v3 =	vadd.s32 s6, v0  }
0x141: {  	s6 =	simm.s32 $0x12C3  }
0x142: {  	s5 =	simm.s32 $0x12C2;
	v6 =	vadd.s32 s6, v0;
	[tilespmem:$0x9620] =	vst v2  }
0x143: {  	v2 =	vadd.s32 s5, v0;
	v5 =	vld.idx.msk [tilespmem:v4+s21+$0x0], $0xffff  }
0x144: {  	v4 =	vld.idx.msk [tilespmem:v4+s17+$0x0], $0xffff  }
0x145: {  	s5 =	simm.s32 $0x12C4;
	v8 =	vld.idx.msk [tilespmem:v3+s21+$0x0], $0xffff  }
0x146: {  	v9 =	vadd.s32 s5, v0;
	v11 =	vld.idx.msk [tilespmem:v3+s17+$0x0], $0xffff  }
0x147: {  	s6 =	simm.s32 $0x12C5;
	v3 =	vld.idx.msk [tilespmem:v6+s21+$0x0], $0xffff  }
0x148: {  	v12 =	vadd.s32 s6, v0;
	v13 =	vld.idx.msk [tilespmem:v2+s21+$0x0], $0xffff  }
0x149: {  	s5 =	simm.s32 $0x12C6;
	v14 =	vld.idx.msk [tilespmem:v2+s17+$0x0], $0xffff  }
0x14a: {  	v7 =	vadd.s32 s5, v0;
	v10 =	vld.idx.msk [tilespmem:v6+s17+$0x0], $0xffff;
	v2 =	vmul.f32 v4, v5  }
0x14b: {  	s6 =	simm.s32 $0x12C7;
	v4 =	vld.idx.msk [tilespmem:v9+s21+$0x0], $0xffff  }
0x14c: {  	v9 =	vld.idx.msk [tilespmem:v9+s17+$0x0], $0xffff;
	v6 =	vadd.f32 v2, v1;
	v15 =	vmul.f32 v11, v8;
	v11 =	vadd.s32 s6, v0  }
0x14d: {  	s4 =	simm.s32 $0x12C8;
	v5 =	vld.idx.msk [tilespmem:v12+s17+$0x0], $0xffff  }
0x14e: {  	v2 =	vld.idx.msk [tilespmem:v12+s21+$0x0], $0xffff;
	v8 =	vadd.s32 s4, v0;
	v12 =	vadd.f32 v15, v6;
	v13 =	vmul.f32 v14, v13  }
0x14f: {  	s5 =	simm.s32 $0x12CC;
	s6 =	simm.s32 $0x12C9;
	v6 =	vld.idx.msk [tilespmem:v7+s21+$0x0], $0xffff  }
.LBB2_8:
0x150: {  	p1 =	sne.s32 s5, $0x1320;
	v14 =	vadd.s32 s6, v0;
	v15 =	vld.idx.msk [tilespmem:v7+s17+$0x0], $0xffff;
	v12 =	vadd.f32 v13, v12;
	v13 =	vmul.f32 v10, v3  }
0x151: {  	s6 =	sadd.s32 $0x2, s4;
	v3 =	vld.idx.msk [tilespmem:v11+s21+$0x0], $0xffff  }
0x152: {  	v7 =	vadd.s32 s6, v0;
	v16 =	vmul.f32 v9, v4;
	v10 =	vld.idx.msk [tilespmem:v11+s17+$0x0], $0xffff;
	v12 =	vadd.f32 v13, v12  }
.Ltmp3:
0x153: {  	s6 =	sadd.s32 $0x3, s4;
	s4 =	smov.u32 s5;
	v4 =	vld.idx.msk [tilespmem:v8+s21+$0x0], $0xffff;
	(pc) =	sbr.rel @p1 .LBB2_8-.Ltmp3, $4  }
0x154: {  	v11 =	vadd.s32 s6, v0;
	v13 =	vmul.f32 v5, v2;
	v9 =	vld.idx.msk [tilespmem:v8+s17+$0x0], $0xffff;
	v12 =	vadd.f32 v16, v12  }
0x155: {  	v2 =	vld.idx.msk [tilespmem:v14+s21+$0x0], $0xffff  }
0x156: {  	v8 =	vadd.s32 s5, v0;
	v5 =	vld.idx.msk [tilespmem:v14+s17+$0x0], $0xffff;
	v12 =	vadd.f32 v13, v12;
	v13 =	vmul.f32 v15, v6  }
0x157: {  	s6 =	sadd.s32 $0x1, s4;
	s5 =	sadd.s32 $0x4, s5;
	v6 =	vld.idx.msk [tilespmem:v7+s21+$0x0], $0xffff  }
0x158: {  	_ =	sdelay $0x2  }
0x159: {  	v12 =	vadd.f32 v13, v12;
	v3 =	vmul.f32 v10, v3  }
0x15a: {  	v10 =	vadd.s32 s6, v0;
	v7 =	vld.idx.msk [tilespmem:v7+s17+$0x0], $0xffff  }
0x15b: {  	s5 =	sadd.s32 $0x2, s4;
	v13 =	vld.idx.msk [tilespmem:v11+s21+$0x0], $0xffff;
	v4 =	vmul.f32 v9, v4;
	v3 =	vadd.f32 v3, v12  }
0x15c: {  	v11 =	vld.idx.msk [tilespmem:v11+s17+$0x0], $0xffff;
	v9 =	vadd.s32 s5, v0  }
0x15d: {  	s6 =	sadd.s32 $0x3, s4;
	v12 =	vld.idx.msk [tilespmem:v8+s21+$0x0], $0xffff;
	v2 =	vmul.f32 v5, v2;
	v3 =	vadd.f32 v4, v3  }
0x15e: {  	v5 =	vadd.s32 s6, v0;
	v4 =	vld.idx.msk [tilespmem:v8+s17+$0x0], $0xffff  }
0x15f: {  	v8 =	vld.idx.msk [tilespmem:v10+s21+$0x0], $0xffff;
	v2 =	vadd.f32 v2, v3;
	v3 =	vmul.f32 v7, v6  }
0x160: {  	v6 =	vld.idx.msk [tilespmem:v10+s17+$0x0], $0xffff  }
0x161: {  	v7 =	vld.idx.msk [tilespmem:v9+s21+$0x0], $0xffff;
	v2 =	vadd.f32 v3, v2;
	v3 =	vmul.f32 v11, v13  }
0x162: {  	v9 =	vld.idx.msk [tilespmem:v9+s17+$0x0], $0xffff  }
0x163: {  	v10 =	vld.idx.msk [tilespmem:v5+s21+$0x0], $0xffff;
	v4 =	vmul.f32 v4, v12;
	v2 =	vadd.f32 v3, v2  }
0x164: {  	v3 =	vld.idx.msk [tilespmem:v5+s17+$0x0], $0xffff  }
0x165: {  	v2 =	vadd.f32 v4, v2;
	v4 =	vmul.f32 v6, v8;
	_ =	sdelay $0x1  }
0x166: {  	v2 =	vadd.f32 v4, v2;
	v4 =	vmul.f32 v9, v7;
	_ =	sdelay $0x1  }
0x167: {  	v3 =	vmul.f32 v3, v10;
	v2 =	vadd.f32 v4, v2;
	_ =	sdelay $0x1  }
0x168: {  	v2 =	vadd.f32 v3, v2;
	_ =	sdelay $0x1  }
0x169: {  	[tilespmem:$0x9630] =	vst v2  }
0x16a: {  	_ =	swait.ge [sflag:s19], $0x1900  }
0x16b: {  	[sflag:s19] =	ssyncset.done $0x0  }
0x16c: {  	[sflag:s19] =	ssyncadd.s32 $0xFFFFE700  }
0x16d: {  	[tilespmem:s21], [sflag:$0x3] =	stream.indirect.gather [spmem:s29], $0x1, s1, s20, $0xb8;
	[tilespmem:$0x18CA8] =	vst v63  }
0x16e: {  	_ = 	snop  }
0x16f: {  	[tilespmem:s22], [sflag:$0x3] =	stream.indirect.gather [spmem:s29], $0x1, s20, s20, $0xb8;
	[tilespmem:$0x18CA8] =	vst v63  }
0x170: {  	s5 =	rddreg [dreg:$0x17]  }
0x171: {  	[tilespmem:s17], [sflag:$0x2] =	stream.linear.gather [hbm4b:s5+s1], $0x1900, $0x38;
	[tilespmem:$0x18CA8] =	vst v63  }
0x172: {  	_ =	swait.ge [sflag:s25], $0xC80  }
0x173: {  	[sflag:s25] =	ssyncset.done $0x0  }
0x174: {  	[sflag:s25] =	ssyncadd.s32 $0xFFFFF380  }
0x175: {  	_ =	swait.ge [sflag:s25], $0xC80  }
0x176: {  	s6 =	simm.s32 $0x0;
	[sflag:s25] =	ssyncset.done $0x0  }
0x177: {  	v2 =	vadd.s32 s6, v0;
	[sflag:s25] =	ssyncadd.s32 $0xFFFFF380  }
0x178: {  	s5 =	simm.s32 $0x1;
	_ =	swait.ge [sflag:s2], $0x1900  }
0x179: {  	v3 =	vadd.s32 s5, v0;
	[sflag:s2] =	ssyncset.done $0x0  }
0x17a: {  	s4 =	simm.s32 $0x2;
	s6 =	rddreg [dreg:$0x18];
	[sflag:s2] =	ssyncadd.s32 $0xFFFFE700  }
0x17b: {  	[tilespmem:s23], [sflag:$0x4] =	stream.linear.gather [hbm4b:s6+s1], $0x1900, $0x38;
	[tilespmem:$0x18CA8] =	vst v63  }
0x17c: {  	v4 =	vadd.s32 s4, v0;
	v5 =	vld.idx.msk [tilespmem:v2+s26+$0x0], $0xffff  }
0x17d: {  	s5 =	simm.s32 $0x3;
	v2 =	vld.idx.msk [tilespmem:v2+s31+$0x0], $0xffff  }
0x17e: {  	v6 =	vadd.s32 s5, v0;
	v8 =	vld.idx.msk [tilespmem:v3+s26+$0x0], $0xffff  }
0x17f: {  	s6 =	simm.s32 $0x4;
	v10 =	vld.idx.msk [tilespmem:v3+s31+$0x0], $0xffff  }
0x180: {  	v9 =	vadd.s32 s6, v0  }
0x181: {  	s5 =	simm.s32 $0x5;
	v12 =	vld.idx.msk [tilespmem:v4+s26+$0x0], $0xffff  }
0x182: {  	v11 =	vadd.s32 s5, v0;
	v13 =	vld.idx.msk [tilespmem:v4+s31+$0x0], $0xffff  }
0x183: {  	v3 =	vld.idx.msk [tilespmem:v6+s26+$0x0], $0xffff;
	s6 =	simm.s32 $0x6  }
0x184: {  	v7 =	vld.idx.msk [tilespmem:v6+s31+$0x0], $0xffff;
	v4 =	vmul.f32 v2, v5;
	v15 =	vmul.f32 v10, v8;
	v10 =	vadd.s32 s6, v0  }
0x185: {  	s4 =	simm.s32 $0x7;
	v2 =	vld.idx.msk [tilespmem:v9+s26+$0x0], $0xffff  }
0x186: {  	v6 =	vadd.s32 s4, v0;
	v5 =	vld.idx.msk [tilespmem:v9+s31+$0x0], $0xffff;
	v14 =	vadd.f32 v4, v1  }
0x187: {  	s6 =	simm.s32 $0x8;
	v9 =	vld.idx.msk [tilespmem:v11+s31+$0x0], $0xffff  }
0x188: {  	s5 =	simm.s32 $0xF;
	s4 =	simm.s32 $0xB;
	v12 =	vmul.f32 v13, v12;
	v8 =	vadd.s32 s6, v0;
	v4 =	vld.idx.msk [tilespmem:v11+s26+$0x0], $0xffff;
	v11 =	vadd.f32 v15, v14  }
.LBB2_10:
0x189: {  	p1 =	sne.s32 s5, $0x63;
	s6 =	sadd.s32 $0xFFFFFFFE, s4;
	v13 =	vld.idx.msk [tilespmem:v10+s26+$0x0], $0xffff  }
0x18a: {  	v14 =	vadd.s32 s6, v0;
	v15 =	vld.idx.msk [tilespmem:v10+s31+$0x0], $0xffff;
	v11 =	vadd.f32 v12, v11;
	v12 =	vmul.f32 v7, v3  }
0x18b: {  	s6 =	sadd.s32 $0xFFFFFFFF, s4;
	v3 =	vld.idx.msk [tilespmem:v6+s26+$0x0], $0xffff  }
.Ltmp4:
0x18c: {  	v10 =	vadd.s32 s6, v0;
	v16 =	vmul.f32 v5, v2;
	v7 =	vld.idx.msk [tilespmem:v6+s31+$0x0], $0xffff;
	v11 =	vadd.f32 v12, v11;
	(pc) =	sbr.rel @p1 .LBB2_10-.Ltmp4, $4  }
0x18d: {  	v2 =	vld.idx.msk [tilespmem:v8+s26+$0x0], $0xffff  }
0x18e: {  	v6 =	vadd.s32 s4, v0;
	s4 =	smov.u32 s5;
	v12 =	vmul.f32 v9, v4;
	v5 =	vld.idx.msk [tilespmem:v8+s31+$0x0], $0xffff;
	v11 =	vadd.f32 v16, v11  }
0x18f: {  	s6 =	sadd.s32 $0xFFFFFFFD, s5;
	v4 =	vld.idx.msk [tilespmem:v14+s26+$0x0], $0xffff  }
0x190: {  	s5 =	sadd.s32 $0x4, s5;
	v8 =	vadd.s32 s6, v0;
	v9 =	vld.idx.msk [tilespmem:v14+s31+$0x0], $0xffff;
	v11 =	vadd.f32 v12, v11;
	v12 =	vmul.f32 v15, v13  }
0x191: {  	_ =	sdelay $0x3  }
0x192: {  	s5 =	sadd.s32 $0xFFFFFFFE, s4;
	v13 =	vld.idx.msk [tilespmem:v10+s26+$0x0], $0xffff;
	v3 =	vmul.f32 v7, v3;
	v11 =	vadd.f32 v12, v11  }
0x193: {  	v10 =	vld.idx.msk [tilespmem:v10+s31+$0x0], $0xffff;
	v7 =	vadd.s32 s5, v0  }
0x194: {  	s6 =	sadd.s32 $0xFFFFFFFF, s4;
	v12 =	vld.idx.msk [tilespmem:v6+s26+$0x0], $0xffff;
	v2 =	vmul.f32 v5, v2;
	v3 =	vadd.f32 v3, v11  }
0x195: {  	v6 =	vld.idx.msk [tilespmem:v6+s31+$0x0], $0xffff;
	v5 =	vadd.s32 s6, v0  }
0x196: {  	v11 =	vld.idx.msk [tilespmem:v8+s26+$0x0], $0xffff;
	v2 =	vadd.f32 v2, v3;
	v3 =	vmul.f32 v9, v4  }
0x197: {  	v4 =	vld.idx.msk [tilespmem:v8+s31+$0x0], $0xffff;
	v8 =	vadd.s32 s4, v0  }
0x198: {  	v9 =	vld.idx.msk [tilespmem:v7+s26+$0x0], $0xffff;
	v2 =	vadd.f32 v3, v2;
	v3 =	vmul.f32 v10, v13  }
0x199: {  	v7 =	vld.idx.msk [tilespmem:v7+s31+$0x0], $0xffff  }
0x19a: {  	v10 =	vld.idx.msk [tilespmem:v5+s26+$0x0], $0xffff;
	v2 =	vadd.f32 v3, v2;
	v3 =	vmul.f32 v6, v12  }
0x19b: {  	v5 =	vld.idx.msk [tilespmem:v5+s31+$0x0], $0xffff  }
0x19c: {  	v6 =	vld.idx.msk [tilespmem:v8+s26+$0x0], $0xffff;
	v4 =	vmul.f32 v4, v11;
	v2 =	vadd.f32 v3, v2  }
0x19d: {  	v3 =	vld.idx.msk [tilespmem:v8+s31+$0x0], $0xffff  }
0x19e: {  	v2 =	vadd.f32 v4, v2;
	v4 =	vmul.f32 v7, v9;
	_ =	sdelay $0x1  }
0x19f: {  	v2 =	vadd.f32 v4, v2;
	v4 =	vmul.f32 v5, v10  }
0x1a0: {  	s5 =	simm.s32 $0x640  }
0x1a1: {  	v3 =	vmul.f32 v3, v6;
	v2 =	vadd.f32 v4, v2;
	v4 =	vadd.s32 s5, v0  }
0x1a2: {  	s6 =	simm.s32 $0x641  }
0x1a3: {  	v2 =	vadd.f32 v3, v2;
	v3 =	vadd.s32 s6, v0  }
0x1a4: {  	s6 =	simm.s32 $0x643  }
0x1a5: {  	s5 =	simm.s32 $0x642;
	v6 =	vadd.s32 s6, v0;
	[tilespmem:$0x9640] =	vst v2  }
0x1a6: {  	v2 =	vadd.s32 s5, v0;
	v5 =	vld.idx.msk [tilespmem:v4+s26+$0x0], $0xffff  }
0x1a7: {  	v4 =	vld.idx.msk [tilespmem:v4+s31+$0x0], $0xffff  }
0x1a8: {  	s5 =	simm.s32 $0x644;
	v8 =	vld.idx.msk [tilespmem:v3+s26+$0x0], $0xffff  }
0x1a9: {  	v9 =	vadd.s32 s5, v0;
	v11 =	vld.idx.msk [tilespmem:v3+s31+$0x0], $0xffff  }
0x1aa: {  	s6 =	simm.s32 $0x645;
	v3 =	vld.idx.msk [tilespmem:v6+s26+$0x0], $0xffff  }
0x1ab: {  	v12 =	vadd.s32 s6, v0;
	v13 =	vld.idx.msk [tilespmem:v2+s26+$0x0], $0xffff  }
0x1ac: {  	s5 =	simm.s32 $0x646;
	v14 =	vld.idx.msk [tilespmem:v2+s31+$0x0], $0xffff  }
0x1ad: {  	v7 =	vadd.s32 s5, v0;
	v10 =	vld.idx.msk [tilespmem:v6+s31+$0x0], $0xffff;
	v2 =	vmul.f32 v4, v5  }
0x1ae: {  	s6 =	simm.s32 $0x647;
	v4 =	vld.idx.msk [tilespmem:v9+s26+$0x0], $0xffff  }
0x1af: {  	v9 =	vld.idx.msk [tilespmem:v9+s31+$0x0], $0xffff;
	v6 =	vadd.f32 v2, v1;
	v15 =	vmul.f32 v11, v8;
	v11 =	vadd.s32 s6, v0  }
0x1b0: {  	s4 =	simm.s32 $0x648;
	v5 =	vld.idx.msk [tilespmem:v12+s31+$0x0], $0xffff  }
0x1b1: {  	v2 =	vld.idx.msk [tilespmem:v12+s26+$0x0], $0xffff;
	v8 =	vadd.s32 s4, v0;
	v12 =	vadd.f32 v15, v6;
	v13 =	vmul.f32 v14, v13  }
0x1b2: {  	s5 =	simm.s32 $0x64C;
	s6 =	simm.s32 $0x649;
	v6 =	vld.idx.msk [tilespmem:v7+s26+$0x0], $0xffff  }
.LBB2_12:
0x1b3: {  	p1 =	sne.s32 s5, $0x6A0;
	v14 =	vadd.s32 s6, v0;
	v15 =	vld.idx.msk [tilespmem:v7+s31+$0x0], $0xffff;
	v12 =	vadd.f32 v13, v12;
	v13 =	vmul.f32 v10, v3  }
0x1b4: {  	s6 =	sadd.s32 $0x2, s4;
	v3 =	vld.idx.msk [tilespmem:v11+s26+$0x0], $0xffff  }
0x1b5: {  	v7 =	vadd.s32 s6, v0;
	v16 =	vmul.f32 v9, v4;
	v10 =	vld.idx.msk [tilespmem:v11+s31+$0x0], $0xffff;
	v12 =	vadd.f32 v13, v12  }
.Ltmp5:
0x1b6: {  	s6 =	sadd.s32 $0x3, s4;
	s4 =	smov.u32 s5;
	v4 =	vld.idx.msk [tilespmem:v8+s26+$0x0], $0xffff;
	(pc) =	sbr.rel @p1 .LBB2_12-.Ltmp5, $4  }
0x1b7: {  	v11 =	vadd.s32 s6, v0;
	v13 =	vmul.f32 v5, v2;
	v9 =	vld.idx.msk [tilespmem:v8+s31+$0x0], $0xffff;
	v12 =	vadd.f32 v16, v12  }
0x1b8: {  	v2 =	vld.idx.msk [tilespmem:v14+s26+$0x0], $0xffff  }
0x1b9: {  	v8 =	vadd.s32 s5, v0;
	v5 =	vld.idx.msk [tilespmem:v14+s31+$0x0], $0xffff;
	v12 =	vadd.f32 v13, v12;
	v13 =	vmul.f32 v15, v6  }
0x1ba: {  	s6 =	sadd.s32 $0x1, s4;
	s5 =	sadd.s32 $0x4, s5;
	v6 =	vld.idx.msk [tilespmem:v7+s26+$0x0], $0xffff  }
0x1bb: {  	_ =	sdelay $0x2  }
0x1bc: {  	v12 =	vadd.f32 v13, v12;
	v3 =	vmul.f32 v10, v3  }
0x1bd: {  	v10 =	vadd.s32 s6, v0;
	v7 =	vld.idx.msk [tilespmem:v7+s31+$0x0], $0xffff  }
0x1be: {  	s5 =	sadd.s32 $0x2, s4;
	v13 =	vld.idx.msk [tilespmem:v11+s26+$0x0], $0xffff;
	v4 =	vmul.f32 v9, v4;
	v3 =	vadd.f32 v3, v12  }
0x1bf: {  	v11 =	vld.idx.msk [tilespmem:v11+s31+$0x0], $0xffff;
	v9 =	vadd.s32 s5, v0  }
0x1c0: {  	s6 =	sadd.s32 $0x3, s4;
	v12 =	vld.idx.msk [tilespmem:v8+s26+$0x0], $0xffff;
	v2 =	vmul.f32 v5, v2;
	v3 =	vadd.f32 v4, v3  }
0x1c1: {  	v5 =	vadd.s32 s6, v0;
	v4 =	vld.idx.msk [tilespmem:v8+s31+$0x0], $0xffff  }
0x1c2: {  	v8 =	vld.idx.msk [tilespmem:v10+s26+$0x0], $0xffff;
	v2 =	vadd.f32 v2, v3;
	v3 =	vmul.f32 v7, v6  }
0x1c3: {  	v6 =	vld.idx.msk [tilespmem:v10+s31+$0x0], $0xffff  }
0x1c4: {  	v7 =	vld.idx.msk [tilespmem:v9+s26+$0x0], $0xffff;
	v2 =	vadd.f32 v3, v2;
	v3 =	vmul.f32 v11, v13  }
0x1c5: {  	v9 =	vld.idx.msk [tilespmem:v9+s31+$0x0], $0xffff  }
0x1c6: {  	v10 =	vld.idx.msk [tilespmem:v5+s26+$0x0], $0xffff;
	v4 =	vmul.f32 v4, v12;
	v2 =	vadd.f32 v3, v2  }
0x1c7: {  	v3 =	vld.idx.msk [tilespmem:v5+s31+$0x0], $0xffff  }
0x1c8: {  	v2 =	vadd.f32 v4, v2;
	v4 =	vmul.f32 v6, v8;
	_ =	sdelay $0x1  }
0x1c9: {  	v2 =	vadd.f32 v4, v2;
	v4 =	vmul.f32 v9, v7  }
0x1ca: {  	s5 =	simm.s32 $0xC80  }
0x1cb: {  	v3 =	vmul.f32 v3, v10;
	v2 =	vadd.f32 v4, v2;
	v4 =	vadd.s32 s5, v0  }
0x1cc: {  	s6 =	simm.s32 $0xC81  }
0x1cd: {  	v2 =	vadd.f32 v3, v2;
	v3 =	vadd.s32 s6, v0  }
0x1ce: {  	s6 =	simm.s32 $0xC83  }
0x1cf: {  	s5 =	simm.s32 $0xC82;
	v6 =	vadd.s32 s6, v0;
	[tilespmem:$0x9650] =	vst v2  }
0x1d0: {  	v2 =	vadd.s32 s5, v0;
	v5 =	vld.idx.msk [tilespmem:v4+s26+$0x0], $0xffff  }
0x1d1: {  	v4 =	vld.idx.msk [tilespmem:v4+s31+$0x0], $0xffff  }
0x1d2: {  	s5 =	simm.s32 $0xC84;
	v8 =	vld.idx.msk [tilespmem:v3+s26+$0x0], $0xffff  }
0x1d3: {  	v9 =	vadd.s32 s5, v0;
	v11 =	vld.idx.msk [tilespmem:v3+s31+$0x0], $0xffff  }
0x1d4: {  	s6 =	simm.s32 $0xC85;
	v3 =	vld.idx.msk [tilespmem:v6+s26+$0x0], $0xffff  }
0x1d5: {  	v12 =	vadd.s32 s6, v0;
	v13 =	vld.idx.msk [tilespmem:v2+s26+$0x0], $0xffff  }
0x1d6: {  	s5 =	simm.s32 $0xC86;
	v14 =	vld.idx.msk [tilespmem:v2+s31+$0x0], $0xffff  }
0x1d7: {  	v7 =	vadd.s32 s5, v0;
	v10 =	vld.idx.msk [tilespmem:v6+s31+$0x0], $0xffff;
	v2 =	vmul.f32 v4, v5  }
0x1d8: {  	s6 =	simm.s32 $0xC87;
	v4 =	vld.idx.msk [tilespmem:v9+s26+$0x0], $0xffff  }
0x1d9: {  	v9 =	vld.idx.msk [tilespmem:v9+s31+$0x0], $0xffff;
	v6 =	vadd.f32 v2, v1;
	v15 =	vmul.f32 v11, v8;
	v11 =	vadd.s32 s6, v0  }
0x1da: {  	s4 =	simm.s32 $0xC88;
	v5 =	vld.idx.msk [tilespmem:v12+s31+$0x0], $0xffff  }
0x1db: {  	v2 =	vld.idx.msk [tilespmem:v12+s26+$0x0], $0xffff;
	v8 =	vadd.s32 s4, v0;
	v12 =	vadd.f32 v15, v6;
	v13 =	vmul.f32 v14, v13  }
0x1dc: {  	s5 =	simm.s32 $0xC8C;
	s6 =	simm.s32 $0xC89;
	v6 =	vld.idx.msk [tilespmem:v7+s26+$0x0], $0xffff  }
.LBB2_14:
0x1dd: {  	p1 =	sne.s32 s5, $0xCE0;
	v14 =	vadd.s32 s6, v0;
	v15 =	vld.idx.msk [tilespmem:v7+s31+$0x0], $0xffff;
	v12 =	vadd.f32 v13, v12;
	v13 =	vmul.f32 v10, v3  }
0x1de: {  	s6 =	sadd.s32 $0x2, s4;
	v3 =	vld.idx.msk [tilespmem:v11+s26+$0x0], $0xffff  }
0x1df: {  	v7 =	vadd.s32 s6, v0;
	v16 =	vmul.f32 v9, v4;
	v10 =	vld.idx.msk [tilespmem:v11+s31+$0x0], $0xffff;
	v12 =	vadd.f32 v13, v12  }
.Ltmp6:
0x1e0: {  	s6 =	sadd.s32 $0x3, s4;
	s4 =	smov.u32 s5;
	v4 =	vld.idx.msk [tilespmem:v8+s26+$0x0], $0xffff;
	(pc) =	sbr.rel @p1 .LBB2_14-.Ltmp6, $4  }
0x1e1: {  	v11 =	vadd.s32 s6, v0;
	v13 =	vmul.f32 v5, v2;
	v9 =	vld.idx.msk [tilespmem:v8+s31+$0x0], $0xffff;
	v12 =	vadd.f32 v16, v12  }
0x1e2: {  	v2 =	vld.idx.msk [tilespmem:v14+s26+$0x0], $0xffff  }
0x1e3: {  	v8 =	vadd.s32 s5, v0;
	v5 =	vld.idx.msk [tilespmem:v14+s31+$0x0], $0xffff;
	v12 =	vadd.f32 v13, v12;
	v13 =	vmul.f32 v15, v6  }
0x1e4: {  	s6 =	sadd.s32 $0x1, s4;
	s5 =	sadd.s32 $0x4, s5;
	v6 =	vld.idx.msk [tilespmem:v7+s26+$0x0], $0xffff  }
0x1e5: {  	_ =	sdelay $0x2  }
0x1e6: {  	v12 =	vadd.f32 v13, v12;
	v3 =	vmul.f32 v10, v3  }
0x1e7: {  	v10 =	vadd.s32 s6, v0;
	v7 =	vld.idx.msk [tilespmem:v7+s31+$0x0], $0xffff  }
0x1e8: {  	s5 =	sadd.s32 $0x2, s4;
	v13 =	vld.idx.msk [tilespmem:v11+s26+$0x0], $0xffff;
	v4 =	vmul.f32 v9, v4;
	v3 =	vadd.f32 v3, v12  }
0x1e9: {  	v11 =	vld.idx.msk [tilespmem:v11+s31+$0x0], $0xffff;
	v9 =	vadd.s32 s5, v0  }
0x1ea: {  	s6 =	sadd.s32 $0x3, s4;
	v12 =	vld.idx.msk [tilespmem:v8+s26+$0x0], $0xffff;
	v2 =	vmul.f32 v5, v2;
	v3 =	vadd.f32 v4, v3  }
0x1eb: {  	v5 =	vadd.s32 s6, v0;
	v4 =	vld.idx.msk [tilespmem:v8+s31+$0x0], $0xffff  }
0x1ec: {  	v8 =	vld.idx.msk [tilespmem:v10+s26+$0x0], $0xffff;
	v2 =	vadd.f32 v2, v3;
	v3 =	vmul.f32 v7, v6  }
0x1ed: {  	v6 =	vld.idx.msk [tilespmem:v10+s31+$0x0], $0xffff  }
0x1ee: {  	v7 =	vld.idx.msk [tilespmem:v9+s26+$0x0], $0xffff;
	v2 =	vadd.f32 v3, v2;
	v3 =	vmul.f32 v11, v13  }
0x1ef: {  	v9 =	vld.idx.msk [tilespmem:v9+s31+$0x0], $0xffff  }
0x1f0: {  	v10 =	vld.idx.msk [tilespmem:v5+s26+$0x0], $0xffff;
	v4 =	vmul.f32 v4, v12;
	v2 =	vadd.f32 v3, v2  }
0x1f1: {  	v3 =	vld.idx.msk [tilespmem:v5+s31+$0x0], $0xffff  }
0x1f2: {  	v2 =	vadd.f32 v4, v2;
	v4 =	vmul.f32 v6, v8;
	_ =	sdelay $0x1  }
0x1f3: {  	v2 =	vadd.f32 v4, v2;
	v4 =	vmul.f32 v9, v7  }
0x1f4: {  	s5 =	simm.s32 $0x12C0  }
0x1f5: {  	v3 =	vmul.f32 v3, v10;
	v2 =	vadd.f32 v4, v2;
	v4 =	vadd.s32 s5, v0  }
0x1f6: {  	s6 =	simm.s32 $0x12C1  }
0x1f7: {  	v2 =	vadd.f32 v3, v2;
	v3 =	vadd.s32 s6, v0  }
0x1f8: {  	s6 =	simm.s32 $0x12C3  }
0x1f9: {  	s5 =	simm.s32 $0x12C2;
	v6 =	vadd.s32 s6, v0;
	[tilespmem:$0x9660] =	vst v2  }
0x1fa: {  	v2 =	vadd.s32 s5, v0;
	v5 =	vld.idx.msk [tilespmem:v4+s26+$0x0], $0xffff  }
0x1fb: {  	v4 =	vld.idx.msk [tilespmem:v4+s31+$0x0], $0xffff  }
0x1fc: {  	s5 =	simm.s32 $0x12C4;
	v8 =	vld.idx.msk [tilespmem:v3+s26+$0x0], $0xffff  }
0x1fd: {  	v9 =	vadd.s32 s5, v0;
	v11 =	vld.idx.msk [tilespmem:v3+s31+$0x0], $0xffff  }
0x1fe: {  	s6 =	simm.s32 $0x12C5;
	v3 =	vld.idx.msk [tilespmem:v6+s26+$0x0], $0xffff  }
0x1ff: {  	v12 =	vadd.s32 s6, v0;
	v13 =	vld.idx.msk [tilespmem:v2+s26+$0x0], $0xffff  }
0x200: {  	s5 =	simm.s32 $0x12C6;
	v14 =	vld.idx.msk [tilespmem:v2+s31+$0x0], $0xffff  }
0x201: {  	v7 =	vadd.s32 s5, v0;
	v10 =	vld.idx.msk [tilespmem:v6+s31+$0x0], $0xffff;
	v2 =	vmul.f32 v4, v5  }
0x202: {  	s6 =	simm.s32 $0x12C7;
	v4 =	vld.idx.msk [tilespmem:v9+s26+$0x0], $0xffff  }
0x203: {  	v9 =	vld.idx.msk [tilespmem:v9+s31+$0x0], $0xffff;
	v6 =	vadd.f32 v2, v1;
	v15 =	vmul.f32 v11, v8;
	v11 =	vadd.s32 s6, v0  }
0x204: {  	s4 =	simm.s32 $0x12C8;
	v5 =	vld.idx.msk [tilespmem:v12+s31+$0x0], $0xffff  }
0x205: {  	v2 =	vld.idx.msk [tilespmem:v12+s26+$0x0], $0xffff;
	v8 =	vadd.s32 s4, v0;
	v12 =	vadd.f32 v15, v6;
	v13 =	vmul.f32 v14, v13  }
0x206: {  	s5 =	simm.s32 $0x12CC;
	s6 =	simm.s32 $0x12C9;
	v6 =	vld.idx.msk [tilespmem:v7+s26+$0x0], $0xffff  }
.LBB2_16:
0x207: {  	p1 =	sne.s32 s5, $0x1320;
	v14 =	vadd.s32 s6, v0;
	v15 =	vld.idx.msk [tilespmem:v7+s31+$0x0], $0xffff;
	v12 =	vadd.f32 v13, v12;
	v13 =	vmul.f32 v10, v3  }
0x208: {  	s6 =	sadd.s32 $0x2, s4;
	v3 =	vld.idx.msk [tilespmem:v11+s26+$0x0], $0xffff  }
0x209: {  	v7 =	vadd.s32 s6, v0;
	v16 =	vmul.f32 v9, v4;
	v10 =	vld.idx.msk [tilespmem:v11+s31+$0x0], $0xffff;
	v12 =	vadd.f32 v13, v12  }
.Ltmp7:
0x20a: {  	s6 =	sadd.s32 $0x3, s4;
	s4 =	smov.u32 s5;
	v4 =	vld.idx.msk [tilespmem:v8+s26+$0x0], $0xffff;
	(pc) =	sbr.rel @p1 .LBB2_16-.Ltmp7, $4  }
0x20b: {  	v11 =	vadd.s32 s6, v0;
	v13 =	vmul.f32 v5, v2;
	v9 =	vld.idx.msk [tilespmem:v8+s31+$0x0], $0xffff;
	v12 =	vadd.f32 v16, v12  }
0x20c: {  	v2 =	vld.idx.msk [tilespmem:v14+s26+$0x0], $0xffff  }
0x20d: {  	v8 =	vadd.s32 s5, v0;
	v5 =	vld.idx.msk [tilespmem:v14+s31+$0x0], $0xffff;
	v12 =	vadd.f32 v13, v12;
	v13 =	vmul.f32 v15, v6  }
0x20e: {  	s6 =	sadd.s32 $0x1, s4;
	s5 =	sadd.s32 $0x4, s5;
	v6 =	vld.idx.msk [tilespmem:v7+s26+$0x0], $0xffff  }
0x20f: {  	_ =	sdelay $0x2  }
0x210: {  	v12 =	vadd.f32 v13, v12;
	v3 =	vmul.f32 v10, v3  }
0x211: {  	v10 =	vadd.s32 s6, v0;
	v7 =	vld.idx.msk [tilespmem:v7+s31+$0x0], $0xffff  }
0x212: {  	s5 =	sadd.s32 $0x2, s4;
	v13 =	vld.idx.msk [tilespmem:v11+s26+$0x0], $0xffff;
	v4 =	vmul.f32 v9, v4;
	v3 =	vadd.f32 v3, v12  }
0x213: {  	v11 =	vld.idx.msk [tilespmem:v11+s31+$0x0], $0xffff;
	v9 =	vadd.s32 s5, v0  }
0x214: {  	s6 =	sadd.s32 $0x3, s4;
	v12 =	vld.idx.msk [tilespmem:v8+s26+$0x0], $0xffff;
	v2 =	vmul.f32 v5, v2;
	v3 =	vadd.f32 v4, v3  }
0x215: {  	v5 =	vadd.s32 s6, v0;
	v4 =	vld.idx.msk [tilespmem:v8+s31+$0x0], $0xffff  }
0x216: {  	v8 =	vld.idx.msk [tilespmem:v10+s26+$0x0], $0xffff;
	v2 =	vadd.f32 v2, v3;
	v3 =	vmul.f32 v7, v6  }
0x217: {  	v6 =	vld.idx.msk [tilespmem:v10+s31+$0x0], $0xffff  }
0x218: {  	v7 =	vld.idx.msk [tilespmem:v9+s26+$0x0], $0xffff;
	v2 =	vadd.f32 v3, v2;
	v3 =	vmul.f32 v11, v13  }
0x219: {  	v9 =	vld.idx.msk [tilespmem:v9+s31+$0x0], $0xffff  }
0x21a: {  	v10 =	vld.idx.msk [tilespmem:v5+s26+$0x0], $0xffff;
	v4 =	vmul.f32 v4, v12;
	v2 =	vadd.f32 v3, v2  }
0x21b: {  	v3 =	vld.idx.msk [tilespmem:v5+s31+$0x0], $0xffff  }
0x21c: {  	v2 =	vadd.f32 v4, v2;
	v4 =	vmul.f32 v6, v8;
	_ =	sdelay $0x1  }
0x21d: {  	v2 =	vadd.f32 v4, v2;
	v4 =	vmul.f32 v9, v7;
	_ =	sdelay $0x1  }
0x21e: {  	v3 =	vmul.f32 v3, v10;
	v2 =	vadd.f32 v4, v2;
	_ =	sdelay $0x1  }
0x21f: {  	v2 =	vadd.f32 v3, v2;
	_ =	sdelay $0x1  }
0x220: {  	[tilespmem:$0x9670] =	vst v2  }
0x221: {  	_ =	swait.ge [sflag:s24], $0x1900  }
0x222: {  	[sflag:s24] =	ssyncset.done $0x0  }
0x223: {  	[sflag:s24] =	ssyncadd.s32 $0xFFFFE700  }
0x224: {  	[tilespmem:s26], [sflag:$0x6] =	stream.indirect.gather [spmem:s29], $0x1, s23, s20, $0xb8;
	[tilespmem:$0x18CA8] =	vst v63  }
0x225: {  	_ = 	snop  }
0x226: {  	[tilespmem:s30], [sflag:$0x6] =	stream.indirect.gather [spmem:s29], $0x1, s28, s20, $0xb8;
	[tilespmem:$0x18CA8] =	vst v63  }
0x227: {  	s4 =	simm.s32 $0x3;
	s5 =	rddreg [dreg:$0x19]  }
0x228: {  	[tilespmem:s31], [sflag:$0x5] =	stream.linear.gather [hbm4b:s5+s1], $0x1900, $0x38;
	[tilespmem:$0x18CA8] =	vst v63  }
0x229: {  	_ =	swait.ge [sflag:s4], $0xC80  }
0x22a: {  	[sflag:s4] =	ssyncset.done $0x0  }
0x22b: {  	[sflag:s4] =	ssyncadd.s32 $0xFFFFF380  }
0x22c: {  	_ =	swait.ge [sflag:s4], $0xC80  }
0x22d: {  	s6 =	simm.s32 $0x0;
	[sflag:s4] =	ssyncset.done $0x0  }
0x22e: {  	v2 =	vadd.s32 s6, v0;
	[sflag:s4] =	ssyncadd.s32 $0xFFFFF380  }
0x22f: {  	s6 =	simm.s32 $0x1;
	_ =	swait.ge [sflag:s0], $0x1900  }
0x230: {  	v3 =	vadd.s32 s6, v0;
	[sflag:s0] =	ssyncset.done $0x0  }
0x231: {  	s5 =	simm.s32 $0x2;
	s6 =	rddreg [dreg:$0x1a];
	[sflag:s0] =	ssyncadd.s32 $0xFFFFE700  }
0x232: {  	[tilespmem:s1], [sflag:$0x1] =	stream.linear.gather [hbm4b:s6+s1], $0x1900, $0x38;
	[tilespmem:$0x18CA8] =	vst v63  }
0x233: {  	v4 =	vadd.s32 s5, v0;
	v5 =	vld.idx.msk [tilespmem:v2+s21+$0x0], $0xffff  }
0x234: {  	v2 =	vld.idx.msk [tilespmem:v2+s17+$0x0], $0xffff  }
0x235: {  	v6 =	vadd.s32 s4, v0;
	v8 =	vld.idx.msk [tilespmem:v3+s21+$0x0], $0xffff  }
0x236: {  	s6 =	simm.s32 $0x4;
	v10 =	vld.idx.msk [tilespmem:v3+s17+$0x0], $0xffff  }
0x237: {  	v9 =	vadd.s32 s6, v0  }
0x238: {  	s5 =	simm.s32 $0x5;
	v12 =	vld.idx.msk [tilespmem:v4+s21+$0x0], $0xffff  }
0x239: {  	v11 =	vadd.s32 s5, v0;
	v13 =	vld.idx.msk [tilespmem:v4+s17+$0x0], $0xffff  }
0x23a: {  	v3 =	vld.idx.msk [tilespmem:v6+s21+$0x0], $0xffff;
	s6 =	simm.s32 $0x6  }
0x23b: {  	v7 =	vld.idx.msk [tilespmem:v6+s17+$0x0], $0xffff;
	v4 =	vmul.f32 v2, v5;
	v15 =	vmul.f32 v10, v8;
	v10 =	vadd.s32 s6, v0  }
0x23c: {  	s4 =	simm.s32 $0x7;
	v2 =	vld.idx.msk [tilespmem:v9+s21+$0x0], $0xffff  }
0x23d: {  	v6 =	vadd.s32 s4, v0;
	v5 =	vld.idx.msk [tilespmem:v9+s17+$0x0], $0xffff;
	v14 =	vadd.f32 v4, v1  }
0x23e: {  	s6 =	simm.s32 $0x8;
	v9 =	vld.idx.msk [tilespmem:v11+s17+$0x0], $0xffff  }
0x23f: {  	s5 =	simm.s32 $0xF;
	s4 =	simm.s32 $0xB;
	v12 =	vmul.f32 v13, v12;
	v8 =	vadd.s32 s6, v0;
	v4 =	vld.idx.msk [tilespmem:v11+s21+$0x0], $0xffff;
	v11 =	vadd.f32 v15, v14  }
.LBB2_18:
0x240: {  	p1 =	sne.s32 s5, $0x63;
	s6 =	sadd.s32 $0xFFFFFFFE, s4;
	v13 =	vld.idx.msk [tilespmem:v10+s21+$0x0], $0xffff  }
0x241: {  	v14 =	vadd.s32 s6, v0;
	v15 =	vld.idx.msk [tilespmem:v10+s17+$0x0], $0xffff;
	v11 =	vadd.f32 v12, v11;
	v12 =	vmul.f32 v7, v3  }
0x242: {  	s6 =	sadd.s32 $0xFFFFFFFF, s4;
	v3 =	vld.idx.msk [tilespmem:v6+s21+$0x0], $0xffff  }
.Ltmp8:
0x243: {  	v10 =	vadd.s32 s6, v0;
	v16 =	vmul.f32 v5, v2;
	v7 =	vld.idx.msk [tilespmem:v6+s17+$0x0], $0xffff;
	v11 =	vadd.f32 v12, v11;
	(pc) =	sbr.rel @p1 .LBB2_18-.Ltmp8, $4  }
0x244: {  	v2 =	vld.idx.msk [tilespmem:v8+s21+$0x0], $0xffff  }
0x245: {  	v6 =	vadd.s32 s4, v0;
	s4 =	smov.u32 s5;
	v12 =	vmul.f32 v9, v4;
	v5 =	vld.idx.msk [tilespmem:v8+s17+$0x0], $0xffff;
	v11 =	vadd.f32 v16, v11  }
0x246: {  	s6 =	sadd.s32 $0xFFFFFFFD, s5;
	v4 =	vld.idx.msk [tilespmem:v14+s21+$0x0], $0xffff  }
0x247: {  	s5 =	sadd.s32 $0x4, s5;
	v8 =	vadd.s32 s6, v0;
	v9 =	vld.idx.msk [tilespmem:v14+s17+$0x0], $0xffff;
	v11 =	vadd.f32 v12, v11;
	v12 =	vmul.f32 v15, v13  }
0x248: {  	_ =	sdelay $0x3  }
0x249: {  	s5 =	sadd.s32 $0xFFFFFFFE, s4;
	v13 =	vld.idx.msk [tilespmem:v10+s21+$0x0], $0xffff;
	v3 =	vmul.f32 v7, v3;
	v11 =	vadd.f32 v12, v11  }
0x24a: {  	v10 =	vld.idx.msk [tilespmem:v10+s17+$0x0], $0xffff;
	v7 =	vadd.s32 s5, v0  }
0x24b: {  	s6 =	sadd.s32 $0xFFFFFFFF, s4;
	v12 =	vld.idx.msk [tilespmem:v6+s21+$0x0], $0xffff;
	v2 =	vmul.f32 v5, v2;
	v3 =	vadd.f32 v3, v11  }
0x24c: {  	v6 =	vld.idx.msk [tilespmem:v6+s17+$0x0], $0xffff;
	v5 =	vadd.s32 s6, v0  }
0x24d: {  	v11 =	vld.idx.msk [tilespmem:v8+s21+$0x0], $0xffff;
	v2 =	vadd.f32 v2, v3;
	v3 =	vmul.f32 v9, v4  }
0x24e: {  	v4 =	vld.idx.msk [tilespmem:v8+s17+$0x0], $0xffff;
	v8 =	vadd.s32 s4, v0  }
0x24f: {  	v9 =	vld.idx.msk [tilespmem:v7+s21+$0x0], $0xffff;
	v2 =	vadd.f32 v3, v2;
	v3 =	vmul.f32 v10, v13  }
0x250: {  	v7 =	vld.idx.msk [tilespmem:v7+s17+$0x0], $0xffff  }
0x251: {  	v10 =	vld.idx.msk [tilespmem:v5+s21+$0x0], $0xffff;
	v2 =	vadd.f32 v3, v2;
	v3 =	vmul.f32 v6, v12  }
0x252: {  	v5 =	vld.idx.msk [tilespmem:v5+s17+$0x0], $0xffff  }
0x253: {  	v6 =	vld.idx.msk [tilespmem:v8+s21+$0x0], $0xffff;
	v4 =	vmul.f32 v4, v11;
	v2 =	vadd.f32 v3, v2  }
0x254: {  	v3 =	vld.idx.msk [tilespmem:v8+s17+$0x0], $0xffff  }
0x255: {  	v2 =	vadd.f32 v4, v2;
	v4 =	vmul.f32 v7, v9;
	_ =	sdelay $0x1  }
0x256: {  	v2 =	vadd.f32 v4, v2;
	v4 =	vmul.f32 v5, v10  }
0x257: {  	s5 =	simm.s32 $0x640  }
0x258: {  	v3 =	vmul.f32 v3, v6;
	v2 =	vadd.f32 v4, v2;
	v4 =	vadd.s32 s5, v0  }
0x259: {  	s6 =	simm.s32 $0x641  }
0x25a: {  	v2 =	vadd.f32 v3, v2;
	v3 =	vadd.s32 s6, v0  }
0x25b: {  	s6 =	simm.s32 $0x643  }
0x25c: {  	s5 =	simm.s32 $0x642;
	v6 =	vadd.s32 s6, v0;
	[tilespmem:$0x9680] =	vst v2  }
0x25d: {  	v2 =	vadd.s32 s5, v0;
	v5 =	vld.idx.msk [tilespmem:v4+s21+$0x0], $0xffff  }
0x25e: {  	v4 =	vld.idx.msk [tilespmem:v4+s17+$0x0], $0xffff  }
0x25f: {  	s5 =	simm.s32 $0x644;
	v8 =	vld.idx.msk [tilespmem:v3+s21+$0x0], $0xffff  }
0x260: {  	v9 =	vadd.s32 s5, v0;
	v11 =	vld.idx.msk [tilespmem:v3+s17+$0x0], $0xffff  }
0x261: {  	s6 =	simm.s32 $0x645;
	v3 =	vld.idx.msk [tilespmem:v6+s21+$0x0], $0xffff  }
0x262: {  	v12 =	vadd.s32 s6, v0;
	v13 =	vld.idx.msk [tilespmem:v2+s21+$0x0], $0xffff  }
0x263: {  	s5 =	simm.s32 $0x646;
	v14 =	vld.idx.msk [tilespmem:v2+s17+$0x0], $0xffff  }
0x264: {  	v7 =	vadd.s32 s5, v0;
	v10 =	vld.idx.msk [tilespmem:v6+s17+$0x0], $0xffff;
	v2 =	vmul.f32 v4, v5  }
0x265: {  	s6 =	simm.s32 $0x647;
	v4 =	vld.idx.msk [tilespmem:v9+s21+$0x0], $0xffff  }
0x266: {  	v9 =	vld.idx.msk [tilespmem:v9+s17+$0x0], $0xffff;
	v6 =	vadd.f32 v2, v1;
	v15 =	vmul.f32 v11, v8;
	v11 =	vadd.s32 s6, v0  }
0x267: {  	s4 =	simm.s32 $0x648;
	v5 =	vld.idx.msk [tilespmem:v12+s17+$0x0], $0xffff  }
0x268: {  	v2 =	vld.idx.msk [tilespmem:v12+s21+$0x0], $0xffff;
	v8 =	vadd.s32 s4, v0;
	v12 =	vadd.f32 v15, v6;
	v13 =	vmul.f32 v14, v13  }
0x269: {  	s5 =	simm.s32 $0x64C;
	s6 =	simm.s32 $0x649;
	v6 =	vld.idx.msk [tilespmem:v7+s21+$0x0], $0xffff  }
.LBB2_20:
0x26a: {  	p1 =	sne.s32 s5, $0x6A0;
	v14 =	vadd.s32 s6, v0;
	v15 =	vld.idx.msk [tilespmem:v7+s17+$0x0], $0xffff;
	v12 =	vadd.f32 v13, v12;
	v13 =	vmul.f32 v10, v3  }
0x26b: {  	s6 =	sadd.s32 $0x2, s4;
	v3 =	vld.idx.msk [tilespmem:v11+s21+$0x0], $0xffff  }
0x26c: {  	v7 =	vadd.s32 s6, v0;
	v16 =	vmul.f32 v9, v4;
	v10 =	vld.idx.msk [tilespmem:v11+s17+$0x0], $0xffff;
	v12 =	vadd.f32 v13, v12  }
.Ltmp9:
0x26d: {  	s6 =	sadd.s32 $0x3, s4;
	s4 =	smov.u32 s5;
	v4 =	vld.idx.msk [tilespmem:v8+s21+$0x0], $0xffff;
	(pc) =	sbr.rel @p1 .LBB2_20-.Ltmp9, $4  }
0x26e: {  	v11 =	vadd.s32 s6, v0;
	v13 =	vmul.f32 v5, v2;
	v9 =	vld.idx.msk [tilespmem:v8+s17+$0x0], $0xffff;
	v12 =	vadd.f32 v16, v12  }
0x26f: {  	v2 =	vld.idx.msk [tilespmem:v14+s21+$0x0], $0xffff  }
0x270: {  	v8 =	vadd.s32 s5, v0;
	v5 =	vld.idx.msk [tilespmem:v14+s17+$0x0], $0xffff;
	v12 =	vadd.f32 v13, v12;
	v13 =	vmul.f32 v15, v6  }
0x271: {  	s6 =	sadd.s32 $0x1, s4;
	s5 =	sadd.s32 $0x4, s5;
	v6 =	vld.idx.msk [tilespmem:v7+s21+$0x0], $0xffff  }
0x272: {  	_ =	sdelay $0x2  }
0x273: {  	v12 =	vadd.f32 v13, v12;
	v3 =	vmul.f32 v10, v3  }
0x274: {  	v10 =	vadd.s32 s6, v0;
	v7 =	vld.idx.msk [tilespmem:v7+s17+$0x0], $0xffff  }
0x275: {  	s5 =	sadd.s32 $0x2, s4;
	v13 =	vld.idx.msk [tilespmem:v11+s21+$0x0], $0xffff;
	v4 =	vmul.f32 v9, v4;
	v3 =	vadd.f32 v3, v12  }
0x276: {  	v11 =	vld.idx.msk [tilespmem:v11+s17+$0x0], $0xffff;
	v9 =	vadd.s32 s5, v0  }
0x277: {  	s6 =	sadd.s32 $0x3, s4;
	v12 =	vld.idx.msk [tilespmem:v8+s21+$0x0], $0xffff;
	v2 =	vmul.f32 v5, v2;
	v3 =	vadd.f32 v4, v3  }
0x278: {  	v5 =	vadd.s32 s6, v0;
	v4 =	vld.idx.msk [tilespmem:v8+s17+$0x0], $0xffff  }
0x279: {  	v8 =	vld.idx.msk [tilespmem:v10+s21+$0x0], $0xffff;
	v2 =	vadd.f32 v2, v3;
	v3 =	vmul.f32 v7, v6  }
0x27a: {  	v6 =	vld.idx.msk [tilespmem:v10+s17+$0x0], $0xffff  }
0x27b: {  	v7 =	vld.idx.msk [tilespmem:v9+s21+$0x0], $0xffff;
	v2 =	vadd.f32 v3, v2;
	v3 =	vmul.f32 v11, v13  }
0x27c: {  	v9 =	vld.idx.msk [tilespmem:v9+s17+$0x0], $0xffff  }
0x27d: {  	v10 =	vld.idx.msk [tilespmem:v5+s21+$0x0], $0xffff;
	v4 =	vmul.f32 v4, v12;
	v2 =	vadd.f32 v3, v2  }
0x27e: {  	v3 =	vld.idx.msk [tilespmem:v5+s17+$0x0], $0xffff  }
0x27f: {  	v2 =	vadd.f32 v4, v2;
	v4 =	vmul.f32 v6, v8;
	_ =	sdelay $0x1  }
0x280: {  	v2 =	vadd.f32 v4, v2;
	v4 =	vmul.f32 v9, v7  }
0x281: {  	s5 =	simm.s32 $0xC80  }
0x282: {  	v3 =	vmul.f32 v3, v10;
	v2 =	vadd.f32 v4, v2;
	v4 =	vadd.s32 s5, v0  }
0x283: {  	s6 =	simm.s32 $0xC81  }
0x284: {  	v2 =	vadd.f32 v3, v2;
	v3 =	vadd.s32 s6, v0  }
0x285: {  	s6 =	simm.s32 $0xC83  }
0x286: {  	s5 =	simm.s32 $0xC82;
	v6 =	vadd.s32 s6, v0;
	[tilespmem:$0x9690] =	vst v2  }
0x287: {  	v2 =	vadd.s32 s5, v0;
	v5 =	vld.idx.msk [tilespmem:v4+s21+$0x0], $0xffff  }
0x288: {  	v4 =	vld.idx.msk [tilespmem:v4+s17+$0x0], $0xffff  }
0x289: {  	s5 =	simm.s32 $0xC84;
	v8 =	vld.idx.msk [tilespmem:v3+s21+$0x0], $0xffff  }
0x28a: {  	v9 =	vadd.s32 s5, v0;
	v11 =	vld.idx.msk [tilespmem:v3+s17+$0x0], $0xffff  }
0x28b: {  	s6 =	simm.s32 $0xC85;
	v3 =	vld.idx.msk [tilespmem:v6+s21+$0x0], $0xffff  }
0x28c: {  	v12 =	vadd.s32 s6, v0;
	v13 =	vld.idx.msk [tilespmem:v2+s21+$0x0], $0xffff  }
0x28d: {  	s5 =	simm.s32 $0xC86;
	v14 =	vld.idx.msk [tilespmem:v2+s17+$0x0], $0xffff  }
0x28e: {  	v7 =	vadd.s32 s5, v0;
	v10 =	vld.idx.msk [tilespmem:v6+s17+$0x0], $0xffff;
	v2 =	vmul.f32 v4, v5  }
0x28f: {  	s6 =	simm.s32 $0xC87;
	v4 =	vld.idx.msk [tilespmem:v9+s21+$0x0], $0xffff  }
0x290: {  	v9 =	vld.idx.msk [tilespmem:v9+s17+$0x0], $0xffff;
	v6 =	vadd.f32 v2, v1;
	v15 =	vmul.f32 v11, v8;
	v11 =	vadd.s32 s6, v0  }
0x291: {  	s4 =	simm.s32 $0xC88;
	v5 =	vld.idx.msk [tilespmem:v12+s17+$0x0], $0xffff  }
0x292: {  	v2 =	vld.idx.msk [tilespmem:v12+s21+$0x0], $0xffff;
	v8 =	vadd.s32 s4, v0;
	v12 =	vadd.f32 v15, v6;
	v13 =	vmul.f32 v14, v13  }
0x293: {  	s5 =	simm.s32 $0xC8C;
	s6 =	simm.s32 $0xC89;
	v6 =	vld.idx.msk [tilespmem:v7+s21+$0x0], $0xffff  }
.LBB2_22:
0x294: {  	p1 =	sne.s32 s5, $0xCE0;
	v14 =	vadd.s32 s6, v0;
	v15 =	vld.idx.msk [tilespmem:v7+s17+$0x0], $0xffff;
	v12 =	vadd.f32 v13, v12;
	v13 =	vmul.f32 v10, v3  }
0x295: {  	s6 =	sadd.s32 $0x2, s4;
	v3 =	vld.idx.msk [tilespmem:v11+s21+$0x0], $0xffff  }
0x296: {  	v7 =	vadd.s32 s6, v0;
	v16 =	vmul.f32 v9, v4;
	v10 =	vld.idx.msk [tilespmem:v11+s17+$0x0], $0xffff;
	v12 =	vadd.f32 v13, v12  }
.Ltmp10:
0x297: {  	s6 =	sadd.s32 $0x3, s4;
	s4 =	smov.u32 s5;
	v4 =	vld.idx.msk [tilespmem:v8+s21+$0x0], $0xffff;
	(pc) =	sbr.rel @p1 .LBB2_22-.Ltmp10, $4  }
0x298: {  	v11 =	vadd.s32 s6, v0;
	v13 =	vmul.f32 v5, v2;
	v9 =	vld.idx.msk [tilespmem:v8+s17+$0x0], $0xffff;
	v12 =	vadd.f32 v16, v12  }
0x299: {  	v2 =	vld.idx.msk [tilespmem:v14+s21+$0x0], $0xffff  }
0x29a: {  	v8 =	vadd.s32 s5, v0;
	v5 =	vld.idx.msk [tilespmem:v14+s17+$0x0], $0xffff;
	v12 =	vadd.f32 v13, v12;
	v13 =	vmul.f32 v15, v6  }
0x29b: {  	s6 =	sadd.s32 $0x1, s4;
	s5 =	sadd.s32 $0x4, s5;
	v6 =	vld.idx.msk [tilespmem:v7+s21+$0x0], $0xffff  }
0x29c: {  	_ =	sdelay $0x2  }
0x29d: {  	v12 =	vadd.f32 v13, v12;
	v3 =	vmul.f32 v10, v3  }
0x29e: {  	v10 =	vadd.s32 s6, v0;
	v7 =	vld.idx.msk [tilespmem:v7+s17+$0x0], $0xffff  }
0x29f: {  	s5 =	sadd.s32 $0x2, s4;
	v13 =	vld.idx.msk [tilespmem:v11+s21+$0x0], $0xffff;
	v4 =	vmul.f32 v9, v4;
	v3 =	vadd.f32 v3, v12  }
0x2a0: {  	v11 =	vld.idx.msk [tilespmem:v11+s17+$0x0], $0xffff;
	v9 =	vadd.s32 s5, v0  }
0x2a1: {  	s6 =	sadd.s32 $0x3, s4;
	v12 =	vld.idx.msk [tilespmem:v8+s21+$0x0], $0xffff;
	v2 =	vmul.f32 v5, v2;
	v3 =	vadd.f32 v4, v3  }
0x2a2: {  	v5 =	vadd.s32 s6, v0;
	v4 =	vld.idx.msk [tilespmem:v8+s17+$0x0], $0xffff  }
0x2a3: {  	v8 =	vld.idx.msk [tilespmem:v10+s21+$0x0], $0xffff;
	v2 =	vadd.f32 v2, v3;
	v3 =	vmul.f32 v7, v6  }
0x2a4: {  	v6 =	vld.idx.msk [tilespmem:v10+s17+$0x0], $0xffff  }
0x2a5: {  	v7 =	vld.idx.msk [tilespmem:v9+s21+$0x0], $0xffff;
	v2 =	vadd.f32 v3, v2;
	v3 =	vmul.f32 v11, v13  }
0x2a6: {  	v9 =	vld.idx.msk [tilespmem:v9+s17+$0x0], $0xffff  }
0x2a7: {  	v10 =	vld.idx.msk [tilespmem:v5+s21+$0x0], $0xffff;
	v4 =	vmul.f32 v4, v12;
	v2 =	vadd.f32 v3, v2  }
0x2a8: {  	v3 =	vld.idx.msk [tilespmem:v5+s17+$0x0], $0xffff  }
0x2a9: {  	v2 =	vadd.f32 v4, v2;
	v4 =	vmul.f32 v6, v8;
	_ =	sdelay $0x1  }
0x2aa: {  	v2 =	vadd.f32 v4, v2;
	v4 =	vmul.f32 v9, v7  }
0x2ab: {  	s5 =	simm.s32 $0x12C0  }
0x2ac: {  	v3 =	vmul.f32 v3, v10;
	v2 =	vadd.f32 v4, v2;
	v4 =	vadd.s32 s5, v0  }
0x2ad: {  	s6 =	simm.s32 $0x12C1  }
0x2ae: {  	v2 =	vadd.f32 v3, v2;
	v3 =	vadd.s32 s6, v0  }
0x2af: {  	s6 =	simm.s32 $0x12C3  }
0x2b0: {  	s5 =	simm.s32 $0x12C2;
	v6 =	vadd.s32 s6, v0;
	[tilespmem:$0x96A0] =	vst v2  }
0x2b1: {  	v2 =	vadd.s32 s5, v0;
	v5 =	vld.idx.msk [tilespmem:v4+s21+$0x0], $0xffff  }
0x2b2: {  	v4 =	vld.idx.msk [tilespmem:v4+s17+$0x0], $0xffff  }
0x2b3: {  	s5 =	simm.s32 $0x12C4;
	v8 =	vld.idx.msk [tilespmem:v3+s21+$0x0], $0xffff  }
0x2b4: {  	v9 =	vadd.s32 s5, v0;
	v11 =	vld.idx.msk [tilespmem:v3+s17+$0x0], $0xffff  }
0x2b5: {  	s6 =	simm.s32 $0x12C5;
	v3 =	vld.idx.msk [tilespmem:v6+s21+$0x0], $0xffff  }
0x2b6: {  	v12 =	vadd.s32 s6, v0;
	v13 =	vld.idx.msk [tilespmem:v2+s21+$0x0], $0xffff  }
0x2b7: {  	s5 =	simm.s32 $0x12C6;
	v14 =	vld.idx.msk [tilespmem:v2+s17+$0x0], $0xffff  }
0x2b8: {  	v7 =	vadd.s32 s5, v0;
	v10 =	vld.idx.msk [tilespmem:v6+s17+$0x0], $0xffff;
	v2 =	vmul.f32 v4, v5  }
0x2b9: {  	s6 =	simm.s32 $0x12C7;
	v4 =	vld.idx.msk [tilespmem:v9+s21+$0x0], $0xffff  }
0x2ba: {  	v9 =	vld.idx.msk [tilespmem:v9+s17+$0x0], $0xffff;
	v6 =	vadd.f32 v2, v1;
	v15 =	vmul.f32 v11, v8;
	v11 =	vadd.s32 s6, v0  }
0x2bb: {  	s4 =	simm.s32 $0x12C8;
	v5 =	vld.idx.msk [tilespmem:v12+s17+$0x0], $0xffff  }
0x2bc: {  	v2 =	vld.idx.msk [tilespmem:v12+s21+$0x0], $0xffff;
	v8 =	vadd.s32 s4, v0;
	v12 =	vadd.f32 v15, v6;
	v13 =	vmul.f32 v14, v13  }
0x2bd: {  	s5 =	simm.s32 $0x12CC;
	s6 =	simm.s32 $0x12C9;
	v6 =	vld.idx.msk [tilespmem:v7+s21+$0x0], $0xffff  }
.LBB2_24:
0x2be: {  	p1 =	sne.s32 s5, $0x1320;
	v14 =	vadd.s32 s6, v0;
	v15 =	vld.idx.msk [tilespmem:v7+s17+$0x0], $0xffff;
	v12 =	vadd.f32 v13, v12;
	v13 =	vmul.f32 v10, v3  }
0x2bf: {  	s6 =	sadd.s32 $0x2, s4;
	v3 =	vld.idx.msk [tilespmem:v11+s21+$0x0], $0xffff  }
0x2c0: {  	v7 =	vadd.s32 s6, v0;
	v16 =	vmul.f32 v9, v4;
	v10 =	vld.idx.msk [tilespmem:v11+s17+$0x0], $0xffff;
	v12 =	vadd.f32 v13, v12  }
.Ltmp11:
0x2c1: {  	s6 =	sadd.s32 $0x3, s4;
	s4 =	smov.u32 s5;
	v4 =	vld.idx.msk [tilespmem:v8+s21+$0x0], $0xffff;
	(pc) =	sbr.rel @p1 .LBB2_24-.Ltmp11, $4  }
0x2c2: {  	v11 =	vadd.s32 s6, v0;
	v13 =	vmul.f32 v5, v2;
	v9 =	vld.idx.msk [tilespmem:v8+s17+$0x0], $0xffff;
	v12 =	vadd.f32 v16, v12  }
0x2c3: {  	v2 =	vld.idx.msk [tilespmem:v14+s21+$0x0], $0xffff  }
0x2c4: {  	v8 =	vadd.s32 s5, v0;
	v5 =	vld.idx.msk [tilespmem:v14+s17+$0x0], $0xffff;
	v12 =	vadd.f32 v13, v12;
	v13 =	vmul.f32 v15, v6  }
0x2c5: {  	s6 =	sadd.s32 $0x1, s4;
	s5 =	sadd.s32 $0x4, s5;
	v6 =	vld.idx.msk [tilespmem:v7+s21+$0x0], $0xffff  }
0x2c6: {  	_ =	sdelay $0x2  }
0x2c7: {  	v12 =	vadd.f32 v13, v12;
	v3 =	vmul.f32 v10, v3  }
0x2c8: {  	v10 =	vadd.s32 s6, v0;
	v7 =	vld.idx.msk [tilespmem:v7+s17+$0x0], $0xffff  }
0x2c9: {  	s5 =	sadd.s32 $0x2, s4;
	v13 =	vld.idx.msk [tilespmem:v11+s21+$0x0], $0xffff;
	v4 =	vmul.f32 v9, v4;
	v3 =	vadd.f32 v3, v12  }
0x2ca: {  	v11 =	vld.idx.msk [tilespmem:v11+s17+$0x0], $0xffff;
	v9 =	vadd.s32 s5, v0  }
0x2cb: {  	s6 =	sadd.s32 $0x3, s4;
	v12 =	vld.idx.msk [tilespmem:v8+s21+$0x0], $0xffff;
	v2 =	vmul.f32 v5, v2;
	v3 =	vadd.f32 v4, v3  }
0x2cc: {  	v5 =	vadd.s32 s6, v0;
	v4 =	vld.idx.msk [tilespmem:v8+s17+$0x0], $0xffff  }
0x2cd: {  	v8 =	vld.idx.msk [tilespmem:v10+s21+$0x0], $0xffff;
	v2 =	vadd.f32 v2, v3;
	v3 =	vmul.f32 v7, v6  }
0x2ce: {  	v6 =	vld.idx.msk [tilespmem:v10+s17+$0x0], $0xffff  }
0x2cf: {  	v7 =	vld.idx.msk [tilespmem:v9+s21+$0x0], $0xffff;
	v2 =	vadd.f32 v3, v2;
	v3 =	vmul.f32 v11, v13  }
0x2d0: {  	v9 =	vld.idx.msk [tilespmem:v9+s17+$0x0], $0xffff  }
0x2d1: {  	v10 =	vld.idx.msk [tilespmem:v5+s21+$0x0], $0xffff;
	v4 =	vmul.f32 v4, v12;
	v2 =	vadd.f32 v3, v2  }
0x2d2: {  	v3 =	vld.idx.msk [tilespmem:v5+s17+$0x0], $0xffff  }
0x2d3: {  	v2 =	vadd.f32 v4, v2;
	v4 =	vmul.f32 v6, v8;
	_ =	sdelay $0x1  }
0x2d4: {  	v2 =	vadd.f32 v4, v2;
	v4 =	vmul.f32 v9, v7;
	_ =	sdelay $0x1  }
0x2d5: {  	v3 =	vmul.f32 v3, v10;
	v2 =	vadd.f32 v4, v2;
	_ =	sdelay $0x1  }
0x2d6: {  	v2 =	vadd.f32 v3, v2;
	_ =	sdelay $0x1  }
0x2d7: {  	[tilespmem:$0x96B0] =	vst v2  }
0x2d8: {  	_ =	swait.ge [sflag:s19], $0x1900  }
0x2d9: {  	[sflag:s19] =	ssyncset.done $0x0  }
0x2da: {  	[sflag:s19] =	ssyncadd.s32 $0xFFFFE700  }
0x2db: {  	[tilespmem:s21], [sflag:$0x3] =	stream.indirect.gather [spmem:s29], $0x1, s1, s20, $0xb8;
	[tilespmem:$0x18CA8] =	vst v63  }
0x2dc: {  	_ = 	snop  }
0x2dd: {  	[tilespmem:s22], [sflag:$0x3] =	stream.indirect.gather [spmem:s29], $0x1, s20, s20, $0xb8;
	[tilespmem:$0x18CA8] =	vst v63  }
0x2de: {  	s5 =	rddreg [dreg:$0x1b]  }
0x2df: {  	[tilespmem:s17], [sflag:$0x2] =	stream.linear.gather [hbm4b:s5+s1], $0x1900, $0x38;
	[tilespmem:$0x18CA8] =	vst v63  }
0x2e0: {  	_ =	swait.ge [sflag:s25], $0xC80  }
0x2e1: {  	[sflag:s25] =	ssyncset.done $0x0  }
0x2e2: {  	[sflag:s25] =	ssyncadd.s32 $0xFFFFF380  }
0x2e3: {  	_ =	swait.ge [sflag:s25], $0xC80  }
0x2e4: {  	s6 =	simm.s32 $0x0;
	[sflag:s25] =	ssyncset.done $0x0  }
0x2e5: {  	v2 =	vadd.s32 s6, v0;
	[sflag:s25] =	ssyncadd.s32 $0xFFFFF380  }
0x2e6: {  	s5 =	simm.s32 $0x1;
	_ =	swait.ge [sflag:s2], $0x1900  }
0x2e7: {  	v3 =	vadd.s32 s5, v0;
	[sflag:s2] =	ssyncset.done $0x0  }
0x2e8: {  	s4 =	simm.s32 $0x2;
	s6 =	rddreg [dreg:$0x1c];
	[sflag:s2] =	ssyncadd.s32 $0xFFFFE700  }
0x2e9: {  	[tilespmem:s23], [sflag:$0x4] =	stream.linear.gather [hbm4b:s6+s1], $0x1900, $0x38;
	[tilespmem:$0x18CA8] =	vst v63  }
0x2ea: {  	v4 =	vadd.s32 s4, v0;
	v5 =	vld.idx.msk [tilespmem:v2+s26+$0x0], $0xffff  }
0x2eb: {  	s5 =	simm.s32 $0x3;
	v2 =	vld.idx.msk [tilespmem:v2+s31+$0x0], $0xffff  }
0x2ec: {  	v6 =	vadd.s32 s5, v0;
	v8 =	vld.idx.msk [tilespmem:v3+s26+$0x0], $0xffff  }
0x2ed: {  	s6 =	simm.s32 $0x4;
	v10 =	vld.idx.msk [tilespmem:v3+s31+$0x0], $0xffff  }
0x2ee: {  	v9 =	vadd.s32 s6, v0  }
0x2ef: {  	s5 =	simm.s32 $0x5;
	v12 =	vld.idx.msk [tilespmem:v4+s26+$0x0], $0xffff  }
0x2f0: {  	v11 =	vadd.s32 s5, v0;
	v13 =	vld.idx.msk [tilespmem:v4+s31+$0x0], $0xffff  }
0x2f1: {  	v3 =	vld.idx.msk [tilespmem:v6+s26+$0x0], $0xffff;
	s6 =	simm.s32 $0x6  }
0x2f2: {  	v7 =	vld.idx.msk [tilespmem:v6+s31+$0x0], $0xffff;
	v4 =	vmul.f32 v2, v5;
	v15 =	vmul.f32 v10, v8;
	v10 =	vadd.s32 s6, v0  }
0x2f3: {  	s4 =	simm.s32 $0x7;
	v2 =	vld.idx.msk [tilespmem:v9+s26+$0x0], $0xffff  }
0x2f4: {  	v6 =	vadd.s32 s4, v0;
	v5 =	vld.idx.msk [tilespmem:v9+s31+$0x0], $0xffff;
	v14 =	vadd.f32 v4, v1  }
0x2f5: {  	s6 =	simm.s32 $0x8;
	v9 =	vld.idx.msk [tilespmem:v11+s31+$0x0], $0xffff  }
0x2f6: {  	s5 =	simm.s32 $0xF;
	s4 =	simm.s32 $0xB;
	v12 =	vmul.f32 v13, v12;
	v8 =	vadd.s32 s6, v0;
	v4 =	vld.idx.msk [tilespmem:v11+s26+$0x0], $0xffff;
	v11 =	vadd.f32 v15, v14  }
.LBB2_26:
0x2f7: {  	p1 =	sne.s32 s5, $0x63;
	s6 =	sadd.s32 $0xFFFFFFFE, s4;
	v13 =	vld.idx.msk [tilespmem:v10+s26+$0x0], $0xffff  }
0x2f8: {  	v14 =	vadd.s32 s6, v0;
	v15 =	vld.idx.msk [tilespmem:v10+s31+$0x0], $0xffff;
	v11 =	vadd.f32 v12, v11;
	v12 =	vmul.f32 v7, v3  }
0x2f9: {  	s6 =	sadd.s32 $0xFFFFFFFF, s4;
	v3 =	vld.idx.msk [tilespmem:v6+s26+$0x0], $0xffff  }
.Ltmp12:
0x2fa: {  	v10 =	vadd.s32 s6, v0;
	v16 =	vmul.f32 v5, v2;
	v7 =	vld.idx.msk [tilespmem:v6+s31+$0x0], $0xffff;
	v11 =	vadd.f32 v12, v11;
	(pc) =	sbr.rel @p1 .LBB2_26-.Ltmp12, $4  }
0x2fb: {  	v2 =	vld.idx.msk [tilespmem:v8+s26+$0x0], $0xffff  }
0x2fc: {  	v6 =	vadd.s32 s4, v0;
	s4 =	smov.u32 s5;
	v12 =	vmul.f32 v9, v4;
	v5 =	vld.idx.msk [tilespmem:v8+s31+$0x0], $0xffff;
	v11 =	vadd.f32 v16, v11  }
0x2fd: {  	s6 =	sadd.s32 $0xFFFFFFFD, s5;
	v4 =	vld.idx.msk [tilespmem:v14+s26+$0x0], $0xffff  }
0x2fe: {  	s5 =	sadd.s32 $0x4, s5;
	v8 =	vadd.s32 s6, v0;
	v9 =	vld.idx.msk [tilespmem:v14+s31+$0x0], $0xffff;
	v11 =	vadd.f32 v12, v11;
	v12 =	vmul.f32 v15, v13  }
0x2ff: {  	_ =	sdelay $0x3  }
0x300: {  	s5 =	sadd.s32 $0xFFFFFFFE, s4;
	v13 =	vld.idx.msk [tilespmem:v10+s26+$0x0], $0xffff;
	v3 =	vmul.f32 v7, v3;
	v11 =	vadd.f32 v12, v11  }
0x301: {  	v10 =	vld.idx.msk [tilespmem:v10+s31+$0x0], $0xffff;
	v7 =	vadd.s32 s5, v0  }
0x302: {  	s6 =	sadd.s32 $0xFFFFFFFF, s4;
	v12 =	vld.idx.msk [tilespmem:v6+s26+$0x0], $0xffff;
	v2 =	vmul.f32 v5, v2;
	v3 =	vadd.f32 v3, v11  }
0x303: {  	v6 =	vld.idx.msk [tilespmem:v6+s31+$0x0], $0xffff;
	v5 =	vadd.s32 s6, v0  }
0x304: {  	v11 =	vld.idx.msk [tilespmem:v8+s26+$0x0], $0xffff;
	v2 =	vadd.f32 v2, v3;
	v3 =	vmul.f32 v9, v4  }
0x305: {  	v4 =	vld.idx.msk [tilespmem:v8+s31+$0x0], $0xffff;
	v8 =	vadd.s32 s4, v0  }
0x306: {  	v9 =	vld.idx.msk [tilespmem:v7+s26+$0x0], $0xffff;
	v2 =	vadd.f32 v3, v2;
	v3 =	vmul.f32 v10, v13  }
0x307: {  	v7 =	vld.idx.msk [tilespmem:v7+s31+$0x0], $0xffff  }
0x308: {  	v10 =	vld.idx.msk [tilespmem:v5+s26+$0x0], $0xffff;
	v2 =	vadd.f32 v3, v2;
	v3 =	vmul.f32 v6, v12  }
0x309: {  	v5 =	vld.idx.msk [tilespmem:v5+s31+$0x0], $0xffff  }
0x30a: {  	v6 =	vld.idx.msk [tilespmem:v8+s26+$0x0], $0xffff;
	v4 =	vmul.f32 v4, v11;
	v2 =	vadd.f32 v3, v2  }
0x30b: {  	v3 =	vld.idx.msk [tilespmem:v8+s31+$0x0], $0xffff  }
0x30c: {  	v2 =	vadd.f32 v4, v2;
	v4 =	vmul.f32 v7, v9;
	_ =	sdelay $0x1  }
0x30d: {  	v2 =	vadd.f32 v4, v2;
	v4 =	vmul.f32 v5, v10  }
0x30e: {  	s5 =	simm.s32 $0x640  }
0x30f: {  	v3 =	vmul.f32 v3, v6;
	v2 =	vadd.f32 v4, v2;
	v4 =	vadd.s32 s5, v0  }
0x310: {  	s6 =	simm.s32 $0x641  }
0x311: {  	v2 =	vadd.f32 v3, v2;
	v3 =	vadd.s32 s6, v0  }
0x312: {  	s6 =	simm.s32 $0x643  }
0x313: {  	s5 =	simm.s32 $0x642;
	v6 =	vadd.s32 s6, v0;
	[tilespmem:$0x96C0] =	vst v2  }
0x314: {  	v2 =	vadd.s32 s5, v0;
	v5 =	vld.idx.msk [tilespmem:v4+s26+$0x0], $0xffff  }
0x315: {  	v4 =	vld.idx.msk [tilespmem:v4+s31+$0x0], $0xffff  }
0x316: {  	s5 =	simm.s32 $0x644;
	v8 =	vld.idx.msk [tilespmem:v3+s26+$0x0], $0xffff  }
0x317: {  	v9 =	vadd.s32 s5, v0;
	v11 =	vld.idx.msk [tilespmem:v3+s31+$0x0], $0xffff  }
0x318: {  	s6 =	simm.s32 $0x645;
	v3 =	vld.idx.msk [tilespmem:v6+s26+$0x0], $0xffff  }
0x319: {  	v12 =	vadd.s32 s6, v0;
	v13 =	vld.idx.msk [tilespmem:v2+s26+$0x0], $0xffff  }
0x31a: {  	s5 =	simm.s32 $0x646;
	v14 =	vld.idx.msk [tilespmem:v2+s31+$0x0], $0xffff  }
0x31b: {  	v7 =	vadd.s32 s5, v0;
	v10 =	vld.idx.msk [tilespmem:v6+s31+$0x0], $0xffff;
	v2 =	vmul.f32 v4, v5  }
0x31c: {  	s6 =	simm.s32 $0x647;
	v4 =	vld.idx.msk [tilespmem:v9+s26+$0x0], $0xffff  }
0x31d: {  	v9 =	vld.idx.msk [tilespmem:v9+s31+$0x0], $0xffff;
	v6 =	vadd.f32 v2, v1;
	v15 =	vmul.f32 v11, v8;
	v11 =	vadd.s32 s6, v0  }
0x31e: {  	s4 =	simm.s32 $0x648;
	v5 =	vld.idx.msk [tilespmem:v12+s31+$0x0], $0xffff  }
0x31f: {  	v2 =	vld.idx.msk [tilespmem:v12+s26+$0x0], $0xffff;
	v8 =	vadd.s32 s4, v0;
	v12 =	vadd.f32 v15, v6;
	v13 =	vmul.f32 v14, v13  }
0x320: {  	s5 =	simm.s32 $0x64C;
	s6 =	simm.s32 $0x649;
	v6 =	vld.idx.msk [tilespmem:v7+s26+$0x0], $0xffff  }
.LBB2_28:
0x321: {  	p1 =	sne.s32 s5, $0x6A0;
	v14 =	vadd.s32 s6, v0;
	v15 =	vld.idx.msk [tilespmem:v7+s31+$0x0], $0xffff;
	v12 =	vadd.f32 v13, v12;
	v13 =	vmul.f32 v10, v3  }
0x322: {  	s6 =	sadd.s32 $0x2, s4;
	v3 =	vld.idx.msk [tilespmem:v11+s26+$0x0], $0xffff  }
0x323: {  	v7 =	vadd.s32 s6, v0;
	v16 =	vmul.f32 v9, v4;
	v10 =	vld.idx.msk [tilespmem:v11+s31+$0x0], $0xffff;
	v12 =	vadd.f32 v13, v12  }
.Ltmp13:
0x324: {  	s6 =	sadd.s32 $0x3, s4;
	s4 =	smov.u32 s5;
	v4 =	vld.idx.msk [tilespmem:v8+s26+$0x0], $0xffff;
	(pc) =	sbr.rel @p1 .LBB2_28-.Ltmp13, $4  }
0x325: {  	v11 =	vadd.s32 s6, v0;
	v13 =	vmul.f32 v5, v2;
	v9 =	vld.idx.msk [tilespmem:v8+s31+$0x0], $0xffff;
	v12 =	vadd.f32 v16, v12  }
0x326: {  	v2 =	vld.idx.msk [tilespmem:v14+s26+$0x0], $0xffff  }
0x327: {  	v8 =	vadd.s32 s5, v0;
	v5 =	vld.idx.msk [tilespmem:v14+s31+$0x0], $0xffff;
	v12 =	vadd.f32 v13, v12;
	v13 =	vmul.f32 v15, v6  }
0x328: {  	s6 =	sadd.s32 $0x1, s4;
	s5 =	sadd.s32 $0x4, s5;
	v6 =	vld.idx.msk [tilespmem:v7+s26+$0x0], $0xffff  }
0x329: {  	_ =	sdelay $0x2  }
0x32a: {  	v12 =	vadd.f32 v13, v12;
	v3 =	vmul.f32 v10, v3  }
0x32b: {  	v10 =	vadd.s32 s6, v0;
	v7 =	vld.idx.msk [tilespmem:v7+s31+$0x0], $0xffff  }
0x32c: {  	s5 =	sadd.s32 $0x2, s4;
	v13 =	vld.idx.msk [tilespmem:v11+s26+$0x0], $0xffff;
	v4 =	vmul.f32 v9, v4;
	v3 =	vadd.f32 v3, v12  }
0x32d: {  	v11 =	vld.idx.msk [tilespmem:v11+s31+$0x0], $0xffff;
	v9 =	vadd.s32 s5, v0  }
0x32e: {  	s6 =	sadd.s32 $0x3, s4;
	v12 =	vld.idx.msk [tilespmem:v8+s26+$0x0], $0xffff;
	v2 =	vmul.f32 v5, v2;
	v3 =	vadd.f32 v4, v3  }
0x32f: {  	v5 =	vadd.s32 s6, v0;
	v4 =	vld.idx.msk [tilespmem:v8+s31+$0x0], $0xffff  }
0x330: {  	v8 =	vld.idx.msk [tilespmem:v10+s26+$0x0], $0xffff;
	v2 =	vadd.f32 v2, v3;
	v3 =	vmul.f32 v7, v6  }
0x331: {  	v6 =	vld.idx.msk [tilespmem:v10+s31+$0x0], $0xffff  }
0x332: {  	v7 =	vld.idx.msk [tilespmem:v9+s26+$0x0], $0xffff;
	v2 =	vadd.f32 v3, v2;
	v3 =	vmul.f32 v11, v13  }
0x333: {  	v9 =	vld.idx.msk [tilespmem:v9+s31+$0x0], $0xffff  }
0x334: {  	v10 =	vld.idx.msk [tilespmem:v5+s26+$0x0], $0xffff;
	v4 =	vmul.f32 v4, v12;
	v2 =	vadd.f32 v3, v2  }
0x335: {  	v3 =	vld.idx.msk [tilespmem:v5+s31+$0x0], $0xffff  }
0x336: {  	v2 =	vadd.f32 v4, v2;
	v4 =	vmul.f32 v6, v8;
	_ =	sdelay $0x1  }
0x337: {  	v2 =	vadd.f32 v4, v2;
	v4 =	vmul.f32 v9, v7  }
0x338: {  	s5 =	simm.s32 $0xC80  }
0x339: {  	v3 =	vmul.f32 v3, v10;
	v2 =	vadd.f32 v4, v2;
	v4 =	vadd.s32 s5, v0  }
0x33a: {  	s6 =	simm.s32 $0xC81  }
0x33b: {  	v2 =	vadd.f32 v3, v2;
	v3 =	vadd.s32 s6, v0  }
0x33c: {  	s6 =	simm.s32 $0xC83  }
0x33d: {  	s5 =	simm.s32 $0xC82;
	v6 =	vadd.s32 s6, v0;
	[tilespmem:$0x96D0] =	vst v2  }
0x33e: {  	v2 =	vadd.s32 s5, v0;
	v5 =	vld.idx.msk [tilespmem:v4+s26+$0x0], $0xffff  }
0x33f: {  	v4 =	vld.idx.msk [tilespmem:v4+s31+$0x0], $0xffff  }
0x340: {  	s5 =	simm.s32 $0xC84;
	v8 =	vld.idx.msk [tilespmem:v3+s26+$0x0], $0xffff  }
0x341: {  	v9 =	vadd.s32 s5, v0;
	v11 =	vld.idx.msk [tilespmem:v3+s31+$0x0], $0xffff  }
0x342: {  	s6 =	simm.s32 $0xC85;
	v3 =	vld.idx.msk [tilespmem:v6+s26+$0x0], $0xffff  }
0x343: {  	v12 =	vadd.s32 s6, v0;
	v13 =	vld.idx.msk [tilespmem:v2+s26+$0x0], $0xffff  }
0x344: {  	s5 =	simm.s32 $0xC86;
	v14 =	vld.idx.msk [tilespmem:v2+s31+$0x0], $0xffff  }
0x345: {  	v7 =	vadd.s32 s5, v0;
	v10 =	vld.idx.msk [tilespmem:v6+s31+$0x0], $0xffff;
	v2 =	vmul.f32 v4, v5  }
0x346: {  	s6 =	simm.s32 $0xC87;
	v4 =	vld.idx.msk [tilespmem:v9+s26+$0x0], $0xffff  }
0x347: {  	v9 =	vld.idx.msk [tilespmem:v9+s31+$0x0], $0xffff;
	v6 =	vadd.f32 v2, v1;
	v15 =	vmul.f32 v11, v8;
	v11 =	vadd.s32 s6, v0  }
0x348: {  	s4 =	simm.s32 $0xC88;
	v5 =	vld.idx.msk [tilespmem:v12+s31+$0x0], $0xffff  }
0x349: {  	v2 =	vld.idx.msk [tilespmem:v12+s26+$0x0], $0xffff;
	v8 =	vadd.s32 s4, v0;
	v12 =	vadd.f32 v15, v6;
	v13 =	vmul.f32 v14, v13  }
0x34a: {  	s5 =	simm.s32 $0xC8C;
	s6 =	simm.s32 $0xC89;
	v6 =	vld.idx.msk [tilespmem:v7+s26+$0x0], $0xffff  }
.LBB2_30:
0x34b: {  	p1 =	sne.s32 s5, $0xCE0;
	v14 =	vadd.s32 s6, v0;
	v15 =	vld.idx.msk [tilespmem:v7+s31+$0x0], $0xffff;
	v12 =	vadd.f32 v13, v12;
	v13 =	vmul.f32 v10, v3  }
0x34c: {  	s6 =	sadd.s32 $0x2, s4;
	v3 =	vld.idx.msk [tilespmem:v11+s26+$0x0], $0xffff  }
0x34d: {  	v7 =	vadd.s32 s6, v0;
	v16 =	vmul.f32 v9, v4;
	v10 =	vld.idx.msk [tilespmem:v11+s31+$0x0], $0xffff;
	v12 =	vadd.f32 v13, v12  }
.Ltmp14:
0x34e: {  	s6 =	sadd.s32 $0x3, s4;
	s4 =	smov.u32 s5;
	v4 =	vld.idx.msk [tilespmem:v8+s26+$0x0], $0xffff;
	(pc) =	sbr.rel @p1 .LBB2_30-.Ltmp14, $4  }
0x34f: {  	v11 =	vadd.s32 s6, v0;
	v13 =	vmul.f32 v5, v2;
	v9 =	vld.idx.msk [tilespmem:v8+s31+$0x0], $0xffff;
	v12 =	vadd.f32 v16, v12  }
0x350: {  	v2 =	vld.idx.msk [tilespmem:v14+s26+$0x0], $0xffff  }
0x351: {  	v8 =	vadd.s32 s5, v0;
	v5 =	vld.idx.msk [tilespmem:v14+s31+$0x0], $0xffff;
	v12 =	vadd.f32 v13, v12;
	v13 =	vmul.f32 v15, v6  }
0x352: {  	s6 =	sadd.s32 $0x1, s4;
	s5 =	sadd.s32 $0x4, s5;
	v6 =	vld.idx.msk [tilespmem:v7+s26+$0x0], $0xffff  }
0x353: {  	_ =	sdelay $0x2  }
0x354: {  	v12 =	vadd.f32 v13, v12;
	v3 =	vmul.f32 v10, v3  }
0x355: {  	v10 =	vadd.s32 s6, v0;
	v7 =	vld.idx.msk [tilespmem:v7+s31+$0x0], $0xffff  }
0x356: {  	s5 =	sadd.s32 $0x2, s4;
	v13 =	vld.idx.msk [tilespmem:v11+s26+$0x0], $0xffff;
	v4 =	vmul.f32 v9, v4;
	v3 =	vadd.f32 v3, v12  }
0x357: {  	v11 =	vld.idx.msk [tilespmem:v11+s31+$0x0], $0xffff;
	v9 =	vadd.s32 s5, v0  }
0x358: {  	s6 =	sadd.s32 $0x3, s4;
	v12 =	vld.idx.msk [tilespmem:v8+s26+$0x0], $0xffff;
	v2 =	vmul.f32 v5, v2;
	v3 =	vadd.f32 v4, v3  }
0x359: {  	v5 =	vadd.s32 s6, v0;
	v4 =	vld.idx.msk [tilespmem:v8+s31+$0x0], $0xffff  }
0x35a: {  	v8 =	vld.idx.msk [tilespmem:v10+s26+$0x0], $0xffff;
	v2 =	vadd.f32 v2, v3;
	v3 =	vmul.f32 v7, v6  }
0x35b: {  	v6 =	vld.idx.msk [tilespmem:v10+s31+$0x0], $0xffff  }
0x35c: {  	v7 =	vld.idx.msk [tilespmem:v9+s26+$0x0], $0xffff;
	v2 =	vadd.f32 v3, v2;
	v3 =	vmul.f32 v11, v13  }
0x35d: {  	v9 =	vld.idx.msk [tilespmem:v9+s31+$0x0], $0xffff  }
0x35e: {  	v10 =	vld.idx.msk [tilespmem:v5+s26+$0x0], $0xffff;
	v4 =	vmul.f32 v4, v12;
	v2 =	vadd.f32 v3, v2  }
0x35f: {  	v3 =	vld.idx.msk [tilespmem:v5+s31+$0x0], $0xffff  }
0x360: {  	v2 =	vadd.f32 v4, v2;
	v4 =	vmul.f32 v6, v8;
	_ =	sdelay $0x1  }
0x361: {  	v2 =	vadd.f32 v4, v2;
	v4 =	vmul.f32 v9, v7  }
0x362: {  	s5 =	simm.s32 $0x12C0  }
0x363: {  	v3 =	vmul.f32 v3, v10;
	v2 =	vadd.f32 v4, v2;
	v4 =	vadd.s32 s5, v0  }
0x364: {  	s6 =	simm.s32 $0x12C1  }
0x365: {  	v2 =	vadd.f32 v3, v2;
	v3 =	vadd.s32 s6, v0  }
0x366: {  	s6 =	simm.s32 $0x12C3  }
0x367: {  	s5 =	simm.s32 $0x12C2;
	v6 =	vadd.s32 s6, v0;
	[tilespmem:$0x96E0] =	vst v2  }
0x368: {  	v2 =	vadd.s32 s5, v0;
	v5 =	vld.idx.msk [tilespmem:v4+s26+$0x0], $0xffff  }
0x369: {  	v4 =	vld.idx.msk [tilespmem:v4+s31+$0x0], $0xffff  }
0x36a: {  	s5 =	simm.s32 $0x12C4;
	v8 =	vld.idx.msk [tilespmem:v3+s26+$0x0], $0xffff  }
0x36b: {  	v9 =	vadd.s32 s5, v0;
	v11 =	vld.idx.msk [tilespmem:v3+s31+$0x0], $0xffff  }
0x36c: {  	s6 =	simm.s32 $0x12C5;
	v3 =	vld.idx.msk [tilespmem:v6+s26+$0x0], $0xffff  }
0x36d: {  	v12 =	vadd.s32 s6, v0;
	v13 =	vld.idx.msk [tilespmem:v2+s26+$0x0], $0xffff  }
0x36e: {  	s5 =	simm.s32 $0x12C6;
	v14 =	vld.idx.msk [tilespmem:v2+s31+$0x0], $0xffff  }
0x36f: {  	v7 =	vadd.s32 s5, v0;
	v10 =	vld.idx.msk [tilespmem:v6+s31+$0x0], $0xffff;
	v2 =	vmul.f32 v4, v5  }
0x370: {  	s6 =	simm.s32 $0x12C7;
	v4 =	vld.idx.msk [tilespmem:v9+s26+$0x0], $0xffff  }
0x371: {  	v9 =	vld.idx.msk [tilespmem:v9+s31+$0x0], $0xffff;
	v6 =	vadd.f32 v2, v1;
	v15 =	vmul.f32 v11, v8;
	v11 =	vadd.s32 s6, v0  }
0x372: {  	s4 =	simm.s32 $0x12C8;
	v5 =	vld.idx.msk [tilespmem:v12+s31+$0x0], $0xffff  }
0x373: {  	v2 =	vld.idx.msk [tilespmem:v12+s26+$0x0], $0xffff;
	v8 =	vadd.s32 s4, v0;
	v12 =	vadd.f32 v15, v6;
	v13 =	vmul.f32 v14, v13  }
0x374: {  	s5 =	simm.s32 $0x12CC;
	s6 =	simm.s32 $0x12C9;
	v6 =	vld.idx.msk [tilespmem:v7+s26+$0x0], $0xffff  }
.LBB2_32:
0x375: {  	p1 =	sne.s32 s5, $0x1320;
	v14 =	vadd.s32 s6, v0;
	v15 =	vld.idx.msk [tilespmem:v7+s31+$0x0], $0xffff;
	v12 =	vadd.f32 v13, v12;
	v13 =	vmul.f32 v10, v3  }
0x376: {  	s6 =	sadd.s32 $0x2, s4;
	v3 =	vld.idx.msk [tilespmem:v11+s26+$0x0], $0xffff  }
0x377: {  	v7 =	vadd.s32 s6, v0;
	v16 =	vmul.f32 v9, v4;
	v10 =	vld.idx.msk [tilespmem:v11+s31+$0x0], $0xffff;
	v12 =	vadd.f32 v13, v12  }
.Ltmp15:
0x378: {  	s6 =	sadd.s32 $0x3, s4;
	s4 =	smov.u32 s5;
	v4 =	vld.idx.msk [tilespmem:v8+s26+$0x0], $0xffff;
	(pc) =	sbr.rel @p1 .LBB2_32-.Ltmp15, $4  }
0x379: {  	v11 =	vadd.s32 s6, v0;
	v13 =	vmul.f32 v5, v2;
	v9 =	vld.idx.msk [tilespmem:v8+s31+$0x0], $0xffff;
	v12 =	vadd.f32 v16, v12  }
0x37a: {  	v2 =	vld.idx.msk [tilespmem:v14+s26+$0x0], $0xffff  }
0x37b: {  	v8 =	vadd.s32 s5, v0;
	v5 =	vld.idx.msk [tilespmem:v14+s31+$0x0], $0xffff;
	v12 =	vadd.f32 v13, v12;
	v13 =	vmul.f32 v15, v6  }
0x37c: {  	s6 =	sadd.s32 $0x1, s4;
	s5 =	sadd.s32 $0x4, s5;
	v6 =	vld.idx.msk [tilespmem:v7+s26+$0x0], $0xffff  }
0x37d: {  	_ =	sdelay $0x2  }
0x37e: {  	v12 =	vadd.f32 v13, v12;
	v3 =	vmul.f32 v10, v3  }
0x37f: {  	v10 =	vadd.s32 s6, v0;
	v7 =	vld.idx.msk [tilespmem:v7+s31+$0x0], $0xffff  }
0x380: {  	s5 =	sadd.s32 $0x2, s4;
	v13 =	vld.idx.msk [tilespmem:v11+s26+$0x0], $0xffff;
	v4 =	vmul.f32 v9, v4;
	v3 =	vadd.f32 v3, v12  }
0x381: {  	v11 =	vld.idx.msk [tilespmem:v11+s31+$0x0], $0xffff;
	v9 =	vadd.s32 s5, v0  }
0x382: {  	s6 =	sadd.s32 $0x3, s4;
	v12 =	vld.idx.msk [tilespmem:v8+s26+$0x0], $0xffff;
	v2 =	vmul.f32 v5, v2;
	v3 =	vadd.f32 v4, v3  }
0x383: {  	v5 =	vadd.s32 s6, v0;
	v4 =	vld.idx.msk [tilespmem:v8+s31+$0x0], $0xffff  }
0x384: {  	v8 =	vld.idx.msk [tilespmem:v10+s26+$0x0], $0xffff;
	v2 =	vadd.f32 v2, v3;
	v3 =	vmul.f32 v7, v6  }
0x385: {  	v6 =	vld.idx.msk [tilespmem:v10+s31+$0x0], $0xffff  }
0x386: {  	v7 =	vld.idx.msk [tilespmem:v9+s26+$0x0], $0xffff;
	v2 =	vadd.f32 v3, v2;
	v3 =	vmul.f32 v11, v13  }
0x387: {  	v9 =	vld.idx.msk [tilespmem:v9+s31+$0x0], $0xffff  }
0x388: {  	v10 =	vld.idx.msk [tilespmem:v5+s26+$0x0], $0xffff;
	v4 =	vmul.f32 v4, v12;
	v2 =	vadd.f32 v3, v2  }
0x389: {  	v3 =	vld.idx.msk [tilespmem:v5+s31+$0x0], $0xffff  }
0x38a: {  	v2 =	vadd.f32 v4, v2;
	v4 =	vmul.f32 v6, v8;
	_ =	sdelay $0x1  }
0x38b: {  	v2 =	vadd.f32 v4, v2;
	v4 =	vmul.f32 v9, v7;
	_ =	sdelay $0x1  }
0x38c: {  	v3 =	vmul.f32 v3, v10;
	v2 =	vadd.f32 v4, v2;
	_ =	sdelay $0x1  }
0x38d: {  	v2 =	vadd.f32 v3, v2;
	_ =	sdelay $0x1  }
0x38e: {  	[tilespmem:$0x96F0] =	vst v2  }
0x38f: {  	_ =	swait.ge [sflag:s24], $0x1900  }
0x390: {  	[sflag:s24] =	ssyncset.done $0x0  }
0x391: {  	[sflag:s24] =	ssyncadd.s32 $0xFFFFE700  }
0x392: {  	[tilespmem:s26], [sflag:$0x6] =	stream.indirect.gather [spmem:s29], $0x1, s23, s20, $0xb8;
	[tilespmem:$0x18CA8] =	vst v63  }
0x393: {  	_ = 	snop  }
0x394: {  	[tilespmem:s30], [sflag:$0x6] =	stream.indirect.gather [spmem:s29], $0x1, s28, s20, $0xb8;
	[tilespmem:$0x18CA8] =	vst v63  }
0x395: {  	s4 =	simm.s32 $0x3;
	s5 =	rddreg [dreg:$0x1d]  }
0x396: {  	[tilespmem:s31], [sflag:$0x5] =	stream.linear.gather [hbm4b:s5+s1], $0x1900, $0x38;
	[tilespmem:$0x18CA8] =	vst v63  }
0x397: {  	_ =	swait.ge [sflag:s4], $0xC80  }
0x398: {  	[sflag:s4] =	ssyncset.done $0x0  }
0x399: {  	[sflag:s4] =	ssyncadd.s32 $0xFFFFF380  }
0x39a: {  	_ =	swait.ge [sflag:s4], $0xC80  }
0x39b: {  	s6 =	simm.s32 $0x0;
	[sflag:s4] =	ssyncset.done $0x0  }
0x39c: {  	v2 =	vadd.s32 s6, v0;
	[sflag:s4] =	ssyncadd.s32 $0xFFFFF380  }
0x39d: {  	s6 =	simm.s32 $0x1;
	_ =	swait.ge [sflag:s0], $0x1900  }
0x39e: {  	v3 =	vadd.s32 s6, v0;
	[sflag:s0] =	ssyncset.done $0x0  }
0x39f: {  	s5 =	simm.s32 $0x2;
	s6 =	rddreg [dreg:$0x1e];
	[sflag:s0] =	ssyncadd.s32 $0xFFFFE700  }
0x3a0: {  	[tilespmem:s1], [sflag:$0x1] =	stream.linear.gather [hbm4b:s6+s1], $0x1900, $0x38;
	[tilespmem:$0x18CA8] =	vst v63  }
0x3a1: {  	v4 =	vadd.s32 s5, v0;
	v5 =	vld.idx.msk [tilespmem:v2+s21+$0x0], $0xffff  }
0x3a2: {  	v2 =	vld.idx.msk [tilespmem:v2+s17+$0x0], $0xffff  }
0x3a3: {  	v6 =	vadd.s32 s4, v0;
	v8 =	vld.idx.msk [tilespmem:v3+s21+$0x0], $0xffff  }
0x3a4: {  	s6 =	simm.s32 $0x4;
	v10 =	vld.idx.msk [tilespmem:v3+s17+$0x0], $0xffff  }
0x3a5: {  	v9 =	vadd.s32 s6, v0  }
0x3a6: {  	s5 =	simm.s32 $0x5;
	v12 =	vld.idx.msk [tilespmem:v4+s21+$0x0], $0xffff  }
0x3a7: {  	v11 =	vadd.s32 s5, v0;
	v13 =	vld.idx.msk [tilespmem:v4+s17+$0x0], $0xffff  }
0x3a8: {  	v3 =	vld.idx.msk [tilespmem:v6+s21+$0x0], $0xffff;
	s6 =	simm.s32 $0x6  }
0x3a9: {  	v7 =	vld.idx.msk [tilespmem:v6+s17+$0x0], $0xffff;
	v4 =	vmul.f32 v2, v5;
	v15 =	vmul.f32 v10, v8;
	v10 =	vadd.s32 s6, v0  }
0x3aa: {  	s4 =	simm.s32 $0x7;
	v2 =	vld.idx.msk [tilespmem:v9+s21+$0x0], $0xffff  }
0x3ab: {  	v6 =	vadd.s32 s4, v0;
	v5 =	vld.idx.msk [tilespmem:v9+s17+$0x0], $0xffff;
	v14 =	vadd.f32 v4, v1  }
0x3ac: {  	s6 =	simm.s32 $0x8;
	v9 =	vld.idx.msk [tilespmem:v11+s17+$0x0], $0xffff  }
0x3ad: {  	s5 =	simm.s32 $0xF;
	s4 =	simm.s32 $0xB;
	v12 =	vmul.f32 v13, v12;
	v8 =	vadd.s32 s6, v0;
	v4 =	vld.idx.msk [tilespmem:v11+s21+$0x0], $0xffff;
	v11 =	vadd.f32 v15, v14  }
.LBB2_34:
0x3ae: {  	p1 =	sne.s32 s5, $0x63;
	s6 =	sadd.s32 $0xFFFFFFFE, s4;
	v13 =	vld.idx.msk [tilespmem:v10+s21+$0x0], $0xffff  }
0x3af: {  	v14 =	vadd.s32 s6, v0;
	v15 =	vld.idx.msk [tilespmem:v10+s17+$0x0], $0xffff;
	v11 =	vadd.f32 v12, v11;
	v12 =	vmul.f32 v7, v3  }
0x3b0: {  	s6 =	sadd.s32 $0xFFFFFFFF, s4;
	v3 =	vld.idx.msk [tilespmem:v6+s21+$0x0], $0xffff  }
.Ltmp16:
0x3b1: {  	v10 =	vadd.s32 s6, v0;
	v16 =	vmul.f32 v5, v2;
	v7 =	vld.idx.msk [tilespmem:v6+s17+$0x0], $0xffff;
	v11 =	vadd.f32 v12, v11;
	(pc) =	sbr.rel @p1 .LBB2_34-.Ltmp16, $4  }
0x3b2: {  	v2 =	vld.idx.msk [tilespmem:v8+s21+$0x0], $0xffff  }
0x3b3: {  	v6 =	vadd.s32 s4, v0;
	s4 =	smov.u32 s5;
	v12 =	vmul.f32 v9, v4;
	v5 =	vld.idx.msk [tilespmem:v8+s17+$0x0], $0xffff;
	v11 =	vadd.f32 v16, v11  }
0x3b4: {  	s6 =	sadd.s32 $0xFFFFFFFD, s5;
	v4 =	vld.idx.msk [tilespmem:v14+s21+$0x0], $0xffff  }
0x3b5: {  	s5 =	sadd.s32 $0x4, s5;
	v8 =	vadd.s32 s6, v0;
	v9 =	vld.idx.msk [tilespmem:v14+s17+$0x0], $0xffff;
	v11 =	vadd.f32 v12, v11;
	v12 =	vmul.f32 v15, v13  }
0x3b6: {  	_ =	sdelay $0x3  }
0x3b7: {  	s5 =	sadd.s32 $0xFFFFFFFE, s4;
	v13 =	vld.idx.msk [tilespmem:v10+s21+$0x0], $0xffff;
	v3 =	vmul.f32 v7, v3;
	v11 =	vadd.f32 v12, v11  }
0x3b8: {  	v10 =	vld.idx.msk [tilespmem:v10+s17+$0x0], $0xffff;
	v7 =	vadd.s32 s5, v0  }
0x3b9: {  	s6 =	sadd.s32 $0xFFFFFFFF, s4;
	v12 =	vld.idx.msk [tilespmem:v6+s21+$0x0], $0xffff;
	v2 =	vmul.f32 v5, v2;
	v3 =	vadd.f32 v3, v11  }
0x3ba: {  	v6 =	vld.idx.msk [tilespmem:v6+s17+$0x0], $0xffff;
	v5 =	vadd.s32 s6, v0  }
0x3bb: {  	v11 =	vld.idx.msk [tilespmem:v8+s21+$0x0], $0xffff;
	v2 =	vadd.f32 v2, v3;
	v3 =	vmul.f32 v9, v4  }
0x3bc: {  	v4 =	vld.idx.msk [tilespmem:v8+s17+$0x0], $0xffff;
	v8 =	vadd.s32 s4, v0  }
0x3bd: {  	v9 =	vld.idx.msk [tilespmem:v7+s21+$0x0], $0xffff;
	v2 =	vadd.f32 v3, v2;
	v3 =	vmul.f32 v10, v13  }
0x3be: {  	v7 =	vld.idx.msk [tilespmem:v7+s17+$0x0], $0xffff  }
0x3bf: {  	v10 =	vld.idx.msk [tilespmem:v5+s21+$0x0], $0xffff;
	v2 =	vadd.f32 v3, v2;
	v3 =	vmul.f32 v6, v12  }
0x3c0: {  	v5 =	vld.idx.msk [tilespmem:v5+s17+$0x0], $0xffff  }
0x3c1: {  	v6 =	vld.idx.msk [tilespmem:v8+s21+$0x0], $0xffff;
	v4 =	vmul.f32 v4, v11;
	v2 =	vadd.f32 v3, v2  }
0x3c2: {  	v3 =	vld.idx.msk [tilespmem:v8+s17+$0x0], $0xffff  }
0x3c3: {  	v2 =	vadd.f32 v4, v2;
	v4 =	vmul.f32 v7, v9;
	_ =	sdelay $0x1  }
0x3c4: {  	v2 =	vadd.f32 v4, v2;
	v4 =	vmul.f32 v5, v10  }
0x3c5: {  	s5 =	simm.s32 $0x640  }
0x3c6: {  	v3 =	vmul.f32 v3, v6;
	v2 =	vadd.f32 v4, v2;
	v4 =	vadd.s32 s5, v0  }
0x3c7: {  	s6 =	simm.s32 $0x641  }
0x3c8: {  	v2 =	vadd.f32 v3, v2;
	v3 =	vadd.s32 s6, v0  }
0x3c9: {  	s6 =	simm.s32 $0x643  }
0x3ca: {  	s5 =	simm.s32 $0x642;
	v6 =	vadd.s32 s6, v0;
	[tilespmem:$0x9700] =	vst v2  }
0x3cb: {  	v2 =	vadd.s32 s5, v0;
	v5 =	vld.idx.msk [tilespmem:v4+s21+$0x0], $0xffff  }
0x3cc: {  	v4 =	vld.idx.msk [tilespmem:v4+s17+$0x0], $0xffff  }
0x3cd: {  	s5 =	simm.s32 $0x644;
	v8 =	vld.idx.msk [tilespmem:v3+s21+$0x0], $0xffff  }
0x3ce: {  	v9 =	vadd.s32 s5, v0;
	v11 =	vld.idx.msk [tilespmem:v3+s17+$0x0], $0xffff  }
0x3cf: {  	s6 =	simm.s32 $0x645;
	v3 =	vld.idx.msk [tilespmem:v6+s21+$0x0], $0xffff  }
0x3d0: {  	v12 =	vadd.s32 s6, v0;
	v13 =	vld.idx.msk [tilespmem:v2+s21+$0x0], $0xffff  }
0x3d1: {  	s5 =	simm.s32 $0x646;
	v14 =	vld.idx.msk [tilespmem:v2+s17+$0x0], $0xffff  }
0x3d2: {  	v7 =	vadd.s32 s5, v0;
	v10 =	vld.idx.msk [tilespmem:v6+s17+$0x0], $0xffff;
	v2 =	vmul.f32 v4, v5  }
0x3d3: {  	s6 =	simm.s32 $0x647;
	v4 =	vld.idx.msk [tilespmem:v9+s21+$0x0], $0xffff  }
0x3d4: {  	v9 =	vld.idx.msk [tilespmem:v9+s17+$0x0], $0xffff;
	v6 =	vadd.f32 v2, v1;
	v15 =	vmul.f32 v11, v8;
	v11 =	vadd.s32 s6, v0  }
0x3d5: {  	s4 =	simm.s32 $0x648;
	v5 =	vld.idx.msk [tilespmem:v12+s17+$0x0], $0xffff  }
0x3d6: {  	v2 =	vld.idx.msk [tilespmem:v12+s21+$0x0], $0xffff;
	v8 =	vadd.s32 s4, v0;
	v12 =	vadd.f32 v15, v6;
	v13 =	vmul.f32 v14, v13  }
0x3d7: {  	s5 =	simm.s32 $0x64C;
	s6 =	simm.s32 $0x649;
	v6 =	vld.idx.msk [tilespmem:v7+s21+$0x0], $0xffff  }
.LBB2_36:
0x3d8: {  	p1 =	sne.s32 s5, $0x6A0;
	v14 =	vadd.s32 s6, v0;
	v15 =	vld.idx.msk [tilespmem:v7+s17+$0x0], $0xffff;
	v12 =	vadd.f32 v13, v12;
	v13 =	vmul.f32 v10, v3  }
0x3d9: {  	s6 =	sadd.s32 $0x2, s4;
	v3 =	vld.idx.msk [tilespmem:v11+s21+$0x0], $0xffff  }
0x3da: {  	v7 =	vadd.s32 s6, v0;
	v16 =	vmul.f32 v9, v4;
	v10 =	vld.idx.msk [tilespmem:v11+s17+$0x0], $0xffff;
	v12 =	vadd.f32 v13, v12  }
.Ltmp17:
0x3db: {  	s6 =	sadd.s32 $0x3, s4;
	s4 =	smov.u32 s5;
	v4 =	vld.idx.msk [tilespmem:v8+s21+$0x0], $0xffff;
	(pc) =	sbr.rel @p1 .LBB2_36-.Ltmp17, $4  }
0x3dc: {  	v11 =	vadd.s32 s6, v0;
	v13 =	vmul.f32 v5, v2;
	v9 =	vld.idx.msk [tilespmem:v8+s17+$0x0], $0xffff;
	v12 =	vadd.f32 v16, v12  }
0x3dd: {  	v2 =	vld.idx.msk [tilespmem:v14+s21+$0x0], $0xffff  }
0x3de: {  	v8 =	vadd.s32 s5, v0;
	v5 =	vld.idx.msk [tilespmem:v14+s17+$0x0], $0xffff;
	v12 =	vadd.f32 v13, v12;
	v13 =	vmul.f32 v15, v6  }
0x3df: {  	s6 =	sadd.s32 $0x1, s4;
	s5 =	sadd.s32 $0x4, s5;
	v6 =	vld.idx.msk [tilespmem:v7+s21+$0x0], $0xffff  }
0x3e0: {  	_ =	sdelay $0x2  }
0x3e1: {  	v12 =	vadd.f32 v13, v12;
	v3 =	vmul.f32 v10, v3  }
0x3e2: {  	v10 =	vadd.s32 s6, v0;
	v7 =	vld.idx.msk [tilespmem:v7+s17+$0x0], $0xffff  }
0x3e3: {  	s5 =	sadd.s32 $0x2, s4;
	v13 =	vld.idx.msk [tilespmem:v11+s21+$0x0], $0xffff;
	v4 =	vmul.f32 v9, v4;
	v3 =	vadd.f32 v3, v12  }
0x3e4: {  	v11 =	vld.idx.msk [tilespmem:v11+s17+$0x0], $0xffff;
	v9 =	vadd.s32 s5, v0  }
0x3e5: {  	s6 =	sadd.s32 $0x3, s4;
	v12 =	vld.idx.msk [tilespmem:v8+s21+$0x0], $0xffff;
	v2 =	vmul.f32 v5, v2;
	v3 =	vadd.f32 v4, v3  }
0x3e6: {  	v5 =	vadd.s32 s6, v0;
	v4 =	vld.idx.msk [tilespmem:v8+s17+$0x0], $0xffff  }
0x3e7: {  	v8 =	vld.idx.msk [tilespmem:v10+s21+$0x0], $0xffff;
	v2 =	vadd.f32 v2, v3;
	v3 =	vmul.f32 v7, v6  }
0x3e8: {  	v6 =	vld.idx.msk [tilespmem:v10+s17+$0x0], $0xffff  }
0x3e9: {  	v7 =	vld.idx.msk [tilespmem:v9+s21+$0x0], $0xffff;
	v2 =	vadd.f32 v3, v2;
	v3 =	vmul.f32 v11, v13  }
0x3ea: {  	v9 =	vld.idx.msk [tilespmem:v9+s17+$0x0], $0xffff  }
0x3eb: {  	v10 =	vld.idx.msk [tilespmem:v5+s21+$0x0], $0xffff;
	v4 =	vmul.f32 v4, v12;
	v2 =	vadd.f32 v3, v2  }
0x3ec: {  	v3 =	vld.idx.msk [tilespmem:v5+s17+$0x0], $0xffff  }
0x3ed: {  	v2 =	vadd.f32 v4, v2;
	v4 =	vmul.f32 v6, v8;
	_ =	sdelay $0x1  }
0x3ee: {  	v2 =	vadd.f32 v4, v2;
	v4 =	vmul.f32 v9, v7  }
0x3ef: {  	s5 =	simm.s32 $0xC80  }
0x3f0: {  	v3 =	vmul.f32 v3, v10;
	v2 =	vadd.f32 v4, v2;
	v4 =	vadd.s32 s5, v0  }
0x3f1: {  	s6 =	simm.s32 $0xC81  }
0x3f2: {  	v2 =	vadd.f32 v3, v2;
	v3 =	vadd.s32 s6, v0  }
0x3f3: {  	s6 =	simm.s32 $0xC83  }
0x3f4: {  	s5 =	simm.s32 $0xC82;
	v6 =	vadd.s32 s6, v0;
	[tilespmem:$0x9710] =	vst v2  }
0x3f5: {  	v2 =	vadd.s32 s5, v0;
	v5 =	vld.idx.msk [tilespmem:v4+s21+$0x0], $0xffff  }
0x3f6: {  	v4 =	vld.idx.msk [tilespmem:v4+s17+$0x0], $0xffff  }
0x3f7: {  	s5 =	simm.s32 $0xC84;
	v8 =	vld.idx.msk [tilespmem:v3+s21+$0x0], $0xffff  }
0x3f8: {  	v9 =	vadd.s32 s5, v0;
	v11 =	vld.idx.msk [tilespmem:v3+s17+$0x0], $0xffff  }
0x3f9: {  	s6 =	simm.s32 $0xC85;
	v3 =	vld.idx.msk [tilespmem:v6+s21+$0x0], $0xffff  }
0x3fa: {  	v12 =	vadd.s32 s6, v0;
	v13 =	vld.idx.msk [tilespmem:v2+s21+$0x0], $0xffff  }
0x3fb: {  	s5 =	simm.s32 $0xC86;
	v14 =	vld.idx.msk [tilespmem:v2+s17+$0x0], $0xffff  }
0x3fc: {  	v7 =	vadd.s32 s5, v0;
	v10 =	vld.idx.msk [tilespmem:v6+s17+$0x0], $0xffff;
	v2 =	vmul.f32 v4, v5  }
0x3fd: {  	s6 =	simm.s32 $0xC87;
	v4 =	vld.idx.msk [tilespmem:v9+s21+$0x0], $0xffff  }
0x3fe: {  	v9 =	vld.idx.msk [tilespmem:v9+s17+$0x0], $0xffff;
	v6 =	vadd.f32 v2, v1;
	v15 =	vmul.f32 v11, v8;
	v11 =	vadd.s32 s6, v0  }
0x3ff: {  	s4 =	simm.s32 $0xC88;
	v5 =	vld.idx.msk [tilespmem:v12+s17+$0x0], $0xffff  }
0x400: {  	v2 =	vld.idx.msk [tilespmem:v12+s21+$0x0], $0xffff;
	v8 =	vadd.s32 s4, v0;
	v12 =	vadd.f32 v15, v6;
	v13 =	vmul.f32 v14, v13  }
0x401: {  	s5 =	simm.s32 $0xC8C;
	s6 =	simm.s32 $0xC89;
	v6 =	vld.idx.msk [tilespmem:v7+s21+$0x0], $0xffff  }
.LBB2_38:
0x402: {  	p1 =	sne.s32 s5, $0xCE0;
	v14 =	vadd.s32 s6, v0;
	v15 =	vld.idx.msk [tilespmem:v7+s17+$0x0], $0xffff;
	v12 =	vadd.f32 v13, v12;
	v13 =	vmul.f32 v10, v3  }
0x403: {  	s6 =	sadd.s32 $0x2, s4;
	v3 =	vld.idx.msk [tilespmem:v11+s21+$0x0], $0xffff  }
0x404: {  	v7 =	vadd.s32 s6, v0;
	v16 =	vmul.f32 v9, v4;
	v10 =	vld.idx.msk [tilespmem:v11+s17+$0x0], $0xffff;
	v12 =	vadd.f32 v13, v12  }
.Ltmp18:
0x405: {  	s6 =	sadd.s32 $0x3, s4;
	s4 =	smov.u32 s5;
	v4 =	vld.idx.msk [tilespmem:v8+s21+$0x0], $0xffff;
	(pc) =	sbr.rel @p1 .LBB2_38-.Ltmp18, $4  }
0x406: {  	v11 =	vadd.s32 s6, v0;
	v13 =	vmul.f32 v5, v2;
	v9 =	vld.idx.msk [tilespmem:v8+s17+$0x0], $0xffff;
	v12 =	vadd.f32 v16, v12  }
0x407: {  	v2 =	vld.idx.msk [tilespmem:v14+s21+$0x0], $0xffff  }
0x408: {  	v8 =	vadd.s32 s5, v0;
	v5 =	vld.idx.msk [tilespmem:v14+s17+$0x0], $0xffff;
	v12 =	vadd.f32 v13, v12;
	v13 =	vmul.f32 v15, v6  }
0x409: {  	s6 =	sadd.s32 $0x1, s4;
	s5 =	sadd.s32 $0x4, s5;
	v6 =	vld.idx.msk [tilespmem:v7+s21+$0x0], $0xffff  }
0x40a: {  	_ =	sdelay $0x2  }
0x40b: {  	v12 =	vadd.f32 v13, v12;
	v3 =	vmul.f32 v10, v3  }
0x40c: {  	v10 =	vadd.s32 s6, v0;
	v7 =	vld.idx.msk [tilespmem:v7+s17+$0x0], $0xffff  }
0x40d: {  	s5 =	sadd.s32 $0x2, s4;
	v13 =	vld.idx.msk [tilespmem:v11+s21+$0x0], $0xffff;
	v4 =	vmul.f32 v9, v4;
	v3 =	vadd.f32 v3, v12  }
0x40e: {  	v11 =	vld.idx.msk [tilespmem:v11+s17+$0x0], $0xffff;
	v9 =	vadd.s32 s5, v0  }
0x40f: {  	s6 =	sadd.s32 $0x3, s4;
	v12 =	vld.idx.msk [tilespmem:v8+s21+$0x0], $0xffff;
	v2 =	vmul.f32 v5, v2;
	v3 =	vadd.f32 v4, v3  }
0x410: {  	v5 =	vadd.s32 s6, v0;
	v4 =	vld.idx.msk [tilespmem:v8+s17+$0x0], $0xffff  }
0x411: {  	v8 =	vld.idx.msk [tilespmem:v10+s21+$0x0], $0xffff;
	v2 =	vadd.f32 v2, v3;
	v3 =	vmul.f32 v7, v6  }
0x412: {  	v6 =	vld.idx.msk [tilespmem:v10+s17+$0x0], $0xffff  }
0x413: {  	v7 =	vld.idx.msk [tilespmem:v9+s21+$0x0], $0xffff;
	v2 =	vadd.f32 v3, v2;
	v3 =	vmul.f32 v11, v13  }
0x414: {  	v9 =	vld.idx.msk [tilespmem:v9+s17+$0x0], $0xffff  }
0x415: {  	v10 =	vld.idx.msk [tilespmem:v5+s21+$0x0], $0xffff;
	v4 =	vmul.f32 v4, v12;
	v2 =	vadd.f32 v3, v2  }
0x416: {  	v3 =	vld.idx.msk [tilespmem:v5+s17+$0x0], $0xffff  }
0x417: {  	v2 =	vadd.f32 v4, v2;
	v4 =	vmul.f32 v6, v8;
	_ =	sdelay $0x1  }
0x418: {  	v2 =	vadd.f32 v4, v2;
	v4 =	vmul.f32 v9, v7  }
0x419: {  	s5 =	simm.s32 $0x12C0  }
0x41a: {  	v3 =	vmul.f32 v3, v10;
	v2 =	vadd.f32 v4, v2;
	v4 =	vadd.s32 s5, v0  }
0x41b: {  	s6 =	simm.s32 $0x12C1  }
0x41c: {  	v2 =	vadd.f32 v3, v2;
	v3 =	vadd.s32 s6, v0  }
0x41d: {  	s6 =	simm.s32 $0x12C3  }
0x41e: {  	s5 =	simm.s32 $0x12C2;
	v6 =	vadd.s32 s6, v0;
	[tilespmem:$0x9720] =	vst v2  }
0x41f: {  	v2 =	vadd.s32 s5, v0;
	v5 =	vld.idx.msk [tilespmem:v4+s21+$0x0], $0xffff  }
0x420: {  	v4 =	vld.idx.msk [tilespmem:v4+s17+$0x0], $0xffff  }
0x421: {  	s5 =	simm.s32 $0x12C4;
	v8 =	vld.idx.msk [tilespmem:v3+s21+$0x0], $0xffff  }
0x422: {  	v9 =	vadd.s32 s5, v0;
	v11 =	vld.idx.msk [tilespmem:v3+s17+$0x0], $0xffff  }
0x423: {  	s6 =	simm.s32 $0x12C5;
	v3 =	vld.idx.msk [tilespmem:v6+s21+$0x0], $0xffff  }
0x424: {  	v12 =	vadd.s32 s6, v0;
	v13 =	vld.idx.msk [tilespmem:v2+s21+$0x0], $0xffff  }
0x425: {  	s5 =	simm.s32 $0x12C6;
	v14 =	vld.idx.msk [tilespmem:v2+s17+$0x0], $0xffff  }
0x426: {  	v7 =	vadd.s32 s5, v0;
	v10 =	vld.idx.msk [tilespmem:v6+s17+$0x0], $0xffff;
	v2 =	vmul.f32 v4, v5  }
0x427: {  	s6 =	simm.s32 $0x12C7;
	v4 =	vld.idx.msk [tilespmem:v9+s21+$0x0], $0xffff  }
0x428: {  	v9 =	vld.idx.msk [tilespmem:v9+s17+$0x0], $0xffff;
	v6 =	vadd.f32 v2, v1;
	v15 =	vmul.f32 v11, v8;
	v11 =	vadd.s32 s6, v0  }
0x429: {  	s4 =	simm.s32 $0x12C8;
	v5 =	vld.idx.msk [tilespmem:v12+s17+$0x0], $0xffff  }
0x42a: {  	v2 =	vld.idx.msk [tilespmem:v12+s21+$0x0], $0xffff;
	v8 =	vadd.s32 s4, v0;
	v12 =	vadd.f32 v15, v6;
	v13 =	vmul.f32 v14, v13  }
0x42b: {  	s5 =	simm.s32 $0x12CC;
	s6 =	simm.s32 $0x12C9;
	v6 =	vld.idx.msk [tilespmem:v7+s21+$0x0], $0xffff  }
.LBB2_40:
0x42c: {  	p1 =	sne.s32 s5, $0x1320;
	v14 =	vadd.s32 s6, v0;
	v15 =	vld.idx.msk [tilespmem:v7+s17+$0x0], $0xffff;
	v12 =	vadd.f32 v13, v12;
	v13 =	vmul.f32 v10, v3  }
0x42d: {  	s6 =	sadd.s32 $0x2, s4;
	v3 =	vld.idx.msk [tilespmem:v11+s21+$0x0], $0xffff  }
0x42e: {  	v7 =	vadd.s32 s6, v0;
	v16 =	vmul.f32 v9, v4;
	v10 =	vld.idx.msk [tilespmem:v11+s17+$0x0], $0xffff;
	v12 =	vadd.f32 v13, v12  }
.Ltmp19:
0x42f: {  	s6 =	sadd.s32 $0x3, s4;
	s4 =	smov.u32 s5;
	v4 =	vld.idx.msk [tilespmem:v8+s21+$0x0], $0xffff;
	(pc) =	sbr.rel @p1 .LBB2_40-.Ltmp19, $4  }
0x430: {  	v11 =	vadd.s32 s6, v0;
	v13 =	vmul.f32 v5, v2;
	v9 =	vld.idx.msk [tilespmem:v8+s17+$0x0], $0xffff;
	v12 =	vadd.f32 v16, v12  }
0x431: {  	v2 =	vld.idx.msk [tilespmem:v14+s21+$0x0], $0xffff  }
0x432: {  	v8 =	vadd.s32 s5, v0;
	v5 =	vld.idx.msk [tilespmem:v14+s17+$0x0], $0xffff;
	v12 =	vadd.f32 v13, v12;
	v13 =	vmul.f32 v15, v6  }
0x433: {  	s6 =	sadd.s32 $0x1, s4;
	s5 =	sadd.s32 $0x4, s5;
	v6 =	vld.idx.msk [tilespmem:v7+s21+$0x0], $0xffff  }
0x434: {  	_ =	sdelay $0x2  }
0x435: {  	v12 =	vadd.f32 v13, v12;
	v3 =	vmul.f32 v10, v3  }
0x436: {  	v10 =	vadd.s32 s6, v0;
	v7 =	vld.idx.msk [tilespmem:v7+s17+$0x0], $0xffff  }
0x437: {  	s5 =	sadd.s32 $0x2, s4;
	v13 =	vld.idx.msk [tilespmem:v11+s21+$0x0], $0xffff;
	v4 =	vmul.f32 v9, v4;
	v3 =	vadd.f32 v3, v12  }
0x438: {  	v11 =	vld.idx.msk [tilespmem:v11+s17+$0x0], $0xffff;
	v9 =	vadd.s32 s5, v0  }
0x439: {  	s6 =	sadd.s32 $0x3, s4;
	v12 =	vld.idx.msk [tilespmem:v8+s21+$0x0], $0xffff;
	v2 =	vmul.f32 v5, v2;
	v3 =	vadd.f32 v4, v3  }
0x43a: {  	v5 =	vadd.s32 s6, v0;
	v4 =	vld.idx.msk [tilespmem:v8+s17+$0x0], $0xffff  }
0x43b: {  	v8 =	vld.idx.msk [tilespmem:v10+s21+$0x0], $0xffff;
	v2 =	vadd.f32 v2, v3;
	v3 =	vmul.f32 v7, v6  }
0x43c: {  	v6 =	vld.idx.msk [tilespmem:v10+s17+$0x0], $0xffff  }
0x43d: {  	v7 =	vld.idx.msk [tilespmem:v9+s21+$0x0], $0xffff;
	v2 =	vadd.f32 v3, v2;
	v3 =	vmul.f32 v11, v13  }
0x43e: {  	v9 =	vld.idx.msk [tilespmem:v9+s17+$0x0], $0xffff  }
0x43f: {  	v10 =	vld.idx.msk [tilespmem:v5+s21+$0x0], $0xffff;
	v4 =	vmul.f32 v4, v12;
	v2 =	vadd.f32 v3, v2  }
0x440: {  	v3 =	vld.idx.msk [tilespmem:v5+s17+$0x0], $0xffff  }
0x441: {  	v2 =	vadd.f32 v4, v2;
	v4 =	vmul.f32 v6, v8;
	_ =	sdelay $0x1  }
0x442: {  	v2 =	vadd.f32 v4, v2;
	v4 =	vmul.f32 v9, v7;
	_ =	sdelay $0x1  }
0x443: {  	v3 =	vmul.f32 v3, v10;
	v2 =	vadd.f32 v4, v2;
	_ =	sdelay $0x1  }
0x444: {  	v2 =	vadd.f32 v3, v2;
	_ =	sdelay $0x1  }
0x445: {  	[tilespmem:$0x9730] =	vst v2  }
0x446: {  	_ =	swait.ge [sflag:s19], $0x1900  }
0x447: {  	[sflag:s19] =	ssyncset.done $0x0  }
0x448: {  	[sflag:s19] =	ssyncadd.s32 $0xFFFFE700  }
0x449: {  	[tilespmem:s21], [sflag:$0x3] =	stream.indirect.gather [spmem:s29], $0x1, s1, s20, $0xb8;
	[tilespmem:$0x18CA8] =	vst v63  }
0x44a: {  	_ = 	snop  }
0x44b: {  	[tilespmem:s22], [sflag:$0x3] =	stream.indirect.gather [spmem:s29], $0x1, s20, s20, $0xb8;
	[tilespmem:$0x18CA8] =	vst v63  }
0x44c: {  	s5 =	rddreg [dreg:$0x1f]  }
0x44d: {  	[tilespmem:s17], [sflag:$0x2] =	stream.linear.gather [hbm4b:s5+s1], $0x1900, $0x38;
	[tilespmem:$0x18CA8] =	vst v63  }
0x44e: {  	_ =	swait.ge [sflag:s25], $0xC80  }
0x44f: {  	[sflag:s25] =	ssyncset.done $0x0  }
0x450: {  	[sflag:s25] =	ssyncadd.s32 $0xFFFFF380  }
0x451: {  	_ =	swait.ge [sflag:s25], $0xC80  }
0x452: {  	[sflag:s25] =	ssyncset.done $0x0  }
0x453: {  	s6 =	simm.s32 $0x0;
	[sflag:s25] =	ssyncadd.s32 $0xFFFFF380  }
0x454: {  	v2 =	vadd.s32 s6, v0;
	_ =	swait.ge [sflag:s2], $0x1900  }
0x455: {  	s5 =	simm.s32 $0x1;
	s6 =	sld [smem:$0x7F7]  }
0x456: {  	v3 =	vadd.s32 s5, v0;
	[sflag:s2] =	ssyncset.done $0x0  }
0x457: {  	s4 =	simm.s32 $0x2;
	[sflag:s2] =	ssyncadd.s32 $0xFFFFE700  }
0x458: {  	[tilespmem:s23], [sflag:$0x4] =	stream.linear.gather [hbm4b:s6+s1], $0x1900, $0x38;
	[tilespmem:$0x18CA8] =	vst v63  }
0x459: {  	v4 =	vadd.s32 s4, v0;
	v5 =	vld.idx.msk [tilespmem:v2+s26+$0x0], $0xffff  }
0x45a: {  	s5 =	simm.s32 $0x3;
	v2 =	vld.idx.msk [tilespmem:v2+s31+$0x0], $0xffff  }
0x45b: {  	v6 =	vadd.s32 s5, v0;
	v8 =	vld.idx.msk [tilespmem:v3+s26+$0x0], $0xffff  }
0x45c: {  	s6 =	simm.s32 $0x4;
	v10 =	vld.idx.msk [tilespmem:v3+s31+$0x0], $0xffff  }
0x45d: {  	v9 =	vadd.s32 s6, v0  }
0x45e: {  	s5 =	simm.s32 $0x5;
	v12 =	vld.idx.msk [tilespmem:v4+s26+$0x0], $0xffff  }
0x45f: {  	v11 =	vadd.s32 s5, v0;
	v13 =	vld.idx.msk [tilespmem:v4+s31+$0x0], $0xffff  }
0x460: {  	v3 =	vld.idx.msk [tilespmem:v6+s26+$0x0], $0xffff;
	s6 =	simm.s32 $0x6  }
0x461: {  	v7 =	vld.idx.msk [tilespmem:v6+s31+$0x0], $0xffff;
	v4 =	vmul.f32 v2, v5;
	v15 =	vmul.f32 v10, v8;
	v10 =	vadd.s32 s6, v0  }
0x462: {  	s4 =	simm.s32 $0x7;
	v2 =	vld.idx.msk [tilespmem:v9+s26+$0x0], $0xffff  }
0x463: {  	v6 =	vadd.s32 s4, v0;
	v5 =	vld.idx.msk [tilespmem:v9+s31+$0x0], $0xffff;
	v14 =	vadd.f32 v4, v1  }
0x464: {  	s6 =	simm.s32 $0x8;
	v9 =	vld.idx.msk [tilespmem:v11+s31+$0x0], $0xffff  }
0x465: {  	s5 =	simm.s32 $0xF;
	s4 =	simm.s32 $0xB;
	v12 =	vmul.f32 v13, v12;
	v8 =	vadd.s32 s6, v0;
	v4 =	vld.idx.msk [tilespmem:v11+s26+$0x0], $0xffff;
	v11 =	vadd.f32 v15, v14  }
.LBB2_42:
0x466: {  	p1 =	sne.s32 s5, $0x63;
	s6 =	sadd.s32 $0xFFFFFFFE, s4;
	v13 =	vld.idx.msk [tilespmem:v10+s26+$0x0], $0xffff  }
0x467: {  	v14 =	vadd.s32 s6, v0;
	v15 =	vld.idx.msk [tilespmem:v10+s31+$0x0], $0xffff;
	v11 =	vadd.f32 v12, v11;
	v12 =	vmul.f32 v7, v3  }
0x468: {  	s6 =	sadd.s32 $0xFFFFFFFF, s4;
	v3 =	vld.idx.msk [tilespmem:v6+s26+$0x0], $0xffff  }
.Ltmp20:
0x469: {  	v10 =	vadd.s32 s6, v0;
	v16 =	vmul.f32 v5, v2;
	v7 =	vld.idx.msk [tilespmem:v6+s31+$0x0], $0xffff;
	v11 =	vadd.f32 v12, v11;
	(pc) =	sbr.rel @p1 .LBB2_42-.Ltmp20, $4  }
0x46a: {  	v2 =	vld.idx.msk [tilespmem:v8+s26+$0x0], $0xffff  }
0x46b: {  	v6 =	vadd.s32 s4, v0;
	s4 =	smov.u32 s5;
	v12 =	vmul.f32 v9, v4;
	v5 =	vld.idx.msk [tilespmem:v8+s31+$0x0], $0xffff;
	v11 =	vadd.f32 v16, v11  }
0x46c: {  	s6 =	sadd.s32 $0xFFFFFFFD, s5;
	v4 =	vld.idx.msk [tilespmem:v14+s26+$0x0], $0xffff  }
0x46d: {  	s5 =	sadd.s32 $0x4, s5;
	v8 =	vadd.s32 s6, v0;
	v9 =	vld.idx.msk [tilespmem:v14+s31+$0x0], $0xffff;
	v11 =	vadd.f32 v12, v11;
	v12 =	vmul.f32 v15, v13  }
0x46e: {  	_ =	sdelay $0x3  }
0x46f: {  	s5 =	sadd.s32 $0xFFFFFFFE, s4;
	v13 =	vld.idx.msk [tilespmem:v10+s26+$0x0], $0xffff;
	v3 =	vmul.f32 v7, v3;
	v11 =	vadd.f32 v12, v11  }
0x470: {  	v10 =	vld.idx.msk [tilespmem:v10+s31+$0x0], $0xffff;
	v7 =	vadd.s32 s5, v0  }
0x471: {  	s6 =	sadd.s32 $0xFFFFFFFF, s4;
	v12 =	vld.idx.msk [tilespmem:v6+s26+$0x0], $0xffff;
	v2 =	vmul.f32 v5, v2;
	v3 =	vadd.f32 v3, v11  }
0x472: {  	v6 =	vld.idx.msk [tilespmem:v6+s31+$0x0], $0xffff;
	v5 =	vadd.s32 s6, v0  }
0x473: {  	v11 =	vld.idx.msk [tilespmem:v8+s26+$0x0], $0xffff;
	v2 =	vadd.f32 v2, v3;
	v3 =	vmul.f32 v9, v4  }
0x474: {  	v4 =	vld.idx.msk [tilespmem:v8+s31+$0x0], $0xffff;
	v8 =	vadd.s32 s4, v0  }
0x475: {  	v9 =	vld.idx.msk [tilespmem:v7+s26+$0x0], $0xffff;
	v2 =	vadd.f32 v3, v2;
	v3 =	vmul.f32 v10, v13  }
0x476: {  	v7 =	vld.idx.msk [tilespmem:v7+s31+$0x0], $0xffff  }
0x477: {  	v10 =	vld.idx.msk [tilespmem:v5+s26+$0x0], $0xffff;
	v2 =	vadd.f32 v3, v2;
	v3 =	vmul.f32 v6, v12  }
0x478: {  	v5 =	vld.idx.msk [tilespmem:v5+s31+$0x0], $0xffff  }
0x479: {  	v6 =	vld.idx.msk [tilespmem:v8+s26+$0x0], $0xffff;
	v4 =	vmul.f32 v4, v11;
	v2 =	vadd.f32 v3, v2  }
0x47a: {  	v3 =	vld.idx.msk [tilespmem:v8+s31+$0x0], $0xffff  }
0x47b: {  	v2 =	vadd.f32 v4, v2;
	v4 =	vmul.f32 v7, v9;
	_ =	sdelay $0x1  }
0x47c: {  	v2 =	vadd.f32 v4, v2;
	v4 =	vmul.f32 v5, v10  }
0x47d: {  	s5 =	simm.s32 $0x640  }
0x47e: {  	v3 =	vmul.f32 v3, v6;
	v2 =	vadd.f32 v4, v2;
	v4 =	vadd.s32 s5, v0  }
0x47f: {  	s6 =	simm.s32 $0x641  }
0x480: {  	v2 =	vadd.f32 v3, v2;
	v3 =	vadd.s32 s6, v0  }
0x481: {  	s6 =	simm.s32 $0x643  }
0x482: {  	s5 =	simm.s32 $0x642;
	v6 =	vadd.s32 s6, v0;
	[tilespmem:$0x9740] =	vst v2  }
0x483: {  	v2 =	vadd.s32 s5, v0;
	v5 =	vld.idx.msk [tilespmem:v4+s26+$0x0], $0xffff  }
0x484: {  	v4 =	vld.idx.msk [tilespmem:v4+s31+$0x0], $0xffff  }
0x485: {  	s5 =	simm.s32 $0x644;
	v8 =	vld.idx.msk [tilespmem:v3+s26+$0x0], $0xffff  }
0x486: {  	v9 =	vadd.s32 s5, v0;
	v11 =	vld.idx.msk [tilespmem:v3+s31+$0x0], $0xffff  }
0x487: {  	s6 =	simm.s32 $0x645;
	v3 =	vld.idx.msk [tilespmem:v6+s26+$0x0], $0xffff  }
0x488: {  	v12 =	vadd.s32 s6, v0;
	v13 =	vld.idx.msk [tilespmem:v2+s26+$0x0], $0xffff  }
0x489: {  	s5 =	simm.s32 $0x646;
	v14 =	vld.idx.msk [tilespmem:v2+s31+$0x0], $0xffff  }
0x48a: {  	v7 =	vadd.s32 s5, v0;
	v10 =	vld.idx.msk [tilespmem:v6+s31+$0x0], $0xffff;
	v2 =	vmul.f32 v4, v5  }
0x48b: {  	s6 =	simm.s32 $0x647;
	v4 =	vld.idx.msk [tilespmem:v9+s26+$0x0], $0xffff  }
0x48c: {  	v9 =	vld.idx.msk [tilespmem:v9+s31+$0x0], $0xffff;
	v6 =	vadd.f32 v2, v1;
	v15 =	vmul.f32 v11, v8;
	v11 =	vadd.s32 s6, v0  }
0x48d: {  	s4 =	simm.s32 $0x648;
	v5 =	vld.idx.msk [tilespmem:v12+s31+$0x0], $0xffff  }
0x48e: {  	v2 =	vld.idx.msk [tilespmem:v12+s26+$0x0], $0xffff;
	v8 =	vadd.s32 s4, v0;
	v12 =	vadd.f32 v15, v6;
	v13 =	vmul.f32 v14, v13  }
0x48f: {  	s5 =	simm.s32 $0x64C;
	s6 =	simm.s32 $0x649;
	v6 =	vld.idx.msk [tilespmem:v7+s26+$0x0], $0xffff  }
.LBB2_44:
0x490: {  	p1 =	sne.s32 s5, $0x6A0;
	v14 =	vadd.s32 s6, v0;
	v15 =	vld.idx.msk [tilespmem:v7+s31+$0x0], $0xffff;
	v12 =	vadd.f32 v13, v12;
	v13 =	vmul.f32 v10, v3  }
0x491: {  	s6 =	sadd.s32 $0x2, s4;
	v3 =	vld.idx.msk [tilespmem:v11+s26+$0x0], $0xffff  }
0x492: {  	v7 =	vadd.s32 s6, v0;
	v16 =	vmul.f32 v9, v4;
	v10 =	vld.idx.msk [tilespmem:v11+s31+$0x0], $0xffff;
	v12 =	vadd.f32 v13, v12  }
.Ltmp21:
0x493: {  	s6 =	sadd.s32 $0x3, s4;
	s4 =	smov.u32 s5;
	v4 =	vld.idx.msk [tilespmem:v8+s26+$0x0], $0xffff;
	(pc) =	sbr.rel @p1 .LBB2_44-.Ltmp21, $4  }
0x494: {  	v11 =	vadd.s32 s6, v0;
	v13 =	vmul.f32 v5, v2;
	v9 =	vld.idx.msk [tilespmem:v8+s31+$0x0], $0xffff;
	v12 =	vadd.f32 v16, v12  }
0x495: {  	v2 =	vld.idx.msk [tilespmem:v14+s26+$0x0], $0xffff  }
0x496: {  	v8 =	vadd.s32 s5, v0;
	v5 =	vld.idx.msk [tilespmem:v14+s31+$0x0], $0xffff;
	v12 =	vadd.f32 v13, v12;
	v13 =	vmul.f32 v15, v6  }
0x497: {  	s6 =	sadd.s32 $0x1, s4;
	s5 =	sadd.s32 $0x4, s5;
	v6 =	vld.idx.msk [tilespmem:v7+s26+$0x0], $0xffff  }
0x498: {  	_ =	sdelay $0x2  }
0x499: {  	v12 =	vadd.f32 v13, v12;
	v3 =	vmul.f32 v10, v3  }
0x49a: {  	v10 =	vadd.s32 s6, v0;
	v7 =	vld.idx.msk [tilespmem:v7+s31+$0x0], $0xffff  }
0x49b: {  	s5 =	sadd.s32 $0x2, s4;
	v13 =	vld.idx.msk [tilespmem:v11+s26+$0x0], $0xffff;
	v4 =	vmul.f32 v9, v4;
	v3 =	vadd.f32 v3, v12  }
0x49c: {  	v11 =	vld.idx.msk [tilespmem:v11+s31+$0x0], $0xffff;
	v9 =	vadd.s32 s5, v0  }
0x49d: {  	s6 =	sadd.s32 $0x3, s4;
	v12 =	vld.idx.msk [tilespmem:v8+s26+$0x0], $0xffff;
	v2 =	vmul.f32 v5, v2;
	v3 =	vadd.f32 v4, v3  }
0x49e: {  	v5 =	vadd.s32 s6, v0;
	v4 =	vld.idx.msk [tilespmem:v8+s31+$0x0], $0xffff  }
0x49f: {  	v8 =	vld.idx.msk [tilespmem:v10+s26+$0x0], $0xffff;
	v2 =	vadd.f32 v2, v3;
	v3 =	vmul.f32 v7, v6  }
0x4a0: {  	v6 =	vld.idx.msk [tilespmem:v10+s31+$0x0], $0xffff  }
0x4a1: {  	v7 =	vld.idx.msk [tilespmem:v9+s26+$0x0], $0xffff;
	v2 =	vadd.f32 v3, v2;
	v3 =	vmul.f32 v11, v13  }
0x4a2: {  	v9 =	vld.idx.msk [tilespmem:v9+s31+$0x0], $0xffff  }
0x4a3: {  	v10 =	vld.idx.msk [tilespmem:v5+s26+$0x0], $0xffff;
	v4 =	vmul.f32 v4, v12;
	v2 =	vadd.f32 v3, v2  }
0x4a4: {  	v3 =	vld.idx.msk [tilespmem:v5+s31+$0x0], $0xffff  }
0x4a5: {  	v2 =	vadd.f32 v4, v2;
	v4 =	vmul.f32 v6, v8;
	_ =	sdelay $0x1  }
0x4a6: {  	v2 =	vadd.f32 v4, v2;
	v4 =	vmul.f32 v9, v7  }
0x4a7: {  	s5 =	simm.s32 $0xC80  }
0x4a8: {  	v3 =	vmul.f32 v3, v10;
	v2 =	vadd.f32 v4, v2;
	v4 =	vadd.s32 s5, v0  }
0x4a9: {  	s6 =	simm.s32 $0xC81  }
0x4aa: {  	v2 =	vadd.f32 v3, v2;
	v3 =	vadd.s32 s6, v0  }
0x4ab: {  	s6 =	simm.s32 $0xC83  }
0x4ac: {  	s5 =	simm.s32 $0xC82;
	v6 =	vadd.s32 s6, v0;
	[tilespmem:$0x9750] =	vst v2  }
0x4ad: {  	v2 =	vadd.s32 s5, v0;
	v5 =	vld.idx.msk [tilespmem:v4+s26+$0x0], $0xffff  }
0x4ae: {  	v4 =	vld.idx.msk [tilespmem:v4+s31+$0x0], $0xffff  }
0x4af: {  	s5 =	simm.s32 $0xC84;
	v8 =	vld.idx.msk [tilespmem:v3+s26+$0x0], $0xffff  }
0x4b0: {  	v9 =	vadd.s32 s5, v0;
	v11 =	vld.idx.msk [tilespmem:v3+s31+$0x0], $0xffff  }
0x4b1: {  	s6 =	simm.s32 $0xC85;
	v3 =	vld.idx.msk [tilespmem:v6+s26+$0x0], $0xffff  }
0x4b2: {  	v12 =	vadd.s32 s6, v0;
	v13 =	vld.idx.msk [tilespmem:v2+s26+$0x0], $0xffff  }
0x4b3: {  	s5 =	simm.s32 $0xC86;
	v14 =	vld.idx.msk [tilespmem:v2+s31+$0x0], $0xffff  }
0x4b4: {  	v7 =	vadd.s32 s5, v0;
	v10 =	vld.idx.msk [tilespmem:v6+s31+$0x0], $0xffff;
	v2 =	vmul.f32 v4, v5  }
0x4b5: {  	s6 =	simm.s32 $0xC87;
	v4 =	vld.idx.msk [tilespmem:v9+s26+$0x0], $0xffff  }
0x4b6: {  	v9 =	vld.idx.msk [tilespmem:v9+s31+$0x0], $0xffff;
	v6 =	vadd.f32 v2, v1;
	v15 =	vmul.f32 v11, v8;
	v11 =	vadd.s32 s6, v0  }
0x4b7: {  	s4 =	simm.s32 $0xC88;
	v5 =	vld.idx.msk [tilespmem:v12+s31+$0x0], $0xffff  }
0x4b8: {  	v2 =	vld.idx.msk [tilespmem:v12+s26+$0x0], $0xffff;
	v8 =	vadd.s32 s4, v0;
	v12 =	vadd.f32 v15, v6;
	v13 =	vmul.f32 v14, v13  }
0x4b9: {  	s5 =	simm.s32 $0xC8C;
	s6 =	simm.s32 $0xC89;
	v6 =	vld.idx.msk [tilespmem:v7+s26+$0x0], $0xffff  }
.LBB2_46:
0x4ba: {  	p1 =	sne.s32 s5, $0xCE0;
	v14 =	vadd.s32 s6, v0;
	v15 =	vld.idx.msk [tilespmem:v7+s31+$0x0], $0xffff;
	v12 =	vadd.f32 v13, v12;
	v13 =	vmul.f32 v10, v3  }
0x4bb: {  	s6 =	sadd.s32 $0x2, s4;
	v3 =	vld.idx.msk [tilespmem:v11+s26+$0x0], $0xffff  }
0x4bc: {  	v7 =	vadd.s32 s6, v0;
	v16 =	vmul.f32 v9, v4;
	v10 =	vld.idx.msk [tilespmem:v11+s31+$0x0], $0xffff;
	v12 =	vadd.f32 v13, v12  }
.Ltmp22:
0x4bd: {  	s6 =	sadd.s32 $0x3, s4;
	s4 =	smov.u32 s5;
	v4 =	vld.idx.msk [tilespmem:v8+s26+$0x0], $0xffff;
	(pc) =	sbr.rel @p1 .LBB2_46-.Ltmp22, $4  }
0x4be: {  	v11 =	vadd.s32 s6, v0;
	v13 =	vmul.f32 v5, v2;
	v9 =	vld.idx.msk [tilespmem:v8+s31+$0x0], $0xffff;
	v12 =	vadd.f32 v16, v12  }
0x4bf: {  	v2 =	vld.idx.msk [tilespmem:v14+s26+$0x0], $0xffff  }
0x4c0: {  	v8 =	vadd.s32 s5, v0;
	v5 =	vld.idx.msk [tilespmem:v14+s31+$0x0], $0xffff;
	v12 =	vadd.f32 v13, v12;
	v13 =	vmul.f32 v15, v6  }
0x4c1: {  	s6 =	sadd.s32 $0x1, s4;
	s5 =	sadd.s32 $0x4, s5;
	v6 =	vld.idx.msk [tilespmem:v7+s26+$0x0], $0xffff  }
0x4c2: {  	_ =	sdelay $0x2  }
0x4c3: {  	v12 =	vadd.f32 v13, v12;
	v3 =	vmul.f32 v10, v3  }
0x4c4: {  	v10 =	vadd.s32 s6, v0;
	v7 =	vld.idx.msk [tilespmem:v7+s31+$0x0], $0xffff  }
0x4c5: {  	s5 =	sadd.s32 $0x2, s4;
	v13 =	vld.idx.msk [tilespmem:v11+s26+$0x0], $0xffff;
	v4 =	vmul.f32 v9, v4;
	v3 =	vadd.f32 v3, v12  }
0x4c6: {  	v11 =	vld.idx.msk [tilespmem:v11+s31+$0x0], $0xffff;
	v9 =	vadd.s32 s5, v0  }
0x4c7: {  	s6 =	sadd.s32 $0x3, s4;
	v12 =	vld.idx.msk [tilespmem:v8+s26+$0x0], $0xffff;
	v2 =	vmul.f32 v5, v2;
	v3 =	vadd.f32 v4, v3  }
0x4c8: {  	v5 =	vadd.s32 s6, v0;
	v4 =	vld.idx.msk [tilespmem:v8+s31+$0x0], $0xffff  }
0x4c9: {  	v8 =	vld.idx.msk [tilespmem:v10+s26+$0x0], $0xffff;
	v2 =	vadd.f32 v2, v3;
	v3 =	vmul.f32 v7, v6  }
0x4ca: {  	v6 =	vld.idx.msk [tilespmem:v10+s31+$0x0], $0xffff  }
0x4cb: {  	v7 =	vld.idx.msk [tilespmem:v9+s26+$0x0], $0xffff;
	v2 =	vadd.f32 v3, v2;
	v3 =	vmul.f32 v11, v13  }
0x4cc: {  	v9 =	vld.idx.msk [tilespmem:v9+s31+$0x0], $0xffff  }
0x4cd: {  	v10 =	vld.idx.msk [tilespmem:v5+s26+$0x0], $0xffff;
	v4 =	vmul.f32 v4, v12;
	v2 =	vadd.f32 v3, v2  }
0x4ce: {  	v3 =	vld.idx.msk [tilespmem:v5+s31+$0x0], $0xffff  }
0x4cf: {  	v2 =	vadd.f32 v4, v2;
	v4 =	vmul.f32 v6, v8;
	_ =	sdelay $0x1  }
0x4d0: {  	v2 =	vadd.f32 v4, v2;
	v4 =	vmul.f32 v9, v7  }
0x4d1: {  	s5 =	simm.s32 $0x12C0  }
0x4d2: {  	v3 =	vmul.f32 v3, v10;
	v2 =	vadd.f32 v4, v2;
	v4 =	vadd.s32 s5, v0  }
0x4d3: {  	s6 =	simm.s32 $0x12C1  }
0x4d4: {  	v2 =	vadd.f32 v3, v2;
	v3 =	vadd.s32 s6, v0  }
0x4d5: {  	s6 =	simm.s32 $0x12C3  }
0x4d6: {  	s5 =	simm.s32 $0x12C2;
	v6 =	vadd.s32 s6, v0;
	[tilespmem:$0x9760] =	vst v2  }
0x4d7: {  	v2 =	vadd.s32 s5, v0;
	v5 =	vld.idx.msk [tilespmem:v4+s26+$0x0], $0xffff  }
0x4d8: {  	v4 =	vld.idx.msk [tilespmem:v4+s31+$0x0], $0xffff  }
0x4d9: {  	s5 =	simm.s32 $0x12C4;
	v8 =	vld.idx.msk [tilespmem:v3+s26+$0x0], $0xffff  }
0x4da: {  	v9 =	vadd.s32 s5, v0;
	v11 =	vld.idx.msk [tilespmem:v3+s31+$0x0], $0xffff  }
0x4db: {  	s6 =	simm.s32 $0x12C5;
	v3 =	vld.idx.msk [tilespmem:v6+s26+$0x0], $0xffff  }
0x4dc: {  	v12 =	vadd.s32 s6, v0;
	v13 =	vld.idx.msk [tilespmem:v2+s26+$0x0], $0xffff  }
0x4dd: {  	s5 =	simm.s32 $0x12C6;
	v14 =	vld.idx.msk [tilespmem:v2+s31+$0x0], $0xffff  }
0x4de: {  	v7 =	vadd.s32 s5, v0;
	v10 =	vld.idx.msk [tilespmem:v6+s31+$0x0], $0xffff;
	v2 =	vmul.f32 v4, v5  }
0x4df: {  	s6 =	simm.s32 $0x12C7;
	v4 =	vld.idx.msk [tilespmem:v9+s26+$0x0], $0xffff  }
0x4e0: {  	v9 =	vld.idx.msk [tilespmem:v9+s31+$0x0], $0xffff;
	v6 =	vadd.f32 v2, v1;
	v15 =	vmul.f32 v11, v8;
	v11 =	vadd.s32 s6, v0  }
0x4e1: {  	s4 =	simm.s32 $0x12C8;
	v5 =	vld.idx.msk [tilespmem:v12+s31+$0x0], $0xffff  }
0x4e2: {  	v2 =	vld.idx.msk [tilespmem:v12+s26+$0x0], $0xffff;
	v8 =	vadd.s32 s4, v0;
	v12 =	vadd.f32 v15, v6;
	v13 =	vmul.f32 v14, v13  }
0x4e3: {  	s5 =	simm.s32 $0x12CC;
	s6 =	simm.s32 $0x12C9;
	v6 =	vld.idx.msk [tilespmem:v7+s26+$0x0], $0xffff  }
.LBB2_48:
0x4e4: {  	p1 =	sne.s32 s5, $0x1320;
	v14 =	vadd.s32 s6, v0;
	v15 =	vld.idx.msk [tilespmem:v7+s31+$0x0], $0xffff;
	v12 =	vadd.f32 v13, v12;
	v13 =	vmul.f32 v10, v3  }
0x4e5: {  	s6 =	sadd.s32 $0x2, s4;
	v3 =	vld.idx.msk [tilespmem:v11+s26+$0x0], $0xffff  }
0x4e6: {  	v7 =	vadd.s32 s6, v0;
	v16 =	vmul.f32 v9, v4;
	v10 =	vld.idx.msk [tilespmem:v11+s31+$0x0], $0xffff;
	v12 =	vadd.f32 v13, v12  }
.Ltmp23:
0x4e7: {  	s6 =	sadd.s32 $0x3, s4;
	s4 =	smov.u32 s5;
	v4 =	vld.idx.msk [tilespmem:v8+s26+$0x0], $0xffff;
	(pc) =	sbr.rel @p1 .LBB2_48-.Ltmp23, $4  }
0x4e8: {  	v11 =	vadd.s32 s6, v0;
	v13 =	vmul.f32 v5, v2;
	v9 =	vld.idx.msk [tilespmem:v8+s31+$0x0], $0xffff;
	v12 =	vadd.f32 v16, v12  }
0x4e9: {  	v2 =	vld.idx.msk [tilespmem:v14+s26+$0x0], $0xffff  }
0x4ea: {  	v8 =	vadd.s32 s5, v0;
	v5 =	vld.idx.msk [tilespmem:v14+s31+$0x0], $0xffff;
	v12 =	vadd.f32 v13, v12;
	v13 =	vmul.f32 v15, v6  }
0x4eb: {  	s6 =	sadd.s32 $0x1, s4;
	s5 =	sadd.s32 $0x4, s5;
	v6 =	vld.idx.msk [tilespmem:v7+s26+$0x0], $0xffff  }
0x4ec: {  	_ =	sdelay $0x2  }
0x4ed: {  	v12 =	vadd.f32 v13, v12;
	v3 =	vmul.f32 v10, v3  }
0x4ee: {  	v10 =	vadd.s32 s6, v0;
	v7 =	vld.idx.msk [tilespmem:v7+s31+$0x0], $0xffff  }
0x4ef: {  	s5 =	sadd.s32 $0x2, s4;
	v13 =	vld.idx.msk [tilespmem:v11+s26+$0x0], $0xffff;
	v4 =	vmul.f32 v9, v4;
	v3 =	vadd.f32 v3, v12  }
0x4f0: {  	v11 =	vld.idx.msk [tilespmem:v11+s31+$0x0], $0xffff;
	v9 =	vadd.s32 s5, v0  }
0x4f1: {  	s6 =	sadd.s32 $0x3, s4;
	v12 =	vld.idx.msk [tilespmem:v8+s26+$0x0], $0xffff;
	v2 =	vmul.f32 v5, v2;
	v3 =	vadd.f32 v4, v3  }
0x4f2: {  	v5 =	vadd.s32 s6, v0;
	v4 =	vld.idx.msk [tilespmem:v8+s31+$0x0], $0xffff  }
0x4f3: {  	v8 =	vld.idx.msk [tilespmem:v10+s26+$0x0], $0xffff;
	v2 =	vadd.f32 v2, v3;
	v3 =	vmul.f32 v7, v6  }
0x4f4: {  	v6 =	vld.idx.msk [tilespmem:v10+s31+$0x0], $0xffff  }
0x4f5: {  	v7 =	vld.idx.msk [tilespmem:v9+s26+$0x0], $0xffff;
	v2 =	vadd.f32 v3, v2;
	v3 =	vmul.f32 v11, v13  }
0x4f6: {  	v9 =	vld.idx.msk [tilespmem:v9+s31+$0x0], $0xffff  }
0x4f7: {  	v10 =	vld.idx.msk [tilespmem:v5+s26+$0x0], $0xffff;
	v4 =	vmul.f32 v4, v12;
	v2 =	vadd.f32 v3, v2  }
0x4f8: {  	v3 =	vld.idx.msk [tilespmem:v5+s31+$0x0], $0xffff  }
0x4f9: {  	v2 =	vadd.f32 v4, v2;
	v4 =	vmul.f32 v6, v8;
	_ =	sdelay $0x1  }
0x4fa: {  	v2 =	vadd.f32 v4, v2;
	v4 =	vmul.f32 v9, v7;
	_ =	sdelay $0x1  }
0x4fb: {  	v3 =	vmul.f32 v3, v10;
	v2 =	vadd.f32 v4, v2;
	_ =	sdelay $0x1  }
0x4fc: {  	v2 =	vadd.f32 v3, v2;
	_ =	sdelay $0x1  }
0x4fd: {  	[tilespmem:$0x9770] =	vst v2  }
0x4fe: {  	_ =	swait.ge [sflag:s24], $0x1900  }
0x4ff: {  	[sflag:s24] =	ssyncset.done $0x0  }
0x500: {  	[sflag:s24] =	ssyncadd.s32 $0xFFFFE700  }
0x501: {  	[tilespmem:s26], [sflag:$0x6] =	stream.indirect.gather [spmem:s29], $0x1, s23, s20, $0xb8;
	[tilespmem:$0x18CA8] =	vst v63  }
0x502: {  	s5 =	sld [smem:$0x7F8]  }
0x503: {  	[tilespmem:s30], [sflag:$0x6] =	stream.indirect.gather [spmem:s29], $0x1, s28, s20, $0xb8;
	[tilespmem:$0x18CA8] =	vst v63  }
0x504: {  	s4 =	simm.s32 $0x3  }
0x505: {  	[tilespmem:s31], [sflag:$0x5] =	stream.linear.gather [hbm4b:s5+s1], $0x1900, $0x38;
	[tilespmem:$0x18CA8] =	vst v63  }
0x506: {  	_ =	swait.ge [sflag:s4], $0xC80  }
0x507: {  	[sflag:s4] =	ssyncset.done $0x0  }
0x508: {  	[sflag:s4] =	ssyncadd.s32 $0xFFFFF380  }
0x509: {  	s6 =	simm.s32 $0x0;
	_ =	swait.ge [sflag:s4], $0xC80  }
0x50a: {  	v2 =	vadd.s32 s6, v0;
	[sflag:s4] =	ssyncset.done $0x0  }
0x50b: {  	s6 =	simm.s32 $0x1;
	[sflag:s4] =	ssyncadd.s32 $0xFFFFF380  }
0x50c: {  	v3 =	vadd.s32 s6, v0;
	_ =	swait.ge [sflag:s0], $0x1900  }
0x50d: {  	[sflag:s0] =	ssyncset.done $0x0  }
0x50e: {  	s6 =	simm.s32 $0x2;
	[sflag:s0] =	ssyncadd.s32 $0xFFFFE700  }
0x50f: {  	v4 =	vadd.s32 s6, v0;
	v5 =	vld.idx.msk [tilespmem:v2+s21+$0x0], $0xffff  }
0x510: {  	v2 =	vld.idx.msk [tilespmem:v2+s17+$0x0], $0xffff  }
0x511: {  	v6 =	vadd.s32 s4, v0;
	v8 =	vld.idx.msk [tilespmem:v3+s21+$0x0], $0xffff  }
0x512: {  	s6 =	simm.s32 $0x4;
	v10 =	vld.idx.msk [tilespmem:v3+s17+$0x0], $0xffff  }
0x513: {  	v9 =	vadd.s32 s6, v0  }
0x514: {  	s5 =	simm.s32 $0x5;
	v12 =	vld.idx.msk [tilespmem:v4+s21+$0x0], $0xffff  }
0x515: {  	v11 =	vadd.s32 s5, v0;
	v13 =	vld.idx.msk [tilespmem:v4+s17+$0x0], $0xffff  }
0x516: {  	s6 =	simm.s32 $0x6;
	v3 =	vld.idx.msk [tilespmem:v6+s21+$0x0], $0xffff  }
0x517: {  	v7 =	vld.idx.msk [tilespmem:v6+s17+$0x0], $0xffff;
	v4 =	vmul.f32 v2, v5;
	v15 =	vmul.f32 v10, v8;
	v10 =	vadd.s32 s6, v0  }
0x518: {  	s4 =	simm.s32 $0x7;
	v2 =	vld.idx.msk [tilespmem:v9+s21+$0x0], $0xffff  }
0x519: {  	v6 =	vadd.s32 s4, v0;
	v5 =	vld.idx.msk [tilespmem:v9+s17+$0x0], $0xffff;
	v14 =	vadd.f32 v4, v1  }
0x51a: {  	s6 =	simm.s32 $0x8;
	v9 =	vld.idx.msk [tilespmem:v11+s17+$0x0], $0xffff  }
0x51b: {  	s5 =	simm.s32 $0xF;
	s4 =	simm.s32 $0xB;
	v12 =	vmul.f32 v13, v12;
	v8 =	vadd.s32 s6, v0;
	v4 =	vld.idx.msk [tilespmem:v11+s21+$0x0], $0xffff;
	v11 =	vadd.f32 v15, v14  }
.LBB2_50:
0x51c: {  	p1 =	sne.s32 s5, $0x63;
	s6 =	sadd.s32 $0xFFFFFFFE, s4;
	v13 =	vld.idx.msk [tilespmem:v10+s21+$0x0], $0xffff  }
0x51d: {  	v14 =	vadd.s32 s6, v0;
	v15 =	vld.idx.msk [tilespmem:v10+s17+$0x0], $0xffff;
	v11 =	vadd.f32 v12, v11;
	v12 =	vmul.f32 v7, v3  }
0x51e: {  	s6 =	sadd.s32 $0xFFFFFFFF, s4;
	v3 =	vld.idx.msk [tilespmem:v6+s21+$0x0], $0xffff  }
.Ltmp24:
0x51f: {  	v10 =	vadd.s32 s6, v0;
	v16 =	vmul.f32 v5, v2;
	v7 =	vld.idx.msk [tilespmem:v6+s17+$0x0], $0xffff;
	v11 =	vadd.f32 v12, v11;
	(pc) =	sbr.rel @p1 .LBB2_50-.Ltmp24, $4  }
0x520: {  	v2 =	vld.idx.msk [tilespmem:v8+s21+$0x0], $0xffff  }
0x521: {  	v6 =	vadd.s32 s4, v0;
	s4 =	smov.u32 s5;
	v12 =	vmul.f32 v9, v4;
	v5 =	vld.idx.msk [tilespmem:v8+s17+$0x0], $0xffff;
	v11 =	vadd.f32 v16, v11  }
0x522: {  	s6 =	sadd.s32 $0xFFFFFFFD, s5;
	v4 =	vld.idx.msk [tilespmem:v14+s21+$0x0], $0xffff  }
0x523: {  	s5 =	sadd.s32 $0x4, s5;
	v8 =	vadd.s32 s6, v0;
	v9 =	vld.idx.msk [tilespmem:v14+s17+$0x0], $0xffff;
	v11 =	vadd.f32 v12, v11;
	v12 =	vmul.f32 v15, v13  }
0x524: {  	_ =	sdelay $0x3  }
0x525: {  	s5 =	sadd.s32 $0xFFFFFFFE, s4;
	v13 =	vld.idx.msk [tilespmem:v10+s21+$0x0], $0xffff;
	v3 =	vmul.f32 v7, v3;
	v11 =	vadd.f32 v12, v11  }
0x526: {  	v10 =	vld.idx.msk [tilespmem:v10+s17+$0x0], $0xffff;
	v7 =	vadd.s32 s5, v0  }
0x527: {  	s6 =	sadd.s32 $0xFFFFFFFF, s4;
	v12 =	vld.idx.msk [tilespmem:v6+s21+$0x0], $0xffff;
	v2 =	vmul.f32 v5, v2;
	v3 =	vadd.f32 v3, v11  }
0x528: {  	v6 =	vld.idx.msk [tilespmem:v6+s17+$0x0], $0xffff;
	v5 =	vadd.s32 s6, v0  }
0x529: {  	v11 =	vld.idx.msk [tilespmem:v8+s21+$0x0], $0xffff;
	v2 =	vadd.f32 v2, v3;
	v3 =	vmul.f32 v9, v4  }
0x52a: {  	v4 =	vld.idx.msk [tilespmem:v8+s17+$0x0], $0xffff;
	v8 =	vadd.s32 s4, v0  }
0x52b: {  	v9 =	vld.idx.msk [tilespmem:v7+s21+$0x0], $0xffff;
	v2 =	vadd.f32 v3, v2;
	v3 =	vmul.f32 v10, v13  }
0x52c: {  	v7 =	vld.idx.msk [tilespmem:v7+s17+$0x0], $0xffff  }
0x52d: {  	v10 =	vld.idx.msk [tilespmem:v5+s21+$0x0], $0xffff;
	v2 =	vadd.f32 v3, v2;
	v3 =	vmul.f32 v6, v12  }
0x52e: {  	v5 =	vld.idx.msk [tilespmem:v5+s17+$0x0], $0xffff  }
0x52f: {  	v6 =	vld.idx.msk [tilespmem:v8+s21+$0x0], $0xffff;
	v4 =	vmul.f32 v4, v11;
	v2 =	vadd.f32 v3, v2  }
0x530: {  	v3 =	vld.idx.msk [tilespmem:v8+s17+$0x0], $0xffff  }
0x531: {  	v2 =	vadd.f32 v4, v2;
	v4 =	vmul.f32 v7, v9;
	_ =	sdelay $0x1  }
0x532: {  	v2 =	vadd.f32 v4, v2;
	v4 =	vmul.f32 v5, v10  }
0x533: {  	s5 =	simm.s32 $0x640  }
0x534: {  	v3 =	vmul.f32 v3, v6;
	v2 =	vadd.f32 v4, v2;
	v4 =	vadd.s32 s5, v0  }
0x535: {  	s6 =	simm.s32 $0x641  }
0x536: {  	v2 =	vadd.f32 v3, v2;
	v3 =	vadd.s32 s6, v0  }
0x537: {  	s6 =	simm.s32 $0x643  }
0x538: {  	s5 =	simm.s32 $0x642;
	v6 =	vadd.s32 s6, v0;
	[tilespmem:$0x9780] =	vst v2  }
0x539: {  	v2 =	vadd.s32 s5, v0;
	v5 =	vld.idx.msk [tilespmem:v4+s21+$0x0], $0xffff  }
0x53a: {  	v4 =	vld.idx.msk [tilespmem:v4+s17+$0x0], $0xffff  }
0x53b: {  	s5 =	simm.s32 $0x644;
	v8 =	vld.idx.msk [tilespmem:v3+s21+$0x0], $0xffff  }
0x53c: {  	v9 =	vadd.s32 s5, v0;
	v11 =	vld.idx.msk [tilespmem:v3+s17+$0x0], $0xffff  }
0x53d: {  	s6 =	simm.s32 $0x645;
	v3 =	vld.idx.msk [tilespmem:v6+s21+$0x0], $0xffff  }
0x53e: {  	v12 =	vadd.s32 s6, v0;
	v13 =	vld.idx.msk [tilespmem:v2+s21+$0x0], $0xffff  }
0x53f: {  	s5 =	simm.s32 $0x646;
	v14 =	vld.idx.msk [tilespmem:v2+s17+$0x0], $0xffff  }
0x540: {  	v7 =	vadd.s32 s5, v0;
	v10 =	vld.idx.msk [tilespmem:v6+s17+$0x0], $0xffff;
	v2 =	vmul.f32 v4, v5  }
0x541: {  	s6 =	simm.s32 $0x647;
	v4 =	vld.idx.msk [tilespmem:v9+s21+$0x0], $0xffff  }
0x542: {  	v9 =	vld.idx.msk [tilespmem:v9+s17+$0x0], $0xffff;
	v6 =	vadd.f32 v2, v1;
	v15 =	vmul.f32 v11, v8;
	v11 =	vadd.s32 s6, v0  }
0x543: {  	s4 =	simm.s32 $0x648;
	v5 =	vld.idx.msk [tilespmem:v12+s17+$0x0], $0xffff  }
0x544: {  	v2 =	vld.idx.msk [tilespmem:v12+s21+$0x0], $0xffff;
	v8 =	vadd.s32 s4, v0;
	v12 =	vadd.f32 v15, v6;
	v13 =	vmul.f32 v14, v13  }
0x545: {  	s5 =	simm.s32 $0x64C;
	s6 =	simm.s32 $0x649;
	v6 =	vld.idx.msk [tilespmem:v7+s21+$0x0], $0xffff  }
.LBB2_52:
0x546: {  	p1 =	sne.s32 s5, $0x6A0;
	v14 =	vadd.s32 s6, v0;
	v15 =	vld.idx.msk [tilespmem:v7+s17+$0x0], $0xffff;
	v12 =	vadd.f32 v13, v12;
	v13 =	vmul.f32 v10, v3  }
0x547: {  	s6 =	sadd.s32 $0x2, s4;
	v3 =	vld.idx.msk [tilespmem:v11+s21+$0x0], $0xffff  }
0x548: {  	v7 =	vadd.s32 s6, v0;
	v16 =	vmul.f32 v9, v4;
	v10 =	vld.idx.msk [tilespmem:v11+s17+$0x0], $0xffff;
	v12 =	vadd.f32 v13, v12  }
.Ltmp25:
0x549: {  	s6 =	sadd.s32 $0x3, s4;
	s4 =	smov.u32 s5;
	v4 =	vld.idx.msk [tilespmem:v8+s21+$0x0], $0xffff;
	(pc) =	sbr.rel @p1 .LBB2_52-.Ltmp25, $4  }
0x54a: {  	v11 =	vadd.s32 s6, v0;
	v13 =	vmul.f32 v5, v2;
	v9 =	vld.idx.msk [tilespmem:v8+s17+$0x0], $0xffff;
	v12 =	vadd.f32 v16, v12  }
0x54b: {  	v2 =	vld.idx.msk [tilespmem:v14+s21+$0x0], $0xffff  }
0x54c: {  	v8 =	vadd.s32 s5, v0;
	v5 =	vld.idx.msk [tilespmem:v14+s17+$0x0], $0xffff;
	v12 =	vadd.f32 v13, v12;
	v13 =	vmul.f32 v15, v6  }
0x54d: {  	s6 =	sadd.s32 $0x1, s4;
	s5 =	sadd.s32 $0x4, s5;
	v6 =	vld.idx.msk [tilespmem:v7+s21+$0x0], $0xffff  }
0x54e: {  	_ =	sdelay $0x2  }
0x54f: {  	v12 =	vadd.f32 v13, v12;
	v3 =	vmul.f32 v10, v3  }
0x550: {  	v10 =	vadd.s32 s6, v0;
	v7 =	vld.idx.msk [tilespmem:v7+s17+$0x0], $0xffff  }
0x551: {  	s5 =	sadd.s32 $0x2, s4;
	v13 =	vld.idx.msk [tilespmem:v11+s21+$0x0], $0xffff;
	v4 =	vmul.f32 v9, v4;
	v3 =	vadd.f32 v3, v12  }
0x552: {  	v11 =	vld.idx.msk [tilespmem:v11+s17+$0x0], $0xffff;
	v9 =	vadd.s32 s5, v0  }
0x553: {  	s6 =	sadd.s32 $0x3, s4;
	v12 =	vld.idx.msk [tilespmem:v8+s21+$0x0], $0xffff;
	v2 =	vmul.f32 v5, v2;
	v3 =	vadd.f32 v4, v3  }
0x554: {  	v5 =	vadd.s32 s6, v0;
	v4 =	vld.idx.msk [tilespmem:v8+s17+$0x0], $0xffff  }
0x555: {  	v8 =	vld.idx.msk [tilespmem:v10+s21+$0x0], $0xffff;
	v2 =	vadd.f32 v2, v3;
	v3 =	vmul.f32 v7, v6  }
0x556: {  	v6 =	vld.idx.msk [tilespmem:v10+s17+$0x0], $0xffff  }
0x557: {  	v7 =	vld.idx.msk [tilespmem:v9+s21+$0x0], $0xffff;
	v2 =	vadd.f32 v3, v2;
	v3 =	vmul.f32 v11, v13  }
0x558: {  	v9 =	vld.idx.msk [tilespmem:v9+s17+$0x0], $0xffff  }
0x559: {  	v10 =	vld.idx.msk [tilespmem:v5+s21+$0x0], $0xffff;
	v4 =	vmul.f32 v4, v12;
	v2 =	vadd.f32 v3, v2  }
0x55a: {  	v3 =	vld.idx.msk [tilespmem:v5+s17+$0x0], $0xffff  }
0x55b: {  	v2 =	vadd.f32 v4, v2;
	v4 =	vmul.f32 v6, v8;
	_ =	sdelay $0x1  }
0x55c: {  	v2 =	vadd.f32 v4, v2;
	v4 =	vmul.f32 v9, v7  }
0x55d: {  	s5 =	simm.s32 $0xC80  }
0x55e: {  	v3 =	vmul.f32 v3, v10;
	v2 =	vadd.f32 v4, v2;
	v4 =	vadd.s32 s5, v0  }
0x55f: {  	s6 =	simm.s32 $0xC81  }
0x560: {  	v2 =	vadd.f32 v3, v2;
	v3 =	vadd.s32 s6, v0  }
0x561: {  	s6 =	simm.s32 $0xC83  }
0x562: {  	s5 =	simm.s32 $0xC82;
	v6 =	vadd.s32 s6, v0;
	[tilespmem:$0x9790] =	vst v2  }
0x563: {  	v2 =	vadd.s32 s5, v0;
	v5 =	vld.idx.msk [tilespmem:v4+s21+$0x0], $0xffff  }
0x564: {  	v4 =	vld.idx.msk [tilespmem:v4+s17+$0x0], $0xffff  }
0x565: {  	s5 =	simm.s32 $0xC84;
	v8 =	vld.idx.msk [tilespmem:v3+s21+$0x0], $0xffff  }
0x566: {  	v9 =	vadd.s32 s5, v0;
	v11 =	vld.idx.msk [tilespmem:v3+s17+$0x0], $0xffff  }
0x567: {  	s6 =	simm.s32 $0xC85;
	v3 =	vld.idx.msk [tilespmem:v6+s21+$0x0], $0xffff  }
0x568: {  	v12 =	vadd.s32 s6, v0;
	v13 =	vld.idx.msk [tilespmem:v2+s21+$0x0], $0xffff  }
0x569: {  	s5 =	simm.s32 $0xC86;
	v14 =	vld.idx.msk [tilespmem:v2+s17+$0x0], $0xffff  }
0x56a: {  	v7 =	vadd.s32 s5, v0;
	v10 =	vld.idx.msk [tilespmem:v6+s17+$0x0], $0xffff;
	v2 =	vmul.f32 v4, v5  }
0x56b: {  	s6 =	simm.s32 $0xC87;
	v4 =	vld.idx.msk [tilespmem:v9+s21+$0x0], $0xffff  }
0x56c: {  	v9 =	vld.idx.msk [tilespmem:v9+s17+$0x0], $0xffff;
	v6 =	vadd.f32 v2, v1;
	v15 =	vmul.f32 v11, v8;
	v11 =	vadd.s32 s6, v0  }
0x56d: {  	s4 =	simm.s32 $0xC88;
	v5 =	vld.idx.msk [tilespmem:v12+s17+$0x0], $0xffff  }
0x56e: {  	v2 =	vld.idx.msk [tilespmem:v12+s21+$0x0], $0xffff;
	v8 =	vadd.s32 s4, v0;
	v12 =	vadd.f32 v15, v6;
	v13 =	vmul.f32 v14, v13  }
0x56f: {  	s5 =	simm.s32 $0xC8C;
	s6 =	simm.s32 $0xC89;
	v6 =	vld.idx.msk [tilespmem:v7+s21+$0x0], $0xffff  }
.LBB2_54:
0x570: {  	p1 =	sne.s32 s5, $0xCE0;
	v14 =	vadd.s32 s6, v0;
	v15 =	vld.idx.msk [tilespmem:v7+s17+$0x0], $0xffff;
	v12 =	vadd.f32 v13, v12;
	v13 =	vmul.f32 v10, v3  }
0x571: {  	s6 =	sadd.s32 $0x2, s4;
	v3 =	vld.idx.msk [tilespmem:v11+s21+$0x0], $0xffff  }
0x572: {  	v7 =	vadd.s32 s6, v0;
	v16 =	vmul.f32 v9, v4;
	v10 =	vld.idx.msk [tilespmem:v11+s17+$0x0], $0xffff;
	v12 =	vadd.f32 v13, v12  }
.Ltmp26:
0x573: {  	s6 =	sadd.s32 $0x3, s4;
	s4 =	smov.u32 s5;
	v4 =	vld.idx.msk [tilespmem:v8+s21+$0x0], $0xffff;
	(pc) =	sbr.rel @p1 .LBB2_54-.Ltmp26, $4  }
0x574: {  	v11 =	vadd.s32 s6, v0;
	v13 =	vmul.f32 v5, v2;
	v9 =	vld.idx.msk [tilespmem:v8+s17+$0x0], $0xffff;
	v12 =	vadd.f32 v16, v12  }
0x575: {  	v2 =	vld.idx.msk [tilespmem:v14+s21+$0x0], $0xffff  }
0x576: {  	v8 =	vadd.s32 s5, v0;
	v5 =	vld.idx.msk [tilespmem:v14+s17+$0x0], $0xffff;
	v12 =	vadd.f32 v13, v12;
	v13 =	vmul.f32 v15, v6  }
0x577: {  	s6 =	sadd.s32 $0x1, s4;
	s5 =	sadd.s32 $0x4, s5;
	v6 =	vld.idx.msk [tilespmem:v7+s21+$0x0], $0xffff  }
0x578: {  	_ =	sdelay $0x2  }
0x579: {  	v12 =	vadd.f32 v13, v12;
	v3 =	vmul.f32 v10, v3  }
0x57a: {  	v10 =	vadd.s32 s6, v0;
	v7 =	vld.idx.msk [tilespmem:v7+s17+$0x0], $0xffff  }
0x57b: {  	s5 =	sadd.s32 $0x2, s4;
	v13 =	vld.idx.msk [tilespmem:v11+s21+$0x0], $0xffff;
	v4 =	vmul.f32 v9, v4;
	v3 =	vadd.f32 v3, v12  }
0x57c: {  	v11 =	vld.idx.msk [tilespmem:v11+s17+$0x0], $0xffff;
	v9 =	vadd.s32 s5, v0  }
0x57d: {  	s6 =	sadd.s32 $0x3, s4;
	v12 =	vld.idx.msk [tilespmem:v8+s21+$0x0], $0xffff;
	v2 =	vmul.f32 v5, v2;
	v3 =	vadd.f32 v4, v3  }
0x57e: {  	v5 =	vadd.s32 s6, v0;
	v4 =	vld.idx.msk [tilespmem:v8+s17+$0x0], $0xffff  }
0x57f: {  	v8 =	vld.idx.msk [tilespmem:v10+s21+$0x0], $0xffff;
	v2 =	vadd.f32 v2, v3;
	v3 =	vmul.f32 v7, v6  }
0x580: {  	v6 =	vld.idx.msk [tilespmem:v10+s17+$0x0], $0xffff  }
0x581: {  	v7 =	vld.idx.msk [tilespmem:v9+s21+$0x0], $0xffff;
	v2 =	vadd.f32 v3, v2;
	v3 =	vmul.f32 v11, v13  }
0x582: {  	v9 =	vld.idx.msk [tilespmem:v9+s17+$0x0], $0xffff  }
0x583: {  	v10 =	vld.idx.msk [tilespmem:v5+s21+$0x0], $0xffff;
	v4 =	vmul.f32 v4, v12;
	v2 =	vadd.f32 v3, v2  }
0x584: {  	v3 =	vld.idx.msk [tilespmem:v5+s17+$0x0], $0xffff  }
0x585: {  	v2 =	vadd.f32 v4, v2;
	v4 =	vmul.f32 v6, v8;
	_ =	sdelay $0x1  }
0x586: {  	v2 =	vadd.f32 v4, v2;
	v4 =	vmul.f32 v9, v7  }
0x587: {  	s5 =	simm.s32 $0x12C0  }
0x588: {  	v3 =	vmul.f32 v3, v10;
	v2 =	vadd.f32 v4, v2;
	v4 =	vadd.s32 s5, v0  }
0x589: {  	s6 =	simm.s32 $0x12C1  }
0x58a: {  	v2 =	vadd.f32 v3, v2;
	v3 =	vadd.s32 s6, v0  }
0x58b: {  	s6 =	simm.s32 $0x12C3  }
0x58c: {  	s5 =	simm.s32 $0x12C2;
	v6 =	vadd.s32 s6, v0;
	[tilespmem:$0x97A0] =	vst v2  }
0x58d: {  	v2 =	vadd.s32 s5, v0;
	v5 =	vld.idx.msk [tilespmem:v4+s21+$0x0], $0xffff  }
0x58e: {  	v4 =	vld.idx.msk [tilespmem:v4+s17+$0x0], $0xffff  }
0x58f: {  	s5 =	simm.s32 $0x12C4;
	v8 =	vld.idx.msk [tilespmem:v3+s21+$0x0], $0xffff  }
0x590: {  	v9 =	vadd.s32 s5, v0;
	v11 =	vld.idx.msk [tilespmem:v3+s17+$0x0], $0xffff  }
0x591: {  	s6 =	simm.s32 $0x12C5;
	v3 =	vld.idx.msk [tilespmem:v6+s21+$0x0], $0xffff  }
0x592: {  	v12 =	vadd.s32 s6, v0;
	v13 =	vld.idx.msk [tilespmem:v2+s21+$0x0], $0xffff  }
0x593: {  	s5 =	simm.s32 $0x12C6;
	v14 =	vld.idx.msk [tilespmem:v2+s17+$0x0], $0xffff  }
0x594: {  	v7 =	vadd.s32 s5, v0;
	v10 =	vld.idx.msk [tilespmem:v6+s17+$0x0], $0xffff;
	v2 =	vmul.f32 v4, v5  }
0x595: {  	s6 =	simm.s32 $0x12C7;
	v4 =	vld.idx.msk [tilespmem:v9+s21+$0x0], $0xffff  }
0x596: {  	v9 =	vld.idx.msk [tilespmem:v9+s17+$0x0], $0xffff;
	v6 =	vadd.f32 v2, v1;
	v15 =	vmul.f32 v11, v8;
	v11 =	vadd.s32 s6, v0  }
0x597: {  	s4 =	simm.s32 $0x12C8;
	v5 =	vld.idx.msk [tilespmem:v12+s17+$0x0], $0xffff  }
0x598: {  	v2 =	vld.idx.msk [tilespmem:v12+s21+$0x0], $0xffff;
	v8 =	vadd.s32 s4, v0;
	v12 =	vadd.f32 v15, v6;
	v13 =	vmul.f32 v14, v13  }
0x599: {  	s5 =	simm.s32 $0x12CC;
	s6 =	simm.s32 $0x12C9;
	v6 =	vld.idx.msk [tilespmem:v7+s21+$0x0], $0xffff  }
.LBB2_56:
0x59a: {  	p1 =	sne.s32 s5, $0x1320;
	v14 =	vadd.s32 s6, v0;
	v15 =	vld.idx.msk [tilespmem:v7+s17+$0x0], $0xffff;
	v12 =	vadd.f32 v13, v12;
	v13 =	vmul.f32 v10, v3  }
0x59b: {  	s6 =	sadd.s32 $0x2, s4;
	v3 =	vld.idx.msk [tilespmem:v11+s21+$0x0], $0xffff  }
0x59c: {  	v7 =	vadd.s32 s6, v0;
	v16 =	vmul.f32 v9, v4;
	v10 =	vld.idx.msk [tilespmem:v11+s17+$0x0], $0xffff;
	v12 =	vadd.f32 v13, v12  }
.Ltmp27:
0x59d: {  	s6 =	sadd.s32 $0x3, s4;
	s4 =	smov.u32 s5;
	v4 =	vld.idx.msk [tilespmem:v8+s21+$0x0], $0xffff;
	(pc) =	sbr.rel @p1 .LBB2_56-.Ltmp27, $4  }
0x59e: {  	v11 =	vadd.s32 s6, v0;
	v13 =	vmul.f32 v5, v2;
	v9 =	vld.idx.msk [tilespmem:v8+s17+$0x0], $0xffff;
	v12 =	vadd.f32 v16, v12  }
0x59f: {  	v2 =	vld.idx.msk [tilespmem:v14+s21+$0x0], $0xffff  }
0x5a0: {  	v8 =	vadd.s32 s5, v0;
	v5 =	vld.idx.msk [tilespmem:v14+s17+$0x0], $0xffff;
	v12 =	vadd.f32 v13, v12;
	v13 =	vmul.f32 v15, v6  }
0x5a1: {  	s6 =	sadd.s32 $0x1, s4;
	s5 =	sadd.s32 $0x4, s5;
	v6 =	vld.idx.msk [tilespmem:v7+s21+$0x0], $0xffff  }
0x5a2: {  	_ =	sdelay $0x2  }
0x5a3: {  	v12 =	vadd.f32 v13, v12;
	v3 =	vmul.f32 v10, v3  }
0x5a4: {  	v10 =	vadd.s32 s6, v0;
	v7 =	vld.idx.msk [tilespmem:v7+s17+$0x0], $0xffff  }
0x5a5: {  	s5 =	sadd.s32 $0x2, s4;
	v13 =	vld.idx.msk [tilespmem:v11+s21+$0x0], $0xffff;
	v4 =	vmul.f32 v9, v4;
	v3 =	vadd.f32 v3, v12  }
0x5a6: {  	v11 =	vld.idx.msk [tilespmem:v11+s17+$0x0], $0xffff;
	v9 =	vadd.s32 s5, v0  }
0x5a7: {  	s5 =	sadd.s32 $0x3, s4;
	v12 =	vld.idx.msk [tilespmem:v8+s21+$0x0], $0xffff;
	v2 =	vmul.f32 v5, v2;
	v3 =	vadd.f32 v4, v3  }
0x5a8: {  	v5 =	vadd.s32 s5, v0;
	v4 =	vld.idx.msk [tilespmem:v8+s17+$0x0], $0xffff  }
0x5a9: {  	v8 =	vld.idx.msk [tilespmem:v10+s21+$0x0], $0xffff;
	v2 =	vadd.f32 v2, v3;
	v3 =	vmul.f32 v7, v6  }
0x5aa: {  	v6 =	vld.idx.msk [tilespmem:v10+s17+$0x0], $0xffff  }
0x5ab: {  	v7 =	vld.idx.msk [tilespmem:v9+s21+$0x0], $0xffff;
	v2 =	vadd.f32 v3, v2;
	v3 =	vmul.f32 v11, v13  }
0x5ac: {  	v9 =	vld.idx.msk [tilespmem:v9+s17+$0x0], $0xffff  }
0x5ad: {  	v10 =	vld.idx.msk [tilespmem:v5+s21+$0x0], $0xffff;
	v4 =	vmul.f32 v4, v12;
	v2 =	vadd.f32 v3, v2  }
0x5ae: {  	v3 =	vld.idx.msk [tilespmem:v5+s17+$0x0], $0xffff  }
0x5af: {  	v2 =	vadd.f32 v4, v2;
	v4 =	vmul.f32 v6, v8;
	_ =	sdelay $0x1  }
0x5b0: {  	v2 =	vadd.f32 v4, v2;
	v4 =	vmul.f32 v9, v7;
	_ =	sdelay $0x1  }
0x5b1: {  	v3 =	vmul.f32 v3, v10;
	v2 =	vadd.f32 v4, v2;
	_ =	sdelay $0x1  }
0x5b2: {  	v2 =	vadd.f32 v3, v2;
	_ =	sdelay $0x1  }
0x5b3: {  	[tilespmem:$0x97B0] =	vst v2  }
0x5b4: {  	_ =	swait.ge [sflag:s25], $0xC80  }
0x5b5: {  	[sflag:s25] =	ssyncset.done $0x0  }
0x5b6: {  	[sflag:s25] =	ssyncadd.s32 $0xFFFFF380  }
0x5b7: {  	s6 =	simm.s32 $0x0;
	_ =	swait.ge [sflag:s25], $0xC80  }
0x5b8: {  	v2 =	vadd.s32 s6, v0;
	[sflag:s25] =	ssyncset.done $0x0  }
0x5b9: {  	s5 =	simm.s32 $0x1;
	[sflag:s25] =	ssyncadd.s32 $0xFFFFF380  }
0x5ba: {  	v3 =	vadd.s32 s5, v0;
	_ =	swait.ge [sflag:s2], $0x1900  }
0x5bb: {  	[sflag:s2] =	ssyncset.done $0x0  }
0x5bc: {  	s6 =	simm.s32 $0x2;
	[sflag:s2] =	ssyncadd.s32 $0xFFFFE700  }
0x5bd: {  	v4 =	vadd.s32 s6, v0;
	v5 =	vld.idx.msk [tilespmem:v2+s26+$0x0], $0xffff  }
0x5be: {  	s5 =	simm.s32 $0x3;
	v2 =	vld.idx.msk [tilespmem:v2+s31+$0x0], $0xffff  }
0x5bf: {  	v6 =	vadd.s32 s5, v0;
	v8 =	vld.idx.msk [tilespmem:v3+s26+$0x0], $0xffff  }
0x5c0: {  	s6 =	simm.s32 $0x4;
	v10 =	vld.idx.msk [tilespmem:v3+s31+$0x0], $0xffff  }
0x5c1: {  	v9 =	vadd.s32 s6, v0  }
0x5c2: {  	s5 =	simm.s32 $0x5;
	v12 =	vld.idx.msk [tilespmem:v4+s26+$0x0], $0xffff  }
0x5c3: {  	v11 =	vadd.s32 s5, v0;
	v13 =	vld.idx.msk [tilespmem:v4+s31+$0x0], $0xffff  }
0x5c4: {  	s6 =	simm.s32 $0x6;
	v3 =	vld.idx.msk [tilespmem:v6+s26+$0x0], $0xffff  }
0x5c5: {  	v7 =	vld.idx.msk [tilespmem:v6+s31+$0x0], $0xffff;
	v4 =	vmul.f32 v2, v5;
	v15 =	vmul.f32 v10, v8;
	v10 =	vadd.s32 s6, v0  }
0x5c6: {  	s4 =	simm.s32 $0x7;
	v2 =	vld.idx.msk [tilespmem:v9+s26+$0x0], $0xffff  }
0x5c7: {  	v6 =	vadd.s32 s4, v0;
	v5 =	vld.idx.msk [tilespmem:v9+s31+$0x0], $0xffff;
	v14 =	vadd.f32 v4, v1  }
0x5c8: {  	s6 =	simm.s32 $0x8;
	v9 =	vld.idx.msk [tilespmem:v11+s31+$0x0], $0xffff  }
0x5c9: {  	s5 =	simm.s32 $0xF;
	s4 =	simm.s32 $0xB;
	v12 =	vmul.f32 v13, v12;
	v8 =	vadd.s32 s6, v0;
	v4 =	vld.idx.msk [tilespmem:v11+s26+$0x0], $0xffff;
	v11 =	vadd.f32 v15, v14  }
.LBB2_58:
0x5ca: {  	p1 =	sne.s32 s5, $0x63;
	s6 =	sadd.s32 $0xFFFFFFFE, s4;
	v13 =	vld.idx.msk [tilespmem:v10+s26+$0x0], $0xffff  }
0x5cb: {  	v14 =	vadd.s32 s6, v0;
	v15 =	vld.idx.msk [tilespmem:v10+s31+$0x0], $0xffff;
	v11 =	vadd.f32 v12, v11;
	v12 =	vmul.f32 v7, v3  }
0x5cc: {  	s6 =	sadd.s32 $0xFFFFFFFF, s4;
	v3 =	vld.idx.msk [tilespmem:v6+s26+$0x0], $0xffff  }
.Ltmp28:
0x5cd: {  	v10 =	vadd.s32 s6, v0;
	v16 =	vmul.f32 v5, v2;
	v7 =	vld.idx.msk [tilespmem:v6+s31+$0x0], $0xffff;
	v11 =	vadd.f32 v12, v11;
	(pc) =	sbr.rel @p1 .LBB2_58-.Ltmp28, $4  }
0x5ce: {  	v2 =	vld.idx.msk [tilespmem:v8+s26+$0x0], $0xffff  }
0x5cf: {  	v6 =	vadd.s32 s4, v0;
	s4 =	smov.u32 s5;
	v12 =	vmul.f32 v9, v4;
	v5 =	vld.idx.msk [tilespmem:v8+s31+$0x0], $0xffff;
	v11 =	vadd.f32 v16, v11  }
0x5d0: {  	s6 =	sadd.s32 $0xFFFFFFFD, s5;
	v4 =	vld.idx.msk [tilespmem:v14+s26+$0x0], $0xffff  }
0x5d1: {  	s5 =	sadd.s32 $0x4, s5;
	v8 =	vadd.s32 s6, v0;
	v9 =	vld.idx.msk [tilespmem:v14+s31+$0x0], $0xffff;
	v11 =	vadd.f32 v12, v11;
	v12 =	vmul.f32 v15, v13  }
0x5d2: {  	_ =	sdelay $0x3  }
0x5d3: {  	s5 =	sadd.s32 $0xFFFFFFFE, s4;
	v13 =	vld.idx.msk [tilespmem:v10+s26+$0x0], $0xffff;
	v3 =	vmul.f32 v7, v3;
	v11 =	vadd.f32 v12, v11  }
0x5d4: {  	v10 =	vld.idx.msk [tilespmem:v10+s31+$0x0], $0xffff;
	v7 =	vadd.s32 s5, v0  }
0x5d5: {  	s6 =	sadd.s32 $0xFFFFFFFF, s4;
	v12 =	vld.idx.msk [tilespmem:v6+s26+$0x0], $0xffff;
	v2 =	vmul.f32 v5, v2;
	v3 =	vadd.f32 v3, v11  }
0x5d6: {  	v6 =	vld.idx.msk [tilespmem:v6+s31+$0x0], $0xffff;
	v5 =	vadd.s32 s6, v0  }
0x5d7: {  	v11 =	vld.idx.msk [tilespmem:v8+s26+$0x0], $0xffff;
	v2 =	vadd.f32 v2, v3;
	v3 =	vmul.f32 v9, v4  }
0x5d8: {  	v4 =	vld.idx.msk [tilespmem:v8+s31+$0x0], $0xffff;
	v8 =	vadd.s32 s4, v0  }
0x5d9: {  	v9 =	vld.idx.msk [tilespmem:v7+s26+$0x0], $0xffff;
	v2 =	vadd.f32 v3, v2;
	v3 =	vmul.f32 v10, v13  }
0x5da: {  	v7 =	vld.idx.msk [tilespmem:v7+s31+$0x0], $0xffff  }
0x5db: {  	v10 =	vld.idx.msk [tilespmem:v5+s26+$0x0], $0xffff;
	v2 =	vadd.f32 v3, v2;
	v3 =	vmul.f32 v6, v12  }
0x5dc: {  	v5 =	vld.idx.msk [tilespmem:v5+s31+$0x0], $0xffff  }
0x5dd: {  	v6 =	vld.idx.msk [tilespmem:v8+s26+$0x0], $0xffff;
	v4 =	vmul.f32 v4, v11;
	v2 =	vadd.f32 v3, v2  }
0x5de: {  	v3 =	vld.idx.msk [tilespmem:v8+s31+$0x0], $0xffff  }
0x5df: {  	v2 =	vadd.f32 v4, v2;
	v4 =	vmul.f32 v7, v9;
	_ =	sdelay $0x1  }
0x5e0: {  	v2 =	vadd.f32 v4, v2;
	v4 =	vmul.f32 v5, v10  }
0x5e1: {  	s5 =	simm.s32 $0x640  }
0x5e2: {  	v3 =	vmul.f32 v3, v6;
	v2 =	vadd.f32 v4, v2;
	v4 =	vadd.s32 s5, v0  }
0x5e3: {  	s6 =	simm.s32 $0x641  }
0x5e4: {  	v2 =	vadd.f32 v3, v2;
	v3 =	vadd.s32 s6, v0  }
0x5e5: {  	s6 =	simm.s32 $0x643  }
0x5e6: {  	s5 =	simm.s32 $0x642;
	v6 =	vadd.s32 s6, v0;
	[tilespmem:$0x97C0] =	vst v2  }
0x5e7: {  	v2 =	vadd.s32 s5, v0;
	v5 =	vld.idx.msk [tilespmem:v4+s26+$0x0], $0xffff  }
0x5e8: {  	v4 =	vld.idx.msk [tilespmem:v4+s31+$0x0], $0xffff  }
0x5e9: {  	s5 =	simm.s32 $0x644;
	v8 =	vld.idx.msk [tilespmem:v3+s26+$0x0], $0xffff  }
0x5ea: {  	v9 =	vadd.s32 s5, v0;
	v11 =	vld.idx.msk [tilespmem:v3+s31+$0x0], $0xffff  }
0x5eb: {  	s6 =	simm.s32 $0x645;
	v3 =	vld.idx.msk [tilespmem:v6+s26+$0x0], $0xffff  }
0x5ec: {  	v12 =	vadd.s32 s6, v0;
	v13 =	vld.idx.msk [tilespmem:v2+s26+$0x0], $0xffff  }
0x5ed: {  	s5 =	simm.s32 $0x646;
	v14 =	vld.idx.msk [tilespmem:v2+s31+$0x0], $0xffff  }
0x5ee: {  	v7 =	vadd.s32 s5, v0;
	v10 =	vld.idx.msk [tilespmem:v6+s31+$0x0], $0xffff;
	v2 =	vmul.f32 v4, v5  }
0x5ef: {  	s6 =	simm.s32 $0x647;
	v4 =	vld.idx.msk [tilespmem:v9+s26+$0x0], $0xffff  }
0x5f0: {  	v9 =	vld.idx.msk [tilespmem:v9+s31+$0x0], $0xffff;
	v6 =	vadd.f32 v2, v1;
	v15 =	vmul.f32 v11, v8;
	v11 =	vadd.s32 s6, v0  }
0x5f1: {  	s4 =	simm.s32 $0x648;
	v5 =	vld.idx.msk [tilespmem:v12+s31+$0x0], $0xffff  }
0x5f2: {  	v2 =	vld.idx.msk [tilespmem:v12+s26+$0x0], $0xffff;
	v8 =	vadd.s32 s4, v0;
	v12 =	vadd.f32 v15, v6;
	v13 =	vmul.f32 v14, v13  }
0x5f3: {  	s5 =	simm.s32 $0x64C;
	s6 =	simm.s32 $0x649;
	v6 =	vld.idx.msk [tilespmem:v7+s26+$0x0], $0xffff  }
.LBB2_60:
0x5f4: {  	p1 =	sne.s32 s5, $0x6A0;
	v14 =	vadd.s32 s6, v0;
	v15 =	vld.idx.msk [tilespmem:v7+s31+$0x0], $0xffff;
	v12 =	vadd.f32 v13, v12;
	v13 =	vmul.f32 v10, v3  }
0x5f5: {  	s6 =	sadd.s32 $0x2, s4;
	v3 =	vld.idx.msk [tilespmem:v11+s26+$0x0], $0xffff  }
0x5f6: {  	v7 =	vadd.s32 s6, v0;
	v16 =	vmul.f32 v9, v4;
	v10 =	vld.idx.msk [tilespmem:v11+s31+$0x0], $0xffff;
	v12 =	vadd.f32 v13, v12  }
.Ltmp29:
0x5f7: {  	s6 =	sadd.s32 $0x3, s4;
	s4 =	smov.u32 s5;
	v4 =	vld.idx.msk [tilespmem:v8+s26+$0x0], $0xffff;
	(pc) =	sbr.rel @p1 .LBB2_60-.Ltmp29, $4  }
0x5f8: {  	v11 =	vadd.s32 s6, v0;
	v13 =	vmul.f32 v5, v2;
	v9 =	vld.idx.msk [tilespmem:v8+s31+$0x0], $0xffff;
	v12 =	vadd.f32 v16, v12  }
0x5f9: {  	v2 =	vld.idx.msk [tilespmem:v14+s26+$0x0], $0xffff  }
0x5fa: {  	v8 =	vadd.s32 s5, v0;
	v5 =	vld.idx.msk [tilespmem:v14+s31+$0x0], $0xffff;
	v12 =	vadd.f32 v13, v12;
	v13 =	vmul.f32 v15, v6  }
0x5fb: {  	s6 =	sadd.s32 $0x1, s4;
	s5 =	sadd.s32 $0x4, s5;
	v6 =	vld.idx.msk [tilespmem:v7+s26+$0x0], $0xffff  }
0x5fc: {  	_ =	sdelay $0x2  }
0x5fd: {  	v12 =	vadd.f32 v13, v12;
	v3 =	vmul.f32 v10, v3  }
0x5fe: {  	v10 =	vadd.s32 s6, v0;
	v7 =	vld.idx.msk [tilespmem:v7+s31+$0x0], $0xffff  }
0x5ff: {  	s5 =	sadd.s32 $0x2, s4;
	v13 =	vld.idx.msk [tilespmem:v11+s26+$0x0], $0xffff;
	v4 =	vmul.f32 v9, v4;
	v3 =	vadd.f32 v3, v12  }
0x600: {  	v11 =	vld.idx.msk [tilespmem:v11+s31+$0x0], $0xffff;
	v9 =	vadd.s32 s5, v0  }
0x601: {  	s6 =	sadd.s32 $0x3, s4;
	v12 =	vld.idx.msk [tilespmem:v8+s26+$0x0], $0xffff;
	v2 =	vmul.f32 v5, v2;
	v3 =	vadd.f32 v4, v3  }
0x602: {  	v5 =	vadd.s32 s6, v0;
	v4 =	vld.idx.msk [tilespmem:v8+s31+$0x0], $0xffff  }
0x603: {  	v8 =	vld.idx.msk [tilespmem:v10+s26+$0x0], $0xffff;
	v2 =	vadd.f32 v2, v3;
	v3 =	vmul.f32 v7, v6  }
0x604: {  	v6 =	vld.idx.msk [tilespmem:v10+s31+$0x0], $0xffff  }
0x605: {  	v7 =	vld.idx.msk [tilespmem:v9+s26+$0x0], $0xffff;
	v2 =	vadd.f32 v3, v2;
	v3 =	vmul.f32 v11, v13  }
0x606: {  	v9 =	vld.idx.msk [tilespmem:v9+s31+$0x0], $0xffff  }
0x607: {  	v10 =	vld.idx.msk [tilespmem:v5+s26+$0x0], $0xffff;
	v4 =	vmul.f32 v4, v12;
	v2 =	vadd.f32 v3, v2  }
0x608: {  	v3 =	vld.idx.msk [tilespmem:v5+s31+$0x0], $0xffff  }
0x609: {  	v2 =	vadd.f32 v4, v2;
	v4 =	vmul.f32 v6, v8;
	_ =	sdelay $0x1  }
0x60a: {  	v2 =	vadd.f32 v4, v2;
	v4 =	vmul.f32 v9, v7  }
0x60b: {  	s5 =	simm.s32 $0xC80  }
0x60c: {  	v3 =	vmul.f32 v3, v10;
	v2 =	vadd.f32 v4, v2;
	v4 =	vadd.s32 s5, v0  }
0x60d: {  	s6 =	simm.s32 $0xC81  }
0x60e: {  	v2 =	vadd.f32 v3, v2;
	v3 =	vadd.s32 s6, v0  }
0x60f: {  	s6 =	simm.s32 $0xC83  }
0x610: {  	s5 =	simm.s32 $0xC82;
	v6 =	vadd.s32 s6, v0;
	[tilespmem:$0x97D0] =	vst v2  }
0x611: {  	v2 =	vadd.s32 s5, v0;
	v5 =	vld.idx.msk [tilespmem:v4+s26+$0x0], $0xffff  }
0x612: {  	v4 =	vld.idx.msk [tilespmem:v4+s31+$0x0], $0xffff  }
0x613: {  	s5 =	simm.s32 $0xC84;
	v8 =	vld.idx.msk [tilespmem:v3+s26+$0x0], $0xffff  }
0x614: {  	v9 =	vadd.s32 s5, v0;
	v11 =	vld.idx.msk [tilespmem:v3+s31+$0x0], $0xffff  }
0x615: {  	s6 =	simm.s32 $0xC85;
	v3 =	vld.idx.msk [tilespmem:v6+s26+$0x0], $0xffff  }
0x616: {  	v12 =	vadd.s32 s6, v0;
	v13 =	vld.idx.msk [tilespmem:v2+s26+$0x0], $0xffff  }
0x617: {  	s5 =	simm.s32 $0xC86;
	v14 =	vld.idx.msk [tilespmem:v2+s31+$0x0], $0xffff  }
0x618: {  	v7 =	vadd.s32 s5, v0;
	v10 =	vld.idx.msk [tilespmem:v6+s31+$0x0], $0xffff;
	v2 =	vmul.f32 v4, v5  }
0x619: {  	s6 =	simm.s32 $0xC87;
	v4 =	vld.idx.msk [tilespmem:v9+s26+$0x0], $0xffff  }
0x61a: {  	v9 =	vld.idx.msk [tilespmem:v9+s31+$0x0], $0xffff;
	v6 =	vadd.f32 v2, v1;
	v15 =	vmul.f32 v11, v8;
	v11 =	vadd.s32 s6, v0  }
0x61b: {  	s4 =	simm.s32 $0xC88;
	v5 =	vld.idx.msk [tilespmem:v12+s31+$0x0], $0xffff  }
0x61c: {  	v2 =	vld.idx.msk [tilespmem:v12+s26+$0x0], $0xffff;
	v8 =	vadd.s32 s4, v0;
	v12 =	vadd.f32 v15, v6;
	v13 =	vmul.f32 v14, v13  }
0x61d: {  	s5 =	simm.s32 $0xC8C;
	s6 =	simm.s32 $0xC89;
	v6 =	vld.idx.msk [tilespmem:v7+s26+$0x0], $0xffff  }
.LBB2_62:
0x61e: {  	p1 =	sne.s32 s5, $0xCE0;
	v14 =	vadd.s32 s6, v0;
	v15 =	vld.idx.msk [tilespmem:v7+s31+$0x0], $0xffff;
	v12 =	vadd.f32 v13, v12;
	v13 =	vmul.f32 v10, v3  }
0x61f: {  	s6 =	sadd.s32 $0x2, s4;
	v3 =	vld.idx.msk [tilespmem:v11+s26+$0x0], $0xffff  }
0x620: {  	v7 =	vadd.s32 s6, v0;
	v16 =	vmul.f32 v9, v4;
	v10 =	vld.idx.msk [tilespmem:v11+s31+$0x0], $0xffff;
	v12 =	vadd.f32 v13, v12  }
.Ltmp30:
0x621: {  	s6 =	sadd.s32 $0x3, s4;
	s4 =	smov.u32 s5;
	v4 =	vld.idx.msk [tilespmem:v8+s26+$0x0], $0xffff;
	(pc) =	sbr.rel @p1 .LBB2_62-.Ltmp30, $4  }
0x622: {  	v11 =	vadd.s32 s6, v0;
	v13 =	vmul.f32 v5, v2;
	v9 =	vld.idx.msk [tilespmem:v8+s31+$0x0], $0xffff;
	v12 =	vadd.f32 v16, v12  }
0x623: {  	v2 =	vld.idx.msk [tilespmem:v14+s26+$0x0], $0xffff  }
0x624: {  	v8 =	vadd.s32 s5, v0;
	v5 =	vld.idx.msk [tilespmem:v14+s31+$0x0], $0xffff;
	v12 =	vadd.f32 v13, v12;
	v13 =	vmul.f32 v15, v6  }
0x625: {  	s6 =	sadd.s32 $0x1, s4;
	s5 =	sadd.s32 $0x4, s5;
	v6 =	vld.idx.msk [tilespmem:v7+s26+$0x0], $0xffff  }
0x626: {  	_ =	sdelay $0x2  }
0x627: {  	v12 =	vadd.f32 v13, v12;
	v3 =	vmul.f32 v10, v3  }
0x628: {  	v10 =	vadd.s32 s6, v0;
	v7 =	vld.idx.msk [tilespmem:v7+s31+$0x0], $0xffff  }
0x629: {  	s5 =	sadd.s32 $0x2, s4;
	v13 =	vld.idx.msk [tilespmem:v11+s26+$0x0], $0xffff;
	v4 =	vmul.f32 v9, v4;
	v3 =	vadd.f32 v3, v12  }
0x62a: {  	v11 =	vld.idx.msk [tilespmem:v11+s31+$0x0], $0xffff;
	v9 =	vadd.s32 s5, v0  }
0x62b: {  	s6 =	sadd.s32 $0x3, s4;
	v12 =	vld.idx.msk [tilespmem:v8+s26+$0x0], $0xffff;
	v2 =	vmul.f32 v5, v2;
	v3 =	vadd.f32 v4, v3  }
0x62c: {  	v5 =	vadd.s32 s6, v0;
	v4 =	vld.idx.msk [tilespmem:v8+s31+$0x0], $0xffff  }
0x62d: {  	v8 =	vld.idx.msk [tilespmem:v10+s26+$0x0], $0xffff;
	v2 =	vadd.f32 v2, v3;
	v3 =	vmul.f32 v7, v6  }
0x62e: {  	v6 =	vld.idx.msk [tilespmem:v10+s31+$0x0], $0xffff  }
0x62f: {  	v7 =	vld.idx.msk [tilespmem:v9+s26+$0x0], $0xffff;
	v2 =	vadd.f32 v3, v2;
	v3 =	vmul.f32 v11, v13  }
0x630: {  	v9 =	vld.idx.msk [tilespmem:v9+s31+$0x0], $0xffff  }
0x631: {  	v10 =	vld.idx.msk [tilespmem:v5+s26+$0x0], $0xffff;
	v4 =	vmul.f32 v4, v12;
	v2 =	vadd.f32 v3, v2  }
0x632: {  	v3 =	vld.idx.msk [tilespmem:v5+s31+$0x0], $0xffff  }
0x633: {  	v2 =	vadd.f32 v4, v2;
	v4 =	vmul.f32 v6, v8;
	_ =	sdelay $0x1  }
0x634: {  	v2 =	vadd.f32 v4, v2;
	v4 =	vmul.f32 v9, v7  }
0x635: {  	s5 =	simm.s32 $0x12C0  }
0x636: {  	v3 =	vmul.f32 v3, v10;
	v2 =	vadd.f32 v4, v2;
	v4 =	vadd.s32 s5, v0  }
0x637: {  	s6 =	simm.s32 $0x12C1  }
0x638: {  	v2 =	vadd.f32 v3, v2;
	v3 =	vadd.s32 s6, v0  }
0x639: {  	s6 =	simm.s32 $0x12C3  }
0x63a: {  	s5 =	simm.s32 $0x12C2;
	v7 =	vadd.s32 s6, v0;
	[tilespmem:$0x97E0] =	vst v2  }
0x63b: {  	v2 =	vadd.s32 s5, v0;
	v5 =	vld.idx.msk [tilespmem:v4+s26+$0x0], $0xffff  }
0x63c: {  	v4 =	vld.idx.msk [tilespmem:v4+s31+$0x0], $0xffff  }
0x63d: {  	s5 =	simm.s32 $0x12C4;
	v10 =	vld.idx.msk [tilespmem:v3+s26+$0x0], $0xffff  }
0x63e: {  	v8 =	vadd.s32 s5, v0;
	v11 =	vld.idx.msk [tilespmem:v3+s31+$0x0], $0xffff  }
0x63f: {  	s6 =	simm.s32 $0x12C5;
	v9 =	vld.idx.msk [tilespmem:v7+s31+$0x0], $0xffff  }
0x640: {  	v13 =	vadd.s32 s6, v0;
	v12 =	vld.idx.msk [tilespmem:v2+s26+$0x0], $0xffff  }
0x641: {  	s5 =	simm.s32 $0x12C6;
	v14 =	vld.idx.msk [tilespmem:v2+s31+$0x0], $0xffff  }
0x642: {  	v6 =	vadd.s32 s5, v0;
	v2 =	vld.idx.msk [tilespmem:v7+s26+$0x0], $0xffff;
	v4 =	vmul.f32 v4, v5  }
0x643: {  	s6 =	simm.s32 $0x12C7;
	v3 =	vld.idx.msk [tilespmem:v8+s26+$0x0], $0xffff  }
0x644: {  	v8 =	vld.idx.msk [tilespmem:v8+s31+$0x0], $0xffff;
	v5 =	vadd.f32 v4, v1;
	v11 =	vmul.f32 v11, v10;
	v10 =	vadd.s32 s6, v0  }
0x645: {  	s4 =	simm.s32 $0x12C8;
	v1 =	vld.idx.msk [tilespmem:v13+s26+$0x0], $0xffff  }
0x646: {  	v7 =	vadd.s32 s4, v0;
	v4 =	vld.idx.msk [tilespmem:v13+s31+$0x0], $0xffff;
	v11 =	vadd.f32 v11, v5;
	v12 =	vmul.f32 v14, v12  }
0x647: {  	s5 =	simm.s32 $0x12CC;
	s6 =	simm.s32 $0x12C9;
	v5 =	vld.idx.msk [tilespmem:v6+s26+$0x0], $0xffff  }
.LBB2_64:
0x648: {  	p1 =	sne.s32 s5, $0x1320;
	v13 =	vadd.s32 s6, v0;
	v14 =	vld.idx.msk [tilespmem:v6+s31+$0x0], $0xffff;
	v11 =	vadd.f32 v12, v11;
	v12 =	vmul.f32 v9, v2  }
0x649: {  	s6 =	sadd.s32 $0x2, s4;
	v2 =	vld.idx.msk [tilespmem:v10+s26+$0x0], $0xffff  }
0x64a: {  	v6 =	vadd.s32 s6, v0;
	v15 =	vmul.f32 v8, v3;
	v9 =	vld.idx.msk [tilespmem:v10+s31+$0x0], $0xffff;
	v11 =	vadd.f32 v12, v11  }
.Ltmp31:
0x64b: {  	s6 =	sadd.s32 $0x3, s4;
	s4 =	smov.u32 s5;
	v3 =	vld.idx.msk [tilespmem:v7+s26+$0x0], $0xffff;
	(pc) =	sbr.rel @p1 .LBB2_64-.Ltmp31, $4  }
0x64c: {  	v10 =	vadd.s32 s6, v0;
	v12 =	vmul.f32 v4, v1;
	v8 =	vld.idx.msk [tilespmem:v7+s31+$0x0], $0xffff;
	v11 =	vadd.f32 v15, v11  }
0x64d: {  	v1 =	vld.idx.msk [tilespmem:v13+s26+$0x0], $0xffff  }
0x64e: {  	v7 =	vadd.s32 s5, v0;
	v4 =	vld.idx.msk [tilespmem:v13+s31+$0x0], $0xffff;
	v11 =	vadd.f32 v12, v11;
	v12 =	vmul.f32 v14, v5  }
0x64f: {  	s6 =	sadd.s32 $0x1, s4;
	s5 =	sadd.s32 $0x4, s5;
	v5 =	vld.idx.msk [tilespmem:v6+s26+$0x0], $0xffff  }
0x650: {  	_ =	sdelay $0x2  }
0x651: {  	v11 =	vadd.f32 v12, v11;
	v2 =	vmul.f32 v9, v2  }
0x652: {  	v54 =	vadd.s32 s6, v0;
	v6 =	vld.idx.msk [tilespmem:v6+s31+$0x0], $0xffff  }
0x653: {  	s5 =	sadd.s32 $0x2, s4;
	v55 =	vld.idx.msk [tilespmem:v10+s26+$0x0], $0xffff;
	v3 =	vmul.f32 v8, v3;
	v2 =	vadd.f32 v2, v11  }
0x654: {  	v57 =	vld.idx.msk [tilespmem:v10+s31+$0x0], $0xffff;
	v56 =	vadd.s32 s5, v0  }
0x655: {  	v58 =	vld.idx.msk [tilespmem:v7+s26+$0x0], $0xffff;
	s6 =	sadd.s32 $0x3, s4;
	v1 =	vmul.f32 v4, v1;
	v2 =	vadd.f32 v3, v2  }
0x656: {  	v59 =	vadd.s32 s6, v0;
	v3 =	vld.idx.msk [tilespmem:v7+s31+$0x0], $0xffff  }
0x657: {  	v60 =	vld.idx.msk [tilespmem:v54+s26+$0x0], $0xffff;
	v1 =	vadd.f32 v1, v2;
	v2 =	vmul.f32 v6, v5  }
0x658: {  	v61 =	vld.idx.msk [tilespmem:v54+s31+$0x0], $0xffff  }
0x659: {  	v62 =	vld.idx.msk [tilespmem:v56+s26+$0x0], $0xffff;
	v1 =	vadd.f32 v2, v1;
	v2 =	vmul.f32 v57, v55  }
0x65a: {  	v8 =	vld.idx.msk [tilespmem:v56+s31+$0x0], $0xffff  }
0x65b: {  	v63 =	vld.idx.msk [tilespmem:v59+s26+$0x0], $0xffff;
	v3 =	vmul.f32 v3, v58;
	v1 =	vadd.f32 v2, v1  }
0x65c: {  	v2 =	vld.idx.msk [tilespmem:v59+s31+$0x0], $0xffff  }
0x65d: {  	v1 =	vadd.f32 v3, v1;
	v3 =	vmul.f32 v61, v60;
	_ =	sdelay $0x1  }
0x65e: {  	v1 =	vadd.f32 v3, v1;
	v3 =	vmul.f32 v8, v62;
	_ =	sdelay $0x1  }
0x65f: {  	v2 =	vmul.f32 v2, v63;
	v1 =	vadd.f32 v3, v1;
	_ =	sdelay $0x1  }
0x660: {  	s3 =	sadd.s32 $0x1, s3;
	s5 =	sld [smem:$0x7F9];
	v1 =	vadd.f32 v2, v1  }
0x661: {  	p1 =	sne.s32 s3, s16  }
.Ltmp32:
0x662: {  	s6 =	simm.s32 $0x9600;
	[tilespmem:$0x97F0] =	vst v1;
	(pc) =	sbr.rel @p1 .LBB2_1-.Ltmp32, $4  }
0x663: {  	[hbm4b:s5+s1] =	stream.linear.scatter [tilespmem:s6], [sflag:$0x7], $0x200, $0x38;
	[tilespmem:$0x18CA8] =	vst v63  }
0x664: {  	_ =	swait.ge [sflag:s18], $0x200  }
0x665: {  	[sflag:s18] =	ssyncset.done $0x0  }
0x666: {  	[sflag:s18] =	ssyncadd.s32 $0xFFFFFE00  }
0x667: {  	_ =	sfence.sel $0x180000  }
0x668: {  	[bflag:$0x0] =	sbarrier.arrive $0xFFFF  }
0x669: {  	_ =	strace $0x90000047  }
0x66a: {  	s0 =	stileid.u32;
	[bflag:$0x2] =	sbarrier.arrive $0xFFFF  }
0x66b: {  	p0 =	sne.s32 s0, $0x0;
	s0 =	rddreg [dreg:$0x6]  }
0x66c: {  	s0 =	sadd.s32 @!p0 $0x100000, s0  }
0x66d: {  	[sflag:s0] =	ssyncadd.tile.s32 @!p0 $0x1;
	_ =	shalt  }
.Lfunc_end2:
_tile_overlayer_lowered:
.L_overlay_start_2:
0x66e: {  	(tag) =	ssettag $0x2  }
0x66f: {  	s0 =	rddreg [dreg:$0x0];
	s2 =	stileid.u32  }
0x670: {  	s1 =	rddreg [dreg:$0x1];
	p0 =	sne.s32 s2, $0x0  }
0x671: {  	s3 =	rddreg [dreg:$0x2];
	[bflag:$0x3] =	sbarrier.arrive $0xFFFF;
	s2 =	simm.s32 @!p0 $0x1C07  }
0x672: {  	[timem:s3], [sflag:s2] =	dma.local @!p0 [hbm:s0], s1  }
0x673: {  	s0 =	simm.s32 @!p0 $0x7  }
0x674: {  	_ =	swait.ge @!p0 [sflag:s0], s1  }
0x675: {  	s1 =	ssub.s32 @!p0 $0x0, s1;
	[sflag:s0] =	ssyncset.done @!p0 $0x0  }
0x676: {  	[sflag:s0] =	ssyncadd.s32 @!p0 s1  }
0x677: {  	[bflag:$0x3] =	sbarrier.arrive $0xFFFF  }
0x678: {  	_ =	shalt  }

</sc_bundles>
